<compile_context>
chip_gen: v7x
topology: tpu7x:2x2x1
jax: 0.10.2.dev20260603
libtpu: 0.0.44.dev20260713+nightly
codegen_flags: <defaults>
</compile_context>

<pallas_src>
import functools

import jax
import jax.numpy as jnp
from jax import lax
from jax.experimental import pallas as pl
from jax.experimental.pallas import tpu as pltpu
from jax.experimental.pallas import tpu_sc as plsc

_B = 16384
_L = 50
_N = _B * _L
_V2 = 100000
_D = 32
_O = 64
_NW = 32

_P1 = 4
_LINES1 = _N // _P1
_CH1 = _LINES1 // 128
_CH1_W = _CH1 // _NW

_P2 = 2
_LINES2 = _N // _P2
_CH2 = _LINES2 // 128
_CH2_W = _CH2 // _NW


def _deinterleave(src_ref, dst_ref, stride, nstreams):
    for j in range(nstreams):
        for g in range(8):
            il = lax.iota(jnp.int32, 16) + 16 * g
            f = stride * il + j
            vals = plsc.load_gather(
                src_ref, [lax.shift_right_logical(f, 7),
                          lax.bitwise_and(f, 127)])
            dst_ref[j, pl.ds(16 * g, 16)] = vals


def _sc_gather1(emb1, x2):
    mesh = plsc.VectorSubcoreMesh(core_axis_name="c", subcore_axis_name="s")

    @functools.partial(
        pl.kernel,
        out_type=(
            jax.ShapeDtypeStruct((_LINES1, 128), jnp.float32),
            jax.ShapeDtypeStruct((_P1, _LINES1), jnp.int32),
        ),
        mesh=mesh,
        scratch_types=[
            pltpu.VMEM((2, _P1, 128), jnp.int32),
            pltpu.VMEM((2, _P1, 128), jnp.int32),
            pltpu.VMEM((2, _P1, 128, _D), jnp.float32),
            pltpu.SemaphoreType.DMA,
        ],
        compiler_params=pltpu.CompilerParams(use_tc_tiling_on_sc=False,
                                             needs_layout_passes=False),
    )
    def gather_kernel(t1_ref, x2_ref, o1_ref, xi_ref,
                      nat_v, idx_v, rows1_v, sem):
        wid = lax.axis_index("s") * 2 + lax.axis_index("c")

        def body1(i, carry):
            for b in range(2):
                c = wid * _CH1_W + 2 * i + b
                pltpu.sync_copy(x2_ref.at[pl.ds(_P1 * c, _P1)], nat_v.at[b])
                _deinterleave(nat_v.at[b], idx_v.at[b], _P1, _P1)
            descs = [
                pltpu.async_copy(t1_ref.at[idx_v.at[b, j]],
                                 rows1_v.at[b, j], sem)
                for b in range(2) for j in range(_P1)
            ]
            for d in descs:
                d.wait()
            for b in range(2):
                line0 = (wid * _CH1_W + 2 * i + b) * 128
                for j in range(_P1):
                    pltpu.sync_copy(
                        rows1_v.at[b, j],
                        o1_ref.at[pl.ds(line0, 128), pl.ds(_D * j, _D)])
                pltpu.sync_copy(idx_v.at[b], xi_ref.at[:, pl.ds(line0, 128)])
            return carry

        lax.fori_loop(0, _CH1_W // 2, body1, 0)

    return gather_kernel(emb1, x2)


def _sc_gather2(p2, y2):
    mesh = plsc.VectorSubcoreMesh(core_axis_name="c", subcore_axis_name="s")

    @functools.partial(
        pl.kernel,
        out_type=jax.ShapeDtypeStruct((_LINES2, 128), jnp.float32),
        mesh=mesh,
        scratch_types=[
            pltpu.VMEM((2, _P2, 128), jnp.int32),
            pltpu.VMEM((2, _P2, 128), jnp.int32),
            pltpu.VMEM((2, _P2, 128, _O), jnp.float32),
            pltpu.SemaphoreType.DMA,
        ],
        compiler_params=pltpu.CompilerParams(use_tc_tiling_on_sc=False,
                                             needs_layout_passes=False),
    )
    def gather_kernel(p2_ref, y2_ref, o2_ref, nat2_v, idx2_v, rows2_v, sem):
        wid = lax.axis_index("s") * 2 + lax.axis_index("c")

        def body2(i, carry):
            for b in range(2):
                c = wid * _CH2_W + 2 * i + b
                pltpu.sync_copy(y2_ref.at[pl.ds(_P2 * c, _P2)], nat2_v.at[b])
                _deinterleave(nat2_v.at[b], idx2_v.at[b], _P2, _P2)
            descs = [
                pltpu.async_copy(p2_ref.at[idx2_v.at[b, j]],
                                 rows2_v.at[b, j], sem)
                for b in range(2) for j in range(_P2)
            ]
            for d in descs:
                d.wait()
            for b in range(2):
                line0 = (wid * _CH2_W + 2 * i + b) * 128
                for j in range(_P2):
                    pltpu.sync_copy(
                        rows2_v.at[b, j],
                        o2_ref.at[pl.ds(line0, 128), pl.ds(_O * j, _O)])
            return carry

        lax.fori_loop(0, _CH2_W // 2, body2, 0)

    return gather_kernel(p2, y2)


def _tc_precompute_p2(emb2, w_t):
    blk = 10000
    grid = _V2 // blk

    def p2_kernel(e_ref, w_ref, o_ref):
        o = jnp.maximum(
            jnp.dot(e_ref[...], w_ref[...],
                    preferred_element_type=jnp.float32), 0.0)
        rid = lax.broadcasted_iota(jnp.int32, (blk, _O), 0)
        first = pl.program_id(0) == 0
        o_ref[...] = jnp.where(jnp.logical_and(first, rid == 0), 0.0, o)

    return pl.pallas_call(
        p2_kernel,
        grid=(grid,),
        in_specs=[
            pl.BlockSpec((blk, _D), lambda i: (i, 0)),
            pl.BlockSpec((_D, _O), lambda i: (0, 0)),
        ],
        out_specs=pl.BlockSpec((blk, _O), lambda i: (i, 0)),
        out_shape=jax.ShapeDtypeStruct((_V2, _O), jnp.float32),
    )(emb2, w_t)


def _tc_linear_relu_packed(gw, xi, w_t):
    lines_per_blk = 1024
    grid = _LINES1 // lines_per_blk

    bd = jnp.zeros((_P1, 128, _O), jnp.float32)
    for j in range(_P1):
        bd = bd.at[j, _D * j:_D * (j + 1), :].set(w_t)

    def mm_kernel(g_ref, i_ref, w_ref, o_ref):
        gwb = g_ref[...]
        mt = jnp.transpose(i_ref[...], (1, 0)) != 0
        for j in range(_P1):
            o = jnp.maximum(
                jnp.dot(gwb, w_ref[j], preferred_element_type=jnp.float32),
                0.0)
            o_ref[:, pl.ds(_O * j, _O)] = jnp.where(mt[:, j:j + 1], o, 0.0)

    return pl.pallas_call(
        mm_kernel,
        grid=(grid,),
        in_specs=[
            pl.BlockSpec((lines_per_blk, 128), lambda i: (i, 0)),
            pl.BlockSpec((_P1, lines_per_blk), lambda i: (0, i)),
            pl.BlockSpec((_P1, 128, _O), lambda i: (0, 0, 0)),
        ],
        out_specs=pl.BlockSpec((lines_per_blk, _P1 * _O), lambda i: (i, 0)),
        out_shape=jax.ShapeDtypeStruct((_LINES1, _P1 * _O), jnp.float32),
    )(gw, xi, bd)


def kernel(x, y, emb1, emb2, W1, W2):
    x2 = x.reshape(_N // 128, 128)
    y2 = y.reshape(_N // 128, 128)

    g1, xi = _sc_gather1(emb1, x2)
    p2_table = _tc_precompute_p2(emb2, W2.T)
    q2 = _sc_gather2(p2_table, y2)

    p1 = _tc_linear_relu_packed(g1, xi, W1.T)

    o1 = p1.reshape(_B, _L, _O)
    o2 = q2.reshape(_B, _L, _O)
    return (o1, o2)

# --- scband reference (transcript-rebuilt; emitter-appended) ---
"""Pipeline reference for scband-categories-66795331387724 (READ-ONLY COPY).

The authoritative reference and input builder live on the scoring server;
editing this copy changes nothing except your own understanding.
"""

import jax, jax.numpy as jnp
import numpy as np

VOCAB1 = 1000000
VOCAB2 = 100000
EMB1 = 32
EMB2 = 32
OUT = 64
B = 16384
L = 50

def setup_inputs(seed: int = 0) -> dict:
    key = jax.random.key(seed)
    k1, k2, k3, k4, k5, k6 = jax.random.split(key, 6)
    x = jax.random.randint(k1, (B, L), 0, VOCAB1, dtype=jnp.int64 if jax.config.jax_enable_x64 else jnp.int32).astype(jnp.int32)
    y = jax.random.randint(k2, (B, L), 0, VOCAB2, dtype=jnp.int64 if jax.config.jax_enable_x64 else jnp.int32).astype(jnp.int32)
    emb1 = jax.random.normal(k3, (VOCAB1, EMB1), dtype=jnp.float32)
    emb2 = jax.random.normal(k4, (VOCAB2, EMB2), dtype=jnp.float32)
    W1 = jax.random.normal(k5, (OUT, EMB1), dtype=jnp.float32) * 0.05
    W2 = jax.random.normal(k6, (OUT, EMB2), dtype=jnp.float32) * 0.05
    return {"x": x, "y": y, "emb1": emb1, "emb2": emb2, "W1": W1, "W2": W2}

def reference(x, y, emb1, emb2, W1, W2):
    # padding_idx=0: row 0 of each table acts as a zero embedding
    e1 = emb1.at[0].set(0.0)
    e2 = emb2.at[0].set(0.0)
    g1 = jnp.take(e1, x, axis=0)            # [B, L, EMB1] gather
    out1 = jnp.maximum(g1 @ W1.T, 0.0)       # linear (no bias) + relu
    g2 = jnp.take(e2, y, axis=0)            # [B, L, EMB2] gather
    out2 = jnp.maximum(g2 @ W2.T, 0.0)
    return (out1, out2)

if __name__ == "__main__":
    import jax
    _d = setup_inputs()
    print(jax.jit(kernel)(*tuple(_d.values())))

</pallas_src>

<mosaic_0001>
#map = affine_map<(d0, d1) -> (0, 0)>
module attributes {stable_mosaic.version = 14 : i64} {
  func.func @gather_kernel(%arg0: i32, %arg1: i32, %arg2: memref<100000x64xf32, #tpu.memory_space<hbm>>, %arg3: memref<6400x128xi32, #tpu.memory_space<hbm>>, %arg4: memref<409600x128xf32, #tpu.memory_space<hbm>>, %arg5: memref<2x2x128xi32, #tpu.memory_space<vmem>>, %arg6: memref<2x2x128xi32, #tpu.memory_space<vmem>>, %arg7: memref<2x2x128x64xf32, #tpu.memory_space<vmem>>, %arg8: memref<!tpu.dma_semaphore, #tpu.memory_space<semaphore_mem>>) attributes {dimension_semantics = [#tpu.dimension_semantics<core_parallel>, #tpu.dimension_semantics<subcore_parallel>], iteration_bounds = array<i64: 2, 16>, scalar_prefetch = 0 : i64, scratch_operands = 4 : i64, tpu.core_type = #tpu.core_type<sc_vector_subcore>, window_params = [{transform_indices = #map}, {transform_indices = #map}, {transform_indices = #map}]} {
    %mul3A = arith.constant 2 : i32
    %mul3A_0 = arith.muli %arg1, %mul3A : i32
    %add3A = arith.addi %mul3A_0, %arg0 : i32
    %scan3A = arith.constant 0 : i32
    %scan3A_1 = arith.constant 0 : i32
    %scan3A_2 = arith.constant 50 : i32
    %scan3A_3 = arith.addi %scan3A_1, %scan3A_2 : i32
    %scan3A_4 = arith.constant 1 : i32
    scf.for %scan3A_6 = %scan3A_1 to %scan3A_3 step %scan3A_4  : i32 {
      %mul3A_7 = arith.constant 100 : i32
      %mul3A_8 = arith.muli %add3A, %mul3A_7 : i32
      %mul3A_9 = arith.constant 2 : i32
      %mul3A_10 = arith.muli %mul3A_9, %scan3A_6 : i32
      %add3A_11 = arith.addi %mul3A_8, %mul3A_10 : i32
      %add3A_12 = arith.constant 0 : i32
      %add3A_13 = arith.addi %add3A_11, %add3A_12 : i32
      %mul3A_14 = arith.constant 2 : i32
      %mul3A_15 = arith.muli %mul3A_14, %add3A_13 : i32
      %run_scoped3A = arith.constant 0 : i32
      "tpu.region"() ({
        %run_scoped3A_1149 = tpu.sem_alloc : memref<!tpu.dma_semaphore, #tpu.memory_space<semaphore_mem>>
        %dma_start3A_1150 = arith.constant 0 : i32
        %dma_start3A_1151 = arith.constant 0 : i32
        %dma_start3A_1152 = tpu.memref_slice %arg5[%run_scoped3A, %dma_start3A_1150, %dma_start3A_1151] : memref<2x2x128xi32, #tpu.memory_space<vmem>> -> memref<1x2x128xi32, #tpu.memory_space<vmem>>
        %dma_start3A_1153 = tpu.memref_squeeze %dma_start3A_1152 : memref<1x2x128xi32, #tpu.memory_space<vmem>> -> memref<2x128xi32, #tpu.memory_space<vmem>>
        %dma_start3A_1154 = arith.constant 0 : i32
        %dma_start3A_1155 = tpu.memref_slice %arg3[%mul3A_15, %dma_start3A_1154] : memref<6400x128xi32, #tpu.memory_space<hbm>> -> memref<2x128xi32, #tpu.memory_space<hbm>>
        %dma_start3A_1156 = arith.constant 0 : i32
        %dma_start3A_1157 = arith.constant 0 : i32
        %dma_start3A_1158 = tpu.memref_slice %arg5[%run_scoped3A, %dma_start3A_1156, %dma_start3A_1157] : memref<2x2x128xi32, #tpu.memory_space<vmem>> -> memref<1x2x128xi32, #tpu.memory_space<vmem>>
        %dma_start3A_1159 = tpu.memref_squeeze %dma_start3A_1158 : memref<1x2x128xi32, #tpu.memory_space<vmem>> -> memref<2x128xi32, #tpu.memory_space<vmem>>
        %dma_start3A_1160 = arith.constant 0 : i32
        %dma_start3A_1161 = tpu.memref_slice %arg3[%mul3A_15, %dma_start3A_1160] : memref<6400x128xi32, #tpu.memory_space<hbm>> -> memref<2x128xi32, #tpu.memory_space<hbm>>
        tpu.enqueue_dma source(%dma_start3A_1161 : memref<2x128xi32, #tpu.memory_space<hbm>>) target(%dma_start3A_1159 : memref<2x128xi32, #tpu.memory_space<vmem>>) target_semaphore(%run_scoped3A_1149 : memref<!tpu.dma_semaphore, #tpu.memory_space<semaphore_mem>>)
        %dma_wait3A_1162 = arith.constant 0 : i32
        %dma_wait3A_1163 = arith.constant 0 : i32
        %dma_wait3A_1164 = tpu.memref_slice %arg5[%run_scoped3A, %dma_wait3A_1162, %dma_wait3A_1163] : memref<2x2x128xi32, #tpu.memory_space<vmem>> -> memref<1x2x128xi32, #tpu.memory_space<vmem>>
        %dma_wait3A_1165 = tpu.memref_squeeze %dma_wait3A_1164 : memref<1x2x128xi32, #tpu.memory_space<vmem>> -> memref<2x128xi32, #tpu.memory_space<vmem>>
        %dma_wait3A_1166 = arith.constant 0 : i32
        %dma_wait3A_1167 = tpu.memref_slice %arg3[%mul3A_15, %dma_wait3A_1166] : memref<6400x128xi32, #tpu.memory_space<hbm>> -> memref<2x128xi32, #tpu.memory_space<hbm>>
        %dma_wait3A_1168 = arith.constant 0 : i32
        %dma_wait3A_1169 = arith.constant 0 : i32
        %dma_wait3A_1170 = tpu.memref_slice %arg5[%run_scoped3A, %dma_wait3A_1168, %dma_wait3A_1169] : memref<2x2x128xi32, #tpu.memory_space<vmem>> -> memref<1x2x128xi32, #tpu.memory_space<vmem>>
        %dma_wait3A_1171 = tpu.memref_squeeze %dma_wait3A_1170 : memref<1x2x128xi32, #tpu.memory_space<vmem>> -> memref<2x128xi32, #tpu.memory_space<vmem>>
        %dma_wait3A_1172 = arith.constant 0 : i32
        %dma_wait3A_1173 = tpu.memref_slice %arg3[%mul3A_15, %dma_wait3A_1172] : memref<6400x128xi32, #tpu.memory_space<hbm>> -> memref<2x128xi32, #tpu.memory_space<hbm>>
        tpu.wait_dma2 semaphore(%run_scoped3A_1149 : memref<!tpu.dma_semaphore, #tpu.memory_space<semaphore_mem>>) src(%dma_wait3A_1173 : memref<2x128xi32, #tpu.memory_space<hbm>>) dst(%dma_wait3A_1171 : memref<2x128xi32, #tpu.memory_space<vmem>>)
        tpu.yield
      }) : () -> ()
      %iota3A = tpu.iota {dimensions = array<i32: 0>} : vector<16xi32>
      %add3A_16 = arith.constant 0 : i32
      %add3A_17 = vector.broadcast %add3A_16 : i32 to vector<16xi32>
      %add3A_18 = arith.addi %iota3A, %add3A_17 : vector<16xi32>
      %mul3A_19 = arith.constant 2 : i32
      %mul3A_20 = vector.broadcast %mul3A_19 : i32 to vector<16xi32>
      %mul3A_21 = arith.muli %mul3A_20, %add3A_18 : vector<16xi32>
      %add3A_22 = arith.constant 0 : i32
      %add3A_23 = vector.broadcast %add3A_22 : i32 to vector<16xi32>
      %add3A_24 = arith.addi %mul3A_21, %add3A_23 : vector<16xi32>
      %shift_right_logical3A = arith.constant 7 : i32
      %shift_right_logical3A_25 = vector.broadcast %shift_right_logical3A : i32 to vector<16xi32>
      %shift_right_logical3A_26 = arith.shrui %add3A_24, %shift_right_logical3A_25 : vector<16xi32>
      %and3A = arith.constant 127 : i32
      %and3A_27 = vector.broadcast %and3A : i32 to vector<16xi32>
      %and3A_28 = arith.andi %add3A_24, %and3A_27 : vector<16xi32>
      %gather3A = arith.constant 0 : i32
      %gather3A_29 = arith.constant 0 : i32
      %gather3A_30 = arith.constant 0 : i32
      %gather3A_31 = tpu.memref_slice %arg5[%gather3A, %gather3A_29, %gather3A_30] : memref<2x2x128xi32, #tpu.memory_space<vmem>> -> memref<1x2x128xi32, #tpu.memory_space<vmem>>
      %gather3A_32 = tpu.memref_squeeze %gather3A_31 : memref<1x2x128xi32, #tpu.memory_space<vmem>> -> memref<2x128xi32, #tpu.memory_space<vmem>>
      %gather3A_33 = tpu.vector_load_idx %gather3A_32[%shift_right_logical3A_26, %and3A_28] : memref<2x128xi32, #tpu.memory_space<vmem>>[vector<16xi32>, vector<16xi32>], vector<16xi32>,
      %swap3A = arith.constant 0 : i32
      %swap3A_34 = arith.constant 0 : i32
      %swap3A_35 = arith.constant 0 : i32
      %swap3A_36 = arith.constant 0 : i32
      %swap3A_37 = tpu.memref_slice %arg6[%swap3A, %swap3A_35, %swap3A_36] : memref<2x2x128xi32, #tpu.memory_space<vmem>> -> memref<1x2x128xi32, #tpu.memory_space<vmem>>
      %swap3A_38 = tpu.memref_squeeze %swap3A_37 : memref<1x2x128xi32, #tpu.memory_space<vmem>> -> memref<2x128xi32, #tpu.memory_space<vmem>>
      %swap3A_39 = arith.index_cast %swap3A_34 : i32 to index
      %swap3A_40 = arith.constant 0 : index
      %swap3A_41 = tpu.vector_load %swap3A_38[%swap3A_39, %swap3A_40] {strides = array<i32>} : memref<2x128xi32, #tpu.memory_space<vmem>>, vector<16xi32>,
      tpu.vector_store %swap3A_38[%swap3A_39, %swap3A_40], %gather3A_33 {strides = array<i32>} : memref<2x128xi32, #tpu.memory_space<vmem>>, vector<16xi32>,
      %iota3A_42 = tpu.iota {dimensions = array<i32: 0>} : vector<16xi32>
      %add3A_43 = arith.constant 16 : i32
      %add3A_44 = vector.broadcast %add3A_43 : i32 to vector<16xi32>
      %add3A_45 = arith.addi %iota3A_42, %add3A_44 : vector<16xi32>
      %mul3A_46 = arith.constant 2 : i32
      %mul3A_47 = vector.broadcast %mul3A_46 : i32 to vector<16xi32>
      %mul3A_48 = arith.muli %mul3A_47, %add3A_45 : vector<16xi32>
      %add3A_49 = arith.constant 0 : i32
      %add3A_50 = vector.broadcast %add3A_49 : i32 to vector<16xi32>
      %add3A_51 = arith.addi %mul3A_48, %add3A_50 : vector<16xi32>
      %shift_right_logical3A_52 = arith.constant 7 : i32
      %shift_right_logical3A_53 = vector.broadcast %shift_right_logical3A_52 : i32 to vector<16xi32>
      %shift_right_logical3A_54 = arith.shrui %add3A_51, %shift_right_logical3A_53 : vector<16xi32>
      %and3A_55 = arith.constant 127 : i32
      %and3A_56 = vector.broadcast %and3A_55 : i32 to vector<16xi32>
      %and3A_57 = arith.andi %add3A_51, %and3A_56 : vector<16xi32>
      %gather3A_58 = arith.constant 0 : i32
      %gather3A_59 = arith.constant 0 : i32
      %gather3A_60 = arith.constant 0 : i32
      %gather3A_61 = tpu.memref_slice %arg5[%gather3A_58, %gather3A_59, %gather3A_60] : memref<2x2x128xi32, #tpu.memory_space<vmem>> -> memref<1x2x128xi32, #tpu.memory_space<vmem>>
      %gather3A_62 = tpu.memref_squeeze %gather3A_61 : memref<1x2x128xi32, #tpu.memory_space<vmem>> -> memref<2x128xi32, #tpu.memory_space<vmem>>
      %gather3A_63 = tpu.vector_load_idx %gather3A_62[%shift_right_logical3A_54, %and3A_57] : memref<2x128xi32, #tpu.memory_space<vmem>>[vector<16xi32>, vector<16xi32>], vector<16xi32>,
      %swap3A_64 = arith.constant 0 : i32
      %swap3A_65 = arith.constant 0 : i32
      %swap3A_66 = arith.constant 0 : i32
      %swap3A_67 = arith.constant 0 : i32
      %swap3A_68 = tpu.memref_slice %arg6[%swap3A_64, %swap3A_66, %swap3A_67] : memref<2x2x128xi32, #tpu.memory_space<vmem>> -> memref<1x2x128xi32, #tpu.memory_space<vmem>>
      %swap3A_69 = tpu.memref_squeeze %swap3A_68 : memref<1x2x128xi32, #tpu.memory_space<vmem>> -> memref<2x128xi32, #tpu.memory_space<vmem>>
      %swap3A_70 = arith.index_cast %swap3A_65 : i32 to index
      %swap3A_71 = arith.constant 16 : index
      %swap3A_72 = tpu.vector_load %swap3A_69[%swap3A_70, %swap3A_71] {strides = array<i32>} : memref<2x128xi32, #tpu.memory_space<vmem>>, vector<16xi32>,
      tpu.vector_store %swap3A_69[%swap3A_70, %swap3A_71], %gather3A_63 {strides = array<i32>} : memref<2x128xi32, #tpu.memory_space<vmem>>, vector<16xi32>,
      %iota3A_73 = tpu.iota {dimensions = array<i32: 0>} : vector<16xi32>
      %add3A_74 = arith.constant 32 : i32
      %add3A_75 = vector.broadcast %add3A_74 : i32 to vector<16xi32>
      %add3A_76 = arith.addi %iota3A_73, %add3A_75 : vector<16xi32>
      %mul3A_77 = arith.constant 2 : i32
      %mul3A_78 = vector.broadcast %mul3A_77 : i32 to vector<16xi32>
      %mul3A_79 = arith.muli %mul3A_78, %add3A_76 : vector<16xi32>
      %add3A_80 = arith.constant 0 : i32
      %add3A_81 = vector.broadcast %add3A_80 : i32 to vector<16xi32>
      %add3A_82 = arith.addi %mul3A_79, %add3A_81 : vector<16xi32>
      %shift_right_logical3A_83 = arith.constant 7 : i32
      %shift_right_logical3A_84 = vector.broadcast %shift_right_logical3A_83 : i32 to vector<16xi32>
      %shift_right_logical3A_85 = arith.shrui %add3A_82, %shift_right_logical3A_84 : vector<16xi32>
      %and3A_86 = arith.constant 127 : i32
      %and3A_87 = vector.broadcast %and3A_86 : i32 to vector<16xi32>
      %and3A_88 = arith.andi %add3A_82, %and3A_87 : vector<16xi32>
      %gather3A_89 = arith.constant 0 : i32
      %gather3A_90 = arith.constant 0 : i32
      %gather3A_91 = arith.constant 0 : i32
      %gather3A_92 = tpu.memref_slice %arg5[%gather3A_89, %gather3A_90, %gather3A_91] : memref<2x2x128xi32, #tpu.memory_space<vmem>> -> memref<1x2x128xi32, #tpu.memory_space<vmem>>
      %gather3A_93 = tpu.memref_squeeze %gather3A_92 : memref<1x2x128xi32, #tpu.memory_space<vmem>> -> memref<2x128xi32, #tpu.memory_space<vmem>>
      %gather3A_94 = tpu.vector_load_idx %gather3A_93[%shift_right_logical3A_85, %and3A_88] : memref<2x128xi32, #tpu.memory_space<vmem>>[vector<16xi32>, vector<16xi32>], vector<16xi32>,
      %swap3A_95 = arith.constant 0 : i32
      %swap3A_96 = arith.constant 0 : i32
      %swap3A_97 = arith.constant 0 : i32
      %swap3A_98 = arith.constant 0 : i32
      %swap3A_99 = tpu.memref_slice %arg6[%swap3A_95, %swap3A_97, %swap3A_98] : memref<2x2x128xi32, #tpu.memory_space<vmem>> -> memref<1x2x128xi32, #tpu.memory_space<vmem>>
      %swap3A_100 = tpu.memref_squeeze %swap3A_99 : memref<1x2x128xi32, #tpu.memory_space<vmem>> -> memref<2x128xi32, #tpu.memory_space<vmem>>
      %swap3A_101 = arith.index_cast %swap3A_96 : i32 to index
      %swap3A_102 = arith.constant 32 : index
      %swap3A_103 = tpu.vector_load %swap3A_100[%swap3A_101, %swap3A_102] {strides = array<i32>} : memref<2x128xi32, #tpu.memory_space<vmem>>, vector<16xi32>,
      tpu.vector_store %swap3A_100[%swap3A_101, %swap3A_102], %gather3A_94 {strides = array<i32>} : memref<2x128xi32, #tpu.memory_space<vmem>>, vector<16xi32>,
      %iota3A_104 = tpu.iota {dimensions = array<i32: 0>} : vector<16xi32>
      %add3A_105 = arith.constant 48 : i32
      %add3A_106 = vector.broadcast %add3A_105 : i32 to vector<16xi32>
      %add3A_107 = arith.addi %iota3A_104, %add3A_106 : vector<16xi32>
      %mul3A_108 = arith.constant 2 : i32
      %mul3A_109 = vector.broadcast %mul3A_108 : i32 to vector<16xi32>
      %mul3A_110 = arith.muli %mul3A_109, %add3A_107 : vector<16xi32>
      %add3A_111 = arith.constant 0 : i32
      %add3A_112 = vector.broadcast %add3A_111 : i32 to vector<16xi32>
      %add3A_113 = arith.addi %mul3A_110, %add3A_112 : vector<16xi32>
      %shift_right_logical3A_114 = arith.constant 7 : i32
      %shift_right_logical3A_115 = vector.broadcast %shift_right_logical3A_114 : i32 to vector<16xi32>
      %shift_right_logical3A_116 = arith.shrui %add3A_113, %shift_right_logical3A_115 : vector<16xi32>
      %and3A_117 = arith.constant 127 : i32
      %and3A_118 = vector.broadcast %and3A_117 : i32 to vector<16xi32>
      %and3A_119 = arith.andi %add3A_113, %and3A_118 : vector<16xi32>
      %gather3A_120 = arith.constant 0 : i32
      %gather3A_121 = arith.constant 0 : i32
      %gather3A_122 = arith.constant 0 : i32
      %gather3A_123 = tpu.memref_slice %arg5[%gather3A_120, %gather3A_121, %gather3A_122] : memref<2x2x128xi32, #tpu.memory_space<vmem>> -> memref<1x2x128xi32, #tpu.memory_space<vmem>>
      %gather3A_124 = tpu.memref_squeeze %gather3A_123 : memref<1x2x128xi32, #tpu.memory_space<vmem>> -> memref<2x128xi32, #tpu.memory_space<vmem>>
      %gather3A_125 = tpu.vector_load_idx %gather3A_124[%shift_right_logical3A_116, %and3A_119] : memref<2x128xi32, #tpu.memory_space<vmem>>[vector<16xi32>, vector<16xi32>], vector<16xi32>,
      %swap3A_126 = arith.constant 0 : i32
      %swap3A_127 = arith.constant 0 : i32
      %swap3A_128 = arith.constant 0 : i32
      %swap3A_129 = arith.constant 0 : i32
      %swap3A_130 = tpu.memref_slice %arg6[%swap3A_126, %swap3A_128, %swap3A_129] : memref<2x2x128xi32, #tpu.memory_space<vmem>> -> memref<1x2x128xi32, #tpu.memory_space<vmem>>
      %swap3A_131 = tpu.memref_squeeze %swap3A_130 : memref<1x2x128xi32, #tpu.memory_space<vmem>> -> memref<2x128xi32, #tpu.memory_space<vmem>>
      %swap3A_132 = arith.index_cast %swap3A_127 : i32 to index
      %swap3A_133 = arith.constant 48 : index
      %swap3A_134 = tpu.vector_load %swap3A_131[%swap3A_132, %swap3A_133] {strides = array<i32>} : memref<2x128xi32, #tpu.memory_space<vmem>>, vector<16xi32>,
      tpu.vector_store %swap3A_131[%swap3A_132, %swap3A_133], %gather3A_125 {strides = array<i32>} : memref<2x128xi32, #tpu.memory_space<vmem>>, vector<16xi32>,
      %iota3A_135 = tpu.iota {dimensions = array<i32: 0>} : vector<16xi32>
      %add3A_136 = arith.constant 64 : i32
      %add3A_137 = vector.broadcast %add3A_136 : i32 to vector<16xi32>
      %add3A_138 = arith.addi %iota3A_135, %add3A_137 : vector<16xi32>
      %mul3A_139 = arith.constant 2 : i32
      %mul3A_140 = vector.broadcast %mul3A_139 : i32 to vector<16xi32>
      %mul3A_141 = arith.muli %mul3A_140, %add3A_138 : vector<16xi32>
      %add3A_142 = arith.constant 0 : i32
      %add3A_143 = vector.broadcast %add3A_142 : i32 to vector<16xi32>
      %add3A_144 = arith.addi %mul3A_141, %add3A_143 : vector<16xi32>
      %shift_right_logical3A_145 = arith.constant 7 : i32
      %shift_right_logical3A_146 = vector.broadcast %shift_right_logical3A_145 : i32 to vector<16xi32>
      %shift_right_logical3A_147 = arith.shrui %add3A_144, %shift_right_logical3A_146 : vector<16xi32>
      %and3A_148 = arith.constant 127 : i32
      %and3A_149 = vector.broadcast %and3A_148 : i32 to vector<16xi32>
      %and3A_150 = arith.andi %add3A_144, %and3A_149 : vector<16xi32>
      %gather3A_151 = arith.constant 0 : i32
      %gather3A_152 = arith.constant 0 : i32
      %gather3A_153 = arith.constant 0 : i32
      %gather3A_154 = tpu.memref_slice %arg5[%gather3A_151, %gather3A_152, %gather3A_153] : memref<2x2x128xi32, #tpu.memory_space<vmem>> -> memref<1x2x128xi32, #tpu.memory_space<vmem>>
      %gather3A_155 = tpu.memref_squeeze %gather3A_154 : memref<1x2x128xi32, #tpu.memory_space<vmem>> -> memref<2x128xi32, #tpu.memory_space<vmem>>
      %gather3A_156 = tpu.vector_load_idx %gather3A_155[%shift_right_logical3A_147, %and3A_150] : memref<2x128xi32, #tpu.memory_space<vmem>>[vector<16xi32>, vector<16xi32>], vector<16xi32>,
      %swap3A_157 = arith.constant 0 : i32
      %swap3A_158 = arith.constant 0 : i32
      %swap3A_159 = arith.constant 0 : i32
      %swap3A_160 = arith.constant 0 : i32
      %swap3A_161 = tpu.memref_slice %arg6[%swap3A_157, %swap3A_159, %swap3A_160] : memref<2x2x128xi32, #tpu.memory_space<vmem>> -> memref<1x2x128xi32, #tpu.memory_space<vmem>>
      %swap3A_162 = tpu.memref_squeeze %swap3A_161 : memref<1x2x128xi32, #tpu.memory_space<vmem>> -> memref<2x128xi32, #tpu.memory_space<vmem>>
      %swap3A_163 = arith.index_cast %swap3A_158 : i32 to index
      %swap3A_164 = arith.constant 64 : index
      %swap3A_165 = tpu.vector_load %swap3A_162[%swap3A_163, %swap3A_164] {strides = array<i32>} : memref<2x128xi32, #tpu.memory_space<vmem>>, vector<16xi32>,
      tpu.vector_store %swap3A_162[%swap3A_163, %swap3A_164], %gather3A_156 {strides = array<i32>} : memref<2x128xi32, #tpu.memory_space<vmem>>, vector<16xi32>,
      %iota3A_166 = tpu.iota {dimensions = array<i32: 0>} : vector<16xi32>
      %add3A_167 = arith.constant 80 : i32
      %add3A_168 = vector.broadcast %add3A_167 : i32 to vector<16xi32>
      %add3A_169 = arith.addi %iota3A_166, %add3A_168 : vector<16xi32>
      %mul3A_170 = arith.constant 2 : i32
      %mul3A_171 = vector.broadcast %mul3A_170 : i32 to vector<16xi32>
      %mul3A_172 = arith.muli %mul3A_171, %add3A_169 : vector<16xi32>
      %add3A_173 = arith.constant 0 : i32
      %add3A_174 = vector.broadcast %add3A_173 : i32 to vector<16xi32>
      %add3A_175 = arith.addi %mul3A_172, %add3A_174 : vector<16xi32>
      %shift_right_logical3A_176 = arith.constant 7 : i32
      %shift_right_logical3A_177 = vector.broadcast %shift_right_logical3A_176 : i32 to vector<16xi32>
      %shift_right_logical3A_178 = arith.shrui %add3A_175, %shift_right_logical3A_177 : vector<16xi32>
      %and3A_179 = arith.constant 127 : i32
      %and3A_180 = vector.broadcast %and3A_179 : i32 to vector<16xi32>
      %and3A_181 = arith.andi %add3A_175, %and3A_180 : vector<16xi32>
      %gather3A_182 = arith.constant 0 : i32
      %gather3A_183 = arith.constant 0 : i32
      %gather3A_184 = arith.constant 0 : i32
      %gather3A_185 = tpu.memref_slice %arg5[%gather3A_182, %gather3A_183, %gather3A_184] : memref<2x2x128xi32, #tpu.memory_space<vmem>> -> memref<1x2x128xi32, #tpu.memory_space<vmem>>
      %gather3A_186 = tpu.memref_squeeze %gather3A_185 : memref<1x2x128xi32, #tpu.memory_space<vmem>> -> memref<2x128xi32, #tpu.memory_space<vmem>>
      %gather3A_187 = tpu.vector_load_idx %gather3A_186[%shift_right_logical3A_178, %and3A_181] : memref<2x128xi32, #tpu.memory_space<vmem>>[vector<16xi32>, vector<16xi32>], vector<16xi32>,
      %swap3A_188 = arith.constant 0 : i32
      %swap3A_189 = arith.constant 0 : i32
      %swap3A_190 = arith.constant 0 : i32
      %swap3A_191 = arith.constant 0 : i32
      %swap3A_192 = tpu.memref_slice %arg6[%swap3A_188, %swap3A_190, %swap3A_191] : memref<2x2x128xi32, #tpu.memory_space<vmem>> -> memref<1x2x128xi32, #tpu.memory_space<vmem>>
      %swap3A_193 = tpu.memref_squeeze %swap3A_192 : memref<1x2x128xi32, #tpu.memory_space<vmem>> -> memref<2x128xi32, #tpu.memory_space<vmem>>
      %swap3A_194 = arith.index_cast %swap3A_189 : i32 to index
      %swap3A_195 = arith.constant 80 : index
      %swap3A_196 = tpu.vector_load %swap3A_193[%swap3A_194, %swap3A_195] {strides = array<i32>} : memref<2x128xi32, #tpu.memory_space<vmem>>, vector<16xi32>,
      tpu.vector_store %swap3A_193[%swap3A_194, %swap3A_195], %gather3A_187 {strides = array<i32>} : memref<2x128xi32, #tpu.memory_space<vmem>>, vector<16xi32>,
      %iota3A_197 = tpu.iota {dimensions = array<i32: 0>} : vector<16xi32>
      %add3A_198 = arith.constant 96 : i32
      %add3A_199 = vector.broadcast %add3A_198 : i32 to vector<16xi32>
      %add3A_200 = arith.addi %iota3A_197, %add3A_199 : vector<16xi32>
      %mul3A_201 = arith.constant 2 : i32
      %mul3A_202 = vector.broadcast %mul3A_201 : i32 to vector<16xi32>
      %mul3A_203 = arith.muli %mul3A_202, %add3A_200 : vector<16xi32>
      %add3A_204 = arith.constant 0 : i32
      %add3A_205 = vector.broadcast %add3A_204 : i32 to vector<16xi32>
      %add3A_206 = arith.addi %mul3A_203, %add3A_205 : vector<16xi32>
      %shift_right_logical3A_207 = arith.constant 7 : i32
      %shift_right_logical3A_208 = vector.broadcast %shift_right_logical3A_207 : i32 to vector<16xi32>
      %shift_right_logical3A_209 = arith.shrui %add3A_206, %shift_right_logical3A_208 : vector<16xi32>
      %and3A_210 = arith.constant 127 : i32
      %and3A_211 = vector.broadcast %and3A_210 : i32 to vector<16xi32>
      %and3A_212 = arith.andi %add3A_206, %and3A_211 : vector<16xi32>
      %gather3A_213 = arith.constant 0 : i32
      %gather3A_214 = arith.constant 0 : i32
      %gather3A_215 = arith.constant 0 : i32
      %gather3A_216 = tpu.memref_slice %arg5[%gather3A_213, %gather3A_214, %gather3A_215] : memref<2x2x128xi32, #tpu.memory_space<vmem>> -> memref<1x2x128xi32, #tpu.memory_space<vmem>>
      %gather3A_217 = tpu.memref_squeeze %gather3A_216 : memref<1x2x128xi32, #tpu.memory_space<vmem>> -> memref<2x128xi32, #tpu.memory_space<vmem>>
      %gather3A_218 = tpu.vector_load_idx %gather3A_217[%shift_right_logical3A_209, %and3A_212] : memref<2x128xi32, #tpu.memory_space<vmem>>[vector<16xi32>, vector<16xi32>], vector<16xi32>,
      %swap3A_219 = arith.constant 0 : i32
      %swap3A_220 = arith.constant 0 : i32
      %swap3A_221 = arith.constant 0 : i32
      %swap3A_222 = arith.constant 0 : i32
      %swap3A_223 = tpu.memref_slice %arg6[%swap3A_219, %swap3A_221, %swap3A_222] : memref<2x2x128xi32, #tpu.memory_space<vmem>> -> memref<1x2x128xi32, #tpu.memory_space<vmem>>
      %swap3A_224 = tpu.memref_squeeze %swap3A_223 : memref<1x2x128xi32, #tpu.memory_space<vmem>> -> memref<2x128xi32, #tpu.memory_space<vmem>>
      %swap3A_225 = arith.index_cast %swap3A_220 : i32 to index
      %swap3A_226 = arith.constant 96 : index
      %swap3A_227 = tpu.vector_load %swap3A_224[%swap3A_225, %swap3A_226] {strides = array<i32>} : memref<2x128xi32, #tpu.memory_space<vmem>>, vector<16xi32>,
      tpu.vector_store %swap3A_224[%swap3A_225, %swap3A_226], %gather3A_218 {strides = array<i32>} : memref<2x128xi32, #tpu.memory_space<vmem>>, vector<16xi32>,
      %iota3A_228 = tpu.iota {dimensions = array<i32: 0>} : vector<16xi32>
      %add3A_229 = arith.constant 112 : i32
      %add3A_230 = vector.broadcast %add3A_229 : i32 to vector<16xi32>
      %add3A_231 = arith.addi %iota3A_228, %add3A_230 : vector<16xi32>
      %mul3A_232 = arith.constant 2 : i32
      %mul3A_233 = vector.broadcast %mul3A_232 : i32 to vector<16xi32>
      %mul3A_234 = arith.muli %mul3A_233, %add3A_231 : vector<16xi32>
      %add3A_235 = arith.constant 0 : i32
      %add3A_236 = vector.broadcast %add3A_235 : i32 to vector<16xi32>
      %add3A_237 = arith.addi %mul3A_234, %add3A_236 : vector<16xi32>
      %shift_right_logical3A_238 = arith.constant 7 : i32
      %shift_right_logical3A_239 = vector.broadcast %shift_right_logical3A_238 : i32 to vector<16xi32>
      %shift_right_logical3A_240 = arith.shrui %add3A_237, %shift_right_logical3A_239 : vector<16xi32>
      %and3A_241 = arith.constant 127 : i32
      %and3A_242 = vector.broadcast %and3A_241 : i32 to vector<16xi32>
      %and3A_243 = arith.andi %add3A_237, %and3A_242 : vector<16xi32>
      %gather3A_244 = arith.constant 0 : i32
      %gather3A_245 = arith.constant 0 : i32
      %gather3A_246 = arith.constant 0 : i32
      %gather3A_247 = tpu.memref_slice %arg5[%gather3A_244, %gather3A_245, %gather3A_246] : memref<2x2x128xi32, #tpu.memory_space<vmem>> -> memref<1x2x128xi32, #tpu.memory_space<vmem>>
      %gather3A_248 = tpu.memref_squeeze %gather3A_247 : memref<1x2x128xi32, #tpu.memory_space<vmem>> -> memref<2x128xi32, #tpu.memory_space<vmem>>
      %gather3A_249 = tpu.vector_load_idx %gather3A_248[%shift_right_logical3A_240, %and3A_243] : memref<2x128xi32, #tpu.memory_space<vmem>>[vector<16xi32>, vector<16xi32>], vector<16xi32>,
      %swap3A_250 = arith.constant 0 : i32
      %swap3A_251 = arith.constant 0 : i32
      %swap3A_252 = arith.constant 0 : i32
      %swap3A_253 = arith.constant 0 : i32
      %swap3A_254 = tpu.memref_slice %arg6[%swap3A_250, %swap3A_252, %swap3A_253] : memref<2x2x128xi32, #tpu.memory_space<vmem>> -> memref<1x2x128xi32, #tpu.memory_space<vmem>>
      %swap3A_255 = tpu.memref_squeeze %swap3A_254 : memref<1x2x128xi32, #tpu.memory_space<vmem>> -> memref<2x128xi32, #tpu.memory_space<vmem>>
      %swap3A_256 = arith.index_cast %swap3A_251 : i32 to index
      %swap3A_257 = arith.constant 112 : index
      %swap3A_258 = tpu.vector_load %swap3A_255[%swap3A_256, %swap3A_257] {strides = array<i32>} : memref<2x128xi32, #tpu.memory_space<vmem>>, vector<16xi32>,
      tpu.vector_store %swap3A_255[%swap3A_256, %swap3A_257], %gather3A_249 {strides = array<i32>} : memref<2x128xi32, #tpu.memory_space<vmem>>, vector<16xi32>,
      %iota3A_259 = tpu.iota {dimensions = array<i32: 0>} : vector<16xi32>
      %add3A_260 = arith.constant 0 : i32
      %add3A_261 = vector.broadcast %add3A_260 : i32 to vector<16xi32>
      %add3A_262 = arith.addi %iota3A_259, %add3A_261 : vector<16xi32>
      %mul3A_263 = arith.constant 2 : i32
      %mul3A_264 = vector.broadcast %mul3A_263 : i32 to vector<16xi32>
      %mul3A_265 = arith.muli %mul3A_264, %add3A_262 : vector<16xi32>
      %add3A_266 = arith.constant 1 : i32
      %add3A_267 = vector.broadcast %add3A_266 : i32 to vector<16xi32>
      %add3A_268 = arith.addi %mul3A_265, %add3A_267 : vector<16xi32>
      %shift_right_logical3A_269 = arith.constant 7 : i32
      %shift_right_logical3A_270 = vector.broadcast %shift_right_logical3A_269 : i32 to vector<16xi32>
      %shift_right_logical3A_271 = arith.shrui %add3A_268, %shift_right_logical3A_270 : vector<16xi32>
      %and3A_272 = arith.constant 127 : i32
      %and3A_273 = vector.broadcast %and3A_272 : i32 to vector<16xi32>
      %and3A_274 = arith.andi %add3A_268, %and3A_273 : vector<16xi32>
      %gather3A_275 = arith.constant 0 : i32
      %gather3A_276 = arith.constant 0 : i32
      %gather3A_277 = arith.constant 0 : i32
      %gather3A_278 = tpu.memref_slice %arg5[%gather3A_275, %gather3A_276, %gather3A_277] : memref<2x2x128xi32, #tpu.memory_space<vmem>> -> memref<1x2x128xi32, #tpu.memory_space<vmem>>
      %gather3A_279 = tpu.memref_squeeze %gather3A_278 : memref<1x2x128xi32, #tpu.memory_space<vmem>> -> memref<2x128xi32, #tpu.memory_space<vmem>>
      %gather3A_280 = tpu.vector_load_idx %gather3A_279[%shift_right_logical3A_271, %and3A_274] : memref<2x128xi32, #tpu.memory_space<vmem>>[vector<16xi32>, vector<16xi32>], vector<16xi32>,
      %swap3A_281 = arith.constant 0 : i32
      %swap3A_282 = arith.constant 1 : i32
      %swap3A_283 = arith.constant 0 : i32
      %swap3A_284 = arith.constant 0 : i32
      %swap3A_285 = tpu.memref_slice %arg6[%swap3A_281, %swap3A_283, %swap3A_284] : memref<2x2x128xi32, #tpu.memory_space<vmem>> -> memref<1x2x128xi32, #tpu.memory_space<vmem>>
      %swap3A_286 = tpu.memref_squeeze %swap3A_285 : memref<1x2x128xi32, #tpu.memory_space<vmem>> -> memref<2x128xi32, #tpu.memory_space<vmem>>
      %swap3A_287 = arith.index_cast %swap3A_282 : i32 to index
      %swap3A_288 = arith.constant 0 : index
      %swap3A_289 = tpu.vector_load %swap3A_286[%swap3A_287, %swap3A_288] {strides = array<i32>} : memref<2x128xi32, #tpu.memory_space<vmem>>, vector<16xi32>,
      tpu.vector_store %swap3A_286[%swap3A_287, %swap3A_288], %gather3A_280 {strides = array<i32>} : memref<2x128xi32, #tpu.memory_space<vmem>>, vector<16xi32>,
      %iota3A_290 = tpu.iota {dimensions = array<i32: 0>} : vector<16xi32>
      %add3A_291 = arith.constant 16 : i32
      %add3A_292 = vector.broadcast %add3A_291 : i32 to vector<16xi32>
      %add3A_293 = arith.addi %iota3A_290, %add3A_292 : vector<16xi32>
      %mul3A_294 = arith.constant 2 : i32
      %mul3A_295 = vector.broadcast %mul3A_294 : i32 to vector<16xi32>
      %mul3A_296 = arith.muli %mul3A_295, %add3A_293 : vector<16xi32>
      %add3A_297 = arith.constant 1 : i32
      %add3A_298 = vector.broadcast %add3A_297 : i32 to vector<16xi32>
      %add3A_299 = arith.addi %mul3A_296, %add3A_298 : vector<16xi32>
      %shift_right_logical3A_300 = arith.constant 7 : i32
      %shift_right_logical3A_301 = vector.broadcast %shift_right_logical3A_300 : i32 to vector<16xi32>
      %shift_right_logical3A_302 = arith.shrui %add3A_299, %shift_right_logical3A_301 : vector<16xi32>
      %and3A_303 = arith.constant 127 : i32
      %and3A_304 = vector.broadcast %and3A_303 : i32 to vector<16xi32>
      %and3A_305 = arith.andi %add3A_299, %and3A_304 : vector<16xi32>
      %gather3A_306 = arith.constant 0 : i32
      %gather3A_307 = arith.constant 0 : i32
      %gather3A_308 = arith.constant 0 : i32
      %gather3A_309 = tpu.memref_slice %arg5[%gather3A_306, %gather3A_307, %gather3A_308] : memref<2x2x128xi32, #tpu.memory_space<vmem>> -> memref<1x2x128xi32, #tpu.memory_space<vmem>>
      %gather3A_310 = tpu.memref_squeeze %gather3A_309 : memref<1x2x128xi32, #tpu.memory_space<vmem>> -> memref<2x128xi32, #tpu.memory_space<vmem>>
      %gather3A_311 = tpu.vector_load_idx %gather3A_310[%shift_right_logical3A_302, %and3A_305] : memref<2x128xi32, #tpu.memory_space<vmem>>[vector<16xi32>, vector<16xi32>], vector<16xi32>,
      %swap3A_312 = arith.constant 0 : i32
      %swap3A_313 = arith.constant 1 : i32
      %swap3A_314 = arith.constant 0 : i32
      %swap3A_315 = arith.constant 0 : i32
      %swap3A_316 = tpu.memref_slice %arg6[%swap3A_312, %swap3A_314, %swap3A_315] : memref<2x2x128xi32, #tpu.memory_space<vmem>> -> memref<1x2x128xi32, #tpu.memory_space<vmem>>
      %swap3A_317 = tpu.memref_squeeze %swap3A_316 : memref<1x2x128xi32, #tpu.memory_space<vmem>> -> memref<2x128xi32, #tpu.memory_space<vmem>>
      %swap3A_318 = arith.index_cast %swap3A_313 : i32 to index
      %swap3A_319 = arith.constant 16 : index
      %swap3A_320 = tpu.vector_load %swap3A_317[%swap3A_318, %swap3A_319] {strides = array<i32>} : memref<2x128xi32, #tpu.memory_space<vmem>>, vector<16xi32>,
      tpu.vector_store %swap3A_317[%swap3A_318, %swap3A_319], %gather3A_311 {strides = array<i32>} : memref<2x128xi32, #tpu.memory_space<vmem>>, vector<16xi32>,
      %iota3A_321 = tpu.iota {dimensions = array<i32: 0>} : vector<16xi32>
      %add3A_322 = arith.constant 32 : i32
      %add3A_323 = vector.broadcast %add3A_322 : i32 to vector<16xi32>
      %add3A_324 = arith.addi %iota3A_321, %add3A_323 : vector<16xi32>
      %mul3A_325 = arith.constant 2 : i32
      %mul3A_326 = vector.broadcast %mul3A_325 : i32 to vector<16xi32>
      %mul3A_327 = arith.muli %mul3A_326, %add3A_324 : vector<16xi32>
      %add3A_328 = arith.constant 1 : i32
      %add3A_329 = vector.broadcast %add3A_328 : i32 to vector<16xi32>
      %add3A_330 = arith.addi %mul3A_327, %add3A_329 : vector<16xi32>
      %shift_right_logical3A_331 = arith.constant 7 : i32
      %shift_right_logical3A_332 = vector.broadcast %shift_right_logical3A_331 : i32 to vector<16xi32>
      %shift_right_logical3A_333 = arith.shrui %add3A_330, %shift_right_logical3A_332 : vector<16xi32>
      %and3A_334 = arith.constant 127 : i32
      %and3A_335 = vector.broadcast %and3A_334 : i32 to vector<16xi32>
      %and3A_336 = arith.andi %add3A_330, %and3A_335 : vector<16xi32>
      %gather3A_337 = arith.constant 0 : i32
      %gather3A_338 = arith.constant 0 : i32
      %gather3A_339 = arith.constant 0 : i32
      %gather3A_340 = tpu.memref_slice %arg5[%gather3A_337, %gather3A_338, %gather3A_339] : memref<2x2x128xi32, #tpu.memory_space<vmem>> -> memref<1x2x128xi32, #tpu.memory_space<vmem>>
      %gather3A_341 = tpu.memref_squeeze %gather3A_340 : memref<1x2x128xi32, #tpu.memory_space<vmem>> -> memref<2x128xi32, #tpu.memory_space<vmem>>
      %gather3A_342 = tpu.vector_load_idx %gather3A_341[%shift_right_logical3A_333, %and3A_336] : memref<2x128xi32, #tpu.memory_space<vmem>>[vector<16xi32>, vector<16xi32>], vector<16xi32>,
      %swap3A_343 = arith.constant 0 : i32
      %swap3A_344 = arith.constant 1 : i32
      %swap3A_345 = arith.constant 0 : i32
      %swap3A_346 = arith.constant 0 : i32
      %swap3A_347 = tpu.memref_slice %arg6[%swap3A_343, %swap3A_345, %swap3A_346] : memref<2x2x128xi32, #tpu.memory_space<vmem>> -> memref<1x2x128xi32, #tpu.memory_space<vmem>>
      %swap3A_348 = tpu.memref_squeeze %swap3A_347 : memref<1x2x128xi32, #tpu.memory_space<vmem>> -> memref<2x128xi32, #tpu.memory_space<vmem>>
      %swap3A_349 = arith.index_cast %swap3A_344 : i32 to index
      %swap3A_350 = arith.constant 32 : index
      %swap3A_351 = tpu.vector_load %swap3A_348[%swap3A_349, %swap3A_350] {strides = array<i32>} : memref<2x128xi32, #tpu.memory_space<vmem>>, vector<16xi32>,
      tpu.vector_store %swap3A_348[%swap3A_349, %swap3A_350], %gather3A_342 {strides = array<i32>} : memref<2x128xi32, #tpu.memory_space<vmem>>, vector<16xi32>,
      %iota3A_352 = tpu.iota {dimensions = array<i32: 0>} : vector<16xi32>
      %add3A_353 = arith.constant 48 : i32
      %add3A_354 = vector.broadcast %add3A_353 : i32 to vector<16xi32>
      %add3A_355 = arith.addi %iota3A_352, %add3A_354 : vector<16xi32>
      %mul3A_356 = arith.constant 2 : i32
      %mul3A_357 = vector.broadcast %mul3A_356 : i32 to vector<16xi32>
      %mul3A_358 = arith.muli %mul3A_357, %add3A_355 : vector<16xi32>
      %add3A_359 = arith.constant 1 : i32
      %add3A_360 = vector.broadcast %add3A_359 : i32 to vector<16xi32>
      %add3A_361 = arith.addi %mul3A_358, %add3A_360 : vector<16xi32>
      %shift_right_logical3A_362 = arith.constant 7 : i32
      %shift_right_logical3A_363 = vector.broadcast %shift_right_logical3A_362 : i32 to vector<16xi32>
      %shift_right_logical3A_364 = arith.shrui %add3A_361, %shift_right_logical3A_363 : vector<16xi32>
      %and3A_365 = arith.constant 127 : i32
      %and3A_366 = vector.broadcast %and3A_365 : i32 to vector<16xi32>
      %and3A_367 = arith.andi %add3A_361, %and3A_366 : vector<16xi32>
      %gather3A_368 = arith.constant 0 : i32
      %gather3A_369 = arith.constant 0 : i32
      %gather3A_370 = arith.constant 0 : i32
      %gather3A_371 = tpu.memref_slice %arg5[%gather3A_368, %gather3A_369, %gather3A_370] : memref<2x2x128xi32, #tpu.memory_space<vmem>> -> memref<1x2x128xi32, #tpu.memory_space<vmem>>
      %gather3A_372 = tpu.memref_squeeze %gather3A_371 : memref<1x2x128xi32, #tpu.memory_space<vmem>> -> memref<2x128xi32, #tpu.memory_space<vmem>>
      %gather3A_373 = tpu.vector_load_idx %gather3A_372[%shift_right_logical3A_364, %and3A_367] : memref<2x128xi32, #tpu.memory_space<vmem>>[vector<16xi32>, vector<16xi32>], vector<16xi32>,
      %swap3A_374 = arith.constant 0 : i32
      %swap3A_375 = arith.constant 1 : i32
      %swap3A_376 = arith.constant 0 : i32
      %swap3A_377 = arith.constant 0 : i32
      %swap3A_378 = tpu.memref_slice %arg6[%swap3A_374, %swap3A_376, %swap3A_377] : memref<2x2x128xi32, #tpu.memory_space<vmem>> -> memref<1x2x128xi32, #tpu.memory_space<vmem>>
      %swap3A_379 = tpu.memref_squeeze %swap3A_378 : memref<1x2x128xi32, #tpu.memory_space<vmem>> -> memref<2x128xi32, #tpu.memory_space<vmem>>
      %swap3A_380 = arith.index_cast %swap3A_375 : i32 to index
      %swap3A_381 = arith.constant 48 : index
      %swap3A_382 = tpu.vector_load %swap3A_379[%swap3A_380, %swap3A_381] {strides = array<i32>} : memref<2x128xi32, #tpu.memory_space<vmem>>, vector<16xi32>,
      tpu.vector_store %swap3A_379[%swap3A_380, %swap3A_381], %gather3A_373 {strides = array<i32>} : memref<2x128xi32, #tpu.memory_space<vmem>>, vector<16xi32>,
      %iota3A_383 = tpu.iota {dimensions = array<i32: 0>} : vector<16xi32>
      %add3A_384 = arith.constant 64 : i32
      %add3A_385 = vector.broadcast %add3A_384 : i32 to vector<16xi32>
      %add3A_386 = arith.addi %iota3A_383, %add3A_385 : vector<16xi32>
      %mul3A_387 = arith.constant 2 : i32
      %mul3A_388 = vector.broadcast %mul3A_387 : i32 to vector<16xi32>
      %mul3A_389 = arith.muli %mul3A_388, %add3A_386 : vector<16xi32>
      %add3A_390 = arith.constant 1 : i32
      %add3A_391 = vector.broadcast %add3A_390 : i32 to vector<16xi32>
      %add3A_392 = arith.addi %mul3A_389, %add3A_391 : vector<16xi32>
      %shift_right_logical3A_393 = arith.constant 7 : i32
      %shift_right_logical3A_394 = vector.broadcast %shift_right_logical3A_393 : i32 to vector<16xi32>
      %shift_right_logical3A_395 = arith.shrui %add3A_392, %shift_right_logical3A_394 : vector<16xi32>
      %and3A_396 = arith.constant 127 : i32
      %and3A_397 = vector.broadcast %and3A_396 : i32 to vector<16xi32>
      %and3A_398 = arith.andi %add3A_392, %and3A_397 : vector<16xi32>
      %gather3A_399 = arith.constant 0 : i32
      %gather3A_400 = arith.constant 0 : i32
      %gather3A_401 = arith.constant 0 : i32
      %gather3A_402 = tpu.memref_slice %arg5[%gather3A_399, %gather3A_400, %gather3A_401] : memref<2x2x128xi32, #tpu.memory_space<vmem>> -> memref<1x2x128xi32, #tpu.memory_space<vmem>>
      %gather3A_403 = tpu.memref_squeeze %gather3A_402 : memref<1x2x128xi32, #tpu.memory_space<vmem>> -> memref<2x128xi32, #tpu.memory_space<vmem>>
      %gather3A_404 = tpu.vector_load_idx %gather3A_403[%shift_right_logical3A_395, %and3A_398] : memref<2x128xi32, #tpu.memory_space<vmem>>[vector<16xi32>, vector<16xi32>], vector<16xi32>,
      %swap3A_405 = arith.constant 0 : i32
      %swap3A_406 = arith.constant 1 : i32
      %swap3A_407 = arith.constant 0 : i32
      %swap3A_408 = arith.constant 0 : i32
      %swap3A_409 = tpu.memref_slice %arg6[%swap3A_405, %swap3A_407, %swap3A_408] : memref<2x2x128xi32, #tpu.memory_space<vmem>> -> memref<1x2x128xi32, #tpu.memory_space<vmem>>
      %swap3A_410 = tpu.memref_squeeze %swap3A_409 : memref<1x2x128xi32, #tpu.memory_space<vmem>> -> memref<2x128xi32, #tpu.memory_space<vmem>>
      %swap3A_411 = arith.index_cast %swap3A_406 : i32 to index
      %swap3A_412 = arith.constant 64 : index
      %swap3A_413 = tpu.vector_load %swap3A_410[%swap3A_411, %swap3A_412] {strides = array<i32>} : memref<2x128xi32, #tpu.memory_space<vmem>>, vector<16xi32>,
      tpu.vector_store %swap3A_410[%swap3A_411, %swap3A_412], %gather3A_404 {strides = array<i32>} : memref<2x128xi32, #tpu.memory_space<vmem>>, vector<16xi32>,
      %iota3A_414 = tpu.iota {dimensions = array<i32: 0>} : vector<16xi32>
      %add3A_415 = arith.constant 80 : i32
      %add3A_416 = vector.broadcast %add3A_415 : i32 to vector<16xi32>
      %add3A_417 = arith.addi %iota3A_414, %add3A_416 : vector<16xi32>
      %mul3A_418 = arith.constant 2 : i32
      %mul3A_419 = vector.broadcast %mul3A_418 : i32 to vector<16xi32>
      %mul3A_420 = arith.muli %mul3A_419, %add3A_417 : vector<16xi32>
      %add3A_421 = arith.constant 1 : i32
      %add3A_422 = vector.broadcast %add3A_421 : i32 to vector<16xi32>
      %add3A_423 = arith.addi %mul3A_420, %add3A_422 : vector<16xi32>
      %shift_right_logical3A_424 = arith.constant 7 : i32
      %shift_right_logical3A_425 = vector.broadcast %shift_right_logical3A_424 : i32 to vector<16xi32>
      %shift_right_logical3A_426 = arith.shrui %add3A_423, %shift_right_logical3A_425 : vector<16xi32>
      %and3A_427 = arith.constant 127 : i32
      %and3A_428 = vector.broadcast %and3A_427 : i32 to vector<16xi32>
      %and3A_429 = arith.andi %add3A_423, %and3A_428 : vector<16xi32>
      %gather3A_430 = arith.constant 0 : i32
      %gather3A_431 = arith.constant 0 : i32
      %gather3A_432 = arith.constant 0 : i32
      %gather3A_433 = tpu.memref_slice %arg5[%gather3A_430, %gather3A_431, %gather3A_432] : memref<2x2x128xi32, #tpu.memory_space<vmem>> -> memref<1x2x128xi32, #tpu.memory_space<vmem>>
      %gather3A_434 = tpu.memref_squeeze %gather3A_433 : memref<1x2x128xi32, #tpu.memory_space<vmem>> -> memref<2x128xi32, #tpu.memory_space<vmem>>
      %gather3A_435 = tpu.vector_load_idx %gather3A_434[%shift_right_logical3A_426, %and3A_429] : memref<2x128xi32, #tpu.memory_space<vmem>>[vector<16xi32>, vector<16xi32>], vector<16xi32>,
      %swap3A_436 = arith.constant 0 : i32
      %swap3A_437 = arith.constant 1 : i32
      %swap3A_438 = arith.constant 0 : i32
      %swap3A_439 = arith.constant 0 : i32
      %swap3A_440 = tpu.memref_slice %arg6[%swap3A_436, %swap3A_438, %swap3A_439] : memref<2x2x128xi32, #tpu.memory_space<vmem>> -> memref<1x2x128xi32, #tpu.memory_space<vmem>>
      %swap3A_441 = tpu.memref_squeeze %swap3A_440 : memref<1x2x128xi32, #tpu.memory_space<vmem>> -> memref<2x128xi32, #tpu.memory_space<vmem>>
      %swap3A_442 = arith.index_cast %swap3A_437 : i32 to index
      %swap3A_443 = arith.constant 80 : index
      %swap3A_444 = tpu.vector_load %swap3A_441[%swap3A_442, %swap3A_443] {strides = array<i32>} : memref<2x128xi32, #tpu.memory_space<vmem>>, vector<16xi32>,
      tpu.vector_store %swap3A_441[%swap3A_442, %swap3A_443], %gather3A_435 {strides = array<i32>} : memref<2x128xi32, #tpu.memory_space<vmem>>, vector<16xi32>,
      %iota3A_445 = tpu.iota {dimensions = array<i32: 0>} : vector<16xi32>
      %add3A_446 = arith.constant 96 : i32
      %add3A_447 = vector.broadcast %add3A_446 : i32 to vector<16xi32>
      %add3A_448 = arith.addi %iota3A_445, %add3A_447 : vector<16xi32>
      %mul3A_449 = arith.constant 2 : i32
      %mul3A_450 = vector.broadcast %mul3A_449 : i32 to vector<16xi32>
      %mul3A_451 = arith.muli %mul3A_450, %add3A_448 : vector<16xi32>
      %add3A_452 = arith.constant 1 : i32
      %add3A_453 = vector.broadcast %add3A_452 : i32 to vector<16xi32>
      %add3A_454 = arith.addi %mul3A_451, %add3A_453 : vector<16xi32>
      %shift_right_logical3A_455 = arith.constant 7 : i32
      %shift_right_logical3A_456 = vector.broadcast %shift_right_logical3A_455 : i32 to vector<16xi32>
      %shift_right_logical3A_457 = arith.shrui %add3A_454, %shift_right_logical3A_456 : vector<16xi32>
      %and3A_458 = arith.constant 127 : i32
      %and3A_459 = vector.broadcast %and3A_458 : i32 to vector<16xi32>
      %and3A_460 = arith.andi %add3A_454, %and3A_459 : vector<16xi32>
      %gather3A_461 = arith.constant 0 : i32
      %gather3A_462 = arith.constant 0 : i32
      %gather3A_463 = arith.constant 0 : i32
      %gather3A_464 = tpu.memref_slice %arg5[%gather3A_461, %gather3A_462, %gather3A_463] : memref<2x2x128xi32, #tpu.memory_space<vmem>> -> memref<1x2x128xi32, #tpu.memory_space<vmem>>
      %gather3A_465 = tpu.memref_squeeze %gather3A_464 : memref<1x2x128xi32, #tpu.memory_space<vmem>> -> memref<2x128xi32, #tpu.memory_space<vmem>>
      %gather3A_466 = tpu.vector_load_idx %gather3A_465[%shift_right_logical3A_457, %and3A_460] : memref<2x128xi32, #tpu.memory_space<vmem>>[vector<16xi32>, vector<16xi32>], vector<16xi32>,
      %swap3A_467 = arith.constant 0 : i32
      %swap3A_468 = arith.constant 1 : i32
      %swap3A_469 = arith.constant 0 : i32
      %swap3A_470 = arith.constant 0 : i32
      %swap3A_471 = tpu.memref_slice %arg6[%swap3A_467, %swap3A_469, %swap3A_470] : memref<2x2x128xi32, #tpu.memory_space<vmem>> -> memref<1x2x128xi32, #tpu.memory_space<vmem>>
      %swap3A_472 = tpu.memref_squeeze %swap3A_471 : memref<1x2x128xi32, #tpu.memory_space<vmem>> -> memref<2x128xi32, #tpu.memory_space<vmem>>
      %swap3A_473 = arith.index_cast %swap3A_468 : i32 to index
      %swap3A_474 = arith.constant 96 : index
      %swap3A_475 = tpu.vector_load %swap3A_472[%swap3A_473, %swap3A_474] {strides = array<i32>} : memref<2x128xi32, #tpu.memory_space<vmem>>, vector<16xi32>,
      tpu.vector_store %swap3A_472[%swap3A_473, %swap3A_474], %gather3A_466 {strides = array<i32>} : memref<2x128xi32, #tpu.memory_space<vmem>>, vector<16xi32>,
      %iota3A_476 = tpu.iota {dimensions = array<i32: 0>} : vector<16xi32>
      %add3A_477 = arith.constant 112 : i32
      %add3A_478 = vector.broadcast %add3A_477 : i32 to vector<16xi32>
      %add3A_479 = arith.addi %iota3A_476, %add3A_478 : vector<16xi32>
      %mul3A_480 = arith.constant 2 : i32
      %mul3A_481 = vector.broadcast %mul3A_480 : i32 to vector<16xi32>
      %mul3A_482 = arith.muli %mul3A_481, %add3A_479 : vector<16xi32>
      %add3A_483 = arith.constant 1 : i32
      %add3A_484 = vector.broadcast %add3A_483 : i32 to vector<16xi32>
      %add3A_485 = arith.addi %mul3A_482, %add3A_484 : vector<16xi32>
      %shift_right_logical3A_486 = arith.constant 7 : i32
      %shift_right_logical3A_487 = vector.broadcast %shift_right_logical3A_486 : i32 to vector<16xi32>
      %shift_right_logical3A_488 = arith.shrui %add3A_485, %shift_right_logical3A_487 : vector<16xi32>
      %and3A_489 = arith.constant 127 : i32
      %and3A_490 = vector.broadcast %and3A_489 : i32 to vector<16xi32>
      %and3A_491 = arith.andi %add3A_485, %and3A_490 : vector<16xi32>
      %gather3A_492 = arith.constant 0 : i32
      %gather3A_493 = arith.constant 0 : i32
      %gather3A_494 = arith.constant 0 : i32
      %gather3A_495 = tpu.memref_slice %arg5[%gather3A_492, %gather3A_493, %gather3A_494] : memref<2x2x128xi32, #tpu.memory_space<vmem>> -> memref<1x2x128xi32, #tpu.memory_space<vmem>>
      %gather3A_496 = tpu.memref_squeeze %gather3A_495 : memref<1x2x128xi32, #tpu.memory_space<vmem>> -> memref<2x128xi32, #tpu.memory_space<vmem>>
      %gather3A_497 = tpu.vector_load_idx %gather3A_496[%shift_right_logical3A_488, %and3A_491] : memref<2x128xi32, #tpu.memory_space<vmem>>[vector<16xi32>, vector<16xi32>], vector<16xi32>,
      %swap3A_498 = arith.constant 0 : i32
      %swap3A_499 = arith.constant 1 : i32
      %swap3A_500 = arith.constant 0 : i32
      %swap3A_501 = arith.constant 0 : i32
      %swap3A_502 = tpu.memref_slice %arg6[%swap3A_498, %swap3A_500, %swap3A_501] : memref<2x2x128xi32, #tpu.memory_space<vmem>> -> memref<1x2x128xi32, #tpu.memory_space<vmem>>
      %swap3A_503 = tpu.memref_squeeze %swap3A_502 : memref<1x2x128xi32, #tpu.memory_space<vmem>> -> memref<2x128xi32, #tpu.memory_space<vmem>>
      %swap3A_504 = arith.index_cast %swap3A_499 : i32 to index
      %swap3A_505 = arith.constant 112 : index
      %swap3A_506 = tpu.vector_load %swap3A_503[%swap3A_504, %swap3A_505] {strides = array<i32>} : memref<2x128xi32, #tpu.memory_space<vmem>>, vector<16xi32>,
      tpu.vector_store %swap3A_503[%swap3A_504, %swap3A_505], %gather3A_497 {strides = array<i32>} : memref<2x128xi32, #tpu.memory_space<vmem>>, vector<16xi32>,
      %mul3A_507 = arith.constant 100 : i32
      %mul3A_508 = arith.muli %add3A, %mul3A_507 : i32
      %mul3A_509 = arith.constant 2 : i32
      %mul3A_510 = arith.muli %mul3A_509, %scan3A_6 : i32
      %add3A_511 = arith.addi %mul3A_508, %mul3A_510 : i32
      %add3A_512 = arith.constant 1 : i32
      %add3A_513 = arith.addi %add3A_511, %add3A_512 : i32
      %mul3A_514 = arith.constant 2 : i32
      %mul3A_515 = arith.muli %mul3A_514, %add3A_513 : i32
      %run_scoped3A_516 = arith.constant 1 : i32
      "tpu.region"() ({
        %run_scoped3A_1149 = tpu.sem_alloc : memref<!tpu.dma_semaphore, #tpu.memory_space<semaphore_mem>>
        %dma_start3A_1150 = arith.constant 0 : i32
        %dma_start3A_1151 = arith.constant 0 : i32
        %dma_start3A_1152 = tpu.memref_slice %arg5[%run_scoped3A_516, %dma_start3A_1150, %dma_start3A_1151] : memref<2x2x128xi32, #tpu.memory_space<vmem>> -> memref<1x2x128xi32, #tpu.memory_space<vmem>>
        %dma_start3A_1153 = tpu.memref_squeeze %dma_start3A_1152 : memref<1x2x128xi32, #tpu.memory_space<vmem>> -> memref<2x128xi32, #tpu.memory_space<vmem>>
        %dma_start3A_1154 = arith.constant 0 : i32
        %dma_start3A_1155 = tpu.memref_slice %arg3[%mul3A_515, %dma_start3A_1154] : memref<6400x128xi32, #tpu.memory_space<hbm>> -> memref<2x128xi32, #tpu.memory_space<hbm>>
        %dma_start3A_1156 = arith.constant 0 : i32
        %dma_start3A_1157 = arith.constant 0 : i32
        %dma_start3A_1158 = tpu.memref_slice %arg5[%run_scoped3A_516, %dma_start3A_1156, %dma_start3A_1157] : memref<2x2x128xi32, #tpu.memory_space<vmem>> -> memref<1x2x128xi32, #tpu.memory_space<vmem>>
        %dma_start3A_1159 = tpu.memref_squeeze %dma_start3A_1158 : memref<1x2x128xi32, #tpu.memory_space<vmem>> -> memref<2x128xi32, #tpu.memory_space<vmem>>
        %dma_start3A_1160 = arith.constant 0 : i32
        %dma_start3A_1161 = tpu.memref_slice %arg3[%mul3A_515, %dma_start3A_1160] : memref<6400x128xi32, #tpu.memory_space<hbm>> -> memref<2x128xi32, #tpu.memory_space<hbm>>
        tpu.enqueue_dma source(%dma_start3A_1161 : memref<2x128xi32, #tpu.memory_space<hbm>>) target(%dma_start3A_1159 : memref<2x128xi32, #tpu.memory_space<vmem>>) target_semaphore(%run_scoped3A_1149 : memref<!tpu.dma_semaphore, #tpu.memory_space<semaphore_mem>>)
        %dma_wait3A_1162 = arith.constant 0 : i32
        %dma_wait3A_1163 = arith.constant 0 : i32
        %dma_wait3A_1164 = tpu.memref_slice %arg5[%run_scoped3A_516, %dma_wait3A_1162, %dma_wait3A_1163] : memref<2x2x128xi32, #tpu.memory_space<vmem>> -> memref<1x2x128xi32, #tpu.memory_space<vmem>>
        %dma_wait3A_1165 = tpu.memref_squeeze %dma_wait3A_1164 : memref<1x2x128xi32, #tpu.memory_space<vmem>> -> memref<2x128xi32, #tpu.memory_space<vmem>>
        %dma_wait3A_1166 = arith.constant 0 : i32
        %dma_wait3A_1167 = tpu.memref_slice %arg3[%mul3A_515, %dma_wait3A_1166] : memref<6400x128xi32, #tpu.memory_space<hbm>> -> memref<2x128xi32, #tpu.memory_space<hbm>>
        %dma_wait3A_1168 = arith.constant 0 : i32
        %dma_wait3A_1169 = arith.constant 0 : i32
        %dma_wait3A_1170 = tpu.memref_slice %arg5[%run_scoped3A_516, %dma_wait3A_1168, %dma_wait3A_1169] : memref<2x2x128xi32, #tpu.memory_space<vmem>> -> memref<1x2x128xi32, #tpu.memory_space<vmem>>
        %dma_wait3A_1171 = tpu.memref_squeeze %dma_wait3A_1170 : memref<1x2x128xi32, #tpu.memory_space<vmem>> -> memref<2x128xi32, #tpu.memory_space<vmem>>
        %dma_wait3A_1172 = arith.constant 0 : i32
        %dma_wait3A_1173 = tpu.memref_slice %arg3[%mul3A_515, %dma_wait3A_1172] : memref<6400x128xi32, #tpu.memory_space<hbm>> -> memref<2x128xi32, #tpu.memory_space<hbm>>
        tpu.wait_dma2 semaphore(%run_scoped3A_1149 : memref<!tpu.dma_semaphore, #tpu.memory_space<semaphore_mem>>) src(%dma_wait3A_1173 : memref<2x128xi32, #tpu.memory_space<hbm>>) dst(%dma_wait3A_1171 : memref<2x128xi32, #tpu.memory_space<vmem>>)
        tpu.yield
      }) : () -> ()
      %iota3A_517 = tpu.iota {dimensions = array<i32: 0>} : vector<16xi32>
      %add3A_518 = arith.constant 0 : i32
      %add3A_519 = vector.broadcast %add3A_518 : i32 to vector<16xi32>
      %add3A_520 = arith.addi %iota3A_517, %add3A_519 : vector<16xi32>
      %mul3A_521 = arith.constant 2 : i32
      %mul3A_522 = vector.broadcast %mul3A_521 : i32 to vector<16xi32>
      %mul3A_523 = arith.muli %mul3A_522, %add3A_520 : vector<16xi32>
      %add3A_524 = arith.constant 0 : i32
      %add3A_525 = vector.broadcast %add3A_524 : i32 to vector<16xi32>
      %add3A_526 = arith.addi %mul3A_523, %add3A_525 : vector<16xi32>
      %shift_right_logical3A_527 = arith.constant 7 : i32
      %shift_right_logical3A_528 = vector.broadcast %shift_right_logical3A_527 : i32 to vector<16xi32>
      %shift_right_logical3A_529 = arith.shrui %add3A_526, %shift_right_logical3A_528 : vector<16xi32>
      %and3A_530 = arith.constant 127 : i32
      %and3A_531 = vector.broadcast %and3A_530 : i32 to vector<16xi32>
      %and3A_532 = arith.andi %add3A_526, %and3A_531 : vector<16xi32>
      %gather3A_533 = arith.constant 1 : i32
      %gather3A_534 = arith.constant 0 : i32
      %gather3A_535 = arith.constant 0 : i32
      %gather3A_536 = tpu.memref_slice %arg5[%gather3A_533, %gather3A_534, %gather3A_535] : memref<2x2x128xi32, #tpu.memory_space<vmem>> -> memref<1x2x128xi32, #tpu.memory_space<vmem>>
      %gather3A_537 = tpu.memref_squeeze %gather3A_536 : memref<1x2x128xi32, #tpu.memory_space<vmem>> -> memref<2x128xi32, #tpu.memory_space<vmem>>
      %gather3A_538 = tpu.vector_load_idx %gather3A_537[%shift_right_logical3A_529, %and3A_532] : memref<2x128xi32, #tpu.memory_space<vmem>>[vector<16xi32>, vector<16xi32>], vector<16xi32>,
      %swap3A_539 = arith.constant 1 : i32
      %swap3A_540 = arith.constant 0 : i32
      %swap3A_541 = arith.constant 0 : i32
      %swap3A_542 = arith.constant 0 : i32
      %swap3A_543 = tpu.memref_slice %arg6[%swap3A_539, %swap3A_541, %swap3A_542] : memref<2x2x128xi32, #tpu.memory_space<vmem>> -> memref<1x2x128xi32, #tpu.memory_space<vmem>>
      %swap3A_544 = tpu.memref_squeeze %swap3A_543 : memref<1x2x128xi32, #tpu.memory_space<vmem>> -> memref<2x128xi32, #tpu.memory_space<vmem>>
      %swap3A_545 = arith.index_cast %swap3A_540 : i32 to index
      %swap3A_546 = arith.constant 0 : index
      %swap3A_547 = tpu.vector_load %swap3A_544[%swap3A_545, %swap3A_546] {strides = array<i32>} : memref<2x128xi32, #tpu.memory_space<vmem>>, vector<16xi32>,
      tpu.vector_store %swap3A_544[%swap3A_545, %swap3A_546], %gather3A_538 {strides = array<i32>} : memref<2x128xi32, #tpu.memory_space<vmem>>, vector<16xi32>,
      %iota3A_548 = tpu.iota {dimensions = array<i32: 0>} : vector<16xi32>
      %add3A_549 = arith.constant 16 : i32
      %add3A_550 = vector.broadcast %add3A_549 : i32 to vector<16xi32>
      %add3A_551 = arith.addi %iota3A_548, %add3A_550 : vector<16xi32>
      %mul3A_552 = arith.constant 2 : i32
      %mul3A_553 = vector.broadcast %mul3A_552 : i32 to vector<16xi32>
      %mul3A_554 = arith.muli %mul3A_553, %add3A_551 : vector<16xi32>
      %add3A_555 = arith.constant 0 : i32
      %add3A_556 = vector.broadcast %add3A_555 : i32 to vector<16xi32>
      %add3A_557 = arith.addi %mul3A_554, %add3A_556 : vector<16xi32>
      %shift_right_logical3A_558 = arith.constant 7 : i32
      %shift_right_logical3A_559 = vector.broadcast %shift_right_logical3A_558 : i32 to vector<16xi32>
      %shift_right_logical3A_560 = arith.shrui %add3A_557, %shift_right_logical3A_559 : vector<16xi32>
      %and3A_561 = arith.constant 127 : i32
      %and3A_562 = vector.broadcast %and3A_561 : i32 to vector<16xi32>
      %and3A_563 = arith.andi %add3A_557, %and3A_562 : vector<16xi32>
      %gather3A_564 = arith.constant 1 : i32
      %gather3A_565 = arith.constant 0 : i32
      %gather3A_566 = arith.constant 0 : i32
      %gather3A_567 = tpu.memref_slice %arg5[%gather3A_564, %gather3A_565, %gather3A_566] : memref<2x2x128xi32, #tpu.memory_space<vmem>> -> memref<1x2x128xi32, #tpu.memory_space<vmem>>
      %gather3A_568 = tpu.memref_squeeze %gather3A_567 : memref<1x2x128xi32, #tpu.memory_space<vmem>> -> memref<2x128xi32, #tpu.memory_space<vmem>>
      %gather3A_569 = tpu.vector_load_idx %gather3A_568[%shift_right_logical3A_560, %and3A_563] : memref<2x128xi32, #tpu.memory_space<vmem>>[vector<16xi32>, vector<16xi32>], vector<16xi32>,
      %swap3A_570 = arith.constant 1 : i32
      %swap3A_571 = arith.constant 0 : i32
      %swap3A_572 = arith.constant 0 : i32
      %swap3A_573 = arith.constant 0 : i32
      %swap3A_574 = tpu.memref_slice %arg6[%swap3A_570, %swap3A_572, %swap3A_573] : memref<2x2x128xi32, #tpu.memory_space<vmem>> -> memref<1x2x128xi32, #tpu.memory_space<vmem>>
      %swap3A_575 = tpu.memref_squeeze %swap3A_574 : memref<1x2x128xi32, #tpu.memory_space<vmem>> -> memref<2x128xi32, #tpu.memory_space<vmem>>
      %swap3A_576 = arith.index_cast %swap3A_571 : i32 to index
      %swap3A_577 = arith.constant 16 : index
      %swap3A_578 = tpu.vector_load %swap3A_575[%swap3A_576, %swap3A_577] {strides = array<i32>} : memref<2x128xi32, #tpu.memory_space<vmem>>, vector<16xi32>,
      tpu.vector_store %swap3A_575[%swap3A_576, %swap3A_577], %gather3A_569 {strides = array<i32>} : memref<2x128xi32, #tpu.memory_space<vmem>>, vector<16xi32>,
      %iota3A_579 = tpu.iota {dimensions = array<i32: 0>} : vector<16xi32>
      %add3A_580 = arith.constant 32 : i32
      %add3A_581 = vector.broadcast %add3A_580 : i32 to vector<16xi32>
      %add3A_582 = arith.addi %iota3A_579, %add3A_581 : vector<16xi32>
      %mul3A_583 = arith.constant 2 : i32
      %mul3A_584 = vector.broadcast %mul3A_583 : i32 to vector<16xi32>
      %mul3A_585 = arith.muli %mul3A_584, %add3A_582 : vector<16xi32>
      %add3A_586 = arith.constant 0 : i32
      %add3A_587 = vector.broadcast %add3A_586 : i32 to vector<16xi32>
      %add3A_588 = arith.addi %mul3A_585, %add3A_587 : vector<16xi32>
      %shift_right_logical3A_589 = arith.constant 7 : i32
      %shift_right_logical3A_590 = vector.broadcast %shift_right_logical3A_589 : i32 to vector<16xi32>
      %shift_right_logical3A_591 = arith.shrui %add3A_588, %shift_right_logical3A_590 : vector<16xi32>
      %and3A_592 = arith.constant 127 : i32
      %and3A_593 = vector.broadcast %and3A_592 : i32 to vector<16xi32>
      %and3A_594 = arith.andi %add3A_588, %and3A_593 : vector<16xi32>
      %gather3A_595 = arith.constant 1 : i32
      %gather3A_596 = arith.constant 0 : i32
      %gather3A_597 = arith.constant 0 : i32
      %gather3A_598 = tpu.memref_slice %arg5[%gather3A_595, %gather3A_596, %gather3A_597] : memref<2x2x128xi32, #tpu.memory_space<vmem>> -> memref<1x2x128xi32, #tpu.memory_space<vmem>>
      %gather3A_599 = tpu.memref_squeeze %gather3A_598 : memref<1x2x128xi32, #tpu.memory_space<vmem>> -> memref<2x128xi32, #tpu.memory_space<vmem>>
      %gather3A_600 = tpu.vector_load_idx %gather3A_599[%shift_right_logical3A_591, %and3A_594] : memref<2x128xi32, #tpu.memory_space<vmem>>[vector<16xi32>, vector<16xi32>], vector<16xi32>,
      %swap3A_601 = arith.constant 1 : i32
      %swap3A_602 = arith.constant 0 : i32
      %swap3A_603 = arith.constant 0 : i32
      %swap3A_604 = arith.constant 0 : i32
      %swap3A_605 = tpu.memref_slice %arg6[%swap3A_601, %swap3A_603, %swap3A_604] : memref<2x2x128xi32, #tpu.memory_space<vmem>> -> memref<1x2x128xi32, #tpu.memory_space<vmem>>
      %swap3A_606 = tpu.memref_squeeze %swap3A_605 : memref<1x2x128xi32, #tpu.memory_space<vmem>> -> memref<2x128xi32, #tpu.memory_space<vmem>>
      %swap3A_607 = arith.index_cast %swap3A_602 : i32 to index
      %swap3A_608 = arith.constant 32 : index
      %swap3A_609 = tpu.vector_load %swap3A_606[%swap3A_607, %swap3A_608] {strides = array<i32>} : memref<2x128xi32, #tpu.memory_space<vmem>>, vector<16xi32>,
      tpu.vector_store %swap3A_606[%swap3A_607, %swap3A_608], %gather3A_600 {strides = array<i32>} : memref<2x128xi32, #tpu.memory_space<vmem>>, vector<16xi32>,
      %iota3A_610 = tpu.iota {dimensions = array<i32: 0>} : vector<16xi32>
      %add3A_611 = arith.constant 48 : i32
      %add3A_612 = vector.broadcast %add3A_611 : i32 to vector<16xi32>
      %add3A_613 = arith.addi %iota3A_610, %add3A_612 : vector<16xi32>
      %mul3A_614 = arith.constant 2 : i32
      %mul3A_615 = vector.broadcast %mul3A_614 : i32 to vector<16xi32>
      %mul3A_616 = arith.muli %mul3A_615, %add3A_613 : vector<16xi32>
      %add3A_617 = arith.constant 0 : i32
      %add3A_618 = vector.broadcast %add3A_617 : i32 to vector<16xi32>
      %add3A_619 = arith.addi %mul3A_616, %add3A_618 : vector<16xi32>
      %shift_right_logical3A_620 = arith.constant 7 : i32
      %shift_right_logical3A_621 = vector.broadcast %shift_right_logical3A_620 : i32 to vector<16xi32>
      %shift_right_logical3A_622 = arith.shrui %add3A_619, %shift_right_logical3A_621 : vector<16xi32>
      %and3A_623 = arith.constant 127 : i32
      %and3A_624 = vector.broadcast %and3A_623 : i32 to vector<16xi32>
      %and3A_625 = arith.andi %add3A_619, %and3A_624 : vector<16xi32>
      %gather3A_626 = arith.constant 1 : i32
      %gather3A_627 = arith.constant 0 : i32
      %gather3A_628 = arith.constant 0 : i32
      %gather3A_629 = tpu.memref_slice %arg5[%gather3A_626, %gather3A_627, %gather3A_628] : memref<2x2x128xi32, #tpu.memory_space<vmem>> -> memref<1x2x128xi32, #tpu.memory_space<vmem>>
      %gather3A_630 = tpu.memref_squeeze %gather3A_629 : memref<1x2x128xi32, #tpu.memory_space<vmem>> -> memref<2x128xi32, #tpu.memory_space<vmem>>
      %gather3A_631 = tpu.vector_load_idx %gather3A_630[%shift_right_logical3A_622, %and3A_625] : memref<2x128xi32, #tpu.memory_space<vmem>>[vector<16xi32>, vector<16xi32>], vector<16xi32>,
      %swap3A_632 = arith.constant 1 : i32
      %swap3A_633 = arith.constant 0 : i32
      %swap3A_634 = arith.constant 0 : i32
      %swap3A_635 = arith.constant 0 : i32
      %swap3A_636 = tpu.memref_slice %arg6[%swap3A_632, %swap3A_634, %swap3A_635] : memref<2x2x128xi32, #tpu.memory_space<vmem>> -> memref<1x2x128xi32, #tpu.memory_space<vmem>>
      %swap3A_637 = tpu.memref_squeeze %swap3A_636 : memref<1x2x128xi32, #tpu.memory_space<vmem>> -> memref<2x128xi32, #tpu.memory_space<vmem>>
      %swap3A_638 = arith.index_cast %swap3A_633 : i32 to index
      %swap3A_639 = arith.constant 48 : index
      %swap3A_640 = tpu.vector_load %swap3A_637[%swap3A_638, %swap3A_639] {strides = array<i32>} : memref<2x128xi32, #tpu.memory_space<vmem>>, vector<16xi32>,
      tpu.vector_store %swap3A_637[%swap3A_638, %swap3A_639], %gather3A_631 {strides = array<i32>} : memref<2x128xi32, #tpu.memory_space<vmem>>, vector<16xi32>,
      %iota3A_641 = tpu.iota {dimensions = array<i32: 0>} : vector<16xi32>
      %add3A_642 = arith.constant 64 : i32
      %add3A_643 = vector.broadcast %add3A_642 : i32 to vector<16xi32>
      %add3A_644 = arith.addi %iota3A_641, %add3A_643 : vector<16xi32>
      %mul3A_645 = arith.constant 2 : i32
      %mul3A_646 = vector.broadcast %mul3A_645 : i32 to vector<16xi32>
      %mul3A_647 = arith.muli %mul3A_646, %add3A_644 : vector<16xi32>
      %add3A_648 = arith.constant 0 : i32
      %add3A_649 = vector.broadcast %add3A_648 : i32 to vector<16xi32>
      %add3A_650 = arith.addi %mul3A_647, %add3A_649 : vector<16xi32>
      %shift_right_logical3A_651 = arith.constant 7 : i32
      %shift_right_logical3A_652 = vector.broadcast %shift_right_logical3A_651 : i32 to vector<16xi32>
      %shift_right_logical3A_653 = arith.shrui %add3A_650, %shift_right_logical3A_652 : vector<16xi32>
      %and3A_654 = arith.constant 127 : i32
      %and3A_655 = vector.broadcast %and3A_654 : i32 to vector<16xi32>
      %and3A_656 = arith.andi %add3A_650, %and3A_655 : vector<16xi32>
      %gather3A_657 = arith.constant 1 : i32
      %gather3A_658 = arith.constant 0 : i32
      %gather3A_659 = arith.constant 0 : i32
      %gather3A_660 = tpu.memref_slice %arg5[%gather3A_657, %gather3A_658, %gather3A_659] : memref<2x2x128xi32, #tpu.memory_space<vmem>> -> memref<1x2x128xi32, #tpu.memory_space<vmem>>
      %gather3A_661 = tpu.memref_squeeze %gather3A_660 : memref<1x2x128xi32, #tpu.memory_space<vmem>> -> memref<2x128xi32, #tpu.memory_space<vmem>>
      %gather3A_662 = tpu.vector_load_idx %gather3A_661[%shift_right_logical3A_653, %and3A_656] : memref<2x128xi32, #tpu.memory_space<vmem>>[vector<16xi32>, vector<16xi32>], vector<16xi32>,
      %swap3A_663 = arith.constant 1 : i32
      %swap3A_664 = arith.constant 0 : i32
      %swap3A_665 = arith.constant 0 : i32
      %swap3A_666 = arith.constant 0 : i32
      %swap3A_667 = tpu.memref_slice %arg6[%swap3A_663, %swap3A_665, %swap3A_666] : memref<2x2x128xi32, #tpu.memory_space<vmem>> -> memref<1x2x128xi32, #tpu.memory_space<vmem>>
      %swap3A_668 = tpu.memref_squeeze %swap3A_667 : memref<1x2x128xi32, #tpu.memory_space<vmem>> -> memref<2x128xi32, #tpu.memory_space<vmem>>
      %swap3A_669 = arith.index_cast %swap3A_664 : i32 to index
      %swap3A_670 = arith.constant 64 : index
      %swap3A_671 = tpu.vector_load %swap3A_668[%swap3A_669, %swap3A_670] {strides = array<i32>} : memref<2x128xi32, #tpu.memory_space<vmem>>, vector<16xi32>,
      tpu.vector_store %swap3A_668[%swap3A_669, %swap3A_670], %gather3A_662 {strides = array<i32>} : memref<2x128xi32, #tpu.memory_space<vmem>>, vector<16xi32>,
      %iota3A_672 = tpu.iota {dimensions = array<i32: 0>} : vector<16xi32>
      %add3A_673 = arith.constant 80 : i32
      %add3A_674 = vector.broadcast %add3A_673 : i32 to vector<16xi32>
      %add3A_675 = arith.addi %iota3A_672, %add3A_674 : vector<16xi32>
      %mul3A_676 = arith.constant 2 : i32
      %mul3A_677 = vector.broadcast %mul3A_676 : i32 to vector<16xi32>
      %mul3A_678 = arith.muli %mul3A_677, %add3A_675 : vector<16xi32>
      %add3A_679 = arith.constant 0 : i32
      %add3A_680 = vector.broadcast %add3A_679 : i32 to vector<16xi32>
      %add3A_681 = arith.addi %mul3A_678, %add3A_680 : vector<16xi32>
      %shift_right_logical3A_682 = arith.constant 7 : i32
      %shift_right_logical3A_683 = vector.broadcast %shift_right_logical3A_682 : i32 to vector<16xi32>
      %shift_right_logical3A_684 = arith.shrui %add3A_681, %shift_right_logical3A_683 : vector<16xi32>
      %and3A_685 = arith.constant 127 : i32
      %and3A_686 = vector.broadcast %and3A_685 : i32 to vector<16xi32>
      %and3A_687 = arith.andi %add3A_681, %and3A_686 : vector<16xi32>
      %gather3A_688 = arith.constant 1 : i32
      %gather3A_689 = arith.constant 0 : i32
      %gather3A_690 = arith.constant 0 : i32
      %gather3A_691 = tpu.memref_slice %arg5[%gather3A_688, %gather3A_689, %gather3A_690] : memref<2x2x128xi32, #tpu.memory_space<vmem>> -> memref<1x2x128xi32, #tpu.memory_space<vmem>>
      %gather3A_692 = tpu.memref_squeeze %gather3A_691 : memref<1x2x128xi32, #tpu.memory_space<vmem>> -> memref<2x128xi32, #tpu.memory_space<vmem>>
      %gather3A_693 = tpu.vector_load_idx %gather3A_692[%shift_right_logical3A_684, %and3A_687] : memref<2x128xi32, #tpu.memory_space<vmem>>[vector<16xi32>, vector<16xi32>], vector<16xi32>,
      %swap3A_694 = arith.constant 1 : i32
      %swap3A_695 = arith.constant 0 : i32
      %swap3A_696 = arith.constant 0 : i32
      %swap3A_697 = arith.constant 0 : i32
      %swap3A_698 = tpu.memref_slice %arg6[%swap3A_694, %swap3A_696, %swap3A_697] : memref<2x2x128xi32, #tpu.memory_space<vmem>> -> memref<1x2x128xi32, #tpu.memory_space<vmem>>
      %swap3A_699 = tpu.memref_squeeze %swap3A_698 : memref<1x2x128xi32, #tpu.memory_space<vmem>> -> memref<2x128xi32, #tpu.memory_space<vmem>>
      %swap3A_700 = arith.index_cast %swap3A_695 : i32 to index
      %swap3A_701 = arith.constant 80 : index
      %swap3A_702 = tpu.vector_load %swap3A_699[%swap3A_700, %swap3A_701] {strides = array<i32>} : memref<2x128xi32, #tpu.memory_space<vmem>>, vector<16xi32>,
      tpu.vector_store %swap3A_699[%swap3A_700, %swap3A_701], %gather3A_693 {strides = array<i32>} : memref<2x128xi32, #tpu.memory_space<vmem>>, vector<16xi32>,
      %iota3A_703 = tpu.iota {dimensions = array<i32: 0>} : vector<16xi32>
      %add3A_704 = arith.constant 96 : i32
      %add3A_705 = vector.broadcast %add3A_704 : i32 to vector<16xi32>
      %add3A_706 = arith.addi %iota3A_703, %add3A_705 : vector<16xi32>
      %mul3A_707 = arith.constant 2 : i32
      %mul3A_708 = vector.broadcast %mul3A_707 : i32 to vector<16xi32>
      %mul3A_709 = arith.muli %mul3A_708, %add3A_706 : vector<16xi32>
      %add3A_710 = arith.constant 0 : i32
      %add3A_711 = vector.broadcast %add3A_710 : i32 to vector<16xi32>
      %add3A_712 = arith.addi %mul3A_709, %add3A_711 : vector<16xi32>
      %shift_right_logical3A_713 = arith.constant 7 : i32
      %shift_right_logical3A_714 = vector.broadcast %shift_right_logical3A_713 : i32 to vector<16xi32>
      %shift_right_logical3A_715 = arith.shrui %add3A_712, %shift_right_logical3A_714 : vector<16xi32>
      %and3A_716 = arith.constant 127 : i32
      %and3A_717 = vector.broadcast %and3A_716 : i32 to vector<16xi32>
      %and3A_718 = arith.andi %add3A_712, %and3A_717 : vector<16xi32>
      %gather3A_719 = arith.constant 1 : i32
      %gather3A_720 = arith.constant 0 : i32
      %gather3A_721 = arith.constant 0 : i32
      %gather3A_722 = tpu.memref_slice %arg5[%gather3A_719, %gather3A_720, %gather3A_721] : memref<2x2x128xi32, #tpu.memory_space<vmem>> -> memref<1x2x128xi32, #tpu.memory_space<vmem>>
      %gather3A_723 = tpu.memref_squeeze %gather3A_722 : memref<1x2x128xi32, #tpu.memory_space<vmem>> -> memref<2x128xi32, #tpu.memory_space<vmem>>
      %gather3A_724 = tpu.vector_load_idx %gather3A_723[%shift_right_logical3A_715, %and3A_718] : memref<2x128xi32, #tpu.memory_space<vmem>>[vector<16xi32>, vector<16xi32>], vector<16xi32>,
      %swap3A_725 = arith.constant 1 : i32
      %swap3A_726 = arith.constant 0 : i32
      %swap3A_727 = arith.constant 0 : i32
      %swap3A_728 = arith.constant 0 : i32
      %swap3A_729 = tpu.memref_slice %arg6[%swap3A_725, %swap3A_727, %swap3A_728] : memref<2x2x128xi32, #tpu.memory_space<vmem>> -> memref<1x2x128xi32, #tpu.memory_space<vmem>>
      %swap3A_730 = tpu.memref_squeeze %swap3A_729 : memref<1x2x128xi32, #tpu.memory_space<vmem>> -> memref<2x128xi32, #tpu.memory_space<vmem>>
      %swap3A_731 = arith.index_cast %swap3A_726 : i32 to index
      %swap3A_732 = arith.constant 96 : index
      %swap3A_733 = tpu.vector_load %swap3A_730[%swap3A_731, %swap3A_732] {strides = array<i32>} : memref<2x128xi32, #tpu.memory_space<vmem>>, vector<16xi32>,
      tpu.vector_store %swap3A_730[%swap3A_731, %swap3A_732], %gather3A_724 {strides = array<i32>} : memref<2x128xi32, #tpu.memory_space<vmem>>, vector<16xi32>,
      %iota3A_734 = tpu.iota {dimensions = array<i32: 0>} : vector<16xi32>
      %add3A_735 = arith.constant 112 : i32
      %add3A_736 = vector.broadcast %add3A_735 : i32 to vector<16xi32>
      %add3A_737 = arith.addi %iota3A_734, %add3A_736 : vector<16xi32>
      %mul3A_738 = arith.constant 2 : i32
      %mul3A_739 = vector.broadcast %mul3A_738 : i32 to vector<16xi32>
      %mul3A_740 = arith.muli %mul3A_739, %add3A_737 : vector<16xi32>
      %add3A_741 = arith.constant 0 : i32
      %add3A_742 = vector.broadcast %add3A_741 : i32 to vector<16xi32>
      %add3A_743 = arith.addi %mul3A_740, %add3A_742 : vector<16xi32>
      %shift_right_logical3A_744 = arith.constant 7 : i32
      %shift_right_logical3A_745 = vector.broadcast %shift_right_logical3A_744 : i32 to vector<16xi32>
      %shift_right_logical3A_746 = arith.shrui %add3A_743, %shift_right_logical3A_745 : vector<16xi32>
      %and3A_747 = arith.constant 127 : i32
      %and3A_748 = vector.broadcast %and3A_747 : i32 to vector<16xi32>
      %and3A_749 = arith.andi %add3A_743, %and3A_748 : vector<16xi32>
      %gather3A_750 = arith.constant 1 : i32
      %gather3A_751 = arith.constant 0 : i32
      %gather3A_752 = arith.constant 0 : i32
      %gather3A_753 = tpu.memref_slice %arg5[%gather3A_750, %gather3A_751, %gather3A_752] : memref<2x2x128xi32, #tpu.memory_space<vmem>> -> memref<1x2x128xi32, #tpu.memory_space<vmem>>
      %gather3A_754 = tpu.memref_squeeze %gather3A_753 : memref<1x2x128xi32, #tpu.memory_space<vmem>> -> memref<2x128xi32, #tpu.memory_space<vmem>>
      %gather3A_755 = tpu.vector_load_idx %gather3A_754[%shift_right_logical3A_746, %and3A_749] : memref<2x128xi32, #tpu.memory_space<vmem>>[vector<16xi32>, vector<16xi32>], vector<16xi32>,
      %swap3A_756 = arith.constant 1 : i32
      %swap3A_757 = arith.constant 0 : i32
      %swap3A_758 = arith.constant 0 : i32
      %swap3A_759 = arith.constant 0 : i32
      %swap3A_760 = tpu.memref_slice %arg6[%swap3A_756, %swap3A_758, %swap3A_759] : memref<2x2x128xi32, #tpu.memory_space<vmem>> -> memref<1x2x128xi32, #tpu.memory_space<vmem>>
      %swap3A_761 = tpu.memref_squeeze %swap3A_760 : memref<1x2x128xi32, #tpu.memory_space<vmem>> -> memref<2x128xi32, #tpu.memory_space<vmem>>
      %swap3A_762 = arith.index_cast %swap3A_757 : i32 to index
      %swap3A_763 = arith.constant 112 : index
      %swap3A_764 = tpu.vector_load %swap3A_761[%swap3A_762, %swap3A_763] {strides = array<i32>} : memref<2x128xi32, #tpu.memory_space<vmem>>, vector<16xi32>,
      tpu.vector_store %swap3A_761[%swap3A_762, %swap3A_763], %gather3A_755 {strides = array<i32>} : memref<2x128xi32, #tpu.memory_space<vmem>>, vector<16xi32>,
      %iota3A_765 = tpu.iota {dimensions = array<i32: 0>} : vector<16xi32>
      %add3A_766 = arith.constant 0 : i32
      %add3A_767 = vector.broadcast %add3A_766 : i32 to vector<16xi32>
      %add3A_768 = arith.addi %iota3A_765, %add3A_767 : vector<16xi32>
      %mul3A_769 = arith.constant 2 : i32
      %mul3A_770 = vector.broadcast %mul3A_769 : i32 to vector<16xi32>
      %mul3A_771 = arith.muli %mul3A_770, %add3A_768 : vector<16xi32>
      %add3A_772 = arith.constant 1 : i32
      %add3A_773 = vector.broadcast %add3A_772 : i32 to vector<16xi32>
      %add3A_774 = arith.addi %mul3A_771, %add3A_773 : vector<16xi32>
      %shift_right_logical3A_775 = arith.constant 7 : i32
      %shift_right_logical3A_776 = vector.broadcast %shift_right_logical3A_775 : i32 to vector<16xi32>
      %shift_right_logical3A_777 = arith.shrui %add3A_774, %shift_right_logical3A_776 : vector<16xi32>
      %and3A_778 = arith.constant 127 : i32
      %and3A_779 = vector.broadcast %and3A_778 : i32 to vector<16xi32>
      %and3A_780 = arith.andi %add3A_774, %and3A_779 : vector<16xi32>
      %gather3A_781 = arith.constant 1 : i32
      %gather3A_782 = arith.constant 0 : i32
      %gather3A_783 = arith.constant 0 : i32
      %gather3A_784 = tpu.memref_slice %arg5[%gather3A_781, %gather3A_782, %gather3A_783] : memref<2x2x128xi32, #tpu.memory_space<vmem>> -> memref<1x2x128xi32, #tpu.memory_space<vmem>>
      %gather3A_785 = tpu.memref_squeeze %gather3A_784 : memref<1x2x128xi32, #tpu.memory_space<vmem>> -> memref<2x128xi32, #tpu.memory_space<vmem>>
      %gather3A_786 = tpu.vector_load_idx %gather3A_785[%shift_right_logical3A_777, %and3A_780] : memref<2x128xi32, #tpu.memory_space<vmem>>[vector<16xi32>, vector<16xi32>], vector<16xi32>,
      %swap3A_787 = arith.constant 1 : i32
      %swap3A_788 = arith.constant 1 : i32
      %swap3A_789 = arith.constant 0 : i32
      %swap3A_790 = arith.constant 0 : i32
      %swap3A_791 = tpu.memref_slice %arg6[%swap3A_787, %swap3A_789, %swap3A_790] : memref<2x2x128xi32, #tpu.memory_space<vmem>> -> memref<1x2x128xi32, #tpu.memory_space<vmem>>
      %swap3A_792 = tpu.memref_squeeze %swap3A_791 : memref<1x2x128xi32, #tpu.memory_space<vmem>> -> memref<2x128xi32, #tpu.memory_space<vmem>>
      %swap3A_793 = arith.index_cast %swap3A_788 : i32 to index
      %swap3A_794 = arith.constant 0 : index
      %swap3A_795 = tpu.vector_load %swap3A_792[%swap3A_793, %swap3A_794] {strides = array<i32>} : memref<2x128xi32, #tpu.memory_space<vmem>>, vector<16xi32>,
      tpu.vector_store %swap3A_792[%swap3A_793, %swap3A_794], %gather3A_786 {strides = array<i32>} : memref<2x128xi32, #tpu.memory_space<vmem>>, vector<16xi32>,
      %iota3A_796 = tpu.iota {dimensions = array<i32: 0>} : vector<16xi32>
      %add3A_797 = arith.constant 16 : i32
      %add3A_798 = vector.broadcast %add3A_797 : i32 to vector<16xi32>
      %add3A_799 = arith.addi %iota3A_796, %add3A_798 : vector<16xi32>
      %mul3A_800 = arith.constant 2 : i32
      %mul3A_801 = vector.broadcast %mul3A_800 : i32 to vector<16xi32>
      %mul3A_802 = arith.muli %mul3A_801, %add3A_799 : vector<16xi32>
      %add3A_803 = arith.constant 1 : i32
      %add3A_804 = vector.broadcast %add3A_803 : i32 to vector<16xi32>
      %add3A_805 = arith.addi %mul3A_802, %add3A_804 : vector<16xi32>
      %shift_right_logical3A_806 = arith.constant 7 : i32
      %shift_right_logical3A_807 = vector.broadcast %shift_right_logical3A_806 : i32 to vector<16xi32>
      %shift_right_logical3A_808 = arith.shrui %add3A_805, %shift_right_logical3A_807 : vector<16xi32>
      %and3A_809 = arith.constant 127 : i32
      %and3A_810 = vector.broadcast %and3A_809 : i32 to vector<16xi32>
      %and3A_811 = arith.andi %add3A_805, %and3A_810 : vector<16xi32>
      %gather3A_812 = arith.constant 1 : i32
      %gather3A_813 = arith.constant 0 : i32
      %gather3A_814 = arith.constant 0 : i32
      %gather3A_815 = tpu.memref_slice %arg5[%gather3A_812, %gather3A_813, %gather3A_814] : memref<2x2x128xi32, #tpu.memory_space<vmem>> -> memref<1x2x128xi32, #tpu.memory_space<vmem>>
      %gather3A_816 = tpu.memref_squeeze %gather3A_815 : memref<1x2x128xi32, #tpu.memory_space<vmem>> -> memref<2x128xi32, #tpu.memory_space<vmem>>
      %gather3A_817 = tpu.vector_load_idx %gather3A_816[%shift_right_logical3A_808, %and3A_811] : memref<2x128xi32, #tpu.memory_space<vmem>>[vector<16xi32>, vector<16xi32>], vector<16xi32>,
      %swap3A_818 = arith.constant 1 : i32
      %swap3A_819 = arith.constant 1 : i32
      %swap3A_820 = arith.constant 0 : i32
      %swap3A_821 = arith.constant 0 : i32
      %swap3A_822 = tpu.memref_slice %arg6[%swap3A_818, %swap3A_820, %swap3A_821] : memref<2x2x128xi32, #tpu.memory_space<vmem>> -> memref<1x2x128xi32, #tpu.memory_space<vmem>>
      %swap3A_823 = tpu.memref_squeeze %swap3A_822 : memref<1x2x128xi32, #tpu.memory_space<vmem>> -> memref<2x128xi32, #tpu.memory_space<vmem>>
      %swap3A_824 = arith.index_cast %swap3A_819 : i32 to index
      %swap3A_825 = arith.constant 16 : index
      %swap3A_826 = tpu.vector_load %swap3A_823[%swap3A_824, %swap3A_825] {strides = array<i32>} : memref<2x128xi32, #tpu.memory_space<vmem>>, vector<16xi32>,
      tpu.vector_store %swap3A_823[%swap3A_824, %swap3A_825], %gather3A_817 {strides = array<i32>} : memref<2x128xi32, #tpu.memory_space<vmem>>, vector<16xi32>,
      %iota3A_827 = tpu.iota {dimensions = array<i32: 0>} : vector<16xi32>
      %add3A_828 = arith.constant 32 : i32
      %add3A_829 = vector.broadcast %add3A_828 : i32 to vector<16xi32>
      %add3A_830 = arith.addi %iota3A_827, %add3A_829 : vector<16xi32>
      %mul3A_831 = arith.constant 2 : i32
      %mul3A_832 = vector.broadcast %mul3A_831 : i32 to vector<16xi32>
      %mul3A_833 = arith.muli %mul3A_832, %add3A_830 : vector<16xi32>
      %add3A_834 = arith.constant 1 : i32
      %add3A_835 = vector.broadcast %add3A_834 : i32 to vector<16xi32>
      %add3A_836 = arith.addi %mul3A_833, %add3A_835 : vector<16xi32>
      %shift_right_logical3A_837 = arith.constant 7 : i32
      %shift_right_logical3A_838 = vector.broadcast %shift_right_logical3A_837 : i32 to vector<16xi32>
      %shift_right_logical3A_839 = arith.shrui %add3A_836, %shift_right_logical3A_838 : vector<16xi32>
      %and3A_840 = arith.constant 127 : i32
      %and3A_841 = vector.broadcast %and3A_840 : i32 to vector<16xi32>
      %and3A_842 = arith.andi %add3A_836, %and3A_841 : vector<16xi32>
      %gather3A_843 = arith.constant 1 : i32
      %gather3A_844 = arith.constant 0 : i32
      %gather3A_845 = arith.constant 0 : i32
      %gather3A_846 = tpu.memref_slice %arg5[%gather3A_843, %gather3A_844, %gather3A_845] : memref<2x2x128xi32, #tpu.memory_space<vmem>> -> memref<1x2x128xi32, #tpu.memory_space<vmem>>
      %gather3A_847 = tpu.memref_squeeze %gather3A_846 : memref<1x2x128xi32, #tpu.memory_space<vmem>> -> memref<2x128xi32, #tpu.memory_space<vmem>>
      %gather3A_848 = tpu.vector_load_idx %gather3A_847[%shift_right_logical3A_839, %and3A_842] : memref<2x128xi32, #tpu.memory_space<vmem>>[vector<16xi32>, vector<16xi32>], vector<16xi32>,
      %swap3A_849 = arith.constant 1 : i32
      %swap3A_850 = arith.constant 1 : i32
      %swap3A_851 = arith.constant 0 : i32
      %swap3A_852 = arith.constant 0 : i32
      %swap3A_853 = tpu.memref_slice %arg6[%swap3A_849, %swap3A_851, %swap3A_852] : memref<2x2x128xi32, #tpu.memory_space<vmem>> -> memref<1x2x128xi32, #tpu.memory_space<vmem>>
      %swap3A_854 = tpu.memref_squeeze %swap3A_853 : memref<1x2x128xi32, #tpu.memory_space<vmem>> -> memref<2x128xi32, #tpu.memory_space<vmem>>
      %swap3A_855 = arith.index_cast %swap3A_850 : i32 to index
      %swap3A_856 = arith.constant 32 : index
      %swap3A_857 = tpu.vector_load %swap3A_854[%swap3A_855, %swap3A_856] {strides = array<i32>} : memref<2x128xi32, #tpu.memory_space<vmem>>, vector<16xi32>,
      tpu.vector_store %swap3A_854[%swap3A_855, %swap3A_856], %gather3A_848 {strides = array<i32>} : memref<2x128xi32, #tpu.memory_space<vmem>>, vector<16xi32>,
      %iota3A_858 = tpu.iota {dimensions = array<i32: 0>} : vector<16xi32>
      %add3A_859 = arith.constant 48 : i32
      %add3A_860 = vector.broadcast %add3A_859 : i32 to vector<16xi32>
      %add3A_861 = arith.addi %iota3A_858, %add3A_860 : vector<16xi32>
      %mul3A_862 = arith.constant 2 : i32
      %mul3A_863 = vector.broadcast %mul3A_862 : i32 to vector<16xi32>
      %mul3A_864 = arith.muli %mul3A_863, %add3A_861 : vector<16xi32>
      %add3A_865 = arith.constant 1 : i32
      %add3A_866 = vector.broadcast %add3A_865 : i32 to vector<16xi32>
      %add3A_867 = arith.addi %mul3A_864, %add3A_866 : vector<16xi32>
      %shift_right_logical3A_868 = arith.constant 7 : i32
      %shift_right_logical3A_869 = vector.broadcast %shift_right_logical3A_868 : i32 to vector<16xi32>
      %shift_right_logical3A_870 = arith.shrui %add3A_867, %shift_right_logical3A_869 : vector<16xi32>
      %and3A_871 = arith.constant 127 : i32
      %and3A_872 = vector.broadcast %and3A_871 : i32 to vector<16xi32>
      %and3A_873 = arith.andi %add3A_867, %and3A_872 : vector<16xi32>
      %gather3A_874 = arith.constant 1 : i32
      %gather3A_875 = arith.constant 0 : i32
      %gather3A_876 = arith.constant 0 : i32
      %gather3A_877 = tpu.memref_slice %arg5[%gather3A_874, %gather3A_875, %gather3A_876] : memref<2x2x128xi32, #tpu.memory_space<vmem>> -> memref<1x2x128xi32, #tpu.memory_space<vmem>>
      %gather3A_878 = tpu.memref_squeeze %gather3A_877 : memref<1x2x128xi32, #tpu.memory_space<vmem>> -> memref<2x128xi32, #tpu.memory_space<vmem>>
      %gather3A_879 = tpu.vector_load_idx %gather3A_878[%shift_right_logical3A_870, %and3A_873] : memref<2x128xi32, #tpu.memory_space<vmem>>[vector<16xi32>, vector<16xi32>], vector<16xi32>,
      %swap3A_880 = arith.constant 1 : i32
      %swap3A_881 = arith.constant 1 : i32
      %swap3A_882 = arith.constant 0 : i32
      %swap3A_883 = arith.constant 0 : i32
      %swap3A_884 = tpu.memref_slice %arg6[%swap3A_880, %swap3A_882, %swap3A_883] : memref<2x2x128xi32, #tpu.memory_space<vmem>> -> memref<1x2x128xi32, #tpu.memory_space<vmem>>
      %swap3A_885 = tpu.memref_squeeze %swap3A_884 : memref<1x2x128xi32, #tpu.memory_space<vmem>> -> memref<2x128xi32, #tpu.memory_space<vmem>>
      %swap3A_886 = arith.index_cast %swap3A_881 : i32 to index
      %swap3A_887 = arith.constant 48 : index
      %swap3A_888 = tpu.vector_load %swap3A_885[%swap3A_886, %swap3A_887] {strides = array<i32>} : memref<2x128xi32, #tpu.memory_space<vmem>>, vector<16xi32>,
      tpu.vector_store %swap3A_885[%swap3A_886, %swap3A_887], %gather3A_879 {strides = array<i32>} : memref<2x128xi32, #tpu.memory_space<vmem>>, vector<16xi32>,
      %iota3A_889 = tpu.iota {dimensions = array<i32: 0>} : vector<16xi32>
      %add3A_890 = arith.constant 64 : i32
      %add3A_891 = vector.broadcast %add3A_890 : i32 to vector<16xi32>
      %add3A_892 = arith.addi %iota3A_889, %add3A_891 : vector<16xi32>
      %mul3A_893 = arith.constant 2 : i32
      %mul3A_894 = vector.broadcast %mul3A_893 : i32 to vector<16xi32>
      %mul3A_895 = arith.muli %mul3A_894, %add3A_892 : vector<16xi32>
      %add3A_896 = arith.constant 1 : i32
      %add3A_897 = vector.broadcast %add3A_896 : i32 to vector<16xi32>
      %add3A_898 = arith.addi %mul3A_895, %add3A_897 : vector<16xi32>
      %shift_right_logical3A_899 = arith.constant 7 : i32
      %shift_right_logical3A_900 = vector.broadcast %shift_right_logical3A_899 : i32 to vector<16xi32>
      %shift_right_logical3A_901 = arith.shrui %add3A_898, %shift_right_logical3A_900 : vector<16xi32>
      %and3A_902 = arith.constant 127 : i32
      %and3A_903 = vector.broadcast %and3A_902 : i32 to vector<16xi32>
      %and3A_904 = arith.andi %add3A_898, %and3A_903 : vector<16xi32>
      %gather3A_905 = arith.constant 1 : i32
      %gather3A_906 = arith.constant 0 : i32
      %gather3A_907 = arith.constant 0 : i32
      %gather3A_908 = tpu.memref_slice %arg5[%gather3A_905, %gather3A_906, %gather3A_907] : memref<2x2x128xi32, #tpu.memory_space<vmem>> -> memref<1x2x128xi32, #tpu.memory_space<vmem>>
      %gather3A_909 = tpu.memref_squeeze %gather3A_908 : memref<1x2x128xi32, #tpu.memory_space<vmem>> -> memref<2x128xi32, #tpu.memory_space<vmem>>
      %gather3A_910 = tpu.vector_load_idx %gather3A_909[%shift_right_logical3A_901, %and3A_904] : memref<2x128xi32, #tpu.memory_space<vmem>>[vector<16xi32>, vector<16xi32>], vector<16xi32>,
      %swap3A_911 = arith.constant 1 : i32
      %swap3A_912 = arith.constant 1 : i32
      %swap3A_913 = arith.constant 0 : i32
      %swap3A_914 = arith.constant 0 : i32
      %swap3A_915 = tpu.memref_slice %arg6[%swap3A_911, %swap3A_913, %swap3A_914] : memref<2x2x128xi32, #tpu.memory_space<vmem>> -> memref<1x2x128xi32, #tpu.memory_space<vmem>>
      %swap3A_916 = tpu.memref_squeeze %swap3A_915 : memref<1x2x128xi32, #tpu.memory_space<vmem>> -> memref<2x128xi32, #tpu.memory_space<vmem>>
      %swap3A_917 = arith.index_cast %swap3A_912 : i32 to index
      %swap3A_918 = arith.constant 64 : index
      %swap3A_919 = tpu.vector_load %swap3A_916[%swap3A_917, %swap3A_918] {strides = array<i32>} : memref<2x128xi32, #tpu.memory_space<vmem>>, vector<16xi32>,
      tpu.vector_store %swap3A_916[%swap3A_917, %swap3A_918], %gather3A_910 {strides = array<i32>} : memref<2x128xi32, #tpu.memory_space<vmem>>, vector<16xi32>,
      %iota3A_920 = tpu.iota {dimensions = array<i32: 0>} : vector<16xi32>
      %add3A_921 = arith.constant 80 : i32
      %add3A_922 = vector.broadcast %add3A_921 : i32 to vector<16xi32>
      %add3A_923 = arith.addi %iota3A_920, %add3A_922 : vector<16xi32>
      %mul3A_924 = arith.constant 2 : i32
      %mul3A_925 = vector.broadcast %mul3A_924 : i32 to vector<16xi32>
      %mul3A_926 = arith.muli %mul3A_925, %add3A_923 : vector<16xi32>
      %add3A_927 = arith.constant 1 : i32
      %add3A_928 = vector.broadcast %add3A_927 : i32 to vector<16xi32>
      %add3A_929 = arith.addi %mul3A_926, %add3A_928 : vector<16xi32>
      %shift_right_logical3A_930 = arith.constant 7 : i32
      %shift_right_logical3A_931 = vector.broadcast %shift_right_logical3A_930 : i32 to vector<16xi32>
      %shift_right_logical3A_932 = arith.shrui %add3A_929, %shift_right_logical3A_931 : vector<16xi32>
      %and3A_933 = arith.constant 127 : i32
      %and3A_934 = vector.broadcast %and3A_933 : i32 to vector<16xi32>
      %and3A_935 = arith.andi %add3A_929, %and3A_934 : vector<16xi32>
      %gather3A_936 = arith.constant 1 : i32
      %gather3A_937 = arith.constant 0 : i32
      %gather3A_938 = arith.constant 0 : i32
      %gather3A_939 = tpu.memref_slice %arg5[%gather3A_936, %gather3A_937, %gather3A_938] : memref<2x2x128xi32, #tpu.memory_space<vmem>> -> memref<1x2x128xi32, #tpu.memory_space<vmem>>
      %gather3A_940 = tpu.memref_squeeze %gather3A_939 : memref<1x2x128xi32, #tpu.memory_space<vmem>> -> memref<2x128xi32, #tpu.memory_space<vmem>>
      %gather3A_941 = tpu.vector_load_idx %gather3A_940[%shift_right_logical3A_932, %and3A_935] : memref<2x128xi32, #tpu.memory_space<vmem>>[vector<16xi32>, vector<16xi32>], vector<16xi32>,
      %swap3A_942 = arith.constant 1 : i32
      %swap3A_943 = arith.constant 1 : i32
      %swap3A_944 = arith.constant 0 : i32
      %swap3A_945 = arith.constant 0 : i32
      %swap3A_946 = tpu.memref_slice %arg6[%swap3A_942, %swap3A_944, %swap3A_945] : memref<2x2x128xi32, #tpu.memory_space<vmem>> -> memref<1x2x128xi32, #tpu.memory_space<vmem>>
      %swap3A_947 = tpu.memref_squeeze %swap3A_946 : memref<1x2x128xi32, #tpu.memory_space<vmem>> -> memref<2x128xi32, #tpu.memory_space<vmem>>
      %swap3A_948 = arith.index_cast %swap3A_943 : i32 to index
      %swap3A_949 = arith.constant 80 : index
      %swap3A_950 = tpu.vector_load %swap3A_947[%swap3A_948, %swap3A_949] {strides = array<i32>} : memref<2x128xi32, #tpu.memory_space<vmem>>, vector<16xi32>,
      tpu.vector_store %swap3A_947[%swap3A_948, %swap3A_949], %gather3A_941 {strides = array<i32>} : memref<2x128xi32, #tpu.memory_space<vmem>>, vector<16xi32>,
      %iota3A_951 = tpu.iota {dimensions = array<i32: 0>} : vector<16xi32>
      %add3A_952 = arith.constant 96 : i32
      %add3A_953 = vector.broadcast %add3A_952 : i32 to vector<16xi32>
      %add3A_954 = arith.addi %iota3A_951, %add3A_953 : vector<16xi32>
      %mul3A_955 = arith.constant 2 : i32
      %mul3A_956 = vector.broadcast %mul3A_955 : i32 to vector<16xi32>
      %mul3A_957 = arith.muli %mul3A_956, %add3A_954 : vector<16xi32>
      %add3A_958 = arith.constant 1 : i32
      %add3A_959 = vector.broadcast %add3A_958 : i32 to vector<16xi32>
      %add3A_960 = arith.addi %mul3A_957, %add3A_959 : vector<16xi32>
      %shift_right_logical3A_961 = arith.constant 7 : i32
      %shift_right_logical3A_962 = vector.broadcast %shift_right_logical3A_961 : i32 to vector<16xi32>
      %shift_right_logical3A_963 = arith.shrui %add3A_960, %shift_right_logical3A_962 : vector<16xi32>
      %and3A_964 = arith.constant 127 : i32
      %and3A_965 = vector.broadcast %and3A_964 : i32 to vector<16xi32>
      %and3A_966 = arith.andi %add3A_960, %and3A_965 : vector<16xi32>
      %gather3A_967 = arith.constant 1 : i32
      %gather3A_968 = arith.constant 0 : i32
      %gather3A_969 = arith.constant 0 : i32
      %gather3A_970 = tpu.memref_slice %arg5[%gather3A_967, %gather3A_968, %gather3A_969] : memref<2x2x128xi32, #tpu.memory_space<vmem>> -> memref<1x2x128xi32, #tpu.memory_space<vmem>>
      %gather3A_971 = tpu.memref_squeeze %gather3A_970 : memref<1x2x128xi32, #tpu.memory_space<vmem>> -> memref<2x128xi32, #tpu.memory_space<vmem>>
      %gather3A_972 = tpu.vector_load_idx %gather3A_971[%shift_right_logical3A_963, %and3A_966] : memref<2x128xi32, #tpu.memory_space<vmem>>[vector<16xi32>, vector<16xi32>], vector<16xi32>,
      %swap3A_973 = arith.constant 1 : i32
      %swap3A_974 = arith.constant 1 : i32
      %swap3A_975 = arith.constant 0 : i32
      %swap3A_976 = arith.constant 0 : i32
      %swap3A_977 = tpu.memref_slice %arg6[%swap3A_973, %swap3A_975, %swap3A_976] : memref<2x2x128xi32, #tpu.memory_space<vmem>> -> memref<1x2x128xi32, #tpu.memory_space<vmem>>
      %swap3A_978 = tpu.memref_squeeze %swap3A_977 : memref<1x2x128xi32, #tpu.memory_space<vmem>> -> memref<2x128xi32, #tpu.memory_space<vmem>>
      %swap3A_979 = arith.index_cast %swap3A_974 : i32 to index
      %swap3A_980 = arith.constant 96 : index
      %swap3A_981 = tpu.vector_load %swap3A_978[%swap3A_979, %swap3A_980] {strides = array<i32>} : memref<2x128xi32, #tpu.memory_space<vmem>>, vector<16xi32>,
      tpu.vector_store %swap3A_978[%swap3A_979, %swap3A_980], %gather3A_972 {strides = array<i32>} : memref<2x128xi32, #tpu.memory_space<vmem>>, vector<16xi32>,
      %iota3A_982 = tpu.iota {dimensions = array<i32: 0>} : vector<16xi32>
      %add3A_983 = arith.constant 112 : i32
      %add3A_984 = vector.broadcast %add3A_983 : i32 to vector<16xi32>
      %add3A_985 = arith.addi %iota3A_982, %add3A_984 : vector<16xi32>
      %mul3A_986 = arith.constant 2 : i32
      %mul3A_987 = vector.broadcast %mul3A_986 : i32 to vector<16xi32>
      %mul3A_988 = arith.muli %mul3A_987, %add3A_985 : vector<16xi32>
      %add3A_989 = arith.constant 1 : i32
      %add3A_990 = vector.broadcast %add3A_989 : i32 to vector<16xi32>
      %add3A_991 = arith.addi %mul3A_988, %add3A_990 : vector<16xi32>
      %shift_right_logical3A_992 = arith.constant 7 : i32
      %shift_right_logical3A_993 = vector.broadcast %shift_right_logical3A_992 : i32 to vector<16xi32>
      %shift_right_logical3A_994 = arith.shrui %add3A_991, %shift_right_logical3A_993 : vector<16xi32>
      %and3A_995 = arith.constant 127 : i32
      %and3A_996 = vector.broadcast %and3A_995 : i32 to vector<16xi32>
      %and3A_997 = arith.andi %add3A_991, %and3A_996 : vector<16xi32>
      %gather3A_998 = arith.constant 1 : i32
      %gather3A_999 = arith.constant 0 : i32
      %gather3A_1000 = arith.constant 0 : i32
      %gather3A_1001 = tpu.memref_slice %arg5[%gather3A_998, %gather3A_999, %gather3A_1000] : memref<2x2x128xi32, #tpu.memory_space<vmem>> -> memref<1x2x128xi32, #tpu.memory_space<vmem>>
      %gather3A_1002 = tpu.memref_squeeze %gather3A_1001 : memref<1x2x128xi32, #tpu.memory_space<vmem>> -> memref<2x128xi32, #tpu.memory_space<vmem>>
      %gather3A_1003 = tpu.vector_load_idx %gather3A_1002[%shift_right_logical3A_994, %and3A_997] : memref<2x128xi32, #tpu.memory_space<vmem>>[vector<16xi32>, vector<16xi32>], vector<16xi32>,
      %swap3A_1004 = arith.constant 1 : i32
      %swap3A_1005 = arith.constant 1 : i32
      %swap3A_1006 = arith.constant 0 : i32
      %swap3A_1007 = arith.constant 0 : i32
      %swap3A_1008 = tpu.memref_slice %arg6[%swap3A_1004, %swap3A_1006, %swap3A_1007] : memref<2x2x128xi32, #tpu.memory_space<vmem>> -> memref<1x2x128xi32, #tpu.memory_space<vmem>>
      %swap3A_1009 = tpu.memref_squeeze %swap3A_1008 : memref<1x2x128xi32, #tpu.memory_space<vmem>> -> memref<2x128xi32, #tpu.memory_space<vmem>>
      %swap3A_1010 = arith.index_cast %swap3A_1005 : i32 to index
      %swap3A_1011 = arith.constant 112 : index
      %swap3A_1012 = tpu.vector_load %swap3A_1009[%swap3A_1010, %swap3A_1011] {strides = array<i32>} : memref<2x128xi32, #tpu.memory_space<vmem>>, vector<16xi32>,
      tpu.vector_store %swap3A_1009[%swap3A_1010, %swap3A_1011], %gather3A_1003 {strides = array<i32>} : memref<2x128xi32, #tpu.memory_space<vmem>>, vector<16xi32>,
      %dma_start3A = arith.constant 0 : i32
      %dma_start3A_1013 = arith.constant 0 : i32
      %dma_start3A_1014 = arith.constant 0 : i32
      %dma_start3A_1015 = arith.constant 0 : i32
      %dma_start3A_1016 = arith.constant 0 : i32
      %dma_start3A_1017 = arith.constant 0 : i32
      %dma_start3A_1018 = tpu.memref_slice %arg7[%dma_start3A_1014, %dma_start3A_1015, %dma_start3A_1016, %dma_start3A_1017] : memref<2x2x128x64xf32, #tpu.memory_space<vmem>> -> memref<1x1x128x64xf32, #tpu.memory_space<vmem>>
      %dma_start3A_1019 = tpu.memref_squeeze %dma_start3A_1018 : memref<1x1x128x64xf32, #tpu.memory_space<vmem>> -> memref<128x64xf32, #tpu.memory_space<vmem>>
      %dma_start3A_1020 = arith.constant 0 : i32
      %dma_start3A_1021 = tpu.memref_slice %arg6[%dma_start3A, %dma_start3A_1013, %dma_start3A_1020] : memref<2x2x128xi32, #tpu.memory_space<vmem>> -> memref<1x1x128xi32, #tpu.memory_space<vmem>>
      %dma_start3A_1022 = tpu.memref_squeeze %dma_start3A_1021 : memref<1x1x128xi32, #tpu.memory_space<vmem>> -> memref<128xi32, #tpu.memory_space<vmem>>
      %dma_start3A_1023 = arith.constant 0 : i32
      %dma_start3A_1024 = arith.constant 0 : i32
      %dma_start3A_1025 = tpu.memref_slice %arg2[%dma_start3A_1023, %dma_start3A_1024] : memref<100000x64xf32, #tpu.memory_space<hbm>> -> memref<100000x64xf32, #tpu.memory_space<hbm>>
      tpu.enqueue_indirect_dma source(%dma_start3A_1025 : memref<100000x64xf32, #tpu.memory_space<hbm>>) target(%dma_start3A_1019 : memref<128x64xf32, #tpu.memory_space<vmem>>) offsets(%dma_start3A_1022 : memref<128xi32, #tpu.memory_space<vmem>>) semaphore(%arg8 : memref<!tpu.dma_semaphore, #tpu.memory_space<semaphore_mem>>)
      %dma_start3A_1026 = arith.constant 0 : i32
      %dma_start3A_1027 = arith.constant 1 : i32
      %dma_start3A_1028 = arith.constant 0 : i32
      %dma_start3A_1029 = arith.constant 1 : i32
      %dma_start3A_1030 = arith.constant 0 : i32
      %dma_start3A_1031 = arith.constant 0 : i32
      %dma_start3A_1032 = tpu.memref_slice %arg7[%dma_start3A_1028, %dma_start3A_1029, %dma_start3A_1030, %dma_start3A_1031] : memref<2x2x128x64xf32, #tpu.memory_space<vmem>> -> memref<1x1x128x64xf32, #tpu.memory_space<vmem>>
      %dma_start3A_1033 = tpu.memref_squeeze %dma_start3A_1032 : memref<1x1x128x64xf32, #tpu.memory_space<vmem>> -> memref<128x64xf32, #tpu.memory_space<vmem>>
      %dma_start3A_1034 = arith.constant 0 : i32
      %dma_start3A_1035 = tpu.memref_slice %arg6[%dma_start3A_1026, %dma_start3A_1027, %dma_start3A_1034] : memref<2x2x128xi32, #tpu.memory_space<vmem>> -> memref<1x1x128xi32, #tpu.memory_space<vmem>>
      %dma_start3A_1036 = tpu.memref_squeeze %dma_start3A_1035 : memref<1x1x128xi32, #tpu.memory_space<vmem>> -> memref<128xi32, #tpu.memory_space<vmem>>
      %dma_start3A_1037 = arith.constant 0 : i32
      %dma_start3A_1038 = arith.constant 0 : i32
      %dma_start3A_1039 = tpu.memref_slice %arg2[%dma_start3A_1037, %dma_start3A_1038] : memref<100000x64xf32, #tpu.memory_space<hbm>> -> memref<100000x64xf32, #tpu.memory_space<hbm>>
      tpu.enqueue_indirect_dma source(%dma_start3A_1039 : memref<100000x64xf32, #tpu.memory_space<hbm>>) target(%dma_start3A_1033 : memref<128x64xf32, #tpu.memory_space<vmem>>) offsets(%dma_start3A_1036 : memref<128xi32, #tpu.memory_space<vmem>>) semaphore(%arg8 : memref<!tpu.dma_semaphore, #tpu.memory_space<semaphore_mem>>)
      %dma_start3A_1040 = arith.constant 1 : i32
      %dma_start3A_1041 = arith.constant 0 : i32
      %dma_start3A_1042 = arith.constant 1 : i32
      %dma_start3A_1043 = arith.constant 0 : i32
      %dma_start3A_1044 = arith.constant 0 : i32
      %dma_start3A_1045 = arith.constant 0 : i32
      %dma_start3A_1046 = tpu.memref_slice %arg7[%dma_start3A_1042, %dma_start3A_1043, %dma_start3A_1044, %dma_start3A_1045] : memref<2x2x128x64xf32, #tpu.memory_space<vmem>> -> memref<1x1x128x64xf32, #tpu.memory_space<vmem>>
      %dma_start3A_1047 = tpu.memref_squeeze %dma_start3A_1046 : memref<1x1x128x64xf32, #tpu.memory_space<vmem>> -> memref<128x64xf32, #tpu.memory_space<vmem>>
      %dma_start3A_1048 = arith.constant 0 : i32
      %dma_start3A_1049 = tpu.memref_slice %arg6[%dma_start3A_1040, %dma_start3A_1041, %dma_start3A_1048] : memref<2x2x128xi32, #tpu.memory_space<vmem>> -> memref<1x1x128xi32, #tpu.memory_space<vmem>>
      %dma_start3A_1050 = tpu.memref_squeeze %dma_start3A_1049 : memref<1x1x128xi32, #tpu.memory_space<vmem>> -> memref<128xi32, #tpu.memory_space<vmem>>
      %dma_start3A_1051 = arith.constant 0 : i32
      %dma_start3A_1052 = arith.constant 0 : i32
      %dma_start3A_1053 = tpu.memref_slice %arg2[%dma_start3A_1051, %dma_start3A_1052] : memref<100000x64xf32, #tpu.memory_space<hbm>> -> memref<100000x64xf32, #tpu.memory_space<hbm>>
      tpu.enqueue_indirect_dma source(%dma_start3A_1053 : memref<100000x64xf32, #tpu.memory_space<hbm>>) target(%dma_start3A_1047 : memref<128x64xf32, #tpu.memory_space<vmem>>) offsets(%dma_start3A_1050 : memref<128xi32, #tpu.memory_space<vmem>>) semaphore(%arg8 : memref<!tpu.dma_semaphore, #tpu.memory_space<semaphore_mem>>)
      %dma_start3A_1054 = arith.constant 1 : i32
      %dma_start3A_1055 = arith.constant 1 : i32
      %dma_start3A_1056 = arith.constant 1 : i32
      %dma_start3A_1057 = arith.constant 1 : i32
      %dma_start3A_1058 = arith.constant 0 : i32
      %dma_start3A_1059 = arith.constant 0 : i32
      %dma_start3A_1060 = tpu.memref_slice %arg7[%dma_start3A_1056, %dma_start3A_1057, %dma_start3A_1058, %dma_start3A_1059] : memref<2x2x128x64xf32, #tpu.memory_space<vmem>> -> memref<1x1x128x64xf32, #tpu.memory_space<vmem>>
      %dma_start3A_1061 = tpu.memref_squeeze %dma_start3A_1060 : memref<1x1x128x64xf32, #tpu.memory_space<vmem>> -> memref<128x64xf32, #tpu.memory_space<vmem>>
      %dma_start3A_1062 = arith.constant 0 : i32
      %dma_start3A_1063 = tpu.memref_slice %arg6[%dma_start3A_1054, %dma_start3A_1055, %dma_start3A_1062] : memref<2x2x128xi32, #tpu.memory_space<vmem>> -> memref<1x1x128xi32, #tpu.memory_space<vmem>>
      %dma_start3A_1064 = tpu.memref_squeeze %dma_start3A_1063 : memref<1x1x128xi32, #tpu.memory_space<vmem>> -> memref<128xi32, #tpu.memory_space<vmem>>
      %dma_start3A_1065 = arith.constant 0 : i32
      %dma_start3A_1066 = arith.constant 0 : i32
      %dma_start3A_1067 = tpu.memref_slice %arg2[%dma_start3A_1065, %dma_start3A_1066] : memref<100000x64xf32, #tpu.memory_space<hbm>> -> memref<100000x64xf32, #tpu.memory_space<hbm>>
      tpu.enqueue_indirect_dma source(%dma_start3A_1067 : memref<100000x64xf32, #tpu.memory_space<hbm>>) target(%dma_start3A_1061 : memref<128x64xf32, #tpu.memory_space<vmem>>) offsets(%dma_start3A_1064 : memref<128xi32, #tpu.memory_space<vmem>>) semaphore(%arg8 : memref<!tpu.dma_semaphore, #tpu.memory_space<semaphore_mem>>)
      %dma_wait3A = arith.constant 0 : i32
      %dma_wait3A_1068 = arith.constant 0 : i32
      %dma_wait3A_1069 = arith.constant 0 : i32
      %dma_wait3A_1070 = arith.constant 0 : i32
      %dma_wait3A_1071 = arith.constant 0 : i32
      %dma_wait3A_1072 = arith.constant 0 : i32
      %dma_wait3A_1073 = tpu.memref_slice %arg7[%dma_wait3A_1069, %dma_wait3A_1070, %dma_wait3A_1071, %dma_wait3A_1072] : memref<2x2x128x64xf32, #tpu.memory_space<vmem>> -> memref<1x1x128x64xf32, #tpu.memory_space<vmem>>
      %dma_wait3A_1074 = tpu.memref_squeeze %dma_wait3A_1073 : memref<1x1x128x64xf32, #tpu.memory_space<vmem>> -> memref<128x64xf32, #tpu.memory_space<vmem>>
      %dma_wait3A_1075 = arith.constant 0 : i32
      %dma_wait3A_1076 = tpu.memref_slice %arg6[%dma_wait3A, %dma_wait3A_1068, %dma_wait3A_1075] : memref<2x2x128xi32, #tpu.memory_space<vmem>> -> memref<1x1x128xi32, #tpu.memory_space<vmem>>
      %dma_wait3A_1077 = tpu.memref_squeeze %dma_wait3A_1076 : memref<1x1x128xi32, #tpu.memory_space<vmem>> -> memref<128xi32, #tpu.memory_space<vmem>>
      %dma_wait3A_1078 = arith.constant 0 : i32
      %dma_wait3A_1079 = arith.constant 0 : i32
      %dma_wait3A_1080 = tpu.memref_slice %arg2[%dma_wait3A_1078, %dma_wait3A_1079] : memref<100000x64xf32, #tpu.memory_space<hbm>> -> memref<100000x64xf32, #tpu.memory_space<hbm>>
      tpu.wait_indirect_dma semaphore(%arg8 : memref<!tpu.dma_semaphore, #tpu.memory_space<semaphore_mem>>) src(%dma_wait3A_1080 : memref<100000x64xf32, #tpu.memory_space<hbm>>) dst(%dma_wait3A_1074 : memref<128x64xf32, #tpu.memory_space<vmem>>)
      %dma_wait3A_1081 = arith.constant 0 : i32
      %dma_wait3A_1082 = arith.constant 1 : i32
      %dma_wait3A_1083 = arith.constant 0 : i32
      %dma_wait3A_1084 = arith.constant 1 : i32
      %dma_wait3A_1085 = arith.constant 0 : i32
      %dma_wait3A_1086 = arith.constant 0 : i32
      %dma_wait3A_1087 = tpu.memref_slice %arg7[%dma_wait3A_1083, %dma_wait3A_1084, %dma_wait3A_1085, %dma_wait3A_1086] : memref<2x2x128x64xf32, #tpu.memory_space<vmem>> -> memref<1x1x128x64xf32, #tpu.memory_space<vmem>>
      %dma_wait3A_1088 = tpu.memref_squeeze %dma_wait3A_1087 : memref<1x1x128x64xf32, #tpu.memory_space<vmem>> -> memref<128x64xf32, #tpu.memory_space<vmem>>
      %dma_wait3A_1089 = arith.constant 0 : i32
      %dma_wait3A_1090 = tpu.memref_slice %arg6[%dma_wait3A_1081, %dma_wait3A_1082, %dma_wait3A_1089] : memref<2x2x128xi32, #tpu.memory_space<vmem>> -> memref<1x1x128xi32, #tpu.memory_space<vmem>>
      %dma_wait3A_1091 = tpu.memref_squeeze %dma_wait3A_1090 : memref<1x1x128xi32, #tpu.memory_space<vmem>> -> memref<128xi32, #tpu.memory_space<vmem>>
      %dma_wait3A_1092 = arith.constant 0 : i32
      %dma_wait3A_1093 = arith.constant 0 : i32
      %dma_wait3A_1094 = tpu.memref_slice %arg2[%dma_wait3A_1092, %dma_wait3A_1093] : memref<100000x64xf32, #tpu.memory_space<hbm>> -> memref<100000x64xf32, #tpu.memory_space<hbm>>
      tpu.wait_indirect_dma semaphore(%arg8 : memref<!tpu.dma_semaphore, #tpu.memory_space<semaphore_mem>>) src(%dma_wait3A_1094 : memref<100000x64xf32, #tpu.memory_space<hbm>>) dst(%dma_wait3A_1088 : memref<128x64xf32, #tpu.memory_space<vmem>>)
      %dma_wait3A_1095 = arith.constant 1 : i32
      %dma_wait3A_1096 = arith.constant 0 : i32
      %dma_wait3A_1097 = arith.constant 1 : i32
      %dma_wait3A_1098 = arith.constant 0 : i32
      %dma_wait3A_1099 = arith.constant 0 : i32
      %dma_wait3A_1100 = arith.constant 0 : i32
      %dma_wait3A_1101 = tpu.memref_slice %arg7[%dma_wait3A_1097, %dma_wait3A_1098, %dma_wait3A_1099, %dma_wait3A_1100] : memref<2x2x128x64xf32, #tpu.memory_space<vmem>> -> memref<1x1x128x64xf32, #tpu.memory_space<vmem>>
      %dma_wait3A_1102 = tpu.memref_squeeze %dma_wait3A_1101 : memref<1x1x128x64xf32, #tpu.memory_space<vmem>> -> memref<128x64xf32, #tpu.memory_space<vmem>>
      %dma_wait3A_1103 = arith.constant 0 : i32
      %dma_wait3A_1104 = tpu.memref_slice %arg6[%dma_wait3A_1095, %dma_wait3A_1096, %dma_wait3A_1103] : memref<2x2x128xi32, #tpu.memory_space<vmem>> -> memref<1x1x128xi32, #tpu.memory_space<vmem>>
      %dma_wait3A_1105 = tpu.memref_squeeze %dma_wait3A_1104 : memref<1x1x128xi32, #tpu.memory_space<vmem>> -> memref<128xi32, #tpu.memory_space<vmem>>
      %dma_wait3A_1106 = arith.constant 0 : i32
      %dma_wait3A_1107 = arith.constant 0 : i32
      %dma_wait3A_1108 = tpu.memref_slice %arg2[%dma_wait3A_1106, %dma_wait3A_1107] : memref<100000x64xf32, #tpu.memory_space<hbm>> -> memref<100000x64xf32, #tpu.memory_space<hbm>>
      tpu.wait_indirect_dma semaphore(%arg8 : memref<!tpu.dma_semaphore, #tpu.memory_space<semaphore_mem>>) src(%dma_wait3A_1108 : memref<100000x64xf32, #tpu.memory_space<hbm>>) dst(%dma_wait3A_1102 : memref<128x64xf32, #tpu.memory_space<vmem>>)
      %dma_wait3A_1109 = arith.constant 1 : i32
      %dma_wait3A_1110 = arith.constant 1 : i32
      %dma_wait3A_1111 = arith.constant 1 : i32
      %dma_wait3A_1112 = arith.constant 1 : i32
      %dma_wait3A_1113 = arith.constant 0 : i32
      %dma_wait3A_1114 = arith.constant 0 : i32
      %dma_wait3A_1115 = tpu.memref_slice %arg7[%dma_wait3A_1111, %dma_wait3A_1112, %dma_wait3A_1113, %dma_wait3A_1114] : memref<2x2x128x64xf32, #tpu.memory_space<vmem>> -> memref<1x1x128x64xf32, #tpu.memory_space<vmem>>
      %dma_wait3A_1116 = tpu.memref_squeeze %dma_wait3A_1115 : memref<1x1x128x64xf32, #tpu.memory_space<vmem>> -> memref<128x64xf32, #tpu.memory_space<vmem>>
      %dma_wait3A_1117 = arith.constant 0 : i32
      %dma_wait3A_1118 = tpu.memref_slice %arg6[%dma_wait3A_1109, %dma_wait3A_1110, %dma_wait3A_1117] : memref<2x2x128xi32, #tpu.memory_space<vmem>> -> memref<1x1x128xi32, #tpu.memory_space<vmem>>
      %dma_wait3A_1119 = tpu.memref_squeeze %dma_wait3A_1118 : memref<1x1x128xi32, #tpu.memory_space<vmem>> -> memref<128xi32, #tpu.memory_space<vmem>>
      %dma_wait3A_1120 = arith.constant 0 : i32
      %dma_wait3A_1121 = arith.constant 0 : i32
      %dma_wait3A_1122 = tpu.memref_slice %arg2[%dma_wait3A_1120, %dma_wait3A_1121] : memref<100000x64xf32, #tpu.memory_space<hbm>> -> memref<100000x64xf32, #tpu.memory_space<hbm>>
      tpu.wait_indirect_dma semaphore(%arg8 : memref<!tpu.dma_semaphore, #tpu.memory_space<semaphore_mem>>) src(%dma_wait3A_1122 : memref<100000x64xf32, #tpu.memory_space<hbm>>) dst(%dma_wait3A_1116 : memref<128x64xf32, #tpu.memory_space<vmem>>)
      %mul3A_1123 = arith.constant 100 : i32
      %mul3A_1124 = arith.muli %add3A, %mul3A_1123 : i32
      %mul3A_1125 = arith.constant 2 : i32
      %mul3A_1126 = arith.muli %mul3A_1125, %scan3A_6 : i32
      %add3A_1127 = arith.addi %mul3A_1124, %mul3A_1126 : i32
      %add3A_1128 = arith.constant 0 : i32
      %add3A_1129 = arith.addi %add3A_1127, %add3A_1128 : i32
      %mul3A_1130 = arith.constant 128 : i32
      %mul3A_1131 = arith.muli %add3A_1129, %mul3A_1130 : i32
      %run_scoped3A_1132 = arith.constant 0 : i32
      %run_scoped3A_1133 = arith.constant 0 : i32
      "tpu.region"() ({
        %run_scoped3A_1149 = tpu.sem_alloc : memref<!tpu.dma_semaphore, #tpu.memory_space<semaphore_mem>>
        %dma_start3A_1150 = arith.constant 0 : i32
        %dma_start3A_1151 = arith.constant 0 : i32
        %dma_start3A_1152 = tpu.memref_slice %arg7[%run_scoped3A_1132, %run_scoped3A_1133, %dma_start3A_1150, %dma_start3A_1151] : memref<2x2x128x64xf32, #tpu.memory_space<vmem>> -> memref<1x1x128x64xf32, #tpu.memory_space<vmem>>
        %dma_start3A_1153 = tpu.memref_squeeze %dma_start3A_1152 : memref<1x1x128x64xf32, #tpu.memory_space<vmem>> -> memref<128x64xf32, #tpu.memory_space<vmem>>
        %dma_start3A_1154 = arith.constant 0 : i32
        %dma_start3A_1155 = tpu.memref_slice %arg4[%mul3A_1131, %dma_start3A_1154] : memref<409600x128xf32, #tpu.memory_space<hbm>> -> memref<128x64xf32, #tpu.memory_space<hbm>>
        %dma_start3A_1156 = arith.constant 0 : i32
        %dma_start3A_1157 = tpu.memref_slice %arg4[%mul3A_1131, %dma_start3A_1156] : memref<409600x128xf32, #tpu.memory_space<hbm>> -> memref<128x64xf32, #tpu.memory_space<hbm>>
        %dma_start3A_1158 = arith.constant 0 : i32
        %dma_start3A_1159 = arith.constant 0 : i32
        %dma_start3A_1160 = tpu.memref_slice %arg7[%run_scoped3A_1132, %run_scoped3A_1133, %dma_start3A_1158, %dma_start3A_1159] : memref<2x2x128x64xf32, #tpu.memory_space<vmem>> -> memref<1x1x128x64xf32, #tpu.memory_space<vmem>>
        %dma_start3A_1161 = tpu.memref_squeeze %dma_start3A_1160 : memref<1x1x128x64xf32, #tpu.memory_space<vmem>> -> memref<128x64xf32, #tpu.memory_space<vmem>>
        tpu.enqueue_dma source(%dma_start3A_1161 : memref<128x64xf32, #tpu.memory_space<vmem>>) target(%dma_start3A_1157 : memref<128x64xf32, #tpu.memory_space<hbm>>) target_semaphore(%run_scoped3A_1149 : memref<!tpu.dma_semaphore, #tpu.memory_space<semaphore_mem>>)
        %dma_wait3A_1162 = arith.constant 0 : i32
        %dma_wait3A_1163 = arith.constant 0 : i32
        %dma_wait3A_1164 = tpu.memref_slice %arg7[%run_scoped3A_1132, %run_scoped3A_1133, %dma_wait3A_1162, %dma_wait3A_1163] : memref<2x2x128x64xf32, #tpu.memory_space<vmem>> -> memref<1x1x128x64xf32, #tpu.memory_space<vmem>>
        %dma_wait3A_1165 = tpu.memref_squeeze %dma_wait3A_1164 : memref<1x1x128x64xf32, #tpu.memory_space<vmem>> -> memref<128x64xf32, #tpu.memory_space<vmem>>
        %dma_wait3A_1166 = arith.constant 0 : i32
        %dma_wait3A_1167 = tpu.memref_slice %arg4[%mul3A_1131, %dma_wait3A_1166] : memref<409600x128xf32, #tpu.memory_space<hbm>> -> memref<128x64xf32, #tpu.memory_space<hbm>>
        %dma_wait3A_1168 = arith.constant 0 : i32
        %dma_wait3A_1169 = tpu.memref_slice %arg4[%mul3A_1131, %dma_wait3A_1168] : memref<409600x128xf32, #tpu.memory_space<hbm>> -> memref<128x64xf32, #tpu.memory_space<hbm>>
        %dma_wait3A_1170 = arith.constant 0 : i32
        %dma_wait3A_1171 = arith.constant 0 : i32
        %dma_wait3A_1172 = tpu.memref_slice %arg7[%run_scoped3A_1132, %run_scoped3A_1133, %dma_wait3A_1170, %dma_wait3A_1171] : memref<2x2x128x64xf32, #tpu.memory_space<vmem>> -> memref<1x1x128x64xf32, #tpu.memory_space<vmem>>
        %dma_wait3A_1173 = tpu.memref_squeeze %dma_wait3A_1172 : memref<1x1x128x64xf32, #tpu.memory_space<vmem>> -> memref<128x64xf32, #tpu.memory_space<vmem>>
        tpu.wait_dma2 semaphore(%run_scoped3A_1149 : memref<!tpu.dma_semaphore, #tpu.memory_space<semaphore_mem>>) src(%dma_wait3A_1173 : memref<128x64xf32, #tpu.memory_space<vmem>>) dst(%dma_wait3A_1169 : memref<128x64xf32, #tpu.memory_space<hbm>>)
        tpu.yield
      }) : () -> ()
      %run_scoped3A_1134 = arith.constant 0 : i32
      %run_scoped3A_1135 = arith.constant 1 : i32
      "tpu.region"() ({
        %run_scoped3A_1149 = tpu.sem_alloc : memref<!tpu.dma_semaphore, #tpu.memory_space<semaphore_mem>>
        %dma_start3A_1150 = arith.constant 0 : i32
        %dma_start3A_1151 = arith.constant 0 : i32
        %dma_start3A_1152 = tpu.memref_slice %arg7[%run_scoped3A_1134, %run_scoped3A_1135, %dma_start3A_1150, %dma_start3A_1151] : memref<2x2x128x64xf32, #tpu.memory_space<vmem>> -> memref<1x1x128x64xf32, #tpu.memory_space<vmem>>
        %dma_start3A_1153 = tpu.memref_squeeze %dma_start3A_1152 : memref<1x1x128x64xf32, #tpu.memory_space<vmem>> -> memref<128x64xf32, #tpu.memory_space<vmem>>
        %dma_start3A_1154 = arith.constant 64 : i32
        %dma_start3A_1155 = tpu.memref_slice %arg4[%mul3A_1131, %dma_start3A_1154] : memref<409600x128xf32, #tpu.memory_space<hbm>> -> memref<128x64xf32, #tpu.memory_space<hbm>>
        %dma_start3A_1156 = arith.constant 64 : i32
        %dma_start3A_1157 = tpu.memref_slice %arg4[%mul3A_1131, %dma_start3A_1156] : memref<409600x128xf32, #tpu.memory_space<hbm>> -> memref<128x64xf32, #tpu.memory_space<hbm>>
        %dma_start3A_1158 = arith.constant 0 : i32
        %dma_start3A_1159 = arith.constant 0 : i32
        %dma_start3A_1160 = tpu.memref_slice %arg7[%run_scoped3A_1134, %run_scoped3A_1135, %dma_start3A_1158, %dma_start3A_1159] : memref<2x2x128x64xf32, #tpu.memory_space<vmem>> -> memref<1x1x128x64xf32, #tpu.memory_space<vmem>>
        %dma_start3A_1161 = tpu.memref_squeeze %dma_start3A_1160 : memref<1x1x128x64xf32, #tpu.memory_space<vmem>> -> memref<128x64xf32, #tpu.memory_space<vmem>>
        tpu.enqueue_dma source(%dma_start3A_1161 : memref<128x64xf32, #tpu.memory_space<vmem>>) target(%dma_start3A_1157 : memref<128x64xf32, #tpu.memory_space<hbm>>) target_semaphore(%run_scoped3A_1149 : memref<!tpu.dma_semaphore, #tpu.memory_space<semaphore_mem>>)
        %dma_wait3A_1162 = arith.constant 0 : i32
        %dma_wait3A_1163 = arith.constant 0 : i32
        %dma_wait3A_1164 = tpu.memref_slice %arg7[%run_scoped3A_1134, %run_scoped3A_1135, %dma_wait3A_1162, %dma_wait3A_1163] : memref<2x2x128x64xf32, #tpu.memory_space<vmem>> -> memref<1x1x128x64xf32, #tpu.memory_space<vmem>>
        %dma_wait3A_1165 = tpu.memref_squeeze %dma_wait3A_1164 : memref<1x1x128x64xf32, #tpu.memory_space<vmem>> -> memref<128x64xf32, #tpu.memory_space<vmem>>
        %dma_wait3A_1166 = arith.constant 64 : i32
        %dma_wait3A_1167 = tpu.memref_slice %arg4[%mul3A_1131, %dma_wait3A_1166] : memref<409600x128xf32, #tpu.memory_space<hbm>> -> memref<128x64xf32, #tpu.memory_space<hbm>>
        %dma_wait3A_1168 = arith.constant 64 : i32
        %dma_wait3A_1169 = tpu.memref_slice %arg4[%mul3A_1131, %dma_wait3A_1168] : memref<409600x128xf32, #tpu.memory_space<hbm>> -> memref<128x64xf32, #tpu.memory_space<hbm>>
        %dma_wait3A_1170 = arith.constant 0 : i32
        %dma_wait3A_1171 = arith.constant 0 : i32
        %dma_wait3A_1172 = tpu.memref_slice %arg7[%run_scoped3A_1134, %run_scoped3A_1135, %dma_wait3A_1170, %dma_wait3A_1171] : memref<2x2x128x64xf32, #tpu.memory_space<vmem>> -> memref<1x1x128x64xf32, #tpu.memory_space<vmem>>
        %dma_wait3A_1173 = tpu.memref_squeeze %dma_wait3A_1172 : memref<1x1x128x64xf32, #tpu.memory_space<vmem>> -> memref<128x64xf32, #tpu.memory_space<vmem>>
        tpu.wait_dma2 semaphore(%run_scoped3A_1149 : memref<!tpu.dma_semaphore, #tpu.memory_space<semaphore_mem>>) src(%dma_wait3A_1173 : memref<128x64xf32, #tpu.memory_space<vmem>>) dst(%dma_wait3A_1169 : memref<128x64xf32, #tpu.memory_space<hbm>>)
        tpu.yield
      }) : () -> ()
      %mul3A_1136 = arith.constant 100 : i32
      %mul3A_1137 = arith.muli %add3A, %mul3A_1136 : i32
      %mul3A_1138 = arith.constant 2 : i32
      %mul3A_1139 = arith.muli %mul3A_1138, %scan3A_6 : i32
      %add3A_1140 = arith.addi %mul3A_1137, %mul3A_1139 : i32
      %add3A_1141 = arith.constant 1 : i32
      %add3A_1142 = arith.addi %add3A_1140, %add3A_1141 : i32
      %mul3A_1143 = arith.constant 128 : i32
      %mul3A_1144 = arith.muli %add3A_1142, %mul3A_1143 : i32
      %run_scoped3A_1145 = arith.constant 1 : i32
      %run_scoped3A_1146 = arith.constant 0 : i32
      "tpu.region"() ({
        %run_scoped3A_1149 = tpu.sem_alloc : memref<!tpu.dma_semaphore, #tpu.memory_space<semaphore_mem>>
        %dma_start3A_1150 = arith.constant 0 : i32
        %dma_start3A_1151 = arith.constant 0 : i32
        %dma_start3A_1152 = tpu.memref_slice %arg7[%run_scoped3A_1145, %run_scoped3A_1146, %dma_start3A_1150, %dma_start3A_1151] : memref<2x2x128x64xf32, #tpu.memory_space<vmem>> -> memref<1x1x128x64xf32, #tpu.memory_space<vmem>>
        %dma_start3A_1153 = tpu.memref_squeeze %dma_start3A_1152 : memref<1x1x128x64xf32, #tpu.memory_space<vmem>> -> memref<128x64xf32, #tpu.memory_space<vmem>>
        %dma_start3A_1154 = arith.constant 0 : i32
        %dma_start3A_1155 = tpu.memref_slice %arg4[%mul3A_1144, %dma_start3A_1154] : memref<409600x128xf32, #tpu.memory_space<hbm>> -> memref<128x64xf32, #tpu.memory_space<hbm>>
        %dma_start3A_1156 = arith.constant 0 : i32
        %dma_start3A_1157 = tpu.memref_slice %arg4[%mul3A_1144, %dma_start3A_1156] : memref<409600x128xf32, #tpu.memory_space<hbm>> -> memref<128x64xf32, #tpu.memory_space<hbm>>
        %dma_start3A_1158 = arith.constant 0 : i32
        %dma_start3A_1159 = arith.constant 0 : i32
        %dma_start3A_1160 = tpu.memref_slice %arg7[%run_scoped3A_1145, %run_scoped3A_1146, %dma_start3A_1158, %dma_start3A_1159] : memref<2x2x128x64xf32, #tpu.memory_space<vmem>> -> memref<1x1x128x64xf32, #tpu.memory_space<vmem>>
        %dma_start3A_1161 = tpu.memref_squeeze %dma_start3A_1160 : memref<1x1x128x64xf32, #tpu.memory_space<vmem>> -> memref<128x64xf32, #tpu.memory_space<vmem>>
        tpu.enqueue_dma source(%dma_start3A_1161 : memref<128x64xf32, #tpu.memory_space<vmem>>) target(%dma_start3A_1157 : memref<128x64xf32, #tpu.memory_space<hbm>>) target_semaphore(%run_scoped3A_1149 : memref<!tpu.dma_semaphore, #tpu.memory_space<semaphore_mem>>)
        %dma_wait3A_1162 = arith.constant 0 : i32
        %dma_wait3A_1163 = arith.constant 0 : i32
        %dma_wait3A_1164 = tpu.memref_slice %arg7[%run_scoped3A_1145, %run_scoped3A_1146, %dma_wait3A_1162, %dma_wait3A_1163] : memref<2x2x128x64xf32, #tpu.memory_space<vmem>> -> memref<1x1x128x64xf32, #tpu.memory_space<vmem>>
        %dma_wait3A_1165 = tpu.memref_squeeze %dma_wait3A_1164 : memref<1x1x128x64xf32, #tpu.memory_space<vmem>> -> memref<128x64xf32, #tpu.memory_space<vmem>>
        %dma_wait3A_1166 = arith.constant 0 : i32
        %dma_wait3A_1167 = tpu.memref_slice %arg4[%mul3A_1144, %dma_wait3A_1166] : memref<409600x128xf32, #tpu.memory_space<hbm>> -> memref<128x64xf32, #tpu.memory_space<hbm>>
        %dma_wait3A_1168 = arith.constant 0 : i32
        %dma_wait3A_1169 = tpu.memref_slice %arg4[%mul3A_1144, %dma_wait3A_1168] : memref<409600x128xf32, #tpu.memory_space<hbm>> -> memref<128x64xf32, #tpu.memory_space<hbm>>
        %dma_wait3A_1170 = arith.constant 0 : i32
        %dma_wait3A_1171 = arith.constant 0 : i32
        %dma_wait3A_1172 = tpu.memref_slice %arg7[%run_scoped3A_1145, %run_scoped3A_1146, %dma_wait3A_1170, %dma_wait3A_1171] : memref<2x2x128x64xf32, #tpu.memory_space<vmem>> -> memref<1x1x128x64xf32, #tpu.memory_space<vmem>>
        %dma_wait3A_1173 = tpu.memref_squeeze %dma_wait3A_1172 : memref<1x1x128x64xf32, #tpu.memory_space<vmem>> -> memref<128x64xf32, #tpu.memory_space<vmem>>
        tpu.wait_dma2 semaphore(%run_scoped3A_1149 : memref<!tpu.dma_semaphore, #tpu.memory_space<semaphore_mem>>) src(%dma_wait3A_1173 : memref<128x64xf32, #tpu.memory_space<vmem>>) dst(%dma_wait3A_1169 : memref<128x64xf32, #tpu.memory_space<hbm>>)
        tpu.yield
      }) : () -> ()
      %run_scoped3A_1147 = arith.constant 1 : i32
      %run_scoped3A_1148 = arith.constant 1 : i32
      "tpu.region"() ({
        %run_scoped3A_1149 = tpu.sem_alloc : memref<!tpu.dma_semaphore, #tpu.memory_space<semaphore_mem>>
        %dma_start3A_1150 = arith.constant 0 : i32
        %dma_start3A_1151 = arith.constant 0 : i32
        %dma_start3A_1152 = tpu.memref_slice %arg7[%run_scoped3A_1147, %run_scoped3A_1148, %dma_start3A_1150, %dma_start3A_1151] : memref<2x2x128x64xf32, #tpu.memory_space<vmem>> -> memref<1x1x128x64xf32, #tpu.memory_space<vmem>>
        %dma_start3A_1153 = tpu.memref_squeeze %dma_start3A_1152 : memref<1x1x128x64xf32, #tpu.memory_space<vmem>> -> memref<128x64xf32, #tpu.memory_space<vmem>>
        %dma_start3A_1154 = arith.constant 64 : i32
        %dma_start3A_1155 = tpu.memref_slice %arg4[%mul3A_1144, %dma_start3A_1154] : memref<409600x128xf32, #tpu.memory_space<hbm>> -> memref<128x64xf32, #tpu.memory_space<hbm>>
        %dma_start3A_1156 = arith.constant 64 : i32
        %dma_start3A_1157 = tpu.memref_slice %arg4[%mul3A_1144, %dma_start3A_1156] : memref<409600x128xf32, #tpu.memory_space<hbm>> -> memref<128x64xf32, #tpu.memory_space<hbm>>
        %dma_start3A_1158 = arith.constant 0 : i32
        %dma_start3A_1159 = arith.constant 0 : i32
        %dma_start3A_1160 = tpu.memref_slice %arg7[%run_scoped3A_1147, %run_scoped3A_1148, %dma_start3A_1158, %dma_start3A_1159] : memref<2x2x128x64xf32, #tpu.memory_space<vmem>> -> memref<1x1x128x64xf32, #tpu.memory_space<vmem>>
        %dma_start3A_1161 = tpu.memref_squeeze %dma_start3A_1160 : memref<1x1x128x64xf32, #tpu.memory_space<vmem>> -> memref<128x64xf32, #tpu.memory_space<vmem>>
        tpu.enqueue_dma source(%dma_start3A_1161 : memref<128x64xf32, #tpu.memory_space<vmem>>) target(%dma_start3A_1157 : memref<128x64xf32, #tpu.memory_space<hbm>>) target_semaphore(%run_scoped3A_1149 : memref<!tpu.dma_semaphore, #tpu.memory_space<semaphore_mem>>)
        %dma_wait3A_1162 = arith.constant 0 : i32
        %dma_wait3A_1163 = arith.constant 0 : i32
        %dma_wait3A_1164 = tpu.memref_slice %arg7[%run_scoped3A_1147, %run_scoped3A_1148, %dma_wait3A_1162, %dma_wait3A_1163] : memref<2x2x128x64xf32, #tpu.memory_space<vmem>> -> memref<1x1x128x64xf32, #tpu.memory_space<vmem>>
        %dma_wait3A_1165 = tpu.memref_squeeze %dma_wait3A_1164 : memref<1x1x128x64xf32, #tpu.memory_space<vmem>> -> memref<128x64xf32, #tpu.memory_space<vmem>>
        %dma_wait3A_1166 = arith.constant 64 : i32
        %dma_wait3A_1167 = tpu.memref_slice %arg4[%mul3A_1144, %dma_wait3A_1166] : memref<409600x128xf32, #tpu.memory_space<hbm>> -> memref<128x64xf32, #tpu.memory_space<hbm>>
        %dma_wait3A_1168 = arith.constant 64 : i32
        %dma_wait3A_1169 = tpu.memref_slice %arg4[%mul3A_1144, %dma_wait3A_1168] : memref<409600x128xf32, #tpu.memory_space<hbm>> -> memref<128x64xf32, #tpu.memory_space<hbm>>
        %dma_wait3A_1170 = arith.constant 0 : i32
        %dma_wait3A_1171 = arith.constant 0 : i32
        %dma_wait3A_1172 = tpu.memref_slice %arg7[%run_scoped3A_1147, %run_scoped3A_1148, %dma_wait3A_1170, %dma_wait3A_1171] : memref<2x2x128x64xf32, #tpu.memory_space<vmem>> -> memref<1x1x128x64xf32, #tpu.memory_space<vmem>>
        %dma_wait3A_1173 = tpu.memref_squeeze %dma_wait3A_1172 : memref<1x1x128x64xf32, #tpu.memory_space<vmem>> -> memref<128x64xf32, #tpu.memory_space<vmem>>
        tpu.wait_dma2 semaphore(%run_scoped3A_1149 : memref<!tpu.dma_semaphore, #tpu.memory_space<semaphore_mem>>) src(%dma_wait3A_1173 : memref<128x64xf32, #tpu.memory_space<vmem>>) dst(%dma_wait3A_1169 : memref<128x64xf32, #tpu.memory_space<hbm>>)
        tpu.yield
      }) : () -> ()
    }
    %scan3A_5 = arith.constant 50 : i32
    return
  }
}

#map = affine_map<(d0, d1) -> (0, 0)>
module attributes {stable_mosaic.version = 14 : i64} {
  func.func @gather_kernel(%arg0: i32, %arg1: i32, %arg2: memref<1000000x32xf32, #tpu.memory_space<hbm>>, %arg3: memref<6400x128xi32, #tpu.memory_space<hbm>>, %arg4: memref<204800x128xf32, #tpu.memory_space<hbm>>, %arg5: memref<4x204800xi32, #tpu.memory_space<hbm>>, %arg6: memref<2x4x128xi32, #tpu.memory_space<vmem>>, %arg7: memref<2x4x128xi32, #tpu.memory_space<vmem>>, %arg8: memref<2x4x128x32xf32, #tpu.memory_space<vmem>>, %arg9: memref<!tpu.dma_semaphore, #tpu.memory_space<semaphore_mem>>) attributes {dimension_semantics = [#tpu.dimension_semantics<core_parallel>, #tpu.dimension_semantics<subcore_parallel>], iteration_bounds = array<i64: 2, 16>, scalar_prefetch = 0 : i64, scratch_operands = 4 : i64, tpu.core_type = #tpu.core_type<sc_vector_subcore>, window_params = [{transform_indices = #map}, {transform_indices = #map}, {transform_indices = #map}, {transform_indices = #map}]} {
    %mul3A = arith.constant 2 : i32
    %mul3A_0 = arith.muli %arg1, %mul3A : i32
    %add3A = arith.addi %mul3A_0, %arg0 : i32
    %scan3A = arith.constant 0 : i32
    %scan3A_1 = arith.constant 0 : i32
    %scan3A_2 = arith.constant 25 : i32
    %scan3A_3 = arith.addi %scan3A_1, %scan3A_2 : i32
    %scan3A_4 = arith.constant 1 : i32
    scf.for %scan3A_6 = %scan3A_1 to %scan3A_3 step %scan3A_4  : i32 {
      %mul3A_7 = arith.constant 50 : i32
      %mul3A_8 = arith.muli %add3A, %mul3A_7 : i32
      %mul3A_9 = arith.constant 2 : i32
      %mul3A_10 = arith.muli %mul3A_9, %scan3A_6 : i32
      %add3A_11 = arith.addi %mul3A_8, %mul3A_10 : i32
      %add3A_12 = arith.constant 0 : i32
      %add3A_13 = arith.addi %add3A_11, %add3A_12 : i32
      %mul3A_14 = arith.constant 4 : i32
      %mul3A_15 = arith.muli %mul3A_14, %add3A_13 : i32
      %run_scoped3A = arith.constant 0 : i32
      "tpu.region"() ({
        %run_scoped3A_2263 = tpu.sem_alloc : memref<!tpu.dma_semaphore, #tpu.memory_space<semaphore_mem>>
        %dma_start3A_2264 = arith.constant 0 : i32
        %dma_start3A_2265 = arith.constant 0 : i32
        %dma_start3A_2266 = tpu.memref_slice %arg6[%run_scoped3A, %dma_start3A_2264, %dma_start3A_2265] : memref<2x4x128xi32, #tpu.memory_space<vmem>> -> memref<1x4x128xi32, #tpu.memory_space<vmem>>
        %dma_start3A_2267 = tpu.memref_squeeze %dma_start3A_2266 : memref<1x4x128xi32, #tpu.memory_space<vmem>> -> memref<4x128xi32, #tpu.memory_space<vmem>>
        %dma_start3A_2268 = arith.constant 0 : i32
        %dma_start3A_2269 = tpu.memref_slice %arg3[%mul3A_15, %dma_start3A_2268] : memref<6400x128xi32, #tpu.memory_space<hbm>> -> memref<4x128xi32, #tpu.memory_space<hbm>>
        %dma_start3A_2270 = arith.constant 0 : i32
        %dma_start3A_2271 = arith.constant 0 : i32
        %dma_start3A_2272 = tpu.memref_slice %arg6[%run_scoped3A, %dma_start3A_2270, %dma_start3A_2271] : memref<2x4x128xi32, #tpu.memory_space<vmem>> -> memref<1x4x128xi32, #tpu.memory_space<vmem>>
        %dma_start3A_2273 = tpu.memref_squeeze %dma_start3A_2272 : memref<1x4x128xi32, #tpu.memory_space<vmem>> -> memref<4x128xi32, #tpu.memory_space<vmem>>
        %dma_start3A_2274 = arith.constant 0 : i32
        %dma_start3A_2275 = tpu.memref_slice %arg3[%mul3A_15, %dma_start3A_2274] : memref<6400x128xi32, #tpu.memory_space<hbm>> -> memref<4x128xi32, #tpu.memory_space<hbm>>
        tpu.enqueue_dma source(%dma_start3A_2275 : memref<4x128xi32, #tpu.memory_space<hbm>>) target(%dma_start3A_2273 : memref<4x128xi32, #tpu.memory_space<vmem>>) target_semaphore(%run_scoped3A_2263 : memref<!tpu.dma_semaphore, #tpu.memory_space<semaphore_mem>>)
        %dma_wait3A_2276 = arith.constant 0 : i32
        %dma_wait3A_2277 = arith.constant 0 : i32
        %dma_wait3A_2278 = tpu.memref_slice %arg6[%run_scoped3A, %dma_wait3A_2276, %dma_wait3A_2277] : memref<2x4x128xi32, #tpu.memory_space<vmem>> -> memref<1x4x128xi32, #tpu.memory_space<vmem>>
        %dma_wait3A_2279 = tpu.memref_squeeze %dma_wait3A_2278 : memref<1x4x128xi32, #tpu.memory_space<vmem>> -> memref<4x128xi32, #tpu.memory_space<vmem>>
        %dma_wait3A_2280 = arith.constant 0 : i32
        %dma_wait3A_2281 = tpu.memref_slice %arg3[%mul3A_15, %dma_wait3A_2280] : memref<6400x128xi32, #tpu.memory_space<hbm>> -> memref<4x128xi32, #tpu.memory_space<hbm>>
        %dma_wait3A_2282 = arith.constant 0 : i32
        %dma_wait3A_2283 = arith.constant 0 : i32
        %dma_wait3A_2284 = tpu.memref_slice %arg6[%run_scoped3A, %dma_wait3A_2282, %dma_wait3A_2283] : memref<2x4x128xi32, #tpu.memory_space<vmem>> -> memref<1x4x128xi32, #tpu.memory_space<vmem>>
        %dma_wait3A_2285 = tpu.memref_squeeze %dma_wait3A_2284 : memref<1x4x128xi32, #tpu.memory_space<vmem>> -> memref<4x128xi32, #tpu.memory_space<vmem>>
        %dma_wait3A_2286 = arith.constant 0 : i32
        %dma_wait3A_2287 = tpu.memref_slice %arg3[%mul3A_15, %dma_wait3A_2286] : memref<6400x128xi32, #tpu.memory_space<hbm>> -> memref<4x128xi32, #tpu.memory_space<hbm>>
        tpu.wait_dma2 semaphore(%run_scoped3A_2263 : memref<!tpu.dma_semaphore, #tpu.memory_space<semaphore_mem>>) src(%dma_wait3A_2287 : memref<4x128xi32, #tpu.memory_space<hbm>>) dst(%dma_wait3A_2285 : memref<4x128xi32, #tpu.memory_space<vmem>>)
        tpu.yield
      }) : () -> ()
      %iota3A = tpu.iota {dimensions = array<i32: 0>} : vector<16xi32>
      %add3A_16 = arith.constant 0 : i32
      %add3A_17 = vector.broadcast %add3A_16 : i32 to vector<16xi32>
      %add3A_18 = arith.addi %iota3A, %add3A_17 : vector<16xi32>
      %mul3A_19 = arith.constant 4 : i32
      %mul3A_20 = vector.broadcast %mul3A_19 : i32 to vector<16xi32>
      %mul3A_21 = arith.muli %mul3A_20, %add3A_18 : vector<16xi32>
      %add3A_22 = arith.constant 0 : i32
      %add3A_23 = vector.broadcast %add3A_22 : i32 to vector<16xi32>
      %add3A_24 = arith.addi %mul3A_21, %add3A_23 : vector<16xi32>
      %shift_right_logical3A = arith.constant 7 : i32
      %shift_right_logical3A_25 = vector.broadcast %shift_right_logical3A : i32 to vector<16xi32>
      %shift_right_logical3A_26 = arith.shrui %add3A_24, %shift_right_logical3A_25 : vector<16xi32>
      %and3A = arith.constant 127 : i32
      %and3A_27 = vector.broadcast %and3A : i32 to vector<16xi32>
      %and3A_28 = arith.andi %add3A_24, %and3A_27 : vector<16xi32>
      %gather3A = arith.constant 0 : i32
      %gather3A_29 = arith.constant 0 : i32
      %gather3A_30 = arith.constant 0 : i32
      %gather3A_31 = tpu.memref_slice %arg6[%gather3A, %gather3A_29, %gather3A_30] : memref<2x4x128xi32, #tpu.memory_space<vmem>> -> memref<1x4x128xi32, #tpu.memory_space<vmem>>
      %gather3A_32 = tpu.memref_squeeze %gather3A_31 : memref<1x4x128xi32, #tpu.memory_space<vmem>> -> memref<4x128xi32, #tpu.memory_space<vmem>>
      %gather3A_33 = tpu.vector_load_idx %gather3A_32[%shift_right_logical3A_26, %and3A_28] : memref<4x128xi32, #tpu.memory_space<vmem>>[vector<16xi32>, vector<16xi32>], vector<16xi32>,
      %swap3A = arith.constant 0 : i32
      %swap3A_34 = arith.constant 0 : i32
      %swap3A_35 = arith.constant 0 : i32
      %swap3A_36 = arith.constant 0 : i32
      %swap3A_37 = tpu.memref_slice %arg7[%swap3A, %swap3A_35, %swap3A_36] : memref<2x4x128xi32, #tpu.memory_space<vmem>> -> memref<1x4x128xi32, #tpu.memory_space<vmem>>
      %swap3A_38 = tpu.memref_squeeze %swap3A_37 : memref<1x4x128xi32, #tpu.memory_space<vmem>> -> memref<4x128xi32, #tpu.memory_space<vmem>>
      %swap3A_39 = arith.index_cast %swap3A_34 : i32 to index
      %swap3A_40 = arith.constant 0 : index
      %swap3A_41 = tpu.vector_load %swap3A_38[%swap3A_39, %swap3A_40] {strides = array<i32>} : memref<4x128xi32, #tpu.memory_space<vmem>>, vector<16xi32>,
      tpu.vector_store %swap3A_38[%swap3A_39, %swap3A_40], %gather3A_33 {strides = array<i32>} : memref<4x128xi32, #tpu.memory_space<vmem>>, vector<16xi32>,
      %iota3A_42 = tpu.iota {dimensions = array<i32: 0>} : vector<16xi32>
      %add3A_43 = arith.constant 16 : i32
      %add3A_44 = vector.broadcast %add3A_43 : i32 to vector<16xi32>
      %add3A_45 = arith.addi %iota3A_42, %add3A_44 : vector<16xi32>
      %mul3A_46 = arith.constant 4 : i32
      %mul3A_47 = vector.broadcast %mul3A_46 : i32 to vector<16xi32>
      %mul3A_48 = arith.muli %mul3A_47, %add3A_45 : vector<16xi32>
      %add3A_49 = arith.constant 0 : i32
      %add3A_50 = vector.broadcast %add3A_49 : i32 to vector<16xi32>
      %add3A_51 = arith.addi %mul3A_48, %add3A_50 : vector<16xi32>
      %shift_right_logical3A_52 = arith.constant 7 : i32
      %shift_right_logical3A_53 = vector.broadcast %shift_right_logical3A_52 : i32 to vector<16xi32>
      %shift_right_logical3A_54 = arith.shrui %add3A_51, %shift_right_logical3A_53 : vector<16xi32>
      %and3A_55 = arith.constant 127 : i32
      %and3A_56 = vector.broadcast %and3A_55 : i32 to vector<16xi32>
      %and3A_57 = arith.andi %add3A_51, %and3A_56 : vector<16xi32>
      %gather3A_58 = arith.constant 0 : i32
      %gather3A_59 = arith.constant 0 : i32
      %gather3A_60 = arith.constant 0 : i32
      %gather3A_61 = tpu.memref_slice %arg6[%gather3A_58, %gather3A_59, %gather3A_60] : memref<2x4x128xi32, #tpu.memory_space<vmem>> -> memref<1x4x128xi32, #tpu.memory_space<vmem>>
      %gather3A_62 = tpu.memref_squeeze %gather3A_61 : memref<1x4x128xi32, #tpu.memory_space<vmem>> -> memref<4x128xi32, #tpu.memory_space<vmem>>
      %gather3A_63 = tpu.vector_load_idx %gather3A_62[%shift_right_logical3A_54, %and3A_57] : memref<4x128xi32, #tpu.memory_space<vmem>>[vector<16xi32>, vector<16xi32>], vector<16xi32>,
      %swap3A_64 = arith.constant 0 : i32
      %swap3A_65 = arith.constant 0 : i32
      %swap3A_66 = arith.constant 0 : i32
      %swap3A_67 = arith.constant 0 : i32
      %swap3A_68 = tpu.memref_slice %arg7[%swap3A_64, %swap3A_66, %swap3A_67] : memref<2x4x128xi32, #tpu.memory_space<vmem>> -> memref<1x4x128xi32, #tpu.memory_space<vmem>>
      %swap3A_69 = tpu.memref_squeeze %swap3A_68 : memref<1x4x128xi32, #tpu.memory_space<vmem>> -> memref<4x128xi32, #tpu.memory_space<vmem>>
      %swap3A_70 = arith.index_cast %swap3A_65 : i32 to index
      %swap3A_71 = arith.constant 16 : index
      %swap3A_72 = tpu.vector_load %swap3A_69[%swap3A_70, %swap3A_71] {strides = array<i32>} : memref<4x128xi32, #tpu.memory_space<vmem>>, vector<16xi32>,
      tpu.vector_store %swap3A_69[%swap3A_70, %swap3A_71], %gather3A_63 {strides = array<i32>} : memref<4x128xi32, #tpu.memory_space<vmem>>, vector<16xi32>,
      %iota3A_73 = tpu.iota {dimensions = array<i32: 0>} : vector<16xi32>
      %add3A_74 = arith.constant 32 : i32
      %add3A_75 = vector.broadcast %add3A_74 : i32 to vector<16xi32>
      %add3A_76 = arith.addi %iota3A_73, %add3A_75 : vector<16xi32>
      %mul3A_77 = arith.constant 4 : i32
      %mul3A_78 = vector.broadcast %mul3A_77 : i32 to vector<16xi32>
      %mul3A_79 = arith.muli %mul3A_78, %add3A_76 : vector<16xi32>
      %add3A_80 = arith.constant 0 : i32
      %add3A_81 = vector.broadcast %add3A_80 : i32 to vector<16xi32>
      %add3A_82 = arith.addi %mul3A_79, %add3A_81 : vector<16xi32>
      %shift_right_logical3A_83 = arith.constant 7 : i32
      %shift_right_logical3A_84 = vector.broadcast %shift_right_logical3A_83 : i32 to vector<16xi32>
      %shift_right_logical3A_85 = arith.shrui %add3A_82, %shift_right_logical3A_84 : vector<16xi32>
      %and3A_86 = arith.constant 127 : i32
      %and3A_87 = vector.broadcast %and3A_86 : i32 to vector<16xi32>
      %and3A_88 = arith.andi %add3A_82, %and3A_87 : vector<16xi32>
      %gather3A_89 = arith.constant 0 : i32
      %gather3A_90 = arith.constant 0 : i32
      %gather3A_91 = arith.constant 0 : i32
      %gather3A_92 = tpu.memref_slice %arg6[%gather3A_89, %gather3A_90, %gather3A_91] : memref<2x4x128xi32, #tpu.memory_space<vmem>> -> memref<1x4x128xi32, #tpu.memory_space<vmem>>
      %gather3A_93 = tpu.memref_squeeze %gather3A_92 : memref<1x4x128xi32, #tpu.memory_space<vmem>> -> memref<4x128xi32, #tpu.memory_space<vmem>>
      %gather3A_94 = tpu.vector_load_idx %gather3A_93[%shift_right_logical3A_85, %and3A_88] : memref<4x128xi32, #tpu.memory_space<vmem>>[vector<16xi32>, vector<16xi32>], vector<16xi32>,
      %swap3A_95 = arith.constant 0 : i32
      %swap3A_96 = arith.constant 0 : i32
      %swap3A_97 = arith.constant 0 : i32
      %swap3A_98 = arith.constant 0 : i32
      %swap3A_99 = tpu.memref_slice %arg7[%swap3A_95, %swap3A_97, %swap3A_98] : memref<2x4x128xi32, #tpu.memory_space<vmem>> -> memref<1x4x128xi32, #tpu.memory_space<vmem>>
      %swap3A_100 = tpu.memref_squeeze %swap3A_99 : memref<1x4x128xi32, #tpu.memory_space<vmem>> -> memref<4x128xi32, #tpu.memory_space<vmem>>
      %swap3A_101 = arith.index_cast %swap3A_96 : i32 to index
      %swap3A_102 = arith.constant 32 : index
      %swap3A_103 = tpu.vector_load %swap3A_100[%swap3A_101, %swap3A_102] {strides = array<i32>} : memref<4x128xi32, #tpu.memory_space<vmem>>, vector<16xi32>,
      tpu.vector_store %swap3A_100[%swap3A_101, %swap3A_102], %gather3A_94 {strides = array<i32>} : memref<4x128xi32, #tpu.memory_space<vmem>>, vector<16xi32>,
      %iota3A_104 = tpu.iota {dimensions = array<i32: 0>} : vector<16xi32>
      %add3A_105 = arith.constant 48 : i32
      %add3A_106 = vector.broadcast %add3A_105 : i32 to vector<16xi32>
      %add3A_107 = arith.addi %iota3A_104, %add3A_106 : vector<16xi32>
      %mul3A_108 = arith.constant 4 : i32
      %mul3A_109 = vector.broadcast %mul3A_108 : i32 to vector<16xi32>
      %mul3A_110 = arith.muli %mul3A_109, %add3A_107 : vector<16xi32>
      %add3A_111 = arith.constant 0 : i32
      %add3A_112 = vector.broadcast %add3A_111 : i32 to vector<16xi32>
      %add3A_113 = arith.addi %mul3A_110, %add3A_112 : vector<16xi32>
      %shift_right_logical3A_114 = arith.constant 7 : i32
      %shift_right_logical3A_115 = vector.broadcast %shift_right_logical3A_114 : i32 to vector<16xi32>
      %shift_right_logical3A_116 = arith.shrui %add3A_113, %shift_right_logical3A_115 : vector<16xi32>
      %and3A_117 = arith.constant 127 : i32
      %and3A_118 = vector.broadcast %and3A_117 : i32 to vector<16xi32>
      %and3A_119 = arith.andi %add3A_113, %and3A_118 : vector<16xi32>
      %gather3A_120 = arith.constant 0 : i32
      %gather3A_121 = arith.constant 0 : i32
      %gather3A_122 = arith.constant 0 : i32
      %gather3A_123 = tpu.memref_slice %arg6[%gather3A_120, %gather3A_121, %gather3A_122] : memref<2x4x128xi32, #tpu.memory_space<vmem>> -> memref<1x4x128xi32, #tpu.memory_space<vmem>>
      %gather3A_124 = tpu.memref_squeeze %gather3A_123 : memref<1x4x128xi32, #tpu.memory_space<vmem>> -> memref<4x128xi32, #tpu.memory_space<vmem>>
      %gather3A_125 = tpu.vector_load_idx %gather3A_124[%shift_right_logical3A_116, %and3A_119] : memref<4x128xi32, #tpu.memory_space<vmem>>[vector<16xi32>, vector<16xi32>], vector<16xi32>,
      %swap3A_126 = arith.constant 0 : i32
      %swap3A_127 = arith.constant 0 : i32
      %swap3A_128 = arith.constant 0 : i32
      %swap3A_129 = arith.constant 0 : i32
      %swap3A_130 = tpu.memref_slice %arg7[%swap3A_126, %swap3A_128, %swap3A_129] : memref<2x4x128xi32, #tpu.memory_space<vmem>> -> memref<1x4x128xi32, #tpu.memory_space<vmem>>
      %swap3A_131 = tpu.memref_squeeze %swap3A_130 : memref<1x4x128xi32, #tpu.memory_space<vmem>> -> memref<4x128xi32, #tpu.memory_space<vmem>>
      %swap3A_132 = arith.index_cast %swap3A_127 : i32 to index
      %swap3A_133 = arith.constant 48 : index
      %swap3A_134 = tpu.vector_load %swap3A_131[%swap3A_132, %swap3A_133] {strides = array<i32>} : memref<4x128xi32, #tpu.memory_space<vmem>>, vector<16xi32>,
      tpu.vector_store %swap3A_131[%swap3A_132, %swap3A_133], %gather3A_125 {strides = array<i32>} : memref<4x128xi32, #tpu.memory_space<vmem>>, vector<16xi32>,
      %iota3A_135 = tpu.iota {dimensions = array<i32: 0>} : vector<16xi32>
      %add3A_136 = arith.constant 64 : i32
      %add3A_137 = vector.broadcast %add3A_136 : i32 to vector<16xi32>
      %add3A_138 = arith.addi %iota3A_135, %add3A_137 : vector<16xi32>
      %mul3A_139 = arith.constant 4 : i32
      %mul3A_140 = vector.broadcast %mul3A_139 : i32 to vector<16xi32>
      %mul3A_141 = arith.muli %mul3A_140, %add3A_138 : vector<16xi32>
      %add3A_142 = arith.constant 0 : i32
      %add3A_143 = vector.broadcast %add3A_142 : i32 to vector<16xi32>
      %add3A_144 = arith.addi %mul3A_141, %add3A_143 : vector<16xi32>
      %shift_right_logical3A_145 = arith.constant 7 : i32
      %shift_right_logical3A_146 = vector.broadcast %shift_right_logical3A_145 : i32 to vector<16xi32>
      %shift_right_logical3A_147 = arith.shrui %add3A_144, %shift_right_logical3A_146 : vector<16xi32>
      %and3A_148 = arith.constant 127 : i32
      %and3A_149 = vector.broadcast %and3A_148 : i32 to vector<16xi32>
      %and3A_150 = arith.andi %add3A_144, %and3A_149 : vector<16xi32>
      %gather3A_151 = arith.constant 0 : i32
      %gather3A_152 = arith.constant 0 : i32
      %gather3A_153 = arith.constant 0 : i32
      %gather3A_154 = tpu.memref_slice %arg6[%gather3A_151, %gather3A_152, %gather3A_153] : memref<2x4x128xi32, #tpu.memory_space<vmem>> -> memref<1x4x128xi32, #tpu.memory_space<vmem>>
      %gather3A_155 = tpu.memref_squeeze %gather3A_154 : memref<1x4x128xi32, #tpu.memory_space<vmem>> -> memref<4x128xi32, #tpu.memory_space<vmem>>
      %gather3A_156 = tpu.vector_load_idx %gather3A_155[%shift_right_logical3A_147, %and3A_150] : memref<4x128xi32, #tpu.memory_space<vmem>>[vector<16xi32>, vector<16xi32>], vector<16xi32>,
      %swap3A_157 = arith.constant 0 : i32
      %swap3A_158 = arith.constant 0 : i32
      %swap3A_159 = arith.constant 0 : i32
      %swap3A_160 = arith.constant 0 : i32
      %swap3A_161 = tpu.memref_slice %arg7[%swap3A_157, %swap3A_159, %swap3A_160] : memref<2x4x128xi32, #tpu.memory_space<vmem>> -> memref<1x4x128xi32, #tpu.memory_space<vmem>>
      %swap3A_162 = tpu.memref_squeeze %swap3A_161 : memref<1x4x128xi32, #tpu.memory_space<vmem>> -> memref<4x128xi32, #tpu.memory_space<vmem>>
      %swap3A_163 = arith.index_cast %swap3A_158 : i32 to index
      %swap3A_164 = arith.constant 64 : index
      %swap3A_165 = tpu.vector_load %swap3A_162[%swap3A_163, %swap3A_164] {strides = array<i32>} : memref<4x128xi32, #tpu.memory_space<vmem>>, vector<16xi32>,
      tpu.vector_store %swap3A_162[%swap3A_163, %swap3A_164], %gather3A_156 {strides = array<i32>} : memref<4x128xi32, #tpu.memory_space<vmem>>, vector<16xi32>,
      %iota3A_166 = tpu.iota {dimensions = array<i32: 0>} : vector<16xi32>
      %add3A_167 = arith.constant 80 : i32
      %add3A_168 = vector.broadcast %add3A_167 : i32 to vector<16xi32>
      %add3A_169 = arith.addi %iota3A_166, %add3A_168 : vector<16xi32>
      %mul3A_170 = arith.constant 4 : i32
      %mul3A_171 = vector.broadcast %mul3A_170 : i32 to vector<16xi32>
      %mul3A_172 = arith.muli %mul3A_171, %add3A_169 : vector<16xi32>
      %add3A_173 = arith.constant 0 : i32
      %add3A_174 = vector.broadcast %add3A_173 : i32 to vector<16xi32>
      %add3A_175 = arith.addi %mul3A_172, %add3A_174 : vector<16xi32>
      %shift_right_logical3A_176 = arith.constant 7 : i32
      %shift_right_logical3A_177 = vector.broadcast %shift_right_logical3A_176 : i32 to vector<16xi32>
      %shift_right_logical3A_178 = arith.shrui %add3A_175, %shift_right_logical3A_177 : vector<16xi32>
      %and3A_179 = arith.constant 127 : i32
      %and3A_180 = vector.broadcast %and3A_179 : i32 to vector<16xi32>
      %and3A_181 = arith.andi %add3A_175, %and3A_180 : vector<16xi32>
      %gather3A_182 = arith.constant 0 : i32
      %gather3A_183 = arith.constant 0 : i32
      %gather3A_184 = arith.constant 0 : i32
      %gather3A_185 = tpu.memref_slice %arg6[%gather3A_182, %gather3A_183, %gather3A_184] : memref<2x4x128xi32, #tpu.memory_space<vmem>> -> memref<1x4x128xi32, #tpu.memory_space<vmem>>
      %gather3A_186 = tpu.memref_squeeze %gather3A_185 : memref<1x4x128xi32, #tpu.memory_space<vmem>> -> memref<4x128xi32, #tpu.memory_space<vmem>>
      %gather3A_187 = tpu.vector_load_idx %gather3A_186[%shift_right_logical3A_178, %and3A_181] : memref<4x128xi32, #tpu.memory_space<vmem>>[vector<16xi32>, vector<16xi32>], vector<16xi32>,
      %swap3A_188 = arith.constant 0 : i32
      %swap3A_189 = arith.constant 0 : i32
      %swap3A_190 = arith.constant 0 : i32
      %swap3A_191 = arith.constant 0 : i32
      %swap3A_192 = tpu.memref_slice %arg7[%swap3A_188, %swap3A_190, %swap3A_191] : memref<2x4x128xi32, #tpu.memory_space<vmem>> -> memref<1x4x128xi32, #tpu.memory_space<vmem>>
      %swap3A_193 = tpu.memref_squeeze %swap3A_192 : memref<1x4x128xi32, #tpu.memory_space<vmem>> -> memref<4x128xi32, #tpu.memory_space<vmem>>
      %swap3A_194 = arith.index_cast %swap3A_189 : i32 to index
      %swap3A_195 = arith.constant 80 : index
      %swap3A_196 = tpu.vector_load %swap3A_193[%swap3A_194, %swap3A_195] {strides = array<i32>} : memref<4x128xi32, #tpu.memory_space<vmem>>, vector<16xi32>,
      tpu.vector_store %swap3A_193[%swap3A_194, %swap3A_195], %gather3A_187 {strides = array<i32>} : memref<4x128xi32, #tpu.memory_space<vmem>>, vector<16xi32>,
      %iota3A_197 = tpu.iota {dimensions = array<i32: 0>} : vector<16xi32>
      %add3A_198 = arith.constant 96 : i32
      %add3A_199 = vector.broadcast %add3A_198 : i32 to vector<16xi32>
      %add3A_200 = arith.addi %iota3A_197, %add3A_199 : vector<16xi32>
      %mul3A_201 = arith.constant 4 : i32
      %mul3A_202 = vector.broadcast %mul3A_201 : i32 to vector<16xi32>
      %mul3A_203 = arith.muli %mul3A_202, %add3A_200 : vector<16xi32>
      %add3A_204 = arith.constant 0 : i32
      %add3A_205 = vector.broadcast %add3A_204 : i32 to vector<16xi32>
      %add3A_206 = arith.addi %mul3A_203, %add3A_205 : vector<16xi32>
      %shift_right_logical3A_207 = arith.constant 7 : i32
      %shift_right_logical3A_208 = vector.broadcast %shift_right_logical3A_207 : i32 to vector<16xi32>
      %shift_right_logical3A_209 = arith.shrui %add3A_206, %shift_right_logical3A_208 : vector<16xi32>
      %and3A_210 = arith.constant 127 : i32
      %and3A_211 = vector.broadcast %and3A_210 : i32 to vector<16xi32>
      %and3A_212 = arith.andi %add3A_206, %and3A_211 : vector<16xi32>
      %gather3A_213 = arith.constant 0 : i32
      %gather3A_214 = arith.constant 0 : i32
      %gather3A_215 = arith.constant 0 : i32
      %gather3A_216 = tpu.memref_slice %arg6[%gather3A_213, %gather3A_214, %gather3A_215] : memref<2x4x128xi32, #tpu.memory_space<vmem>> -> memref<1x4x128xi32, #tpu.memory_space<vmem>>
      %gather3A_217 = tpu.memref_squeeze %gather3A_216 : memref<1x4x128xi32, #tpu.memory_space<vmem>> -> memref<4x128xi32, #tpu.memory_space<vmem>>
      %gather3A_218 = tpu.vector_load_idx %gather3A_217[%shift_right_logical3A_209, %and3A_212] : memref<4x128xi32, #tpu.memory_space<vmem>>[vector<16xi32>, vector<16xi32>], vector<16xi32>,
      %swap3A_219 = arith.constant 0 : i32
      %swap3A_220 = arith.constant 0 : i32
      %swap3A_221 = arith.constant 0 : i32
      %swap3A_222 = arith.constant 0 : i32
      %swap3A_223 = tpu.memref_slice %arg7[%swap3A_219, %swap3A_221, %swap3A_222] : memref<2x4x128xi32, #tpu.memory_space<vmem>> -> memref<1x4x128xi32, #tpu.memory_space<vmem>>
      %swap3A_224 = tpu.memref_squeeze %swap3A_223 : memref<1x4x128xi32, #tpu.memory_space<vmem>> -> memref<4x128xi32, #tpu.memory_space<vmem>>
      %swap3A_225 = arith.index_cast %swap3A_220 : i32 to index
      %swap3A_226 = arith.constant 96 : index
      %swap3A_227 = tpu.vector_load %swap3A_224[%swap3A_225, %swap3A_226] {strides = array<i32>} : memref<4x128xi32, #tpu.memory_space<vmem>>, vector<16xi32>,
      tpu.vector_store %swap3A_224[%swap3A_225, %swap3A_226], %gather3A_218 {strides = array<i32>} : memref<4x128xi32, #tpu.memory_space<vmem>>, vector<16xi32>,
      %iota3A_228 = tpu.iota {dimensions = array<i32: 0>} : vector<16xi32>
      %add3A_229 = arith.constant 112 : i32
      %add3A_230 = vector.broadcast %add3A_229 : i32 to vector<16xi32>
      %add3A_231 = arith.addi %iota3A_228, %add3A_230 : vector<16xi32>
      %mul3A_232 = arith.constant 4 : i32
      %mul3A_233 = vector.broadcast %mul3A_232 : i32 to vector<16xi32>
      %mul3A_234 = arith.muli %mul3A_233, %add3A_231 : vector<16xi32>
      %add3A_235 = arith.constant 0 : i32
      %add3A_236 = vector.broadcast %add3A_235 : i32 to vector<16xi32>
      %add3A_237 = arith.addi %mul3A_234, %add3A_236 : vector<16xi32>
      %shift_right_logical3A_238 = arith.constant 7 : i32
      %shift_right_logical3A_239 = vector.broadcast %shift_right_logical3A_238 : i32 to vector<16xi32>
      %shift_right_logical3A_240 = arith.shrui %add3A_237, %shift_right_logical3A_239 : vector<16xi32>
      %and3A_241 = arith.constant 127 : i32
      %and3A_242 = vector.broadcast %and3A_241 : i32 to vector<16xi32>
      %and3A_243 = arith.andi %add3A_237, %and3A_242 : vector<16xi32>
      %gather3A_244 = arith.constant 0 : i32
      %gather3A_245 = arith.constant 0 : i32
      %gather3A_246 = arith.constant 0 : i32
      %gather3A_247 = tpu.memref_slice %arg6[%gather3A_244, %gather3A_245, %gather3A_246] : memref<2x4x128xi32, #tpu.memory_space<vmem>> -> memref<1x4x128xi32, #tpu.memory_space<vmem>>
      %gather3A_248 = tpu.memref_squeeze %gather3A_247 : memref<1x4x128xi32, #tpu.memory_space<vmem>> -> memref<4x128xi32, #tpu.memory_space<vmem>>
      %gather3A_249 = tpu.vector_load_idx %gather3A_248[%shift_right_logical3A_240, %and3A_243] : memref<4x128xi32, #tpu.memory_space<vmem>>[vector<16xi32>, vector<16xi32>], vector<16xi32>,
      %swap3A_250 = arith.constant 0 : i32
      %swap3A_251 = arith.constant 0 : i32
      %swap3A_252 = arith.constant 0 : i32
      %swap3A_253 = arith.constant 0 : i32
      %swap3A_254 = tpu.memref_slice %arg7[%swap3A_250, %swap3A_252, %swap3A_253] : memref<2x4x128xi32, #tpu.memory_space<vmem>> -> memref<1x4x128xi32, #tpu.memory_space<vmem>>
      %swap3A_255 = tpu.memref_squeeze %swap3A_254 : memref<1x4x128xi32, #tpu.memory_space<vmem>> -> memref<4x128xi32, #tpu.memory_space<vmem>>
      %swap3A_256 = arith.index_cast %swap3A_251 : i32 to index
      %swap3A_257 = arith.constant 112 : index
      %swap3A_258 = tpu.vector_load %swap3A_255[%swap3A_256, %swap3A_257] {strides = array<i32>} : memref<4x128xi32, #tpu.memory_space<vmem>>, vector<16xi32>,
      tpu.vector_store %swap3A_255[%swap3A_256, %swap3A_257], %gather3A_249 {strides = array<i32>} : memref<4x128xi32, #tpu.memory_space<vmem>>, vector<16xi32>,
      %iota3A_259 = tpu.iota {dimensions = array<i32: 0>} : vector<16xi32>
      %add3A_260 = arith.constant 0 : i32
      %add3A_261 = vector.broadcast %add3A_260 : i32 to vector<16xi32>
      %add3A_262 = arith.addi %iota3A_259, %add3A_261 : vector<16xi32>
      %mul3A_263 = arith.constant 4 : i32
      %mul3A_264 = vector.broadcast %mul3A_263 : i32 to vector<16xi32>
      %mul3A_265 = arith.muli %mul3A_264, %add3A_262 : vector<16xi32>
      %add3A_266 = arith.constant 1 : i32
      %add3A_267 = vector.broadcast %add3A_266 : i32 to vector<16xi32>
      %add3A_268 = arith.addi %mul3A_265, %add3A_267 : vector<16xi32>
      %shift_right_logical3A_269 = arith.constant 7 : i32
      %shift_right_logical3A_270 = vector.broadcast %shift_right_logical3A_269 : i32 to vector<16xi32>
      %shift_right_logical3A_271 = arith.shrui %add3A_268, %shift_right_logical3A_270 : vector<16xi32>
      %and3A_272 = arith.constant 127 : i32
      %and3A_273 = vector.broadcast %and3A_272 : i32 to vector<16xi32>
      %and3A_274 = arith.andi %add3A_268, %and3A_273 : vector<16xi32>
      %gather3A_275 = arith.constant 0 : i32
      %gather3A_276 = arith.constant 0 : i32
      %gather3A_277 = arith.constant 0 : i32
      %gather3A_278 = tpu.memref_slice %arg6[%gather3A_275, %gather3A_276, %gather3A_277] : memref<2x4x128xi32, #tpu.memory_space<vmem>> -> memref<1x4x128xi32, #tpu.memory_space<vmem>>
      %gather3A_279 = tpu.memref_squeeze %gather3A_278 : memref<1x4x128xi32, #tpu.memory_space<vmem>> -> memref<4x128xi32, #tpu.memory_space<vmem>>
      %gather3A_280 = tpu.vector_load_idx %gather3A_279[%shift_right_logical3A_271, %and3A_274] : memref<4x128xi32, #tpu.memory_space<vmem>>[vector<16xi32>, vector<16xi32>], vector<16xi32>,
      %swap3A_281 = arith.constant 0 : i32
      %swap3A_282 = arith.constant 1 : i32
      %swap3A_283 = arith.constant 0 : i32
      %swap3A_284 = arith.constant 0 : i32
      %swap3A_285 = tpu.memref_slice %arg7[%swap3A_281, %swap3A_283, %swap3A_284] : memref<2x4x128xi32, #tpu.memory_space<vmem>> -> memref<1x4x128xi32, #tpu.memory_space<vmem>>
      %swap3A_286 = tpu.memref_squeeze %swap3A_285 : memref<1x4x128xi32, #tpu.memory_space<vmem>> -> memref<4x128xi32, #tpu.memory_space<vmem>>
      %swap3A_287 = arith.index_cast %swap3A_282 : i32 to index
      %swap3A_288 = arith.constant 0 : index
      %swap3A_289 = tpu.vector_load %swap3A_286[%swap3A_287, %swap3A_288] {strides = array<i32>} : memref<4x128xi32, #tpu.memory_space<vmem>>, vector<16xi32>,
      tpu.vector_store %swap3A_286[%swap3A_287, %swap3A_288], %gather3A_280 {strides = array<i32>} : memref<4x128xi32, #tpu.memory_space<vmem>>, vector<16xi32>,
      %iota3A_290 = tpu.iota {dimensions = array<i32: 0>} : vector<16xi32>
      %add3A_291 = arith.constant 16 : i32
      %add3A_292 = vector.broadcast %add3A_291 : i32 to vector<16xi32>
      %add3A_293 = arith.addi %iota3A_290, %add3A_292 : vector<16xi32>
      %mul3A_294 = arith.constant 4 : i32
      %mul3A_295 = vector.broadcast %mul3A_294 : i32 to vector<16xi32>
      %mul3A_296 = arith.muli %mul3A_295, %add3A_293 : vector<16xi32>
      %add3A_297 = arith.constant 1 : i32
      %add3A_298 = vector.broadcast %add3A_297 : i32 to vector<16xi32>
      %add3A_299 = arith.addi %mul3A_296, %add3A_298 : vector<16xi32>
      %shift_right_logical3A_300 = arith.constant 7 : i32
      %shift_right_logical3A_301 = vector.broadcast %shift_right_logical3A_300 : i32 to vector<16xi32>
      %shift_right_logical3A_302 = arith.shrui %add3A_299, %shift_right_logical3A_301 : vector<16xi32>
      %and3A_303 = arith.constant 127 : i32
      %and3A_304 = vector.broadcast %and3A_303 : i32 to vector<16xi32>
      %and3A_305 = arith.andi %add3A_299, %and3A_304 : vector<16xi32>
      %gather3A_306 = arith.constant 0 : i32
      %gather3A_307 = arith.constant 0 : i32
      %gather3A_308 = arith.constant 0 : i32
      %gather3A_309 = tpu.memref_slice %arg6[%gather3A_306, %gather3A_307, %gather3A_308] : memref<2x4x128xi32, #tpu.memory_space<vmem>> -> memref<1x4x128xi32, #tpu.memory_space<vmem>>
      %gather3A_310 = tpu.memref_squeeze %gather3A_309 : memref<1x4x128xi32, #tpu.memory_space<vmem>> -> memref<4x128xi32, #tpu.memory_space<vmem>>
      %gather3A_311 = tpu.vector_load_idx %gather3A_310[%shift_right_logical3A_302, %and3A_305] : memref<4x128xi32, #tpu.memory_space<vmem>>[vector<16xi32>, vector<16xi32>], vector<16xi32>,
      %swap3A_312 = arith.constant 0 : i32
      %swap3A_313 = arith.constant 1 : i32
      %swap3A_314 = arith.constant 0 : i32
      %swap3A_315 = arith.constant 0 : i32
      %swap3A_316 = tpu.memref_slice %arg7[%swap3A_312, %swap3A_314, %swap3A_315] : memref<2x4x128xi32, #tpu.memory_space<vmem>> -> memref<1x4x128xi32, #tpu.memory_space<vmem>>
      %swap3A_317 = tpu.memref_squeeze %swap3A_316 : memref<1x4x128xi32, #tpu.memory_space<vmem>> -> memref<4x128xi32, #tpu.memory_space<vmem>>
      %swap3A_318 = arith.index_cast %swap3A_313 : i32 to index
      %swap3A_319 = arith.constant 16 : index
      %swap3A_320 = tpu.vector_load %swap3A_317[%swap3A_318, %swap3A_319] {strides = array<i32>} : memref<4x128xi32, #tpu.memory_space<vmem>>, vector<16xi32>,
      tpu.vector_store %swap3A_317[%swap3A_318, %swap3A_319], %gather3A_311 {strides = array<i32>} : memref<4x128xi32, #tpu.memory_space<vmem>>, vector<16xi32>,
      %iota3A_321 = tpu.iota {dimensions = array<i32: 0>} : vector<16xi32>
      %add3A_322 = arith.constant 32 : i32
      %add3A_323 = vector.broadcast %add3A_322 : i32 to vector<16xi32>
      %add3A_324 = arith.addi %iota3A_321, %add3A_323 : vector<16xi32>
      %mul3A_325 = arith.constant 4 : i32
      %mul3A_326 = vector.broadcast %mul3A_325 : i32 to vector<16xi32>
      %mul3A_327 = arith.muli %mul3A_326, %add3A_324 : vector<16xi32>
      %add3A_328 = arith.constant 1 : i32
      %add3A_329 = vector.broadcast %add3A_328 : i32 to vector<16xi32>
      %add3A_330 = arith.addi %mul3A_327, %add3A_329 : vector<16xi32>
      %shift_right_logical3A_331 = arith.constant 7 : i32
      %shift_right_logical3A_332 = vector.broadcast %shift_right_logical3A_331 : i32 to vector<16xi32>
      %shift_right_logical3A_333 = arith.shrui %add3A_330, %shift_right_logical3A_332 : vector<16xi32>
      %and3A_334 = arith.constant 127 : i32
      %and3A_335 = vector.broadcast %and3A_334 : i32 to vector<16xi32>
      %and3A_336 = arith.andi %add3A_330, %and3A_335 : vector<16xi32>
      %gather3A_337 = arith.constant 0 : i32
      %gather3A_338 = arith.constant 0 : i32
      %gather3A_339 = arith.constant 0 : i32
      %gather3A_340 = tpu.memref_slice %arg6[%gather3A_337, %gather3A_338, %gather3A_339] : memref<2x4x128xi32, #tpu.memory_space<vmem>> -> memref<1x4x128xi32, #tpu.memory_space<vmem>>
      %gather3A_341 = tpu.memref_squeeze %gather3A_340 : memref<1x4x128xi32, #tpu.memory_space<vmem>> -> memref<4x128xi32, #tpu.memory_space<vmem>>
      %gather3A_342 = tpu.vector_load_idx %gather3A_341[%shift_right_logical3A_333, %and3A_336] : memref<4x128xi32, #tpu.memory_space<vmem>>[vector<16xi32>, vector<16xi32>], vector<16xi32>,
      %swap3A_343 = arith.constant 0 : i32
      %swap3A_344 = arith.constant 1 : i32
      %swap3A_345 = arith.constant 0 : i32
      %swap3A_346 = arith.constant 0 : i32
      %swap3A_347 = tpu.memref_slice %arg7[%swap3A_343, %swap3A_345, %swap3A_346] : memref<2x4x128xi32, #tpu.memory_space<vmem>> -> memref<1x4x128xi32, #tpu.memory_space<vmem>>
      %swap3A_348 = tpu.memref_squeeze %swap3A_347 : memref<1x4x128xi32, #tpu.memory_space<vmem>> -> memref<4x128xi32, #tpu.memory_space<vmem>>
      %swap3A_349 = arith.index_cast %swap3A_344 : i32 to index
      %swap3A_350 = arith.constant 32 : index
      %swap3A_351 = tpu.vector_load %swap3A_348[%swap3A_349, %swap3A_350] {strides = array<i32>} : memref<4x128xi32, #tpu.memory_space<vmem>>, vector<16xi32>,
      tpu.vector_store %swap3A_348[%swap3A_349, %swap3A_350], %gather3A_342 {strides = array<i32>} : memref<4x128xi32, #tpu.memory_space<vmem>>, vector<16xi32>,
      %iota3A_352 = tpu.iota {dimensions = array<i32: 0>} : vector<16xi32>
      %add3A_353 = arith.constant 48 : i32
      %add3A_354 = vector.broadcast %add3A_353 : i32 to vector<16xi32>
      %add3A_355 = arith.addi %iota3A_352, %add3A_354 : vector<16xi32>
      %mul3A_356 = arith.constant 4 : i32
      %mul3A_357 = vector.broadcast %mul3A_356 : i32 to vector<16xi32>
      %mul3A_358 = arith.muli %mul3A_357, %add3A_355 : vector<16xi32>
      %add3A_359 = arith.constant 1 : i32
      %add3A_360 = vector.broadcast %add3A_359 : i32 to vector<16xi32>
      %add3A_361 = arith.addi %mul3A_358, %add3A_360 : vector<16xi32>
      %shift_right_logical3A_362 = arith.constant 7 : i32
      %shift_right_logical3A_363 = vector.broadcast %shift_right_logical3A_362 : i32 to vector<16xi32>
      %shift_right_logical3A_364 = arith.shrui %add3A_361, %shift_right_logical3A_363 : vector<16xi32>
      %and3A_365 = arith.constant 127 : i32
      %and3A_366 = vector.broadcast %and3A_365 : i32 to vector<16xi32>
      %and3A_367 = arith.andi %add3A_361, %and3A_366 : vector<16xi32>
      %gather3A_368 = arith.constant 0 : i32
      %gather3A_369 = arith.constant 0 : i32
      %gather3A_370 = arith.constant 0 : i32
      %gather3A_371 = tpu.memref_slice %arg6[%gather3A_368, %gather3A_369, %gather3A_370] : memref<2x4x128xi32, #tpu.memory_space<vmem>> -> memref<1x4x128xi32, #tpu.memory_space<vmem>>
      %gather3A_372 = tpu.memref_squeeze %gather3A_371 : memref<1x4x128xi32, #tpu.memory_space<vmem>> -> memref<4x128xi32, #tpu.memory_space<vmem>>
      %gather3A_373 = tpu.vector_load_idx %gather3A_372[%shift_right_logical3A_364, %and3A_367] : memref<4x128xi32, #tpu.memory_space<vmem>>[vector<16xi32>, vector<16xi32>], vector<16xi32>,
      %swap3A_374 = arith.constant 0 : i32
      %swap3A_375 = arith.constant 1 : i32
      %swap3A_376 = arith.constant 0 : i32
      %swap3A_377 = arith.constant 0 : i32
      %swap3A_378 = tpu.memref_slice %arg7[%swap3A_374, %swap3A_376, %swap3A_377] : memref<2x4x128xi32, #tpu.memory_space<vmem>> -> memref<1x4x128xi32, #tpu.memory_space<vmem>>
      %swap3A_379 = tpu.memref_squeeze %swap3A_378 : memref<1x4x128xi32, #tpu.memory_space<vmem>> -> memref<4x128xi32, #tpu.memory_space<vmem>>
      %swap3A_380 = arith.index_cast %swap3A_375 : i32 to index
      %swap3A_381 = arith.constant 48 : index
      %swap3A_382 = tpu.vector_load %swap3A_379[%swap3A_380, %swap3A_381] {strides = array<i32>} : memref<4x128xi32, #tpu.memory_space<vmem>>, vector<16xi32>,
      tpu.vector_store %swap3A_379[%swap3A_380, %swap3A_381], %gather3A_373 {strides = array<i32>} : memref<4x128xi32, #tpu.memory_space<vmem>>, vector<16xi32>,
      %iota3A_383 = tpu.iota {dimensions = array<i32: 0>} : vector<16xi32>
      %add3A_384 = arith.constant 64 : i32
      %add3A_385 = vector.broadcast %add3A_384 : i32 to vector<16xi32>
      %add3A_386 = arith.addi %iota3A_383, %add3A_385 : vector<16xi32>
      %mul3A_387 = arith.constant 4 : i32
      %mul3A_388 = vector.broadcast %mul3A_387 : i32 to vector<16xi32>
      %mul3A_389 = arith.muli %mul3A_388, %add3A_386 : vector<16xi32>
      %add3A_390 = arith.constant 1 : i32
      %add3A_391 = vector.broadcast %add3A_390 : i32 to vector<16xi32>
      %add3A_392 = arith.addi %mul3A_389, %add3A_391 : vector<16xi32>
      %shift_right_logical3A_393 = arith.constant 7 : i32
      %shift_right_logical3A_394 = vector.broadcast %shift_right_logical3A_393 : i32 to vector<16xi32>
      %shift_right_logical3A_395 = arith.shrui %add3A_392, %shift_right_logical3A_394 : vector<16xi32>
      %and3A_396 = arith.constant 127 : i32
      %and3A_397 = vector.broadcast %and3A_396 : i32 to vector<16xi32>
      %and3A_398 = arith.andi %add3A_392, %and3A_397 : vector<16xi32>
      %gather3A_399 = arith.constant 0 : i32
      %gather3A_400 = arith.constant 0 : i32
      %gather3A_401 = arith.constant 0 : i32
      %gather3A_402 = tpu.memref_slice %arg6[%gather3A_399, %gather3A_400, %gather3A_401] : memref<2x4x128xi32, #tpu.memory_space<vmem>> -> memref<1x4x128xi32, #tpu.memory_space<vmem>>
      %gather3A_403 = tpu.memref_squeeze %gather3A_402 : memref<1x4x128xi32, #tpu.memory_space<vmem>> -> memref<4x128xi32, #tpu.memory_space<vmem>>
      %gather3A_404 = tpu.vector_load_idx %gather3A_403[%shift_right_logical3A_395, %and3A_398] : memref<4x128xi32, #tpu.memory_space<vmem>>[vector<16xi32>, vector<16xi32>], vector<16xi32>,
      %swap3A_405 = arith.constant 0 : i32
      %swap3A_406 = arith.constant 1 : i32
      %swap3A_407 = arith.constant 0 : i32
      %swap3A_408 = arith.constant 0 : i32
      %swap3A_409 = tpu.memref_slice %arg7[%swap3A_405, %swap3A_407, %swap3A_408] : memref<2x4x128xi32, #tpu.memory_space<vmem>> -> memref<1x4x128xi32, #tpu.memory_space<vmem>>
      %swap3A_410 = tpu.memref_squeeze %swap3A_409 : memref<1x4x128xi32, #tpu.memory_space<vmem>> -> memref<4x128xi32, #tpu.memory_space<vmem>>
      %swap3A_411 = arith.index_cast %swap3A_406 : i32 to index
      %swap3A_412 = arith.constant 64 : index
      %swap3A_413 = tpu.vector_load %swap3A_410[%swap3A_411, %swap3A_412] {strides = array<i32>} : memref<4x128xi32, #tpu.memory_space<vmem>>, vector<16xi32>,
      tpu.vector_store %swap3A_410[%swap3A_411, %swap3A_412], %gather3A_404 {strides = array<i32>} : memref<4x128xi32, #tpu.memory_space<vmem>>, vector<16xi32>,
      %iota3A_414 = tpu.iota {dimensions = array<i32: 0>} : vector<16xi32>
      %add3A_415 = arith.constant 80 : i32
      %add3A_416 = vector.broadcast %add3A_415 : i32 to vector<16xi32>
      %add3A_417 = arith.addi %iota3A_414, %add3A_416 : vector<16xi32>
      %mul3A_418 = arith.constant 4 : i32
      %mul3A_419 = vector.broadcast %mul3A_418 : i32 to vector<16xi32>
      %mul3A_420 = arith.muli %mul3A_419, %add3A_417 : vector<16xi32>
      %add3A_421 = arith.constant 1 : i32
      %add3A_422 = vector.broadcast %add3A_421 : i32 to vector<16xi32>
      %add3A_423 = arith.addi %mul3A_420, %add3A_422 : vector<16xi32>
      %shift_right_logical3A_424 = arith.constant 7 : i32
      %shift_right_logical3A_425 = vector.broadcast %shift_right_logical3A_424 : i32 to vector<16xi32>
      %shift_right_logical3A_426 = arith.shrui %add3A_423, %shift_right_logical3A_425 : vector<16xi32>
      %and3A_427 = arith.constant 127 : i32
      %and3A_428 = vector.broadcast %and3A_427 : i32 to vector<16xi32>
      %and3A_429 = arith.andi %add3A_423, %and3A_428 : vector<16xi32>
      %gather3A_430 = arith.constant 0 : i32
      %gather3A_431 = arith.constant 0 : i32
      %gather3A_432 = arith.constant 0 : i32
      %gather3A_433 = tpu.memref_slice %arg6[%gather3A_430, %gather3A_431, %gather3A_432] : memref<2x4x128xi32, #tpu.memory_space<vmem>> -> memref<1x4x128xi32, #tpu.memory_space<vmem>>
      %gather3A_434 = tpu.memref_squeeze %gather3A_433 : memref<1x4x128xi32, #tpu.memory_space<vmem>> -> memref<4x128xi32, #tpu.memory_space<vmem>>
      %gather3A_435 = tpu.vector_load_idx %gather3A_434[%shift_right_logical3A_426, %and3A_429] : memref<4x128xi32, #tpu.memory_space<vmem>>[vector<16xi32>, vector<16xi32>], vector<16xi32>,
      %swap3A_436 = arith.constant 0 : i32
      %swap3A_437 = arith.constant 1 : i32
      %swap3A_438 = arith.constant 0 : i32
      %swap3A_439 = arith.constant 0 : i32
      %swap3A_440 = tpu.memref_slice %arg7[%swap3A_436, %swap3A_438, %swap3A_439] : memref<2x4x128xi32, #tpu.memory_space<vmem>> -> memref<1x4x128xi32, #tpu.memory_space<vmem>>
      %swap3A_441 = tpu.memref_squeeze %swap3A_440 : memref<1x4x128xi32, #tpu.memory_space<vmem>> -> memref<4x128xi32, #tpu.memory_space<vmem>>
      %swap3A_442 = arith.index_cast %swap3A_437 : i32 to index
      %swap3A_443 = arith.constant 80 : index
      %swap3A_444 = tpu.vector_load %swap3A_441[%swap3A_442, %swap3A_443] {strides = array<i32>} : memref<4x128xi32, #tpu.memory_space<vmem>>, vector<16xi32>,
      tpu.vector_store %swap3A_441[%swap3A_442, %swap3A_443], %gather3A_435 {strides = array<i32>} : memref<4x128xi32, #tpu.memory_space<vmem>>, vector<16xi32>,
      %iota3A_445 = tpu.iota {dimensions = array<i32: 0>} : vector<16xi32>
      %add3A_446 = arith.constant 96 : i32
      %add3A_447 = vector.broadcast %add3A_446 : i32 to vector<16xi32>
      %add3A_448 = arith.addi %iota3A_445, %add3A_447 : vector<16xi32>
      %mul3A_449 = arith.constant 4 : i32
      %mul3A_450 = vector.broadcast %mul3A_449 : i32 to vector<16xi32>
      %mul3A_451 = arith.muli %mul3A_450, %add3A_448 : vector<16xi32>
      %add3A_452 = arith.constant 1 : i32
      %add3A_453 = vector.broadcast %add3A_452 : i32 to vector<16xi32>
      %add3A_454 = arith.addi %mul3A_451, %add3A_453 : vector<16xi32>
      %shift_right_logical3A_455 = arith.constant 7 : i32
      %shift_right_logical3A_456 = vector.broadcast %shift_right_logical3A_455 : i32 to vector<16xi32>
      %shift_right_logical3A_457 = arith.shrui %add3A_454, %shift_right_logical3A_456 : vector<16xi32>
      %and3A_458 = arith.constant 127 : i32
      %and3A_459 = vector.broadcast %and3A_458 : i32 to vector<16xi32>
      %and3A_460 = arith.andi %add3A_454, %and3A_459 : vector<16xi32>
      %gather3A_461 = arith.constant 0 : i32
      %gather3A_462 = arith.constant 0 : i32
      %gather3A_463 = arith.constant 0 : i32
      %gather3A_464 = tpu.memref_slice %arg6[%gather3A_461, %gather3A_462, %gather3A_463] : memref<2x4x128xi32, #tpu.memory_space<vmem>> -> memref<1x4x128xi32, #tpu.memory_space<vmem>>
      %gather3A_465 = tpu.memref_squeeze %gather3A_464 : memref<1x4x128xi32, #tpu.memory_space<vmem>> -> memref<4x128xi32, #tpu.memory_space<vmem>>
      %gather3A_466 = tpu.vector_load_idx %gather3A_465[%shift_right_logical3A_457, %and3A_460] : memref<4x128xi32, #tpu.memory_space<vmem>>[vector<16xi32>, vector<16xi32>], vector<16xi32>,
      %swap3A_467 = arith.constant 0 : i32
      %swap3A_468 = arith.constant 1 : i32
      %swap3A_469 = arith.constant 0 : i32
      %swap3A_470 = arith.constant 0 : i32
      %swap3A_471 = tpu.memref_slice %arg7[%swap3A_467, %swap3A_469, %swap3A_470] : memref<2x4x128xi32, #tpu.memory_space<vmem>> -> memref<1x4x128xi32, #tpu.memory_space<vmem>>
      %swap3A_472 = tpu.memref_squeeze %swap3A_471 : memref<1x4x128xi32, #tpu.memory_space<vmem>> -> memref<4x128xi32, #tpu.memory_space<vmem>>
      %swap3A_473 = arith.index_cast %swap3A_468 : i32 to index
      %swap3A_474 = arith.constant 96 : index
      %swap3A_475 = tpu.vector_load %swap3A_472[%swap3A_473, %swap3A_474] {strides = array<i32>} : memref<4x128xi32, #tpu.memory_space<vmem>>, vector<16xi32>,
      tpu.vector_store %swap3A_472[%swap3A_473, %swap3A_474], %gather3A_466 {strides = array<i32>} : memref<4x128xi32, #tpu.memory_space<vmem>>, vector<16xi32>,
      %iota3A_476 = tpu.iota {dimensions = array<i32: 0>} : vector<16xi32>
      %add3A_477 = arith.constant 112 : i32
      %add3A_478 = vector.broadcast %add3A_477 : i32 to vector<16xi32>
      %add3A_479 = arith.addi %iota3A_476, %add3A_478 : vector<16xi32>
      %mul3A_480 = arith.constant 4 : i32
      %mul3A_481 = vector.broadcast %mul3A_480 : i32 to vector<16xi32>
      %mul3A_482 = arith.muli %mul3A_481, %add3A_479 : vector<16xi32>
      %add3A_483 = arith.constant 1 : i32
      %add3A_484 = vector.broadcast %add3A_483 : i32 to vector<16xi32>
      %add3A_485 = arith.addi %mul3A_482, %add3A_484 : vector<16xi32>
      %shift_right_logical3A_486 = arith.constant 7 : i32
      %shift_right_logical3A_487 = vector.broadcast %shift_right_logical3A_486 : i32 to vector<16xi32>
      %shift_right_logical3A_488 = arith.shrui %add3A_485, %shift_right_logical3A_487 : vector<16xi32>
      %and3A_489 = arith.constant 127 : i32
      %and3A_490 = vector.broadcast %and3A_489 : i32 to vector<16xi32>
      %and3A_491 = arith.andi %add3A_485, %and3A_490 : vector<16xi32>
      %gather3A_492 = arith.constant 0 : i32
      %gather3A_493 = arith.constant 0 : i32
      %gather3A_494 = arith.constant 0 : i32
      %gather3A_495 = tpu.memref_slice %arg6[%gather3A_492, %gather3A_493, %gather3A_494] : memref<2x4x128xi32, #tpu.memory_space<vmem>> -> memref<1x4x128xi32, #tpu.memory_space<vmem>>
      %gather3A_496 = tpu.memref_squeeze %gather3A_495 : memref<1x4x128xi32, #tpu.memory_space<vmem>> -> memref<4x128xi32, #tpu.memory_space<vmem>>
      %gather3A_497 = tpu.vector_load_idx %gather3A_496[%shift_right_logical3A_488, %and3A_491] : memref<4x128xi32, #tpu.memory_space<vmem>>[vector<16xi32>, vector<16xi32>], vector<16xi32>,
      %swap3A_498 = arith.constant 0 : i32
      %swap3A_499 = arith.constant 1 : i32
      %swap3A_500 = arith.constant 0 : i32
      %swap3A_501 = arith.constant 0 : i32
      %swap3A_502 = tpu.memref_slice %arg7[%swap3A_498, %swap3A_500, %swap3A_501] : memref<2x4x128xi32, #tpu.memory_space<vmem>> -> memref<1x4x128xi32, #tpu.memory_space<vmem>>
      %swap3A_503 = tpu.memref_squeeze %swap3A_502 : memref<1x4x128xi32, #tpu.memory_space<vmem>> -> memref<4x128xi32, #tpu.memory_space<vmem>>
      %swap3A_504 = arith.index_cast %swap3A_499 : i32 to index
      %swap3A_505 = arith.constant 112 : index
      %swap3A_506 = tpu.vector_load %swap3A_503[%swap3A_504, %swap3A_505] {strides = array<i32>} : memref<4x128xi32, #tpu.memory_space<vmem>>, vector<16xi32>,
      tpu.vector_store %swap3A_503[%swap3A_504, %swap3A_505], %gather3A_497 {strides = array<i32>} : memref<4x128xi32, #tpu.memory_space<vmem>>, vector<16xi32>,
      %iota3A_507 = tpu.iota {dimensions = array<i32: 0>} : vector<16xi32>
      %add3A_508 = arith.constant 0 : i32
      %add3A_509 = vector.broadcast %add3A_508 : i32 to vector<16xi32>
      %add3A_510 = arith.addi %iota3A_507, %add3A_509 : vector<16xi32>
      %mul3A_511 = arith.constant 4 : i32
      %mul3A_512 = vector.broadcast %mul3A_511 : i32 to vector<16xi32>
      %mul3A_513 = arith.muli %mul3A_512, %add3A_510 : vector<16xi32>
      %add3A_514 = arith.constant 2 : i32
      %add3A_515 = vector.broadcast %add3A_514 : i32 to vector<16xi32>
      %add3A_516 = arith.addi %mul3A_513, %add3A_515 : vector<16xi32>
      %shift_right_logical3A_517 = arith.constant 7 : i32
      %shift_right_logical3A_518 = vector.broadcast %shift_right_logical3A_517 : i32 to vector<16xi32>
      %shift_right_logical3A_519 = arith.shrui %add3A_516, %shift_right_logical3A_518 : vector<16xi32>
      %and3A_520 = arith.constant 127 : i32
      %and3A_521 = vector.broadcast %and3A_520 : i32 to vector<16xi32>
      %and3A_522 = arith.andi %add3A_516, %and3A_521 : vector<16xi32>
      %gather3A_523 = arith.constant 0 : i32
      %gather3A_524 = arith.constant 0 : i32
      %gather3A_525 = arith.constant 0 : i32
      %gather3A_526 = tpu.memref_slice %arg6[%gather3A_523, %gather3A_524, %gather3A_525] : memref<2x4x128xi32, #tpu.memory_space<vmem>> -> memref<1x4x128xi32, #tpu.memory_space<vmem>>
      %gather3A_527 = tpu.memref_squeeze %gather3A_526 : memref<1x4x128xi32, #tpu.memory_space<vmem>> -> memref<4x128xi32, #tpu.memory_space<vmem>>
      %gather3A_528 = tpu.vector_load_idx %gather3A_527[%shift_right_logical3A_519, %and3A_522] : memref<4x128xi32, #tpu.memory_space<vmem>>[vector<16xi32>, vector<16xi32>], vector<16xi32>,
      %swap3A_529 = arith.constant 0 : i32
      %swap3A_530 = arith.constant 2 : i32
      %swap3A_531 = arith.constant 0 : i32
      %swap3A_532 = arith.constant 0 : i32
      %swap3A_533 = tpu.memref_slice %arg7[%swap3A_529, %swap3A_531, %swap3A_532] : memref<2x4x128xi32, #tpu.memory_space<vmem>> -> memref<1x4x128xi32, #tpu.memory_space<vmem>>
      %swap3A_534 = tpu.memref_squeeze %swap3A_533 : memref<1x4x128xi32, #tpu.memory_space<vmem>> -> memref<4x128xi32, #tpu.memory_space<vmem>>
      %swap3A_535 = arith.index_cast %swap3A_530 : i32 to index
      %swap3A_536 = arith.constant 0 : index
      %swap3A_537 = tpu.vector_load %swap3A_534[%swap3A_535, %swap3A_536] {strides = array<i32>} : memref<4x128xi32, #tpu.memory_space<vmem>>, vector<16xi32>,
      tpu.vector_store %swap3A_534[%swap3A_535, %swap3A_536], %gather3A_528 {strides = array<i32>} : memref<4x128xi32, #tpu.memory_space<vmem>>, vector<16xi32>,
      %iota3A_538 = tpu.iota {dimensions = array<i32: 0>} : vector<16xi32>
      %add3A_539 = arith.constant 16 : i32
      %add3A_540 = vector.broadcast %add3A_539 : i32 to vector<16xi32>
      %add3A_541 = arith.addi %iota3A_538, %add3A_540 : vector<16xi32>
      %mul3A_542 = arith.constant 4 : i32
      %mul3A_543 = vector.broadcast %mul3A_542 : i32 to vector<16xi32>
      %mul3A_544 = arith.muli %mul3A_543, %add3A_541 : vector<16xi32>
      %add3A_545 = arith.constant 2 : i32
      %add3A_546 = vector.broadcast %add3A_545 : i32 to vector<16xi32>
      %add3A_547 = arith.addi %mul3A_544, %add3A_546 : vector<16xi32>
      %shift_right_logical3A_548 = arith.constant 7 : i32
      %shift_right_logical3A_549 = vector.broadcast %shift_right_logical3A_548 : i32 to vector<16xi32>
      %shift_right_logical3A_550 = arith.shrui %add3A_547, %shift_right_logical3A_549 : vector<16xi32>
      %and3A_551 = arith.constant 127 : i32
      %and3A_552 = vector.broadcast %and3A_551 : i32 to vector<16xi32>
      %and3A_553 = arith.andi %add3A_547, %and3A_552 : vector<16xi32>
      %gather3A_554 = arith.constant 0 : i32
      %gather3A_555 = arith.constant 0 : i32
      %gather3A_556 = arith.constant 0 : i32
      %gather3A_557 = tpu.memref_slice %arg6[%gather3A_554, %gather3A_555, %gather3A_556] : memref<2x4x128xi32, #tpu.memory_space<vmem>> -> memref<1x4x128xi32, #tpu.memory_space<vmem>>
      %gather3A_558 = tpu.memref_squeeze %gather3A_557 : memref<1x4x128xi32, #tpu.memory_space<vmem>> -> memref<4x128xi32, #tpu.memory_space<vmem>>
      %gather3A_559 = tpu.vector_load_idx %gather3A_558[%shift_right_logical3A_550, %and3A_553] : memref<4x128xi32, #tpu.memory_space<vmem>>[vector<16xi32>, vector<16xi32>], vector<16xi32>,
      %swap3A_560 = arith.constant 0 : i32
      %swap3A_561 = arith.constant 2 : i32
      %swap3A_562 = arith.constant 0 : i32
      %swap3A_563 = arith.constant 0 : i32
      %swap3A_564 = tpu.memref_slice %arg7[%swap3A_560, %swap3A_562, %swap3A_563] : memref<2x4x128xi32, #tpu.memory_space<vmem>> -> memref<1x4x128xi32, #tpu.memory_space<vmem>>
      %swap3A_565 = tpu.memref_squeeze %swap3A_564 : memref<1x4x128xi32, #tpu.memory_space<vmem>> -> memref<4x128xi32, #tpu.memory_space<vmem>>
      %swap3A_566 = arith.index_cast %swap3A_561 : i32 to index
      %swap3A_567 = arith.constant 16 : index
      %swap3A_568 = tpu.vector_load %swap3A_565[%swap3A_566, %swap3A_567] {strides = array<i32>} : memref<4x128xi32, #tpu.memory_space<vmem>>, vector<16xi32>,
      tpu.vector_store %swap3A_565[%swap3A_566, %swap3A_567], %gather3A_559 {strides = array<i32>} : memref<4x128xi32, #tpu.memory_space<vmem>>, vector<16xi32>,
      %iota3A_569 = tpu.iota {dimensions = array<i32: 0>} : vector<16xi32>
      %add3A_570 = arith.constant 32 : i32
      %add3A_571 = vector.broadcast %add3A_570 : i32 to vector<16xi32>
      %add3A_572 = arith.addi %iota3A_569, %add3A_571 : vector<16xi32>
      %mul3A_573 = arith.constant 4 : i32
      %mul3A_574 = vector.broadcast %mul3A_573 : i32 to vector<16xi32>
      %mul3A_575 = arith.muli %mul3A_574, %add3A_572 : vector<16xi32>
      %add3A_576 = arith.constant 2 : i32
      %add3A_577 = vector.broadcast %add3A_576 : i32 to vector<16xi32>
      %add3A_578 = arith.addi %mul3A_575, %add3A_577 : vector<16xi32>
      %shift_right_logical3A_579 = arith.constant 7 : i32
      %shift_right_logical3A_580 = vector.broadcast %shift_right_logical3A_579 : i32 to vector<16xi32>
      %shift_right_logical3A_581 = arith.shrui %add3A_578, %shift_right_logical3A_580 : vector<16xi32>
      %and3A_582 = arith.constant 127 : i32
      %and3A_583 = vector.broadcast %and3A_582 : i32 to vector<16xi32>
      %and3A_584 = arith.andi %add3A_578, %and3A_583 : vector<16xi32>
      %gather3A_585 = arith.constant 0 : i32
      %gather3A_586 = arith.constant 0 : i32
      %gather3A_587 = arith.constant 0 : i32
      %gather3A_588 = tpu.memref_slice %arg6[%gather3A_585, %gather3A_586, %gather3A_587] : memref<2x4x128xi32, #tpu.memory_space<vmem>> -> memref<1x4x128xi32, #tpu.memory_space<vmem>>
      %gather3A_589 = tpu.memref_squeeze %gather3A_588 : memref<1x4x128xi32, #tpu.memory_space<vmem>> -> memref<4x128xi32, #tpu.memory_space<vmem>>
      %gather3A_590 = tpu.vector_load_idx %gather3A_589[%shift_right_logical3A_581, %and3A_584] : memref<4x128xi32, #tpu.memory_space<vmem>>[vector<16xi32>, vector<16xi32>], vector<16xi32>,
      %swap3A_591 = arith.constant 0 : i32
      %swap3A_592 = arith.constant 2 : i32
      %swap3A_593 = arith.constant 0 : i32
      %swap3A_594 = arith.constant 0 : i32
      %swap3A_595 = tpu.memref_slice %arg7[%swap3A_591, %swap3A_593, %swap3A_594] : memref<2x4x128xi32, #tpu.memory_space<vmem>> -> memref<1x4x128xi32, #tpu.memory_space<vmem>>
      %swap3A_596 = tpu.memref_squeeze %swap3A_595 : memref<1x4x128xi32, #tpu.memory_space<vmem>> -> memref<4x128xi32, #tpu.memory_space<vmem>>
      %swap3A_597 = arith.index_cast %swap3A_592 : i32 to index
      %swap3A_598 = arith.constant 32 : index
      %swap3A_599 = tpu.vector_load %swap3A_596[%swap3A_597, %swap3A_598] {strides = array<i32>} : memref<4x128xi32, #tpu.memory_space<vmem>>, vector<16xi32>,
      tpu.vector_store %swap3A_596[%swap3A_597, %swap3A_598], %gather3A_590 {strides = array<i32>} : memref<4x128xi32, #tpu.memory_space<vmem>>, vector<16xi32>,
      %iota3A_600 = tpu.iota {dimensions = array<i32: 0>} : vector<16xi32>
      %add3A_601 = arith.constant 48 : i32
      %add3A_602 = vector.broadcast %add3A_601 : i32 to vector<16xi32>
      %add3A_603 = arith.addi %iota3A_600, %add3A_602 : vector<16xi32>
      %mul3A_604 = arith.constant 4 : i32
      %mul3A_605 = vector.broadcast %mul3A_604 : i32 to vector<16xi32>
      %mul3A_606 = arith.muli %mul3A_605, %add3A_603 : vector<16xi32>
      %add3A_607 = arith.constant 2 : i32
      %add3A_608 = vector.broadcast %add3A_607 : i32 to vector<16xi32>
      %add3A_609 = arith.addi %mul3A_606, %add3A_608 : vector<16xi32>
      %shift_right_logical3A_610 = arith.constant 7 : i32
      %shift_right_logical3A_611 = vector.broadcast %shift_right_logical3A_610 : i32 to vector<16xi32>
      %shift_right_logical3A_612 = arith.shrui %add3A_609, %shift_right_logical3A_611 : vector<16xi32>
      %and3A_613 = arith.constant 127 : i32
      %and3A_614 = vector.broadcast %and3A_613 : i32 to vector<16xi32>
      %and3A_615 = arith.andi %add3A_609, %and3A_614 : vector<16xi32>
      %gather3A_616 = arith.constant 0 : i32
      %gather3A_617 = arith.constant 0 : i32
      %gather3A_618 = arith.constant 0 : i32
      %gather3A_619 = tpu.memref_slice %arg6[%gather3A_616, %gather3A_617, %gather3A_618] : memref<2x4x128xi32, #tpu.memory_space<vmem>> -> memref<1x4x128xi32, #tpu.memory_space<vmem>>
      %gather3A_620 = tpu.memref_squeeze %gather3A_619 : memref<1x4x128xi32, #tpu.memory_space<vmem>> -> memref<4x128xi32, #tpu.memory_space<vmem>>
      %gather3A_621 = tpu.vector_load_idx %gather3A_620[%shift_right_logical3A_612, %and3A_615] : memref<4x128xi32, #tpu.memory_space<vmem>>[vector<16xi32>, vector<16xi32>], vector<16xi32>,
      %swap3A_622 = arith.constant 0 : i32
      %swap3A_623 = arith.constant 2 : i32
      %swap3A_624 = arith.constant 0 : i32
      %swap3A_625 = arith.constant 0 : i32
      %swap3A_626 = tpu.memref_slice %arg7[%swap3A_622, %swap3A_624, %swap3A_625] : memref<2x4x128xi32, #tpu.memory_space<vmem>> -> memref<1x4x128xi32, #tpu.memory_space<vmem>>
      %swap3A_627 = tpu.memref_squeeze %swap3A_626 : memref<1x4x128xi32, #tpu.memory_space<vmem>> -> memref<4x128xi32, #tpu.memory_space<vmem>>
      %swap3A_628 = arith.index_cast %swap3A_623 : i32 to index
      %swap3A_629 = arith.constant 48 : index
      %swap3A_630 = tpu.vector_load %swap3A_627[%swap3A_628, %swap3A_629] {strides = array<i32>} : memref<4x128xi32, #tpu.memory_space<vmem>>, vector<16xi32>,
      tpu.vector_store %swap3A_627[%swap3A_628, %swap3A_629], %gather3A_621 {strides = array<i32>} : memref<4x128xi32, #tpu.memory_space<vmem>>, vector<16xi32>,
      %iota3A_631 = tpu.iota {dimensions = array<i32: 0>} : vector<16xi32>
      %add3A_632 = arith.constant 64 : i32
      %add3A_633 = vector.broadcast %add3A_632 : i32 to vector<16xi32>
      %add3A_634 = arith.addi %iota3A_631, %add3A_633 : vector<16xi32>
      %mul3A_635 = arith.constant 4 : i32
      %mul3A_636 = vector.broadcast %mul3A_635 : i32 to vector<16xi32>
      %mul3A_637 = arith.muli %mul3A_636, %add3A_634 : vector<16xi32>
      %add3A_638 = arith.constant 2 : i32
      %add3A_639 = vector.broadcast %add3A_638 : i32 to vector<16xi32>
      %add3A_640 = arith.addi %mul3A_637, %add3A_639 : vector<16xi32>
      %shift_right_logical3A_641 = arith.constant 7 : i32
      %shift_right_logical3A_642 = vector.broadcast %shift_right_logical3A_641 : i32 to vector<16xi32>
      %shift_right_logical3A_643 = arith.shrui %add3A_640, %shift_right_logical3A_642 : vector<16xi32>
      %and3A_644 = arith.constant 127 : i32
      %and3A_645 = vector.broadcast %and3A_644 : i32 to vector<16xi32>
      %and3A_646 = arith.andi %add3A_640, %and3A_645 : vector<16xi32>
      %gather3A_647 = arith.constant 0 : i32
      %gather3A_648 = arith.constant 0 : i32
      %gather3A_649 = arith.constant 0 : i32
      %gather3A_650 = tpu.memref_slice %arg6[%gather3A_647, %gather3A_648, %gather3A_649] : memref<2x4x128xi32, #tpu.memory_space<vmem>> -> memref<1x4x128xi32, #tpu.memory_space<vmem>>
      %gather3A_651 = tpu.memref_squeeze %gather3A_650 : memref<1x4x128xi32, #tpu.memory_space<vmem>> -> memref<4x128xi32, #tpu.memory_space<vmem>>
      %gather3A_652 = tpu.vector_load_idx %gather3A_651[%shift_right_logical3A_643, %and3A_646] : memref<4x128xi32, #tpu.memory_space<vmem>>[vector<16xi32>, vector<16xi32>], vector<16xi32>,
      %swap3A_653 = arith.constant 0 : i32
      %swap3A_654 = arith.constant 2 : i32
      %swap3A_655 = arith.constant 0 : i32
      %swap3A_656 = arith.constant 0 : i32
      %swap3A_657 = tpu.memref_slice %arg7[%swap3A_653, %swap3A_655, %swap3A_656] : memref<2x4x128xi32, #tpu.memory_space<vmem>> -> memref<1x4x128xi32, #tpu.memory_space<vmem>>
      %swap3A_658 = tpu.memref_squeeze %swap3A_657 : memref<1x4x128xi32, #tpu.memory_space<vmem>> -> memref<4x128xi32, #tpu.memory_space<vmem>>
      %swap3A_659 = arith.index_cast %swap3A_654 : i32 to index
      %swap3A_660 = arith.constant 64 : index
      %swap3A_661 = tpu.vector_load %swap3A_658[%swap3A_659, %swap3A_660] {strides = array<i32>} : memref<4x128xi32, #tpu.memory_space<vmem>>, vector<16xi32>,
      tpu.vector_store %swap3A_658[%swap3A_659, %swap3A_660], %gather3A_652 {strides = array<i32>} : memref<4x128xi32, #tpu.memory_space<vmem>>, vector<16xi32>,
      %iota3A_662 = tpu.iota {dimensions = array<i32: 0>} : vector<16xi32>
      %add3A_663 = arith.constant 80 : i32
      %add3A_664 = vector.broadcast %add3A_663 : i32 to vector<16xi32>
      %add3A_665 = arith.addi %iota3A_662, %add3A_664 : vector<16xi32>
      %mul3A_666 = arith.constant 4 : i32
      %mul3A_667 = vector.broadcast %mul3A_666 : i32 to vector<16xi32>
      %mul3A_668 = arith.muli %mul3A_667, %add3A_665 : vector<16xi32>
      %add3A_669 = arith.constant 2 : i32
      %add3A_670 = vector.broadcast %add3A_669 : i32 to vector<16xi32>
      %add3A_671 = arith.addi %mul3A_668, %add3A_670 : vector<16xi32>
      %shift_right_logical3A_672 = arith.constant 7 : i32
      %shift_right_logical3A_673 = vector.broadcast %shift_right_logical3A_672 : i32 to vector<16xi32>
      %shift_right_logical3A_674 = arith.shrui %add3A_671, %shift_right_logical3A_673 : vector<16xi32>
      %and3A_675 = arith.constant 127 : i32
      %and3A_676 = vector.broadcast %and3A_675 : i32 to vector<16xi32>
      %and3A_677 = arith.andi %add3A_671, %and3A_676 : vector<16xi32>
      %gather3A_678 = arith.constant 0 : i32
      %gather3A_679 = arith.constant 0 : i32
      %gather3A_680 = arith.constant 0 : i32
      %gather3A_681 = tpu.memref_slice %arg6[%gather3A_678, %gather3A_679, %gather3A_680] : memref<2x4x128xi32, #tpu.memory_space<vmem>> -> memref<1x4x128xi32, #tpu.memory_space<vmem>>
      %gather3A_682 = tpu.memref_squeeze %gather3A_681 : memref<1x4x128xi32, #tpu.memory_space<vmem>> -> memref<4x128xi32, #tpu.memory_space<vmem>>
      %gather3A_683 = tpu.vector_load_idx %gather3A_682[%shift_right_logical3A_674, %and3A_677] : memref<4x128xi32, #tpu.memory_space<vmem>>[vector<16xi32>, vector<16xi32>], vector<16xi32>,
      %swap3A_684 = arith.constant 0 : i32
      %swap3A_685 = arith.constant 2 : i32
      %swap3A_686 = arith.constant 0 : i32
      %swap3A_687 = arith.constant 0 : i32
      %swap3A_688 = tpu.memref_slice %arg7[%swap3A_684, %swap3A_686, %swap3A_687] : memref<2x4x128xi32, #tpu.memory_space<vmem>> -> memref<1x4x128xi32, #tpu.memory_space<vmem>>
      %swap3A_689 = tpu.memref_squeeze %swap3A_688 : memref<1x4x128xi32, #tpu.memory_space<vmem>> -> memref<4x128xi32, #tpu.memory_space<vmem>>
      %swap3A_690 = arith.index_cast %swap3A_685 : i32 to index
      %swap3A_691 = arith.constant 80 : index
      %swap3A_692 = tpu.vector_load %swap3A_689[%swap3A_690, %swap3A_691] {strides = array<i32>} : memref<4x128xi32, #tpu.memory_space<vmem>>, vector<16xi32>,
      tpu.vector_store %swap3A_689[%swap3A_690, %swap3A_691], %gather3A_683 {strides = array<i32>} : memref<4x128xi32, #tpu.memory_space<vmem>>, vector<16xi32>,
      %iota3A_693 = tpu.iota {dimensions = array<i32: 0>} : vector<16xi32>
      %add3A_694 = arith.constant 96 : i32
      %add3A_695 = vector.broadcast %add3A_694 : i32 to vector<16xi32>
      %add3A_696 = arith.addi %iota3A_693, %add3A_695 : vector<16xi32>
      %mul3A_697 = arith.constant 4 : i32
      %mul3A_698 = vector.broadcast %mul3A_697 : i32 to vector<16xi32>
      %mul3A_699 = arith.muli %mul3A_698, %add3A_696 : vector<16xi32>
      %add3A_700 = arith.constant 2 : i32
      %add3A_701 = vector.broadcast %add3A_700 : i32 to vector<16xi32>
      %add3A_702 = arith.addi %mul3A_699, %add3A_701 : vector<16xi32>
      %shift_right_logical3A_703 = arith.constant 7 : i32
      %shift_right_logical3A_704 = vector.broadcast %shift_right_logical3A_703 : i32 to vector<16xi32>
      %shift_right_logical3A_705 = arith.shrui %add3A_702, %shift_right_logical3A_704 : vector<16xi32>
      %and3A_706 = arith.constant 127 : i32
      %and3A_707 = vector.broadcast %and3A_706 : i32 to vector<16xi32>
      %and3A_708 = arith.andi %add3A_702, %and3A_707 : vector<16xi32>
      %gather3A_709 = arith.constant 0 : i32
      %gather3A_710 = arith.constant 0 : i32
      %gather3A_711 = arith.constant 0 : i32
      %gather3A_712 = tpu.memref_slice %arg6[%gather3A_709, %gather3A_710, %gather3A_711] : memref<2x4x128xi32, #tpu.memory_space<vmem>> -> memref<1x4x128xi32, #tpu.memory_space<vmem>>
      %gather3A_713 = tpu.memref_squeeze %gather3A_712 : memref<1x4x128xi32, #tpu.memory_space<vmem>> -> memref<4x128xi32, #tpu.memory_space<vmem>>
      %gather3A_714 = tpu.vector_load_idx %gather3A_713[%shift_right_logical3A_705, %and3A_708] : memref<4x128xi32, #tpu.memory_space<vmem>>[vector<16xi32>, vector<16xi32>], vector<16xi32>,
      %swap3A_715 = arith.constant 0 : i32
      %swap3A_716 = arith.constant 2 : i32
      %swap3A_717 = arith.constant 0 : i32
      %swap3A_718 = arith.constant 0 : i32
      %swap3A_719 = tpu.memref_slice %arg7[%swap3A_715, %swap3A_717, %swap3A_718] : memref<2x4x128xi32, #tpu.memory_space<vmem>> -> memref<1x4x128xi32, #tpu.memory_space<vmem>>
      %swap3A_720 = tpu.memref_squeeze %swap3A_719 : memref<1x4x128xi32, #tpu.memory_space<vmem>> -> memref<4x128xi32, #tpu.memory_space<vmem>>
      %swap3A_721 = arith.index_cast %swap3A_716 : i32 to index
      %swap3A_722 = arith.constant 96 : index
      %swap3A_723 = tpu.vector_load %swap3A_720[%swap3A_721, %swap3A_722] {strides = array<i32>} : memref<4x128xi32, #tpu.memory_space<vmem>>, vector<16xi32>,
      tpu.vector_store %swap3A_720[%swap3A_721, %swap3A_722], %gather3A_714 {strides = array<i32>} : memref<4x128xi32, #tpu.memory_space<vmem>>, vector<16xi32>,
      %iota3A_724 = tpu.iota {dimensions = array<i32: 0>} : vector<16xi32>
      %add3A_725 = arith.constant 112 : i32
      %add3A_726 = vector.broadcast %add3A_725 : i32 to vector<16xi32>
      %add3A_727 = arith.addi %iota3A_724, %add3A_726 : vector<16xi32>
      %mul3A_728 = arith.constant 4 : i32
      %mul3A_729 = vector.broadcast %mul3A_728 : i32 to vector<16xi32>
      %mul3A_730 = arith.muli %mul3A_729, %add3A_727 : vector<16xi32>
      %add3A_731 = arith.constant 2 : i32
      %add3A_732 = vector.broadcast %add3A_731 : i32 to vector<16xi32>
      %add3A_733 = arith.addi %mul3A_730, %add3A_732 : vector<16xi32>
      %shift_right_logical3A_734 = arith.constant 7 : i32
      %shift_right_logical3A_735 = vector.broadcast %shift_right_logical3A_734 : i32 to vector<16xi32>
      %shift_right_logical3A_736 = arith.shrui %add3A_733, %shift_right_logical3A_735 : vector<16xi32>
      %and3A_737 = arith.constant 127 : i32
      %and3A_738 = vector.broadcast %and3A_737 : i32 to vector<16xi32>
      %and3A_739 = arith.andi %add3A_733, %and3A_738 : vector<16xi32>
      %gather3A_740 = arith.constant 0 : i32
      %gather3A_741 = arith.constant 0 : i32
      %gather3A_742 = arith.constant 0 : i32
      %gather3A_743 = tpu.memref_slice %arg6[%gather3A_740, %gather3A_741, %gather3A_742] : memref<2x4x128xi32, #tpu.memory_space<vmem>> -> memref<1x4x128xi32, #tpu.memory_space<vmem>>
      %gather3A_744 = tpu.memref_squeeze %gather3A_743 : memref<1x4x128xi32, #tpu.memory_space<vmem>> -> memref<4x128xi32, #tpu.memory_space<vmem>>
      %gather3A_745 = tpu.vector_load_idx %gather3A_744[%shift_right_logical3A_736, %and3A_739] : memref<4x128xi32, #tpu.memory_space<vmem>>[vector<16xi32>, vector<16xi32>], vector<16xi32>,
      %swap3A_746 = arith.constant 0 : i32
      %swap3A_747 = arith.constant 2 : i32
      %swap3A_748 = arith.constant 0 : i32
      %swap3A_749 = arith.constant 0 : i32
      %swap3A_750 = tpu.memref_slice %arg7[%swap3A_746, %swap3A_748, %swap3A_749] : memref<2x4x128xi32, #tpu.memory_space<vmem>> -> memref<1x4x128xi32, #tpu.memory_space<vmem>>
      %swap3A_751 = tpu.memref_squeeze %swap3A_750 : memref<1x4x128xi32, #tpu.memory_space<vmem>> -> memref<4x128xi32, #tpu.memory_space<vmem>>
      %swap3A_752 = arith.index_cast %swap3A_747 : i32 to index
      %swap3A_753 = arith.constant 112 : index
      %swap3A_754 = tpu.vector_load %swap3A_751[%swap3A_752, %swap3A_753] {strides = array<i32>} : memref<4x128xi32, #tpu.memory_space<vmem>>, vector<16xi32>,
      tpu.vector_store %swap3A_751[%swap3A_752, %swap3A_753], %gather3A_745 {strides = array<i32>} : memref<4x128xi32, #tpu.memory_space<vmem>>, vector<16xi32>,
      %iota3A_755 = tpu.iota {dimensions = array<i32: 0>} : vector<16xi32>
      %add3A_756 = arith.constant 0 : i32
      %add3A_757 = vector.broadcast %add3A_756 : i32 to vector<16xi32>
      %add3A_758 = arith.addi %iota3A_755, %add3A_757 : vector<16xi32>
      %mul3A_759 = arith.constant 4 : i32
      %mul3A_760 = vector.broadcast %mul3A_759 : i32 to vector<16xi32>
      %mul3A_761 = arith.muli %mul3A_760, %add3A_758 : vector<16xi32>
      %add3A_762 = arith.constant 3 : i32
      %add3A_763 = vector.broadcast %add3A_762 : i32 to vector<16xi32>
      %add3A_764 = arith.addi %mul3A_761, %add3A_763 : vector<16xi32>
      %shift_right_logical3A_765 = arith.constant 7 : i32
      %shift_right_logical3A_766 = vector.broadcast %shift_right_logical3A_765 : i32 to vector<16xi32>
      %shift_right_logical3A_767 = arith.shrui %add3A_764, %shift_right_logical3A_766 : vector<16xi32>
      %and3A_768 = arith.constant 127 : i32
      %and3A_769 = vector.broadcast %and3A_768 : i32 to vector<16xi32>
      %and3A_770 = arith.andi %add3A_764, %and3A_769 : vector<16xi32>
      %gather3A_771 = arith.constant 0 : i32
      %gather3A_772 = arith.constant 0 : i32
      %gather3A_773 = arith.constant 0 : i32
      %gather3A_774 = tpu.memref_slice %arg6[%gather3A_771, %gather3A_772, %gather3A_773] : memref<2x4x128xi32, #tpu.memory_space<vmem>> -> memref<1x4x128xi32, #tpu.memory_space<vmem>>
      %gather3A_775 = tpu.memref_squeeze %gather3A_774 : memref<1x4x128xi32, #tpu.memory_space<vmem>> -> memref<4x128xi32, #tpu.memory_space<vmem>>
      %gather3A_776 = tpu.vector_load_idx %gather3A_775[%shift_right_logical3A_767, %and3A_770] : memref<4x128xi32, #tpu.memory_space<vmem>>[vector<16xi32>, vector<16xi32>], vector<16xi32>,
      %swap3A_777 = arith.constant 0 : i32
      %swap3A_778 = arith.constant 3 : i32
      %swap3A_779 = arith.constant 0 : i32
      %swap3A_780 = arith.constant 0 : i32
      %swap3A_781 = tpu.memref_slice %arg7[%swap3A_777, %swap3A_779, %swap3A_780] : memref<2x4x128xi32, #tpu.memory_space<vmem>> -> memref<1x4x128xi32, #tpu.memory_space<vmem>>
      %swap3A_782 = tpu.memref_squeeze %swap3A_781 : memref<1x4x128xi32, #tpu.memory_space<vmem>> -> memref<4x128xi32, #tpu.memory_space<vmem>>
      %swap3A_783 = arith.index_cast %swap3A_778 : i32 to index
      %swap3A_784 = arith.constant 0 : index
      %swap3A_785 = tpu.vector_load %swap3A_782[%swap3A_783, %swap3A_784] {strides = array<i32>} : memref<4x128xi32, #tpu.memory_space<vmem>>, vector<16xi32>,
      tpu.vector_store %swap3A_782[%swap3A_783, %swap3A_784], %gather3A_776 {strides = array<i32>} : memref<4x128xi32, #tpu.memory_space<vmem>>, vector<16xi32>,
      %iota3A_786 = tpu.iota {dimensions = array<i32: 0>} : vector<16xi32>
      %add3A_787 = arith.constant 16 : i32
      %add3A_788 = vector.broadcast %add3A_787 : i32 to vector<16xi32>
      %add3A_789 = arith.addi %iota3A_786, %add3A_788 : vector<16xi32>
      %mul3A_790 = arith.constant 4 : i32
      %mul3A_791 = vector.broadcast %mul3A_790 : i32 to vector<16xi32>
      %mul3A_792 = arith.muli %mul3A_791, %add3A_789 : vector<16xi32>
      %add3A_793 = arith.constant 3 : i32
      %add3A_794 = vector.broadcast %add3A_793 : i32 to vector<16xi32>
      %add3A_795 = arith.addi %mul3A_792, %add3A_794 : vector<16xi32>
      %shift_right_logical3A_796 = arith.constant 7 : i32
      %shift_right_logical3A_797 = vector.broadcast %shift_right_logical3A_796 : i32 to vector<16xi32>
      %shift_right_logical3A_798 = arith.shrui %add3A_795, %shift_right_logical3A_797 : vector<16xi32>
      %and3A_799 = arith.constant 127 : i32
      %and3A_800 = vector.broadcast %and3A_799 : i32 to vector<16xi32>
      %and3A_801 = arith.andi %add3A_795, %and3A_800 : vector<16xi32>
      %gather3A_802 = arith.constant 0 : i32
      %gather3A_803 = arith.constant 0 : i32
      %gather3A_804 = arith.constant 0 : i32
      %gather3A_805 = tpu.memref_slice %arg6[%gather3A_802, %gather3A_803, %gather3A_804] : memref<2x4x128xi32, #tpu.memory_space<vmem>> -> memref<1x4x128xi32, #tpu.memory_space<vmem>>
      %gather3A_806 = tpu.memref_squeeze %gather3A_805 : memref<1x4x128xi32, #tpu.memory_space<vmem>> -> memref<4x128xi32, #tpu.memory_space<vmem>>
      %gather3A_807 = tpu.vector_load_idx %gather3A_806[%shift_right_logical3A_798, %and3A_801] : memref<4x128xi32, #tpu.memory_space<vmem>>[vector<16xi32>, vector<16xi32>], vector<16xi32>,
      %swap3A_808 = arith.constant 0 : i32
      %swap3A_809 = arith.constant 3 : i32
      %swap3A_810 = arith.constant 0 : i32
      %swap3A_811 = arith.constant 0 : i32
      %swap3A_812 = tpu.memref_slice %arg7[%swap3A_808, %swap3A_810, %swap3A_811] : memref<2x4x128xi32, #tpu.memory_space<vmem>> -> memref<1x4x128xi32, #tpu.memory_space<vmem>>
      %swap3A_813 = tpu.memref_squeeze %swap3A_812 : memref<1x4x128xi32, #tpu.memory_space<vmem>> -> memref<4x128xi32, #tpu.memory_space<vmem>>
      %swap3A_814 = arith.index_cast %swap3A_809 : i32 to index
      %swap3A_815 = arith.constant 16 : index
      %swap3A_816 = tpu.vector_load %swap3A_813[%swap3A_814, %swap3A_815] {strides = array<i32>} : memref<4x128xi32, #tpu.memory_space<vmem>>, vector<16xi32>,
      tpu.vector_store %swap3A_813[%swap3A_814, %swap3A_815], %gather3A_807 {strides = array<i32>} : memref<4x128xi32, #tpu.memory_space<vmem>>, vector<16xi32>,
      %iota3A_817 = tpu.iota {dimensions = array<i32: 0>} : vector<16xi32>
      %add3A_818 = arith.constant 32 : i32
      %add3A_819 = vector.broadcast %add3A_818 : i32 to vector<16xi32>
      %add3A_820 = arith.addi %iota3A_817, %add3A_819 : vector<16xi32>
      %mul3A_821 = arith.constant 4 : i32
      %mul3A_822 = vector.broadcast %mul3A_821 : i32 to vector<16xi32>
      %mul3A_823 = arith.muli %mul3A_822, %add3A_820 : vector<16xi32>
      %add3A_824 = arith.constant 3 : i32
      %add3A_825 = vector.broadcast %add3A_824 : i32 to vector<16xi32>
      %add3A_826 = arith.addi %mul3A_823, %add3A_825 : vector<16xi32>
      %shift_right_logical3A_827 = arith.constant 7 : i32
      %shift_right_logical3A_828 = vector.broadcast %shift_right_logical3A_827 : i32 to vector<16xi32>
      %shift_right_logical3A_829 = arith.shrui %add3A_826, %shift_right_logical3A_828 : vector<16xi32>
      %and3A_830 = arith.constant 127 : i32
      %and3A_831 = vector.broadcast %and3A_830 : i32 to vector<16xi32>
      %and3A_832 = arith.andi %add3A_826, %and3A_831 : vector<16xi32>
      %gather3A_833 = arith.constant 0 : i32
      %gather3A_834 = arith.constant 0 : i32
      %gather3A_835 = arith.constant 0 : i32
      %gather3A_836 = tpu.memref_slice %arg6[%gather3A_833, %gather3A_834, %gather3A_835] : memref<2x4x128xi32, #tpu.memory_space<vmem>> -> memref<1x4x128xi32, #tpu.memory_space<vmem>>
      %gather3A_837 = tpu.memref_squeeze %gather3A_836 : memref<1x4x128xi32, #tpu.memory_space<vmem>> -> memref<4x128xi32, #tpu.memory_space<vmem>>
      %gather3A_838 = tpu.vector_load_idx %gather3A_837[%shift_right_logical3A_829, %and3A_832] : memref<4x128xi32, #tpu.memory_space<vmem>>[vector<16xi32>, vector<16xi32>], vector<16xi32>,
      %swap3A_839 = arith.constant 0 : i32
      %swap3A_840 = arith.constant 3 : i32
      %swap3A_841 = arith.constant 0 : i32
      %swap3A_842 = arith.constant 0 : i32
      %swap3A_843 = tpu.memref_slice %arg7[%swap3A_839, %swap3A_841, %swap3A_842] : memref<2x4x128xi32, #tpu.memory_space<vmem>> -> memref<1x4x128xi32, #tpu.memory_space<vmem>>
      %swap3A_844 = tpu.memref_squeeze %swap3A_843 : memref<1x4x128xi32, #tpu.memory_space<vmem>> -> memref<4x128xi32, #tpu.memory_space<vmem>>
      %swap3A_845 = arith.index_cast %swap3A_840 : i32 to index
      %swap3A_846 = arith.constant 32 : index
      %swap3A_847 = tpu.vector_load %swap3A_844[%swap3A_845, %swap3A_846] {strides = array<i32>} : memref<4x128xi32, #tpu.memory_space<vmem>>, vector<16xi32>,
      tpu.vector_store %swap3A_844[%swap3A_845, %swap3A_846], %gather3A_838 {strides = array<i32>} : memref<4x128xi32, #tpu.memory_space<vmem>>, vector<16xi32>,
      %iota3A_848 = tpu.iota {dimensions = array<i32: 0>} : vector<16xi32>
      %add3A_849 = arith.constant 48 : i32
      %add3A_850 = vector.broadcast %add3A_849 : i32 to vector<16xi32>
      %add3A_851 = arith.addi %iota3A_848, %add3A_850 : vector<16xi32>
      %mul3A_852 = arith.constant 4 : i32
      %mul3A_853 = vector.broadcast %mul3A_852 : i32 to vector<16xi32>
      %mul3A_854 = arith.muli %mul3A_853, %add3A_851 : vector<16xi32>
      %add3A_855 = arith.constant 3 : i32
      %add3A_856 = vector.broadcast %add3A_855 : i32 to vector<16xi32>
      %add3A_857 = arith.addi %mul3A_854, %add3A_856 : vector<16xi32>
      %shift_right_logical3A_858 = arith.constant 7 : i32
      %shift_right_logical3A_859 = vector.broadcast %shift_right_logical3A_858 : i32 to vector<16xi32>
      %shift_right_logical3A_860 = arith.shrui %add3A_857, %shift_right_logical3A_859 : vector<16xi32>
      %and3A_861 = arith.constant 127 : i32
      %and3A_862 = vector.broadcast %and3A_861 : i32 to vector<16xi32>
      %and3A_863 = arith.andi %add3A_857, %and3A_862 : vector<16xi32>
      %gather3A_864 = arith.constant 0 : i32
      %gather3A_865 = arith.constant 0 : i32
      %gather3A_866 = arith.constant 0 : i32
      %gather3A_867 = tpu.memref_slice %arg6[%gather3A_864, %gather3A_865, %gather3A_866] : memref<2x4x128xi32, #tpu.memory_space<vmem>> -> memref<1x4x128xi32, #tpu.memory_space<vmem>>
      %gather3A_868 = tpu.memref_squeeze %gather3A_867 : memref<1x4x128xi32, #tpu.memory_space<vmem>> -> memref<4x128xi32, #tpu.memory_space<vmem>>
      %gather3A_869 = tpu.vector_load_idx %gather3A_868[%shift_right_logical3A_860, %and3A_863] : memref<4x128xi32, #tpu.memory_space<vmem>>[vector<16xi32>, vector<16xi32>], vector<16xi32>,
      %swap3A_870 = arith.constant 0 : i32
      %swap3A_871 = arith.constant 3 : i32
      %swap3A_872 = arith.constant 0 : i32
      %swap3A_873 = arith.constant 0 : i32
      %swap3A_874 = tpu.memref_slice %arg7[%swap3A_870, %swap3A_872, %swap3A_873] : memref<2x4x128xi32, #tpu.memory_space<vmem>> -> memref<1x4x128xi32, #tpu.memory_space<vmem>>
      %swap3A_875 = tpu.memref_squeeze %swap3A_874 : memref<1x4x128xi32, #tpu.memory_space<vmem>> -> memref<4x128xi32, #tpu.memory_space<vmem>>
      %swap3A_876 = arith.index_cast %swap3A_871 : i32 to index
      %swap3A_877 = arith.constant 48 : index
      %swap3A_878 = tpu.vector_load %swap3A_875[%swap3A_876, %swap3A_877] {strides = array<i32>} : memref<4x128xi32, #tpu.memory_space<vmem>>, vector<16xi32>,
      tpu.vector_store %swap3A_875[%swap3A_876, %swap3A_877], %gather3A_869 {strides = array<i32>} : memref<4x128xi32, #tpu.memory_space<vmem>>, vector<16xi32>,
      %iota3A_879 = tpu.iota {dimensions = array<i32: 0>} : vector<16xi32>
      %add3A_880 = arith.constant 64 : i32
      %add3A_881 = vector.broadcast %add3A_880 : i32 to vector<16xi32>
      %add3A_882 = arith.addi %iota3A_879, %add3A_881 : vector<16xi32>
      %mul3A_883 = arith.constant 4 : i32
      %mul3A_884 = vector.broadcast %mul3A_883 : i32 to vector<16xi32>
      %mul3A_885 = arith.muli %mul3A_884, %add3A_882 : vector<16xi32>
      %add3A_886 = arith.constant 3 : i32
      %add3A_887 = vector.broadcast %add3A_886 : i32 to vector<16xi32>
      %add3A_888 = arith.addi %mul3A_885, %add3A_887 : vector<16xi32>
      %shift_right_logical3A_889 = arith.constant 7 : i32
      %shift_right_logical3A_890 = vector.broadcast %shift_right_logical3A_889 : i32 to vector<16xi32>
      %shift_right_logical3A_891 = arith.shrui %add3A_888, %shift_right_logical3A_890 : vector<16xi32>
      %and3A_892 = arith.constant 127 : i32
      %and3A_893 = vector.broadcast %and3A_892 : i32 to vector<16xi32>
      %and3A_894 = arith.andi %add3A_888, %and3A_893 : vector<16xi32>
      %gather3A_895 = arith.constant 0 : i32
      %gather3A_896 = arith.constant 0 : i32
      %gather3A_897 = arith.constant 0 : i32
      %gather3A_898 = tpu.memref_slice %arg6[%gather3A_895, %gather3A_896, %gather3A_897] : memref<2x4x128xi32, #tpu.memory_space<vmem>> -> memref<1x4x128xi32, #tpu.memory_space<vmem>>
      %gather3A_899 = tpu.memref_squeeze %gather3A_898 : memref<1x4x128xi32, #tpu.memory_space<vmem>> -> memref<4x128xi32, #tpu.memory_space<vmem>>
      %gather3A_900 = tpu.vector_load_idx %gather3A_899[%shift_right_logical3A_891, %and3A_894] : memref<4x128xi32, #tpu.memory_space<vmem>>[vector<16xi32>, vector<16xi32>], vector<16xi32>,
      %swap3A_901 = arith.constant 0 : i32
      %swap3A_902 = arith.constant 3 : i32
      %swap3A_903 = arith.constant 0 : i32
      %swap3A_904 = arith.constant 0 : i32
      %swap3A_905 = tpu.memref_slice %arg7[%swap3A_901, %swap3A_903, %swap3A_904] : memref<2x4x128xi32, #tpu.memory_space<vmem>> -> memref<1x4x128xi32, #tpu.memory_space<vmem>>
      %swap3A_906 = tpu.memref_squeeze %swap3A_905 : memref<1x4x128xi32, #tpu.memory_space<vmem>> -> memref<4x128xi32, #tpu.memory_space<vmem>>
      %swap3A_907 = arith.index_cast %swap3A_902 : i32 to index
      %swap3A_908 = arith.constant 64 : index
      %swap3A_909 = tpu.vector_load %swap3A_906[%swap3A_907, %swap3A_908] {strides = array<i32>} : memref<4x128xi32, #tpu.memory_space<vmem>>, vector<16xi32>,
      tpu.vector_store %swap3A_906[%swap3A_907, %swap3A_908], %gather3A_900 {strides = array<i32>} : memref<4x128xi32, #tpu.memory_space<vmem>>, vector<16xi32>,
      %iota3A_910 = tpu.iota {dimensions = array<i32: 0>} : vector<16xi32>
      %add3A_911 = arith.constant 80 : i32
      %add3A_912 = vector.broadcast %add3A_911 : i32 to vector<16xi32>
      %add3A_913 = arith.addi %iota3A_910, %add3A_912 : vector<16xi32>
      %mul3A_914 = arith.constant 4 : i32
      %mul3A_915 = vector.broadcast %mul3A_914 : i32 to vector<16xi32>
      %mul3A_916 = arith.muli %mul3A_915, %add3A_913 : vector<16xi32>
      %add3A_917 = arith.constant 3 : i32
      %add3A_918 = vector.broadcast %add3A_917 : i32 to vector<16xi32>
      %add3A_919 = arith.addi %mul3A_916, %add3A_918 : vector<16xi32>
      %shift_right_logical3A_920 = arith.constant 7 : i32
      %shift_right_logical3A_921 = vector.broadcast %shift_right_logical3A_920 : i32 to vector<16xi32>
      %shift_right_logical3A_922 = arith.shrui %add3A_919, %shift_right_logical3A_921 : vector<16xi32>
      %and3A_923 = arith.constant 127 : i32
      %and3A_924 = vector.broadcast %and3A_923 : i32 to vector<16xi32>
      %and3A_925 = arith.andi %add3A_919, %and3A_924 : vector<16xi32>
      %gather3A_926 = arith.constant 0 : i32
      %gather3A_927 = arith.constant 0 : i32
      %gather3A_928 = arith.constant 0 : i32
      %gather3A_929 = tpu.memref_slice %arg6[%gather3A_926, %gather3A_927, %gather3A_928] : memref<2x4x128xi32, #tpu.memory_space<vmem>> -> memref<1x4x128xi32, #tpu.memory_space<vmem>>
      %gather3A_930 = tpu.memref_squeeze %gather3A_929 : memref<1x4x128xi32, #tpu.memory_space<vmem>> -> memref<4x128xi32, #tpu.memory_space<vmem>>
      %gather3A_931 = tpu.vector_load_idx %gather3A_930[%shift_right_logical3A_922, %and3A_925] : memref<4x128xi32, #tpu.memory_space<vmem>>[vector<16xi32>, vector<16xi32>], vector<16xi32>,
      %swap3A_932 = arith.constant 0 : i32
      %swap3A_933 = arith.constant 3 : i32
      %swap3A_934 = arith.constant 0 : i32
      %swap3A_935 = arith.constant 0 : i32
      %swap3A_936 = tpu.memref_slice %arg7[%swap3A_932, %swap3A_934, %swap3A_935] : memref<2x4x128xi32, #tpu.memory_space<vmem>> -> memref<1x4x128xi32, #tpu.memory_space<vmem>>
      %swap3A_937 = tpu.memref_squeeze %swap3A_936 : memref<1x4x128xi32, #tpu.memory_space<vmem>> -> memref<4x128xi32, #tpu.memory_space<vmem>>
      %swap3A_938 = arith.index_cast %swap3A_933 : i32 to index
      %swap3A_939 = arith.constant 80 : index
      %swap3A_940 = tpu.vector_load %swap3A_937[%swap3A_938, %swap3A_939] {strides = array<i32>} : memref<4x128xi32, #tpu.memory_space<vmem>>, vector<16xi32>,
      tpu.vector_store %swap3A_937[%swap3A_938, %swap3A_939], %gather3A_931 {strides = array<i32>} : memref<4x128xi32, #tpu.memory_space<vmem>>, vector<16xi32>,
      %iota3A_941 = tpu.iota {dimensions = array<i32: 0>} : vector<16xi32>
      %add3A_942 = arith.constant 96 : i32
      %add3A_943 = vector.broadcast %add3A_942 : i32 to vector<16xi32>
      %add3A_944 = arith.addi %iota3A_941, %add3A_943 : vector<16xi32>
      %mul3A_945 = arith.constant 4 : i32
      %mul3A_946 = vector.broadcast %mul3A_945 : i32 to vector<16xi32>
      %mul3A_947 = arith.muli %mul3A_946, %add3A_944 : vector<16xi32>
      %add3A_948 = arith.constant 3 : i32
      %add3A_949 = vector.broadcast %add3A_948 : i32 to vector<16xi32>
      %add3A_950 = arith.addi %mul3A_947, %add3A_949 : vector<16xi32>
      %shift_right_logical3A_951 = arith.constant 7 : i32
      %shift_right_logical3A_952 = vector.broadcast %shift_right_logical3A_951 : i32 to vector<16xi32>
      %shift_right_logical3A_953 = arith.shrui %add3A_950, %shift_right_logical3A_952 : vector<16xi32>
      %and3A_954 = arith.constant 127 : i32
      %and3A_955 = vector.broadcast %and3A_954 : i32 to vector<16xi32>
      %and3A_956 = arith.andi %add3A_950, %and3A_955 : vector<16xi32>
      %gather3A_957 = arith.constant 0 : i32
      %gather3A_958 = arith.constant 0 : i32
      %gather3A_959 = arith.constant 0 : i32
      %gather3A_960 = tpu.memref_slice %arg6[%gather3A_957, %gather3A_958, %gather3A_959] : memref<2x4x128xi32, #tpu.memory_space<vmem>> -> memref<1x4x128xi32, #tpu.memory_space<vmem>>
      %gather3A_961 = tpu.memref_squeeze %gather3A_960 : memref<1x4x128xi32, #tpu.memory_space<vmem>> -> memref<4x128xi32, #tpu.memory_space<vmem>>
      %gather3A_962 = tpu.vector_load_idx %gather3A_961[%shift_right_logical3A_953, %and3A_956] : memref<4x128xi32, #tpu.memory_space<vmem>>[vector<16xi32>, vector<16xi32>], vector<16xi32>,
      %swap3A_963 = arith.constant 0 : i32
      %swap3A_964 = arith.constant 3 : i32
      %swap3A_965 = arith.constant 0 : i32
      %swap3A_966 = arith.constant 0 : i32
      %swap3A_967 = tpu.memref_slice %arg7[%swap3A_963, %swap3A_965, %swap3A_966] : memref<2x4x128xi32, #tpu.memory_space<vmem>> -> memref<1x4x128xi32, #tpu.memory_space<vmem>>
      %swap3A_968 = tpu.memref_squeeze %swap3A_967 : memref<1x4x128xi32, #tpu.memory_space<vmem>> -> memref<4x128xi32, #tpu.memory_space<vmem>>
      %swap3A_969 = arith.index_cast %swap3A_964 : i32 to index
      %swap3A_970 = arith.constant 96 : index
      %swap3A_971 = tpu.vector_load %swap3A_968[%swap3A_969, %swap3A_970] {strides = array<i32>} : memref<4x128xi32, #tpu.memory_space<vmem>>, vector<16xi32>,
      tpu.vector_store %swap3A_968[%swap3A_969, %swap3A_970], %gather3A_962 {strides = array<i32>} : memref<4x128xi32, #tpu.memory_space<vmem>>, vector<16xi32>,
      %iota3A_972 = tpu.iota {dimensions = array<i32: 0>} : vector<16xi32>
      %add3A_973 = arith.constant 112 : i32
      %add3A_974 = vector.broadcast %add3A_973 : i32 to vector<16xi32>
      %add3A_975 = arith.addi %iota3A_972, %add3A_974 : vector<16xi32>
      %mul3A_976 = arith.constant 4 : i32
      %mul3A_977 = vector.broadcast %mul3A_976 : i32 to vector<16xi32>
      %mul3A_978 = arith.muli %mul3A_977, %add3A_975 : vector<16xi32>
      %add3A_979 = arith.constant 3 : i32
      %add3A_980 = vector.broadcast %add3A_979 : i32 to vector<16xi32>
      %add3A_981 = arith.addi %mul3A_978, %add3A_980 : vector<16xi32>
      %shift_right_logical3A_982 = arith.constant 7 : i32
      %shift_right_logical3A_983 = vector.broadcast %shift_right_logical3A_982 : i32 to vector<16xi32>
      %shift_right_logical3A_984 = arith.shrui %add3A_981, %shift_right_logical3A_983 : vector<16xi32>
      %and3A_985 = arith.constant 127 : i32
      %and3A_986 = vector.broadcast %and3A_985 : i32 to vector<16xi32>
      %and3A_987 = arith.andi %add3A_981, %and3A_986 : vector<16xi32>
      %gather3A_988 = arith.constant 0 : i32
      %gather3A_989 = arith.constant 0 : i32
      %gather3A_990 = arith.constant 0 : i32
      %gather3A_991 = tpu.memref_slice %arg6[%gather3A_988, %gather3A_989, %gather3A_990] : memref<2x4x128xi32, #tpu.memory_space<vmem>> -> memref<1x4x128xi32, #tpu.memory_space<vmem>>
      %gather3A_992 = tpu.memref_squeeze %gather3A_991 : memref<1x4x128xi32, #tpu.memory_space<vmem>> -> memref<4x128xi32, #tpu.memory_space<vmem>>
      %gather3A_993 = tpu.vector_load_idx %gather3A_992[%shift_right_logical3A_984, %and3A_987] : memref<4x128xi32, #tpu.memory_space<vmem>>[vector<16xi32>, vector<16xi32>], vector<16xi32>,
      %swap3A_994 = arith.constant 0 : i32
      %swap3A_995 = arith.constant 3 : i32
      %swap3A_996 = arith.constant 0 : i32
      %swap3A_997 = arith.constant 0 : i32
      %swap3A_998 = tpu.memref_slice %arg7[%swap3A_994, %swap3A_996, %swap3A_997] : memref<2x4x128xi32, #tpu.memory_space<vmem>> -> memref<1x4x128xi32, #tpu.memory_space<vmem>>
      %swap3A_999 = tpu.memref_squeeze %swap3A_998 : memref<1x4x128xi32, #tpu.memory_space<vmem>> -> memref<4x128xi32, #tpu.memory_space<vmem>>
      %swap3A_1000 = arith.index_cast %swap3A_995 : i32 to index
      %swap3A_1001 = arith.constant 112 : index
      %swap3A_1002 = tpu.vector_load %swap3A_999[%swap3A_1000, %swap3A_1001] {strides = array<i32>} : memref<4x128xi32, #tpu.memory_space<vmem>>, vector<16xi32>,
      tpu.vector_store %swap3A_999[%swap3A_1000, %swap3A_1001], %gather3A_993 {strides = array<i32>} : memref<4x128xi32, #tpu.memory_space<vmem>>, vector<16xi32>,
      %mul3A_1003 = arith.constant 50 : i32
      %mul3A_1004 = arith.muli %add3A, %mul3A_1003 : i32
      %mul3A_1005 = arith.constant 2 : i32
      %mul3A_1006 = arith.muli %mul3A_1005, %scan3A_6 : i32
      %add3A_1007 = arith.addi %mul3A_1004, %mul3A_1006 : i32
      %add3A_1008 = arith.constant 1 : i32
      %add3A_1009 = arith.addi %add3A_1007, %add3A_1008 : i32
      %mul3A_1010 = arith.constant 4 : i32
      %mul3A_1011 = arith.muli %mul3A_1010, %add3A_1009 : i32
      %run_scoped3A_1012 = arith.constant 1 : i32
      "tpu.region"() ({
        %run_scoped3A_2263 = tpu.sem_alloc : memref<!tpu.dma_semaphore, #tpu.memory_space<semaphore_mem>>
        %dma_start3A_2264 = arith.constant 0 : i32
        %dma_start3A_2265 = arith.constant 0 : i32
        %dma_start3A_2266 = tpu.memref_slice %arg6[%run_scoped3A_1012, %dma_start3A_2264, %dma_start3A_2265] : memref<2x4x128xi32, #tpu.memory_space<vmem>> -> memref<1x4x128xi32, #tpu.memory_space<vmem>>
        %dma_start3A_2267 = tpu.memref_squeeze %dma_start3A_2266 : memref<1x4x128xi32, #tpu.memory_space<vmem>> -> memref<4x128xi32, #tpu.memory_space<vmem>>
        %dma_start3A_2268 = arith.constant 0 : i32
        %dma_start3A_2269 = tpu.memref_slice %arg3[%mul3A_1011, %dma_start3A_2268] : memref<6400x128xi32, #tpu.memory_space<hbm>> -> memref<4x128xi32, #tpu.memory_space<hbm>>
        %dma_start3A_2270 = arith.constant 0 : i32
        %dma_start3A_2271 = arith.constant 0 : i32
        %dma_start3A_2272 = tpu.memref_slice %arg6[%run_scoped3A_1012, %dma_start3A_2270, %dma_start3A_2271] : memref<2x4x128xi32, #tpu.memory_space<vmem>> -> memref<1x4x128xi32, #tpu.memory_space<vmem>>
        %dma_start3A_2273 = tpu.memref_squeeze %dma_start3A_2272 : memref<1x4x128xi32, #tpu.memory_space<vmem>> -> memref<4x128xi32, #tpu.memory_space<vmem>>
        %dma_start3A_2274 = arith.constant 0 : i32
        %dma_start3A_2275 = tpu.memref_slice %arg3[%mul3A_1011, %dma_start3A_2274] : memref<6400x128xi32, #tpu.memory_space<hbm>> -> memref<4x128xi32, #tpu.memory_space<hbm>>
        tpu.enqueue_dma source(%dma_start3A_2275 : memref<4x128xi32, #tpu.memory_space<hbm>>) target(%dma_start3A_2273 : memref<4x128xi32, #tpu.memory_space<vmem>>) target_semaphore(%run_scoped3A_2263 : memref<!tpu.dma_semaphore, #tpu.memory_space<semaphore_mem>>)
        %dma_wait3A_2276 = arith.constant 0 : i32
        %dma_wait3A_2277 = arith.constant 0 : i32
        %dma_wait3A_2278 = tpu.memref_slice %arg6[%run_scoped3A_1012, %dma_wait3A_2276, %dma_wait3A_2277] : memref<2x4x128xi32, #tpu.memory_space<vmem>> -> memref<1x4x128xi32, #tpu.memory_space<vmem>>
        %dma_wait3A_2279 = tpu.memref_squeeze %dma_wait3A_2278 : memref<1x4x128xi32, #tpu.memory_space<vmem>> -> memref<4x128xi32, #tpu.memory_space<vmem>>
        %dma_wait3A_2280 = arith.constant 0 : i32
        %dma_wait3A_2281 = tpu.memref_slice %arg3[%mul3A_1011, %dma_wait3A_2280] : memref<6400x128xi32, #tpu.memory_space<hbm>> -> memref<4x128xi32, #tpu.memory_space<hbm>>
        %dma_wait3A_2282 = arith.constant 0 : i32
        %dma_wait3A_2283 = arith.constant 0 : i32
        %dma_wait3A_2284 = tpu.memref_slice %arg6[%run_scoped3A_1012, %dma_wait3A_2282, %dma_wait3A_2283] : memref<2x4x128xi32, #tpu.memory_space<vmem>> -> memref<1x4x128xi32, #tpu.memory_space<vmem>>
        %dma_wait3A_2285 = tpu.memref_squeeze %dma_wait3A_2284 : memref<1x4x128xi32, #tpu.memory_space<vmem>> -> memref<4x128xi32, #tpu.memory_space<vmem>>
        %dma_wait3A_2286 = arith.constant 0 : i32
        %dma_wait3A_2287 = tpu.memref_slice %arg3[%mul3A_1011, %dma_wait3A_2286] : memref<6400x128xi32, #tpu.memory_space<hbm>> -> memref<4x128xi32, #tpu.memory_space<hbm>>
        tpu.wait_dma2 semaphore(%run_scoped3A_2263 : memref<!tpu.dma_semaphore, #tpu.memory_space<semaphore_mem>>) src(%dma_wait3A_2287 : memref<4x128xi32, #tpu.memory_space<hbm>>) dst(%dma_wait3A_2285 : memref<4x128xi32, #tpu.memory_space<vmem>>)
        tpu.yield
      }) : () -> ()
      %iota3A_1013 = tpu.iota {dimensions = array<i32: 0>} : vector<16xi32>
      %add3A_1014 = arith.constant 0 : i32
      %add3A_1015 = vector.broadcast %add3A_1014 : i32 to vector<16xi32>
      %add3A_1016 = arith.addi %iota3A_1013, %add3A_1015 : vector<16xi32>
      %mul3A_1017 = arith.constant 4 : i32
      %mul3A_1018 = vector.broadcast %mul3A_1017 : i32 to vector<16xi32>
      %mul3A_1019 = arith.muli %mul3A_1018, %add3A_1016 : vector<16xi32>
      %add3A_1020 = arith.constant 0 : i32
      %add3A_1021 = vector.broadcast %add3A_1020 : i32 to vector<16xi32>
      %add3A_1022 = arith.addi %mul3A_1019, %add3A_1021 : vector<16xi32>
      %shift_right_logical3A_1023 = arith.constant 7 : i32
      %shift_right_logical3A_1024 = vector.broadcast %shift_right_logical3A_1023 : i32 to vector<16xi32>
      %shift_right_logical3A_1025 = arith.shrui %add3A_1022, %shift_right_logical3A_1024 : vector<16xi32>
      %and3A_1026 = arith.constant 127 : i32
      %and3A_1027 = vector.broadcast %and3A_1026 : i32 to vector<16xi32>
      %and3A_1028 = arith.andi %add3A_1022, %and3A_1027 : vector<16xi32>
      %gather3A_1029 = arith.constant 1 : i32
      %gather3A_1030 = arith.constant 0 : i32
      %gather3A_1031 = arith.constant 0 : i32
      %gather3A_1032 = tpu.memref_slice %arg6[%gather3A_1029, %gather3A_1030, %gather3A_1031] : memref<2x4x128xi32, #tpu.memory_space<vmem>> -> memref<1x4x128xi32, #tpu.memory_space<vmem>>
      %gather3A_1033 = tpu.memref_squeeze %gather3A_1032 : memref<1x4x128xi32, #tpu.memory_space<vmem>> -> memref<4x128xi32, #tpu.memory_space<vmem>>
      %gather3A_1034 = tpu.vector_load_idx %gather3A_1033[%shift_right_logical3A_1025, %and3A_1028] : memref<4x128xi32, #tpu.memory_space<vmem>>[vector<16xi32>, vector<16xi32>], vector<16xi32>,
      %swap3A_1035 = arith.constant 1 : i32
      %swap3A_1036 = arith.constant 0 : i32
      %swap3A_1037 = arith.constant 0 : i32
      %swap3A_1038 = arith.constant 0 : i32
      %swap3A_1039 = tpu.memref_slice %arg7[%swap3A_1035, %swap3A_1037, %swap3A_1038] : memref<2x4x128xi32, #tpu.memory_space<vmem>> -> memref<1x4x128xi32, #tpu.memory_space<vmem>>
      %swap3A_1040 = tpu.memref_squeeze %swap3A_1039 : memref<1x4x128xi32, #tpu.memory_space<vmem>> -> memref<4x128xi32, #tpu.memory_space<vmem>>
      %swap3A_1041 = arith.index_cast %swap3A_1036 : i32 to index
      %swap3A_1042 = arith.constant 0 : index
      %swap3A_1043 = tpu.vector_load %swap3A_1040[%swap3A_1041, %swap3A_1042] {strides = array<i32>} : memref<4x128xi32, #tpu.memory_space<vmem>>, vector<16xi32>,
      tpu.vector_store %swap3A_1040[%swap3A_1041, %swap3A_1042], %gather3A_1034 {strides = array<i32>} : memref<4x128xi32, #tpu.memory_space<vmem>>, vector<16xi32>,
      %iota3A_1044 = tpu.iota {dimensions = array<i32: 0>} : vector<16xi32>
      %add3A_1045 = arith.constant 16 : i32
      %add3A_1046 = vector.broadcast %add3A_1045 : i32 to vector<16xi32>
      %add3A_1047 = arith.addi %iota3A_1044, %add3A_1046 : vector<16xi32>
      %mul3A_1048 = arith.constant 4 : i32
      %mul3A_1049 = vector.broadcast %mul3A_1048 : i32 to vector<16xi32>
      %mul3A_1050 = arith.muli %mul3A_1049, %add3A_1047 : vector<16xi32>
      %add3A_1051 = arith.constant 0 : i32
      %add3A_1052 = vector.broadcast %add3A_1051 : i32 to vector<16xi32>
      %add3A_1053 = arith.addi %mul3A_1050, %add3A_1052 : vector<16xi32>
      %shift_right_logical3A_1054 = arith.constant 7 : i32
      %shift_right_logical3A_1055 = vector.broadcast %shift_right_logical3A_1054 : i32 to vector<16xi32>
      %shift_right_logical3A_1056 = arith.shrui %add3A_1053, %shift_right_logical3A_1055 : vector<16xi32>
      %and3A_1057 = arith.constant 127 : i32
      %and3A_1058 = vector.broadcast %and3A_1057 : i32 to vector<16xi32>
      %and3A_1059 = arith.andi %add3A_1053, %and3A_1058 : vector<16xi32>
      %gather3A_1060 = arith.constant 1 : i32
      %gather3A_1061 = arith.constant 0 : i32
      %gather3A_1062 = arith.constant 0 : i32
      %gather3A_1063 = tpu.memref_slice %arg6[%gather3A_1060, %gather3A_1061, %gather3A_1062] : memref<2x4x128xi32, #tpu.memory_space<vmem>> -> memref<1x4x128xi32, #tpu.memory_space<vmem>>
      %gather3A_1064 = tpu.memref_squeeze %gather3A_1063 : memref<1x4x128xi32, #tpu.memory_space<vmem>> -> memref<4x128xi32, #tpu.memory_space<vmem>>
      %gather3A_1065 = tpu.vector_load_idx %gather3A_1064[%shift_right_logical3A_1056, %and3A_1059] : memref<4x128xi32, #tpu.memory_space<vmem>>[vector<16xi32>, vector<16xi32>], vector<16xi32>,
      %swap3A_1066 = arith.constant 1 : i32
      %swap3A_1067 = arith.constant 0 : i32
      %swap3A_1068 = arith.constant 0 : i32
      %swap3A_1069 = arith.constant 0 : i32
      %swap3A_1070 = tpu.memref_slice %arg7[%swap3A_1066, %swap3A_1068, %swap3A_1069] : memref<2x4x128xi32, #tpu.memory_space<vmem>> -> memref<1x4x128xi32, #tpu.memory_space<vmem>>
      %swap3A_1071 = tpu.memref_squeeze %swap3A_1070 : memref<1x4x128xi32, #tpu.memory_space<vmem>> -> memref<4x128xi32, #tpu.memory_space<vmem>>
      %swap3A_1072 = arith.index_cast %swap3A_1067 : i32 to index
      %swap3A_1073 = arith.constant 16 : index
      %swap3A_1074 = tpu.vector_load %swap3A_1071[%swap3A_1072, %swap3A_1073] {strides = array<i32>} : memref<4x128xi32, #tpu.memory_space<vmem>>, vector<16xi32>,
      tpu.vector_store %swap3A_1071[%swap3A_1072, %swap3A_1073], %gather3A_1065 {strides = array<i32>} : memref<4x128xi32, #tpu.memory_space<vmem>>, vector<16xi32>,
      %iota3A_1075 = tpu.iota {dimensions = array<i32: 0>} : vector<16xi32>
      %add3A_1076 = arith.constant 32 : i32
      %add3A_1077 = vector.broadcast %add3A_1076 : i32 to vector<16xi32>
      %add3A_1078 = arith.addi %iota3A_1075, %add3A_1077 : vector<16xi32>
      %mul3A_1079 = arith.constant 4 : i32
      %mul3A_1080 = vector.broadcast %mul3A_1079 : i32 to vector<16xi32>
      %mul3A_1081 = arith.muli %mul3A_1080, %add3A_1078 : vector<16xi32>
      %add3A_1082 = arith.constant 0 : i32
      %add3A_1083 = vector.broadcast %add3A_1082 : i32 to vector<16xi32>
      %add3A_1084 = arith.addi %mul3A_1081, %add3A_1083 : vector<16xi32>
      %shift_right_logical3A_1085 = arith.constant 7 : i32
      %shift_right_logical3A_1086 = vector.broadcast %shift_right_logical3A_1085 : i32 to vector<16xi32>
      %shift_right_logical3A_1087 = arith.shrui %add3A_1084, %shift_right_logical3A_1086 : vector<16xi32>
      %and3A_1088 = arith.constant 127 : i32
      %and3A_1089 = vector.broadcast %and3A_1088 : i32 to vector<16xi32>
      %and3A_1090 = arith.andi %add3A_1084, %and3A_1089 : vector<16xi32>
      %gather3A_1091 = arith.constant 1 : i32
      %gather3A_1092 = arith.constant 0 : i32
      %gather3A_1093 = arith.constant 0 : i32
      %gather3A_1094 = tpu.memref_slice %arg6[%gather3A_1091, %gather3A_1092, %gather3A_1093] : memref<2x4x128xi32, #tpu.memory_space<vmem>> -> memref<1x4x128xi32, #tpu.memory_space<vmem>>
      %gather3A_1095 = tpu.memref_squeeze %gather3A_1094 : memref<1x4x128xi32, #tpu.memory_space<vmem>> -> memref<4x128xi32, #tpu.memory_space<vmem>>
      %gather3A_1096 = tpu.vector_load_idx %gather3A_1095[%shift_right_logical3A_1087, %and3A_1090] : memref<4x128xi32, #tpu.memory_space<vmem>>[vector<16xi32>, vector<16xi32>], vector<16xi32>,
      %swap3A_1097 = arith.constant 1 : i32
      %swap3A_1098 = arith.constant 0 : i32
      %swap3A_1099 = arith.constant 0 : i32
      %swap3A_1100 = arith.constant 0 : i32
      %swap3A_1101 = tpu.memref_slice %arg7[%swap3A_1097, %swap3A_1099, %swap3A_1100] : memref<2x4x128xi32, #tpu.memory_space<vmem>> -> memref<1x4x128xi32, #tpu.memory_space<vmem>>
      %swap3A_1102 = tpu.memref_squeeze %swap3A_1101 : memref<1x4x128xi32, #tpu.memory_space<vmem>> -> memref<4x128xi32, #tpu.memory_space<vmem>>
      %swap3A_1103 = arith.index_cast %swap3A_1098 : i32 to index
      %swap3A_1104 = arith.constant 32 : index
      %swap3A_1105 = tpu.vector_load %swap3A_1102[%swap3A_1103, %swap3A_1104] {strides = array<i32>} : memref<4x128xi32, #tpu.memory_space<vmem>>, vector<16xi32>,
      tpu.vector_store %swap3A_1102[%swap3A_1103, %swap3A_1104], %gather3A_1096 {strides = array<i32>} : memref<4x128xi32, #tpu.memory_space<vmem>>, vector<16xi32>,
      %iota3A_1106 = tpu.iota {dimensions = array<i32: 0>} : vector<16xi32>
      %add3A_1107 = arith.constant 48 : i32
      %add3A_1108 = vector.broadcast %add3A_1107 : i32 to vector<16xi32>
      %add3A_1109 = arith.addi %iota3A_1106, %add3A_1108 : vector<16xi32>
      %mul3A_1110 = arith.constant 4 : i32
      %mul3A_1111 = vector.broadcast %mul3A_1110 : i32 to vector<16xi32>
      %mul3A_1112 = arith.muli %mul3A_1111, %add3A_1109 : vector<16xi32>
      %add3A_1113 = arith.constant 0 : i32
      %add3A_1114 = vector.broadcast %add3A_1113 : i32 to vector<16xi32>
      %add3A_1115 = arith.addi %mul3A_1112, %add3A_1114 : vector<16xi32>
      %shift_right_logical3A_1116 = arith.constant 7 : i32
      %shift_right_logical3A_1117 = vector.broadcast %shift_right_logical3A_1116 : i32 to vector<16xi32>
      %shift_right_logical3A_1118 = arith.shrui %add3A_1115, %shift_right_logical3A_1117 : vector<16xi32>
      %and3A_1119 = arith.constant 127 : i32
      %and3A_1120 = vector.broadcast %and3A_1119 : i32 to vector<16xi32>
      %and3A_1121 = arith.andi %add3A_1115, %and3A_1120 : vector<16xi32>
      %gather3A_1122 = arith.constant 1 : i32
      %gather3A_1123 = arith.constant 0 : i32
      %gather3A_1124 = arith.constant 0 : i32
      %gather3A_1125 = tpu.memref_slice %arg6[%gather3A_1122, %gather3A_1123, %gather3A_1124] : memref<2x4x128xi32, #tpu.memory_space<vmem>> -> memref<1x4x128xi32, #tpu.memory_space<vmem>>
      %gather3A_1126 = tpu.memref_squeeze %gather3A_1125 : memref<1x4x128xi32, #tpu.memory_space<vmem>> -> memref<4x128xi32, #tpu.memory_space<vmem>>
      %gather3A_1127 = tpu.vector_load_idx %gather3A_1126[%shift_right_logical3A_1118, %and3A_1121] : memref<4x128xi32, #tpu.memory_space<vmem>>[vector<16xi32>, vector<16xi32>], vector<16xi32>,
      %swap3A_1128 = arith.constant 1 : i32
      %swap3A_1129 = arith.constant 0 : i32
      %swap3A_1130 = arith.constant 0 : i32
      %swap3A_1131 = arith.constant 0 : i32
      %swap3A_1132 = tpu.memref_slice %arg7[%swap3A_1128, %swap3A_1130, %swap3A_1131] : memref<2x4x128xi32, #tpu.memory_space<vmem>> -> memref<1x4x128xi32, #tpu.memory_space<vmem>>
      %swap3A_1133 = tpu.memref_squeeze %swap3A_1132 : memref<1x4x128xi32, #tpu.memory_space<vmem>> -> memref<4x128xi32, #tpu.memory_space<vmem>>
      %swap3A_1134 = arith.index_cast %swap3A_1129 : i32 to index
      %swap3A_1135 = arith.constant 48 : index
      %swap3A_1136 = tpu.vector_load %swap3A_1133[%swap3A_1134, %swap3A_1135] {strides = array<i32>} : memref<4x128xi32, #tpu.memory_space<vmem>>, vector<16xi32>,
      tpu.vector_store %swap3A_1133[%swap3A_1134, %swap3A_1135], %gather3A_1127 {strides = array<i32>} : memref<4x128xi32, #tpu.memory_space<vmem>>, vector<16xi32>,
      %iota3A_1137 = tpu.iota {dimensions = array<i32: 0>} : vector<16xi32>
      %add3A_1138 = arith.constant 64 : i32
      %add3A_1139 = vector.broadcast %add3A_1138 : i32 to vector<16xi32>
      %add3A_1140 = arith.addi %iota3A_1137, %add3A_1139 : vector<16xi32>
      %mul3A_1141 = arith.constant 4 : i32
      %mul3A_1142 = vector.broadcast %mul3A_1141 : i32 to vector<16xi32>
      %mul3A_1143 = arith.muli %mul3A_1142, %add3A_1140 : vector<16xi32>
      %add3A_1144 = arith.constant 0 : i32
      %add3A_1145 = vector.broadcast %add3A_1144 : i32 to vector<16xi32>
      %add3A_1146 = arith.addi %mul3A_1143, %add3A_1145 : vector<16xi32>
      %shift_right_logical3A_1147 = arith.constant 7 : i32
      %shift_right_logical3A_1148 = vector.broadcast %shift_right_logical3A_1147 : i32 to vector<16xi32>
      %shift_right_logical3A_1149 = arith.shrui %add3A_1146, %shift_right_logical3A_1148 : vector<16xi32>
      %and3A_1150 = arith.constant 127 : i32
      %and3A_1151 = vector.broadcast %and3A_1150 : i32 to vector<16xi32>
      %and3A_1152 = arith.andi %add3A_1146, %and3A_1151 : vector<16xi32>
      %gather3A_1153 = arith.constant 1 : i32
      %gather3A_1154 = arith.constant 0 : i32
      %gather3A_1155 = arith.constant 0 : i32
      %gather3A_1156 = tpu.memref_slice %arg6[%gather3A_1153, %gather3A_1154, %gather3A_1155] : memref<2x4x128xi32, #tpu.memory_space<vmem>> -> memref<1x4x128xi32, #tpu.memory_space<vmem>>
      %gather3A_1157 = tpu.memref_squeeze %gather3A_1156 : memref<1x4x128xi32, #tpu.memory_space<vmem>> -> memref<4x128xi32, #tpu.memory_space<vmem>>
      %gather3A_1158 = tpu.vector_load_idx %gather3A_1157[%shift_right_logical3A_1149, %and3A_1152] : memref<4x128xi32, #tpu.memory_space<vmem>>[vector<16xi32>, vector<16xi32>], vector<16xi32>,
      %swap3A_1159 = arith.constant 1 : i32
      %swap3A_1160 = arith.constant 0 : i32
      %swap3A_1161 = arith.constant 0 : i32
      %swap3A_1162 = arith.constant 0 : i32
      %swap3A_1163 = tpu.memref_slice %arg7[%swap3A_1159, %swap3A_1161, %swap3A_1162] : memref<2x4x128xi32, #tpu.memory_space<vmem>> -> memref<1x4x128xi32, #tpu.memory_space<vmem>>
      %swap3A_1164 = tpu.memref_squeeze %swap3A_1163 : memref<1x4x128xi32, #tpu.memory_space<vmem>> -> memref<4x128xi32, #tpu.memory_space<vmem>>
      %swap3A_1165 = arith.index_cast %swap3A_1160 : i32 to index
      %swap3A_1166 = arith.constant 64 : index
      %swap3A_1167 = tpu.vector_load %swap3A_1164[%swap3A_1165, %swap3A_1166] {strides = array<i32>} : memref<4x128xi32, #tpu.memory_space<vmem>>, vector<16xi32>,
      tpu.vector_store %swap3A_1164[%swap3A_1165, %swap3A_1166], %gather3A_1158 {strides = array<i32>} : memref<4x128xi32, #tpu.memory_space<vmem>>, vector<16xi32>,
      %iota3A_1168 = tpu.iota {dimensions = array<i32: 0>} : vector<16xi32>
      %add3A_1169 = arith.constant 80 : i32
      %add3A_1170 = vector.broadcast %add3A_1169 : i32 to vector<16xi32>
      %add3A_1171 = arith.addi %iota3A_1168, %add3A_1170 : vector<16xi32>
      %mul3A_1172 = arith.constant 4 : i32
      %mul3A_1173 = vector.broadcast %mul3A_1172 : i32 to vector<16xi32>
      %mul3A_1174 = arith.muli %mul3A_1173, %add3A_1171 : vector<16xi32>
      %add3A_1175 = arith.constant 0 : i32
      %add3A_1176 = vector.broadcast %add3A_1175 : i32 to vector<16xi32>
      %add3A_1177 = arith.addi %mul3A_1174, %add3A_1176 : vector<16xi32>
      %shift_right_logical3A_1178 = arith.constant 7 : i32
      %shift_right_logical3A_1179 = vector.broadcast %shift_right_logical3A_1178 : i32 to vector<16xi32>
      %shift_right_logical3A_1180 = arith.shrui %add3A_1177, %shift_right_logical3A_1179 : vector<16xi32>
      %and3A_1181 = arith.constant 127 : i32
      %and3A_1182 = vector.broadcast %and3A_1181 : i32 to vector<16xi32>
      %and3A_1183 = arith.andi %add3A_1177, %and3A_1182 : vector<16xi32>
      %gather3A_1184 = arith.constant 1 : i32
      %gather3A_1185 = arith.constant 0 : i32
      %gather3A_1186 = arith.constant 0 : i32
      %gather3A_1187 = tpu.memref_slice %arg6[%gather3A_1184, %gather3A_1185, %gather3A_1186] : memref<2x4x128xi32, #tpu.memory_space<vmem>> -> memref<1x4x128xi32, #tpu.memory_space<vmem>>
      %gather3A_1188 = tpu.memref_squeeze %gather3A_1187 : memref<1x4x128xi32, #tpu.memory_space<vmem>> -> memref<4x128xi32, #tpu.memory_space<vmem>>
      %gather3A_1189 = tpu.vector_load_idx %gather3A_1188[%shift_right_logical3A_1180, %and3A_1183] : memref<4x128xi32, #tpu.memory_space<vmem>>[vector<16xi32>, vector<16xi32>], vector<16xi32>,
      %swap3A_1190 = arith.constant 1 : i32
      %swap3A_1191 = arith.constant 0 : i32
      %swap3A_1192 = arith.constant 0 : i32
      %swap3A_1193 = arith.constant 0 : i32
      %swap3A_1194 = tpu.memref_slice %arg7[%swap3A_1190, %swap3A_1192, %swap3A_1193] : memref<2x4x128xi32, #tpu.memory_space<vmem>> -> memref<1x4x128xi32, #tpu.memory_space<vmem>>
      %swap3A_1195 = tpu.memref_squeeze %swap3A_1194 : memref<1x4x128xi32, #tpu.memory_space<vmem>> -> memref<4x128xi32, #tpu.memory_space<vmem>>
      %swap3A_1196 = arith.index_cast %swap3A_1191 : i32 to index
      %swap3A_1197 = arith.constant 80 : index
      %swap3A_1198 = tpu.vector_load %swap3A_1195[%swap3A_1196, %swap3A_1197] {strides = array<i32>} : memref<4x128xi32, #tpu.memory_space<vmem>>, vector<16xi32>,
      tpu.vector_store %swap3A_1195[%swap3A_1196, %swap3A_1197], %gather3A_1189 {strides = array<i32>} : memref<4x128xi32, #tpu.memory_space<vmem>>, vector<16xi32>,
      %iota3A_1199 = tpu.iota {dimensions = array<i32: 0>} : vector<16xi32>
      %add3A_1200 = arith.constant 96 : i32
      %add3A_1201 = vector.broadcast %add3A_1200 : i32 to vector<16xi32>
      %add3A_1202 = arith.addi %iota3A_1199, %add3A_1201 : vector<16xi32>
      %mul3A_1203 = arith.constant 4 : i32
      %mul3A_1204 = vector.broadcast %mul3A_1203 : i32 to vector<16xi32>
      %mul3A_1205 = arith.muli %mul3A_1204, %add3A_1202 : vector<16xi32>
      %add3A_1206 = arith.constant 0 : i32
      %add3A_1207 = vector.broadcast %add3A_1206 : i32 to vector<16xi32>
      %add3A_1208 = arith.addi %mul3A_1205, %add3A_1207 : vector<16xi32>
      %shift_right_logical3A_1209 = arith.constant 7 : i32
      %shift_right_logical3A_1210 = vector.broadcast %shift_right_logical3A_1209 : i32 to vector<16xi32>
      %shift_right_logical3A_1211 = arith.shrui %add3A_1208, %shift_right_logical3A_1210 : vector<16xi32>
      %and3A_1212 = arith.constant 127 : i32
      %and3A_1213 = vector.broadcast %and3A_1212 : i32 to vector<16xi32>
      %and3A_1214 = arith.andi %add3A_1208, %and3A_1213 : vector<16xi32>
      %gather3A_1215 = arith.constant 1 : i32
      %gather3A_1216 = arith.constant 0 : i32
      %gather3A_1217 = arith.constant 0 : i32
      %gather3A_1218 = tpu.memref_slice %arg6[%gather3A_1215, %gather3A_1216, %gather3A_1217] : memref<2x4x128xi32, #tpu.memory_space<vmem>> -> memref<1x4x128xi32, #tpu.memory_space<vmem>>
      %gather3A_1219 = tpu.memref_squeeze %gather3A_1218 : memref<1x4x128xi32, #tpu.memory_space<vmem>> -> memref<4x128xi32, #tpu.memory_space<vmem>>
      %gather3A_1220 = tpu.vector_load_idx %gather3A_1219[%shift_right_logical3A_1211, %and3A_1214] : memref<4x128xi32, #tpu.memory_space<vmem>>[vector<16xi32>, vector<16xi32>], vector<16xi32>,
      %swap3A_1221 = arith.constant 1 : i32
      %swap3A_1222 = arith.constant 0 : i32
      %swap3A_1223 = arith.constant 0 : i32
      %swap3A_1224 = arith.constant 0 : i32
      %swap3A_1225 = tpu.memref_slice %arg7[%swap3A_1221, %swap3A_1223, %swap3A_1224] : memref<2x4x128xi32, #tpu.memory_space<vmem>> -> memref<1x4x128xi32, #tpu.memory_space<vmem>>
      %swap3A_1226 = tpu.memref_squeeze %swap3A_1225 : memref<1x4x128xi32, #tpu.memory_space<vmem>> -> memref<4x128xi32, #tpu.memory_space<vmem>>
      %swap3A_1227 = arith.index_cast %swap3A_1222 : i32 to index
      %swap3A_1228 = arith.constant 96 : index
      %swap3A_1229 = tpu.vector_load %swap3A_1226[%swap3A_1227, %swap3A_1228] {strides = array<i32>} : memref<4x128xi32, #tpu.memory_space<vmem>>, vector<16xi32>,
      tpu.vector_store %swap3A_1226[%swap3A_1227, %swap3A_1228], %gather3A_1220 {strides = array<i32>} : memref<4x128xi32, #tpu.memory_space<vmem>>, vector<16xi32>,
      %iota3A_1230 = tpu.iota {dimensions = array<i32: 0>} : vector<16xi32>
      %add3A_1231 = arith.constant 112 : i32
      %add3A_1232 = vector.broadcast %add3A_1231 : i32 to vector<16xi32>
      %add3A_1233 = arith.addi %iota3A_1230, %add3A_1232 : vector<16xi32>
      %mul3A_1234 = arith.constant 4 : i32
      %mul3A_1235 = vector.broadcast %mul3A_1234 : i32 to vector<16xi32>
      %mul3A_1236 = arith.muli %mul3A_1235, %add3A_1233 : vector<16xi32>
      %add3A_1237 = arith.constant 0 : i32
      %add3A_1238 = vector.broadcast %add3A_1237 : i32 to vector<16xi32>
      %add3A_1239 = arith.addi %mul3A_1236, %add3A_1238 : vector<16xi32>
      %shift_right_logical3A_1240 = arith.constant 7 : i32
      %shift_right_logical3A_1241 = vector.broadcast %shift_right_logical3A_1240 : i32 to vector<16xi32>
      %shift_right_logical3A_1242 = arith.shrui %add3A_1239, %shift_right_logical3A_1241 : vector<16xi32>
      %and3A_1243 = arith.constant 127 : i32
      %and3A_1244 = vector.broadcast %and3A_1243 : i32 to vector<16xi32>
      %and3A_1245 = arith.andi %add3A_1239, %and3A_1244 : vector<16xi32>
      %gather3A_1246 = arith.constant 1 : i32
      %gather3A_1247 = arith.constant 0 : i32
      %gather3A_1248 = arith.constant 0 : i32
      %gather3A_1249 = tpu.memref_slice %arg6[%gather3A_1246, %gather3A_1247, %gather3A_1248] : memref<2x4x128xi32, #tpu.memory_space<vmem>> -> memref<1x4x128xi32, #tpu.memory_space<vmem>>
      %gather3A_1250 = tpu.memref_squeeze %gather3A_1249 : memref<1x4x128xi32, #tpu.memory_space<vmem>> -> memref<4x128xi32, #tpu.memory_space<vmem>>
      %gather3A_1251 = tpu.vector_load_idx %gather3A_1250[%shift_right_logical3A_1242, %and3A_1245] : memref<4x128xi32, #tpu.memory_space<vmem>>[vector<16xi32>, vector<16xi32>], vector<16xi32>,
      %swap3A_1252 = arith.constant 1 : i32
      %swap3A_1253 = arith.constant 0 : i32
      %swap3A_1254 = arith.constant 0 : i32
      %swap3A_1255 = arith.constant 0 : i32
      %swap3A_1256 = tpu.memref_slice %arg7[%swap3A_1252, %swap3A_1254, %swap3A_1255] : memref<2x4x128xi32, #tpu.memory_space<vmem>> -> memref<1x4x128xi32, #tpu.memory_space<vmem>>
      %swap3A_1257 = tpu.memref_squeeze %swap3A_1256 : memref<1x4x128xi32, #tpu.memory_space<vmem>> -> memref<4x128xi32, #tpu.memory_space<vmem>>
      %swap3A_1258 = arith.index_cast %swap3A_1253 : i32 to index
      %swap3A_1259 = arith.constant 112 : index
      %swap3A_1260 = tpu.vector_load %swap3A_1257[%swap3A_1258, %swap3A_1259] {strides = array<i32>} : memref<4x128xi32, #tpu.memory_space<vmem>>, vector<16xi32>,
      tpu.vector_store %swap3A_1257[%swap3A_1258, %swap3A_1259], %gather3A_1251 {strides = array<i32>} : memref<4x128xi32, #tpu.memory_space<vmem>>, vector<16xi32>,
      %iota3A_1261 = tpu.iota {dimensions = array<i32: 0>} : vector<16xi32>
      %add3A_1262 = arith.constant 0 : i32
      %add3A_1263 = vector.broadcast %add3A_1262 : i32 to vector<16xi32>
      %add3A_1264 = arith.addi %iota3A_1261, %add3A_1263 : vector<16xi32>
      %mul3A_1265 = arith.constant 4 : i32
      %mul3A_1266 = vector.broadcast %mul3A_1265 : i32 to vector<16xi32>
      %mul3A_1267 = arith.muli %mul3A_1266, %add3A_1264 : vector<16xi32>
      %add3A_1268 = arith.constant 1 : i32
      %add3A_1269 = vector.broadcast %add3A_1268 : i32 to vector<16xi32>
      %add3A_1270 = arith.addi %mul3A_1267, %add3A_1269 : vector<16xi32>
      %shift_right_logical3A_1271 = arith.constant 7 : i32
      %shift_right_logical3A_1272 = vector.broadcast %shift_right_logical3A_1271 : i32 to vector<16xi32>
      %shift_right_logical3A_1273 = arith.shrui %add3A_1270, %shift_right_logical3A_1272 : vector<16xi32>
      %and3A_1274 = arith.constant 127 : i32
      %and3A_1275 = vector.broadcast %and3A_1274 : i32 to vector<16xi32>
      %and3A_1276 = arith.andi %add3A_1270, %and3A_1275 : vector<16xi32>
      %gather3A_1277 = arith.constant 1 : i32
      %gather3A_1278 = arith.constant 0 : i32
      %gather3A_1279 = arith.constant 0 : i32
      %gather3A_1280 = tpu.memref_slice %arg6[%gather3A_1277, %gather3A_1278, %gather3A_1279] : memref<2x4x128xi32, #tpu.memory_space<vmem>> -> memref<1x4x128xi32, #tpu.memory_space<vmem>>
      %gather3A_1281 = tpu.memref_squeeze %gather3A_1280 : memref<1x4x128xi32, #tpu.memory_space<vmem>> -> memref<4x128xi32, #tpu.memory_space<vmem>>
      %gather3A_1282 = tpu.vector_load_idx %gather3A_1281[%shift_right_logical3A_1273, %and3A_1276] : memref<4x128xi32, #tpu.memory_space<vmem>>[vector<16xi32>, vector<16xi32>], vector<16xi32>,
      %swap3A_1283 = arith.constant 1 : i32
      %swap3A_1284 = arith.constant 1 : i32
      %swap3A_1285 = arith.constant 0 : i32
      %swap3A_1286 = arith.constant 0 : i32
      %swap3A_1287 = tpu.memref_slice %arg7[%swap3A_1283, %swap3A_1285, %swap3A_1286] : memref<2x4x128xi32, #tpu.memory_space<vmem>> -> memref<1x4x128xi32, #tpu.memory_space<vmem>>
      %swap3A_1288 = tpu.memref_squeeze %swap3A_1287 : memref<1x4x128xi32, #tpu.memory_space<vmem>> -> memref<4x128xi32, #tpu.memory_space<vmem>>
      %swap3A_1289 = arith.index_cast %swap3A_1284 : i32 to index
      %swap3A_1290 = arith.constant 0 : index
      %swap3A_1291 = tpu.vector_load %swap3A_1288[%swap3A_1289, %swap3A_1290] {strides = array<i32>} : memref<4x128xi32, #tpu.memory_space<vmem>>, vector<16xi32>,
      tpu.vector_store %swap3A_1288[%swap3A_1289, %swap3A_1290], %gather3A_1282 {strides = array<i32>} : memref<4x128xi32, #tpu.memory_space<vmem>>, vector<16xi32>,
      %iota3A_1292 = tpu.iota {dimensions = array<i32: 0>} : vector<16xi32>
      %add3A_1293 = arith.constant 16 : i32
      %add3A_1294 = vector.broadcast %add3A_1293 : i32 to vector<16xi32>
      %add3A_1295 = arith.addi %iota3A_1292, %add3A_1294 : vector<16xi32>
      %mul3A_1296 = arith.constant 4 : i32
      %mul3A_1297 = vector.broadcast %mul3A_1296 : i32 to vector<16xi32>
      %mul3A_1298 = arith.muli %mul3A_1297, %add3A_1295 : vector<16xi32>
      %add3A_1299 = arith.constant 1 : i32
      %add3A_1300 = vector.broadcast %add3A_1299 : i32 to vector<16xi32>
      %add3A_1301 = arith.addi %mul3A_1298, %add3A_1300 : vector<16xi32>
      %shift_right_logical3A_1302 = arith.constant 7 : i32
      %shift_right_logical3A_1303 = vector.broadcast %shift_right_logical3A_1302 : i32 to vector<16xi32>
      %shift_right_logical3A_1304 = arith.shrui %add3A_1301, %shift_right_logical3A_1303 : vector<16xi32>
      %and3A_1305 = arith.constant 127 : i32
      %and3A_1306 = vector.broadcast %and3A_1305 : i32 to vector<16xi32>
      %and3A_1307 = arith.andi %add3A_1301, %and3A_1306 : vector<16xi32>
      %gather3A_1308 = arith.constant 1 : i32
      %gather3A_1309 = arith.constant 0 : i32
      %gather3A_1310 = arith.constant 0 : i32
      %gather3A_1311 = tpu.memref_slice %arg6[%gather3A_1308, %gather3A_1309, %gather3A_1310] : memref<2x4x128xi32, #tpu.memory_space<vmem>> -> memref<1x4x128xi32, #tpu.memory_space<vmem>>
      %gather3A_1312 = tpu.memref_squeeze %gather3A_1311 : memref<1x4x128xi32, #tpu.memory_space<vmem>> -> memref<4x128xi32, #tpu.memory_space<vmem>>
      %gather3A_1313 = tpu.vector_load_idx %gather3A_1312[%shift_right_logical3A_1304, %and3A_1307] : memref<4x128xi32, #tpu.memory_space<vmem>>[vector<16xi32>, vector<16xi32>], vector<16xi32>,
      %swap3A_1314 = arith.constant 1 : i32
      %swap3A_1315 = arith.constant 1 : i32
      %swap3A_1316 = arith.constant 0 : i32
      %swap3A_1317 = arith.constant 0 : i32
      %swap3A_1318 = tpu.memref_slice %arg7[%swap3A_1314, %swap3A_1316, %swap3A_1317] : memref<2x4x128xi32, #tpu.memory_space<vmem>> -> memref<1x4x128xi32, #tpu.memory_space<vmem>>
      %swap3A_1319 = tpu.memref_squeeze %swap3A_1318 : memref<1x4x128xi32, #tpu.memory_space<vmem>> -> memref<4x128xi32, #tpu.memory_space<vmem>>
      %swap3A_1320 = arith.index_cast %swap3A_1315 : i32 to index
      %swap3A_1321 = arith.constant 16 : index
      %swap3A_1322 = tpu.vector_load %swap3A_1319[%swap3A_1320, %swap3A_1321] {strides = array<i32>} : memref<4x128xi32, #tpu.memory_space<vmem>>, vector<16xi32>,
      tpu.vector_store %swap3A_1319[%swap3A_1320, %swap3A_1321], %gather3A_1313 {strides = array<i32>} : memref<4x128xi32, #tpu.memory_space<vmem>>, vector<16xi32>,
      %iota3A_1323 = tpu.iota {dimensions = array<i32: 0>} : vector<16xi32>
      %add3A_1324 = arith.constant 32 : i32
      %add3A_1325 = vector.broadcast %add3A_1324 : i32 to vector<16xi32>
      %add3A_1326 = arith.addi %iota3A_1323, %add3A_1325 : vector<16xi32>
      %mul3A_1327 = arith.constant 4 : i32
      %mul3A_1328 = vector.broadcast %mul3A_1327 : i32 to vector<16xi32>
      %mul3A_1329 = arith.muli %mul3A_1328, %add3A_1326 : vector<16xi32>
      %add3A_1330 = arith.constant 1 : i32
      %add3A_1331 = vector.broadcast %add3A_1330 : i32 to vector<16xi32>
      %add3A_1332 = arith.addi %mul3A_1329, %add3A_1331 : vector<16xi32>
      %shift_right_logical3A_1333 = arith.constant 7 : i32
      %shift_right_logical3A_1334 = vector.broadcast %shift_right_logical3A_1333 : i32 to vector<16xi32>
      %shift_right_logical3A_1335 = arith.shrui %add3A_1332, %shift_right_logical3A_1334 : vector<16xi32>
      %and3A_1336 = arith.constant 127 : i32
      %and3A_1337 = vector.broadcast %and3A_1336 : i32 to vector<16xi32>
      %and3A_1338 = arith.andi %add3A_1332, %and3A_1337 : vector<16xi32>
      %gather3A_1339 = arith.constant 1 : i32
      %gather3A_1340 = arith.constant 0 : i32
      %gather3A_1341 = arith.constant 0 : i32
      %gather3A_1342 = tpu.memref_slice %arg6[%gather3A_1339, %gather3A_1340, %gather3A_1341] : memref<2x4x128xi32, #tpu.memory_space<vmem>> -> memref<1x4x128xi32, #tpu.memory_space<vmem>>
      %gather3A_1343 = tpu.memref_squeeze %gather3A_1342 : memref<1x4x128xi32, #tpu.memory_space<vmem>> -> memref<4x128xi32, #tpu.memory_space<vmem>>
      %gather3A_1344 = tpu.vector_load_idx %gather3A_1343[%shift_right_logical3A_1335, %and3A_1338] : memref<4x128xi32, #tpu.memory_space<vmem>>[vector<16xi32>, vector<16xi32>], vector<16xi32>,
      %swap3A_1345 = arith.constant 1 : i32
      %swap3A_1346 = arith.constant 1 : i32
      %swap3A_1347 = arith.constant 0 : i32
      %swap3A_1348 = arith.constant 0 : i32
      %swap3A_1349 = tpu.memref_slice %arg7[%swap3A_1345, %swap3A_1347, %swap3A_1348] : memref<2x4x128xi32, #tpu.memory_space<vmem>> -> memref<1x4x128xi32, #tpu.memory_space<vmem>>
      %swap3A_1350 = tpu.memref_squeeze %swap3A_1349 : memref<1x4x128xi32, #tpu.memory_space<vmem>> -> memref<4x128xi32, #tpu.memory_space<vmem>>
      %swap3A_1351 = arith.index_cast %swap3A_1346 : i32 to index
      %swap3A_1352 = arith.constant 32 : index
      %swap3A_1353 = tpu.vector_load %swap3A_1350[%swap3A_1351, %swap3A_1352] {strides = array<i32>} : memref<4x128xi32, #tpu.memory_space<vmem>>, vector<16xi32>,
      tpu.vector_store %swap3A_1350[%swap3A_1351, %swap3A_1352], %gather3A_1344 {strides = array<i32>} : memref<4x128xi32, #tpu.memory_space<vmem>>, vector<16xi32>,
      %iota3A_1354 = tpu.iota {dimensions = array<i32: 0>} : vector<16xi32>
      %add3A_1355 = arith.constant 48 : i32
      %add3A_1356 = vector.broadcast %add3A_1355 : i32 to vector<16xi32>
      %add3A_1357 = arith.addi %iota3A_1354, %add3A_1356 : vector<16xi32>
      %mul3A_1358 = arith.constant 4 : i32
      %mul3A_1359 = vector.broadcast %mul3A_1358 : i32 to vector<16xi32>
      %mul3A_1360 = arith.muli %mul3A_1359, %add3A_1357 : vector<16xi32>
      %add3A_1361 = arith.constant 1 : i32
      %add3A_1362 = vector.broadcast %add3A_1361 : i32 to vector<16xi32>
      %add3A_1363 = arith.addi %mul3A_1360, %add3A_1362 : vector<16xi32>
      %shift_right_logical3A_1364 = arith.constant 7 : i32
      %shift_right_logical3A_1365 = vector.broadcast %shift_right_logical3A_1364 : i32 to vector<16xi32>
      %shift_right_logical3A_1366 = arith.shrui %add3A_1363, %shift_right_logical3A_1365 : vector<16xi32>
      %and3A_1367 = arith.constant 127 : i32
      %and3A_1368 = vector.broadcast %and3A_1367 : i32 to vector<16xi32>
      %and3A_1369 = arith.andi %add3A_1363, %and3A_1368 : vector<16xi32>
      %gather3A_1370 = arith.constant 1 : i32
      %gather3A_1371 = arith.constant 0 : i32
      %gather3A_1372 = arith.constant 0 : i32
      %gather3A_1373 = tpu.memref_slice %arg6[%gather3A_1370, %gather3A_1371, %gather3A_1372] : memref<2x4x128xi32, #tpu.memory_space<vmem>> -> memref<1x4x128xi32, #tpu.memory_space<vmem>>
      %gather3A_1374 = tpu.memref_squeeze %gather3A_1373 : memref<1x4x128xi32, #tpu.memory_space<vmem>> -> memref<4x128xi32, #tpu.memory_space<vmem>>
      %gather3A_1375 = tpu.vector_load_idx %gather3A_1374[%shift_right_logical3A_1366, %and3A_1369] : memref<4x128xi32, #tpu.memory_space<vmem>>[vector<16xi32>, vector<16xi32>], vector<16xi32>,
      %swap3A_1376 = arith.constant 1 : i32
      %swap3A_1377 = arith.constant 1 : i32
      %swap3A_1378 = arith.constant 0 : i32
      %swap3A_1379 = arith.constant 0 : i32
      %swap3A_1380 = tpu.memref_slice %arg7[%swap3A_1376, %swap3A_1378, %swap3A_1379] : memref<2x4x128xi32, #tpu.memory_space<vmem>> -> memref<1x4x128xi32, #tpu.memory_space<vmem>>
      %swap3A_1381 = tpu.memref_squeeze %swap3A_1380 : memref<1x4x128xi32, #tpu.memory_space<vmem>> -> memref<4x128xi32, #tpu.memory_space<vmem>>
      %swap3A_1382 = arith.index_cast %swap3A_1377 : i32 to index
      %swap3A_1383 = arith.constant 48 : index
      %swap3A_1384 = tpu.vector_load %swap3A_1381[%swap3A_1382, %swap3A_1383] {strides = array<i32>} : memref<4x128xi32, #tpu.memory_space<vmem>>, vector<16xi32>,
      tpu.vector_store %swap3A_1381[%swap3A_1382, %swap3A_1383], %gather3A_1375 {strides = array<i32>} : memref<4x128xi32, #tpu.memory_space<vmem>>, vector<16xi32>,
      %iota3A_1385 = tpu.iota {dimensions = array<i32: 0>} : vector<16xi32>
      %add3A_1386 = arith.constant 64 : i32
      %add3A_1387 = vector.broadcast %add3A_1386 : i32 to vector<16xi32>
      %add3A_1388 = arith.addi %iota3A_1385, %add3A_1387 : vector<16xi32>
      %mul3A_1389 = arith.constant 4 : i32
      %mul3A_1390 = vector.broadcast %mul3A_1389 : i32 to vector<16xi32>
      %mul3A_1391 = arith.muli %mul3A_1390, %add3A_1388 : vector<16xi32>
      %add3A_1392 = arith.constant 1 : i32
      %add3A_1393 = vector.broadcast %add3A_1392 : i32 to vector<16xi32>
      %add3A_1394 = arith.addi %mul3A_1391, %add3A_1393 : vector<16xi32>
      %shift_right_logical3A_1395 = arith.constant 7 : i32
      %shift_right_logical3A_1396 = vector.broadcast %shift_right_logical3A_1395 : i32 to vector<16xi32>
      %shift_right_logical3A_1397 = arith.shrui %add3A_1394, %shift_right_logical3A_1396 : vector<16xi32>
      %and3A_1398 = arith.constant 127 : i32
      %and3A_1399 = vector.broadcast %and3A_1398 : i32 to vector<16xi32>
      %and3A_1400 = arith.andi %add3A_1394, %and3A_1399 : vector<16xi32>
      %gather3A_1401 = arith.constant 1 : i32
      %gather3A_1402 = arith.constant 0 : i32
      %gather3A_1403 = arith.constant 0 : i32
      %gather3A_1404 = tpu.memref_slice %arg6[%gather3A_1401, %gather3A_1402, %gather3A_1403] : memref<2x4x128xi32, #tpu.memory_space<vmem>> -> memref<1x4x128xi32, #tpu.memory_space<vmem>>
      %gather3A_1405 = tpu.memref_squeeze %gather3A_1404 : memref<1x4x128xi32, #tpu.memory_space<vmem>> -> memref<4x128xi32, #tpu.memory_space<vmem>>
      %gather3A_1406 = tpu.vector_load_idx %gather3A_1405[%shift_right_logical3A_1397, %and3A_1400] : memref<4x128xi32, #tpu.memory_space<vmem>>[vector<16xi32>, vector<16xi32>], vector<16xi32>,
      %swap3A_1407 = arith.constant 1 : i32
      %swap3A_1408 = arith.constant 1 : i32
      %swap3A_1409 = arith.constant 0 : i32
      %swap3A_1410 = arith.constant 0 : i32
      %swap3A_1411 = tpu.memref_slice %arg7[%swap3A_1407, %swap3A_1409, %swap3A_1410] : memref<2x4x128xi32, #tpu.memory_space<vmem>> -> memref<1x4x128xi32, #tpu.memory_space<vmem>>
      %swap3A_1412 = tpu.memref_squeeze %swap3A_1411 : memref<1x4x128xi32, #tpu.memory_space<vmem>> -> memref<4x128xi32, #tpu.memory_space<vmem>>
      %swap3A_1413 = arith.index_cast %swap3A_1408 : i32 to index
      %swap3A_1414 = arith.constant 64 : index
      %swap3A_1415 = tpu.vector_load %swap3A_1412[%swap3A_1413, %swap3A_1414] {strides = array<i32>} : memref<4x128xi32, #tpu.memory_space<vmem>>, vector<16xi32>,
      tpu.vector_store %swap3A_1412[%swap3A_1413, %swap3A_1414], %gather3A_1406 {strides = array<i32>} : memref<4x128xi32, #tpu.memory_space<vmem>>, vector<16xi32>,
      %iota3A_1416 = tpu.iota {dimensions = array<i32: 0>} : vector<16xi32>
      %add3A_1417 = arith.constant 80 : i32
      %add3A_1418 = vector.broadcast %add3A_1417 : i32 to vector<16xi32>
      %add3A_1419 = arith.addi %iota3A_1416, %add3A_1418 : vector<16xi32>
      %mul3A_1420 = arith.constant 4 : i32
      %mul3A_1421 = vector.broadcast %mul3A_1420 : i32 to vector<16xi32>
      %mul3A_1422 = arith.muli %mul3A_1421, %add3A_1419 : vector<16xi32>
      %add3A_1423 = arith.constant 1 : i32
      %add3A_1424 = vector.broadcast %add3A_1423 : i32 to vector<16xi32>
      %add3A_1425 = arith.addi %mul3A_1422, %add3A_1424 : vector<16xi32>
      %shift_right_logical3A_1426 = arith.constant 7 : i32
      %shift_right_logical3A_1427 = vector.broadcast %shift_right_logical3A_1426 : i32 to vector<16xi32>
      %shift_right_logical3A_1428 = arith.shrui %add3A_1425, %shift_right_logical3A_1427 : vector<16xi32>
      %and3A_1429 = arith.constant 127 : i32
      %and3A_1430 = vector.broadcast %and3A_1429 : i32 to vector<16xi32>
      %and3A_1431 = arith.andi %add3A_1425, %and3A_1430 : vector<16xi32>
      %gather3A_1432 = arith.constant 1 : i32
      %gather3A_1433 = arith.constant 0 : i32
      %gather3A_1434 = arith.constant 0 : i32
      %gather3A_1435 = tpu.memref_slice %arg6[%gather3A_1432, %gather3A_1433, %gather3A_1434] : memref<2x4x128xi32, #tpu.memory_space<vmem>> -> memref<1x4x128xi32, #tpu.memory_space<vmem>>
      %gather3A_1436 = tpu.memref_squeeze %gather3A_1435 : memref<1x4x128xi32, #tpu.memory_space<vmem>> -> memref<4x128xi32, #tpu.memory_space<vmem>>
      %gather3A_1437 = tpu.vector_load_idx %gather3A_1436[%shift_right_logical3A_1428, %and3A_1431] : memref<4x128xi32, #tpu.memory_space<vmem>>[vector<16xi32>, vector<16xi32>], vector<16xi32>,
      %swap3A_1438 = arith.constant 1 : i32
      %swap3A_1439 = arith.constant 1 : i32
      %swap3A_1440 = arith.constant 0 : i32
      %swap3A_1441 = arith.constant 0 : i32
      %swap3A_1442 = tpu.memref_slice %arg7[%swap3A_1438, %swap3A_1440, %swap3A_1441] : memref<2x4x128xi32, #tpu.memory_space<vmem>> -> memref<1x4x128xi32, #tpu.memory_space<vmem>>
      %swap3A_1443 = tpu.memref_squeeze %swap3A_1442 : memref<1x4x128xi32, #tpu.memory_space<vmem>> -> memref<4x128xi32, #tpu.memory_space<vmem>>
      %swap3A_1444 = arith.index_cast %swap3A_1439 : i32 to index
      %swap3A_1445 = arith.constant 80 : index
      %swap3A_1446 = tpu.vector_load %swap3A_1443[%swap3A_1444, %swap3A_1445] {strides = array<i32>} : memref<4x128xi32, #tpu.memory_space<vmem>>, vector<16xi32>,
      tpu.vector_store %swap3A_1443[%swap3A_1444, %swap3A_1445], %gather3A_1437 {strides = array<i32>} : memref<4x128xi32, #tpu.memory_space<vmem>>, vector<16xi32>,
      %iota3A_1447 = tpu.iota {dimensions = array<i32: 0>} : vector<16xi32>
      %add3A_1448 = arith.constant 96 : i32
      %add3A_1449 = vector.broadcast %add3A_1448 : i32 to vector<16xi32>
      %add3A_1450 = arith.addi %iota3A_1447, %add3A_1449 : vector<16xi32>
      %mul3A_1451 = arith.constant 4 : i32
      %mul3A_1452 = vector.broadcast %mul3A_1451 : i32 to vector<16xi32>
      %mul3A_1453 = arith.muli %mul3A_1452, %add3A_1450 : vector<16xi32>
      %add3A_1454 = arith.constant 1 : i32
      %add3A_1455 = vector.broadcast %add3A_1454 : i32 to vector<16xi32>
      %add3A_1456 = arith.addi %mul3A_1453, %add3A_1455 : vector<16xi32>
      %shift_right_logical3A_1457 = arith.constant 7 : i32
      %shift_right_logical3A_1458 = vector.broadcast %shift_right_logical3A_1457 : i32 to vector<16xi32>
      %shift_right_logical3A_1459 = arith.shrui %add3A_1456, %shift_right_logical3A_1458 : vector<16xi32>
      %and3A_1460 = arith.constant 127 : i32
      %and3A_1461 = vector.broadcast %and3A_1460 : i32 to vector<16xi32>
      %and3A_1462 = arith.andi %add3A_1456, %and3A_1461 : vector<16xi32>
      %gather3A_1463 = arith.constant 1 : i32
      %gather3A_1464 = arith.constant 0 : i32
      %gather3A_1465 = arith.constant 0 : i32
      %gather3A_1466 = tpu.memref_slice %arg6[%gather3A_1463, %gather3A_1464, %gather3A_1465] : memref<2x4x128xi32, #tpu.memory_space<vmem>> -> memref<1x4x128xi32, #tpu.memory_space<vmem>>
      %gather3A_1467 = tpu.memref_squeeze %gather3A_1466 : memref<1x4x128xi32, #tpu.memory_space<vmem>> -> memref<4x128xi32, #tpu.memory_space<vmem>>
      %gather3A_1468 = tpu.vector_load_idx %gather3A_1467[%shift_right_logical3A_1459, %and3A_1462] : memref<4x128xi32, #tpu.memory_space<vmem>>[vector<16xi32>, vector<16xi32>], vector<16xi32>,
      %swap3A_1469 = arith.constant 1 : i32
      %swap3A_1470 = arith.constant 1 : i32
      %swap3A_1471 = arith.constant 0 : i32
      %swap3A_1472 = arith.constant 0 : i32
      %swap3A_1473 = tpu.memref_slice %arg7[%swap3A_1469, %swap3A_1471, %swap3A_1472] : memref<2x4x128xi32, #tpu.memory_space<vmem>> -> memref<1x4x128xi32, #tpu.memory_space<vmem>>
      %swap3A_1474 = tpu.memref_squeeze %swap3A_1473 : memref<1x4x128xi32, #tpu.memory_space<vmem>> -> memref<4x128xi32, #tpu.memory_space<vmem>>
      %swap3A_1475 = arith.index_cast %swap3A_1470 : i32 to index
      %swap3A_1476 = arith.constant 96 : index
      %swap3A_1477 = tpu.vector_load %swap3A_1474[%swap3A_1475, %swap3A_1476] {strides = array<i32>} : memref<4x128xi32, #tpu.memory_space<vmem>>, vector<16xi32>,
      tpu.vector_store %swap3A_1474[%swap3A_1475, %swap3A_1476], %gather3A_1468 {strides = array<i32>} : memref<4x128xi32, #tpu.memory_space<vmem>>, vector<16xi32>,
      %iota3A_1478 = tpu.iota {dimensions = array<i32: 0>} : vector<16xi32>
      %add3A_1479 = arith.constant 112 : i32
      %add3A_1480 = vector.broadcast %add3A_1479 : i32 to vector<16xi32>
      %add3A_1481 = arith.addi %iota3A_1478, %add3A_1480 : vector<16xi32>
      %mul3A_1482 = arith.constant 4 : i32
      %mul3A_1483 = vector.broadcast %mul3A_1482 : i32 to vector<16xi32>
      %mul3A_1484 = arith.muli %mul3A_1483, %add3A_1481 : vector<16xi32>
      %add3A_1485 = arith.constant 1 : i32
      %add3A_1486 = vector.broadcast %add3A_1485 : i32 to vector<16xi32>
      %add3A_1487 = arith.addi %mul3A_1484, %add3A_1486 : vector<16xi32>
      %shift_right_logical3A_1488 = arith.constant 7 : i32
      %shift_right_logical3A_1489 = vector.broadcast %shift_right_logical3A_1488 : i32 to vector<16xi32>
      %shift_right_logical3A_1490 = arith.shrui %add3A_1487, %shift_right_logical3A_1489 : vector<16xi32>
      %and3A_1491 = arith.constant 127 : i32
      %and3A_1492 = vector.broadcast %and3A_1491 : i32 to vector<16xi32>
      %and3A_1493 = arith.andi %add3A_1487, %and3A_1492 : vector<16xi32>
      %gather3A_1494 = arith.constant 1 : i32
      %gather3A_1495 = arith.constant 0 : i32
      %gather3A_1496 = arith.constant 0 : i32
      %gather3A_1497 = tpu.memref_slice %arg6[%gather3A_1494, %gather3A_1495, %gather3A_1496] : memref<2x4x128xi32, #tpu.memory_space<vmem>> -> memref<1x4x128xi32, #tpu.memory_space<vmem>>
      %gather3A_1498 = tpu.memref_squeeze %gather3A_1497 : memref<1x4x128xi32, #tpu.memory_space<vmem>> -> memref<4x128xi32, #tpu.memory_space<vmem>>
      %gather3A_1499 = tpu.vector_load_idx %gather3A_1498[%shift_right_logical3A_1490, %and3A_1493] : memref<4x128xi32, #tpu.memory_space<vmem>>[vector<16xi32>, vector<16xi32>], vector<16xi32>,
      %swap3A_1500 = arith.constant 1 : i32
      %swap3A_1501 = arith.constant 1 : i32
      %swap3A_1502 = arith.constant 0 : i32
      %swap3A_1503 = arith.constant 0 : i32
      %swap3A_1504 = tpu.memref_slice %arg7[%swap3A_1500, %swap3A_1502, %swap3A_1503] : memref<2x4x128xi32, #tpu.memory_space<vmem>> -> memref<1x4x128xi32, #tpu.memory_space<vmem>>
      %swap3A_1505 = tpu.memref_squeeze %swap3A_1504 : memref<1x4x128xi32, #tpu.memory_space<vmem>> -> memref<4x128xi32, #tpu.memory_space<vmem>>
      %swap3A_1506 = arith.index_cast %swap3A_1501 : i32 to index
      %swap3A_1507 = arith.constant 112 : index
      %swap3A_1508 = tpu.vector_load %swap3A_1505[%swap3A_1506, %swap3A_1507] {strides = array<i32>} : memref<4x128xi32, #tpu.memory_space<vmem>>, vector<16xi32>,
      tpu.vector_store %swap3A_1505[%swap3A_1506, %swap3A_1507], %gather3A_1499 {strides = array<i32>} : memref<4x128xi32, #tpu.memory_space<vmem>>, vector<16xi32>,
      %iota3A_1509 = tpu.iota {dimensions = array<i32: 0>} : vector<16xi32>
      %add3A_1510 = arith.constant 0 : i32
      %add3A_1511 = vector.broadcast %add3A_1510 : i32 to vector<16xi32>
      %add3A_1512 = arith.addi %iota3A_1509, %add3A_1511 : vector<16xi32>
      %mul3A_1513 = arith.constant 4 : i32
      %mul3A_1514 = vector.broadcast %mul3A_1513 : i32 to vector<16xi32>
      %mul3A_1515 = arith.muli %mul3A_1514, %add3A_1512 : vector<16xi32>
      %add3A_1516 = arith.constant 2 : i32
      %add3A_1517 = vector.broadcast %add3A_1516 : i32 to vector<16xi32>
      %add3A_1518 = arith.addi %mul3A_1515, %add3A_1517 : vector<16xi32>
      %shift_right_logical3A_1519 = arith.constant 7 : i32
      %shift_right_logical3A_1520 = vector.broadcast %shift_right_logical3A_1519 : i32 to vector<16xi32>
      %shift_right_logical3A_1521 = arith.shrui %add3A_1518, %shift_right_logical3A_1520 : vector<16xi32>
      %and3A_1522 = arith.constant 127 : i32
      %and3A_1523 = vector.broadcast %and3A_1522 : i32 to vector<16xi32>
      %and3A_1524 = arith.andi %add3A_1518, %and3A_1523 : vector<16xi32>
      %gather3A_1525 = arith.constant 1 : i32
      %gather3A_1526 = arith.constant 0 : i32
      %gather3A_1527 = arith.constant 0 : i32
      %gather3A_1528 = tpu.memref_slice %arg6[%gather3A_1525, %gather3A_1526, %gather3A_1527] : memref<2x4x128xi32, #tpu.memory_space<vmem>> -> memref<1x4x128xi32, #tpu.memory_space<vmem>>
      %gather3A_1529 = tpu.memref_squeeze %gather3A_1528 : memref<1x4x128xi32, #tpu.memory_space<vmem>> -> memref<4x128xi32, #tpu.memory_space<vmem>>
      %gather3A_1530 = tpu.vector_load_idx %gather3A_1529[%shift_right_logical3A_1521, %and3A_1524] : memref<4x128xi32, #tpu.memory_space<vmem>>[vector<16xi32>, vector<16xi32>], vector<16xi32>,
      %swap3A_1531 = arith.constant 1 : i32
      %swap3A_1532 = arith.constant 2 : i32
      %swap3A_1533 = arith.constant 0 : i32
      %swap3A_1534 = arith.constant 0 : i32
      %swap3A_1535 = tpu.memref_slice %arg7[%swap3A_1531, %swap3A_1533, %swap3A_1534] : memref<2x4x128xi32, #tpu.memory_space<vmem>> -> memref<1x4x128xi32, #tpu.memory_space<vmem>>
      %swap3A_1536 = tpu.memref_squeeze %swap3A_1535 : memref<1x4x128xi32, #tpu.memory_space<vmem>> -> memref<4x128xi32, #tpu.memory_space<vmem>>
      %swap3A_1537 = arith.index_cast %swap3A_1532 : i32 to index
      %swap3A_1538 = arith.constant 0 : index
      %swap3A_1539 = tpu.vector_load %swap3A_1536[%swap3A_1537, %swap3A_1538] {strides = array<i32>} : memref<4x128xi32, #tpu.memory_space<vmem>>, vector<16xi32>,
      tpu.vector_store %swap3A_1536[%swap3A_1537, %swap3A_1538], %gather3A_1530 {strides = array<i32>} : memref<4x128xi32, #tpu.memory_space<vmem>>, vector<16xi32>,
      %iota3A_1540 = tpu.iota {dimensions = array<i32: 0>} : vector<16xi32>
      %add3A_1541 = arith.constant 16 : i32
      %add3A_1542 = vector.broadcast %add3A_1541 : i32 to vector<16xi32>
      %add3A_1543 = arith.addi %iota3A_1540, %add3A_1542 : vector<16xi32>
      %mul3A_1544 = arith.constant 4 : i32
      %mul3A_1545 = vector.broadcast %mul3A_1544 : i32 to vector<16xi32>
      %mul3A_1546 = arith.muli %mul3A_1545, %add3A_1543 : vector<16xi32>
      %add3A_1547 = arith.constant 2 : i32
      %add3A_1548 = vector.broadcast %add3A_1547 : i32 to vector<16xi32>
      %add3A_1549 = arith.addi %mul3A_1546, %add3A_1548 : vector<16xi32>
      %shift_right_logical3A_1550 = arith.constant 7 : i32
      %shift_right_logical3A_1551 = vector.broadcast %shift_right_logical3A_1550 : i32 to vector<16xi32>
      %shift_right_logical3A_1552 = arith.shrui %add3A_1549, %shift_right_logical3A_1551 : vector<16xi32>
      %and3A_1553 = arith.constant 127 : i32
      %and3A_1554 = vector.broadcast %and3A_1553 : i32 to vector<16xi32>
      %and3A_1555 = arith.andi %add3A_1549, %and3A_1554 : vector<16xi32>
      %gather3A_1556 = arith.constant 1 : i32
      %gather3A_1557 = arith.constant 0 : i32
      %gather3A_1558 = arith.constant 0 : i32
      %gather3A_1559 = tpu.memref_slice %arg6[%gather3A_1556, %gather3A_1557, %gather3A_1558] : memref<2x4x128xi32, #tpu.memory_space<vmem>> -> memref<1x4x128xi32, #tpu.memory_space<vmem>>
      %gather3A_1560 = tpu.memref_squeeze %gather3A_1559 : memref<1x4x128xi32, #tpu.memory_space<vmem>> -> memref<4x128xi32, #tpu.memory_space<vmem>>
      %gather3A_1561 = tpu.vector_load_idx %gather3A_1560[%shift_right_logical3A_1552, %and3A_1555] : memref<4x128xi32, #tpu.memory_space<vmem>>[vector<16xi32>, vector<16xi32>], vector<16xi32>,
      %swap3A_1562 = arith.constant 1 : i32
      %swap3A_1563 = arith.constant 2 : i32
      %swap3A_1564 = arith.constant 0 : i32
      %swap3A_1565 = arith.constant 0 : i32
      %swap3A_1566 = tpu.memref_slice %arg7[%swap3A_1562, %swap3A_1564, %swap3A_1565] : memref<2x4x128xi32, #tpu.memory_space<vmem>> -> memref<1x4x128xi32, #tpu.memory_space<vmem>>
      %swap3A_1567 = tpu.memref_squeeze %swap3A_1566 : memref<1x4x128xi32, #tpu.memory_space<vmem>> -> memref<4x128xi32, #tpu.memory_space<vmem>>
      %swap3A_1568 = arith.index_cast %swap3A_1563 : i32 to index
      %swap3A_1569 = arith.constant 16 : index
      %swap3A_1570 = tpu.vector_load %swap3A_1567[%swap3A_1568, %swap3A_1569] {strides = array<i32>} : memref<4x128xi32, #tpu.memory_space<vmem>>, vector<16xi32>,
      tpu.vector_store %swap3A_1567[%swap3A_1568, %swap3A_1569], %gather3A_1561 {strides = array<i32>} : memref<4x128xi32, #tpu.memory_space<vmem>>, vector<16xi32>,
      %iota3A_1571 = tpu.iota {dimensions = array<i32: 0>} : vector<16xi32>
      %add3A_1572 = arith.constant 32 : i32
      %add3A_1573 = vector.broadcast %add3A_1572 : i32 to vector<16xi32>
      %add3A_1574 = arith.addi %iota3A_1571, %add3A_1573 : vector<16xi32>
      %mul3A_1575 = arith.constant 4 : i32
      %mul3A_1576 = vector.broadcast %mul3A_1575 : i32 to vector<16xi32>
      %mul3A_1577 = arith.muli %mul3A_1576, %add3A_1574 : vector<16xi32>
      %add3A_1578 = arith.constant 2 : i32
      %add3A_1579 = vector.broadcast %add3A_1578 : i32 to vector<16xi32>
      %add3A_1580 = arith.addi %mul3A_1577, %add3A_1579 : vector<16xi32>
      %shift_right_logical3A_1581 = arith.constant 7 : i32
      %shift_right_logical3A_1582 = vector.broadcast %shift_right_logical3A_1581 : i32 to vector<16xi32>
      %shift_right_logical3A_1583 = arith.shrui %add3A_1580, %shift_right_logical3A_1582 : vector<16xi32>
      %and3A_1584 = arith.constant 127 : i32
      %and3A_1585 = vector.broadcast %and3A_1584 : i32 to vector<16xi32>
      %and3A_1586 = arith.andi %add3A_1580, %and3A_1585 : vector<16xi32>
      %gather3A_1587 = arith.constant 1 : i32
      %gather3A_1588 = arith.constant 0 : i32
      %gather3A_1589 = arith.constant 0 : i32
      %gather3A_1590 = tpu.memref_slice %arg6[%gather3A_1587, %gather3A_1588, %gather3A_1589] : memref<2x4x128xi32, #tpu.memory_space<vmem>> -> memref<1x4x128xi32, #tpu.memory_space<vmem>>
      %gather3A_1591 = tpu.memref_squeeze %gather3A_1590 : memref<1x4x128xi32, #tpu.memory_space<vmem>> -> memref<4x128xi32, #tpu.memory_space<vmem>>
      %gather3A_1592 = tpu.vector_load_idx %gather3A_1591[%shift_right_logical3A_1583, %and3A_1586] : memref<4x128xi32, #tpu.memory_space<vmem>>[vector<16xi32>, vector<16xi32>], vector<16xi32>,
      %swap3A_1593 = arith.constant 1 : i32
      %swap3A_1594 = arith.constant 2 : i32
      %swap3A_1595 = arith.constant 0 : i32
      %swap3A_1596 = arith.constant 0 : i32
      %swap3A_1597 = tpu.memref_slice %arg7[%swap3A_1593, %swap3A_1595, %swap3A_1596] : memref<2x4x128xi32, #tpu.memory_space<vmem>> -> memref<1x4x128xi32, #tpu.memory_space<vmem>>
      %swap3A_1598 = tpu.memref_squeeze %swap3A_1597 : memref<1x4x128xi32, #tpu.memory_space<vmem>> -> memref<4x128xi32, #tpu.memory_space<vmem>>
      %swap3A_1599 = arith.index_cast %swap3A_1594 : i32 to index
      %swap3A_1600 = arith.constant 32 : index
      %swap3A_1601 = tpu.vector_load %swap3A_1598[%swap3A_1599, %swap3A_1600] {strides = array<i32>} : memref<4x128xi32, #tpu.memory_space<vmem>>, vector<16xi32>,
      tpu.vector_store %swap3A_1598[%swap3A_1599, %swap3A_1600], %gather3A_1592 {strides = array<i32>} : memref<4x128xi32, #tpu.memory_space<vmem>>, vector<16xi32>,
      %iota3A_1602 = tpu.iota {dimensions = array<i32: 0>} : vector<16xi32>
      %add3A_1603 = arith.constant 48 : i32
      %add3A_1604 = vector.broadcast %add3A_1603 : i32 to vector<16xi32>
      %add3A_1605 = arith.addi %iota3A_1602, %add3A_1604 : vector<16xi32>
      %mul3A_1606 = arith.constant 4 : i32
      %mul3A_1607 = vector.broadcast %mul3A_1606 : i32 to vector<16xi32>
      %mul3A_1608 = arith.muli %mul3A_1607, %add3A_1605 : vector<16xi32>
      %add3A_1609 = arith.constant 2 : i32
      %add3A_1610 = vector.broadcast %add3A_1609 : i32 to vector<16xi32>
      %add3A_1611 = arith.addi %mul3A_1608, %add3A_1610 : vector<16xi32>
      %shift_right_logical3A_1612 = arith.constant 7 : i32
      %shift_right_logical3A_1613 = vector.broadcast %shift_right_logical3A_1612 : i32 to vector<16xi32>
      %shift_right_logical3A_1614 = arith.shrui %add3A_1611, %shift_right_logical3A_1613 : vector<16xi32>
      %and3A_1615 = arith.constant 127 : i32
      %and3A_1616 = vector.broadcast %and3A_1615 : i32 to vector<16xi32>
      %and3A_1617 = arith.andi %add3A_1611, %and3A_1616 : vector<16xi32>
      %gather3A_1618 = arith.constant 1 : i32
      %gather3A_1619 = arith.constant 0 : i32
      %gather3A_1620 = arith.constant 0 : i32
      %gather3A_1621 = tpu.memref_slice %arg6[%gather3A_1618, %gather3A_1619, %gather3A_1620] : memref<2x4x128xi32, #tpu.memory_space<vmem>> -> memref<1x4x128xi32, #tpu.memory_space<vmem>>
      %gather3A_1622 = tpu.memref_squeeze %gather3A_1621 : memref<1x4x128xi32, #tpu.memory_space<vmem>> -> memref<4x128xi32, #tpu.memory_space<vmem>>
      %gather3A_1623 = tpu.vector_load_idx %gather3A_1622[%shift_right_logical3A_1614, %and3A_1617] : memref<4x128xi32, #tpu.memory_space<vmem>>[vector<16xi32>, vector<16xi32>], vector<16xi32>,
      %swap3A_1624 = arith.constant 1 : i32
      %swap3A_1625 = arith.constant 2 : i32
      %swap3A_1626 = arith.constant 0 : i32
      %swap3A_1627 = arith.constant 0 : i32
      %swap3A_1628 = tpu.memref_slice %arg7[%swap3A_1624, %swap3A_1626, %swap3A_1627] : memref<2x4x128xi32, #tpu.memory_space<vmem>> -> memref<1x4x128xi32, #tpu.memory_space<vmem>>
      %swap3A_1629 = tpu.memref_squeeze %swap3A_1628 : memref<1x4x128xi32, #tpu.memory_space<vmem>> -> memref<4x128xi32, #tpu.memory_space<vmem>>
      %swap3A_1630 = arith.index_cast %swap3A_1625 : i32 to index
      %swap3A_1631 = arith.constant 48 : index
      %swap3A_1632 = tpu.vector_load %swap3A_1629[%swap3A_1630, %swap3A_1631] {strides = array<i32>} : memref<4x128xi32, #tpu.memory_space<vmem>>, vector<16xi32>,
      tpu.vector_store %swap3A_1629[%swap3A_1630, %swap3A_1631], %gather3A_1623 {strides = array<i32>} : memref<4x128xi32, #tpu.memory_space<vmem>>, vector<16xi32>,
      %iota3A_1633 = tpu.iota {dimensions = array<i32: 0>} : vector<16xi32>
      %add3A_1634 = arith.constant 64 : i32
      %add3A_1635 = vector.broadcast %add3A_1634 : i32 to vector<16xi32>
      %add3A_1636 = arith.addi %iota3A_1633, %add3A_1635 : vector<16xi32>
      %mul3A_1637 = arith.constant 4 : i32
      %mul3A_1638 = vector.broadcast %mul3A_1637 : i32 to vector<16xi32>
      %mul3A_1639 = arith.muli %mul3A_1638, %add3A_1636 : vector<16xi32>
      %add3A_1640 = arith.constant 2 : i32
      %add3A_1641 = vector.broadcast %add3A_1640 : i32 to vector<16xi32>
      %add3A_1642 = arith.addi %mul3A_1639, %add3A_1641 : vector<16xi32>
      %shift_right_logical3A_1643 = arith.constant 7 : i32
      %shift_right_logical3A_1644 = vector.broadcast %shift_right_logical3A_1643 : i32 to vector<16xi32>
      %shift_right_logical3A_1645 = arith.shrui %add3A_1642, %shift_right_logical3A_1644 : vector<16xi32>
      %and3A_1646 = arith.constant 127 : i32
      %and3A_1647 = vector.broadcast %and3A_1646 : i32 to vector<16xi32>
      %and3A_1648 = arith.andi %add3A_1642, %and3A_1647 : vector<16xi32>
      %gather3A_1649 = arith.constant 1 : i32
      %gather3A_1650 = arith.constant 0 : i32
      %gather3A_1651 = arith.constant 0 : i32
      %gather3A_1652 = tpu.memref_slice %arg6[%gather3A_1649, %gather3A_1650, %gather3A_1651] : memref<2x4x128xi32, #tpu.memory_space<vmem>> -> memref<1x4x128xi32, #tpu.memory_space<vmem>>
      %gather3A_1653 = tpu.memref_squeeze %gather3A_1652 : memref<1x4x128xi32, #tpu.memory_space<vmem>> -> memref<4x128xi32, #tpu.memory_space<vmem>>
      %gather3A_1654 = tpu.vector_load_idx %gather3A_1653[%shift_right_logical3A_1645, %and3A_1648] : memref<4x128xi32, #tpu.memory_space<vmem>>[vector<16xi32>, vector<16xi32>], vector<16xi32>,
      %swap3A_1655 = arith.constant 1 : i32
      %swap3A_1656 = arith.constant 2 : i32
      %swap3A_1657 = arith.constant 0 : i32
      %swap3A_1658 = arith.constant 0 : i32
      %swap3A_1659 = tpu.memref_slice %arg7[%swap3A_1655, %swap3A_1657, %swap3A_1658] : memref<2x4x128xi32, #tpu.memory_space<vmem>> -> memref<1x4x128xi32, #tpu.memory_space<vmem>>
      %swap3A_1660 = tpu.memref_squeeze %swap3A_1659 : memref<1x4x128xi32, #tpu.memory_space<vmem>> -> memref<4x128xi32, #tpu.memory_space<vmem>>
      %swap3A_1661 = arith.index_cast %swap3A_1656 : i32 to index
      %swap3A_1662 = arith.constant 64 : index
      %swap3A_1663 = tpu.vector_load %swap3A_1660[%swap3A_1661, %swap3A_1662] {strides = array<i32>} : memref<4x128xi32, #tpu.memory_space<vmem>>, vector<16xi32>,
      tpu.vector_store %swap3A_1660[%swap3A_1661, %swap3A_1662], %gather3A_1654 {strides = array<i32>} : memref<4x128xi32, #tpu.memory_space<vmem>>, vector<16xi32>,
      %iota3A_1664 = tpu.iota {dimensions = array<i32: 0>} : vector<16xi32>
      %add3A_1665 = arith.constant 80 : i32
      %add3A_1666 = vector.broadcast %add3A_1665 : i32 to vector<16xi32>
      %add3A_1667 = arith.addi %iota3A_1664, %add3A_1666 : vector<16xi32>
      %mul3A_1668 = arith.constant 4 : i32
      %mul3A_1669 = vector.broadcast %mul3A_1668 : i32 to vector<16xi32>
      %mul3A_1670 = arith.muli %mul3A_1669, %add3A_1667 : vector<16xi32>
      %add3A_1671 = arith.constant 2 : i32
      %add3A_1672 = vector.broadcast %add3A_1671 : i32 to vector<16xi32>
      %add3A_1673 = arith.addi %mul3A_1670, %add3A_1672 : vector<16xi32>
      %shift_right_logical3A_1674 = arith.constant 7 : i32
      %shift_right_logical3A_1675 = vector.broadcast %shift_right_logical3A_1674 : i32 to vector<16xi32>
      %shift_right_logical3A_1676 = arith.shrui %add3A_1673, %shift_right_logical3A_1675 : vector<16xi32>
      %and3A_1677 = arith.constant 127 : i32
      %and3A_1678 = vector.broadcast %and3A_1677 : i32 to vector<16xi32>
      %and3A_1679 = arith.andi %add3A_1673, %and3A_1678 : vector<16xi32>
      %gather3A_1680 = arith.constant 1 : i32
      %gather3A_1681 = arith.constant 0 : i32
      %gather3A_1682 = arith.constant 0 : i32
      %gather3A_1683 = tpu.memref_slice %arg6[%gather3A_1680, %gather3A_1681, %gather3A_1682] : memref<2x4x128xi32, #tpu.memory_space<vmem>> -> memref<1x4x128xi32, #tpu.memory_space<vmem>>
      %gather3A_1684 = tpu.memref_squeeze %gather3A_1683 : memref<1x4x128xi32, #tpu.memory_space<vmem>> -> memref<4x128xi32, #tpu.memory_space<vmem>>
      %gather3A_1685 = tpu.vector_load_idx %gather3A_1684[%shift_right_logical3A_1676, %and3A_1679] : memref<4x128xi32, #tpu.memory_space<vmem>>[vector<16xi32>, vector<16xi32>], vector<16xi32>,
      %swap3A_1686 = arith.constant 1 : i32
      %swap3A_1687 = arith.constant 2 : i32
      %swap3A_1688 = arith.constant 0 : i32
      %swap3A_1689 = arith.constant 0 : i32
      %swap3A_1690 = tpu.memref_slice %arg7[%swap3A_1686, %swap3A_1688, %swap3A_1689] : memref<2x4x128xi32, #tpu.memory_space<vmem>> -> memref<1x4x128xi32, #tpu.memory_space<vmem>>
      %swap3A_1691 = tpu.memref_squeeze %swap3A_1690 : memref<1x4x128xi32, #tpu.memory_space<vmem>> -> memref<4x128xi32, #tpu.memory_space<vmem>>
      %swap3A_1692 = arith.index_cast %swap3A_1687 : i32 to index
      %swap3A_1693 = arith.constant 80 : index
      %swap3A_1694 = tpu.vector_load %swap3A_1691[%swap3A_1692, %swap3A_1693] {strides = array<i32>} : memref<4x128xi32, #tpu.memory_space<vmem>>, vector<16xi32>,
      tpu.vector_store %swap3A_1691[%swap3A_1692, %swap3A_1693], %gather3A_1685 {strides = array<i32>} : memref<4x128xi32, #tpu.memory_space<vmem>>, vector<16xi32>,
      %iota3A_1695 = tpu.iota {dimensions = array<i32: 0>} : vector<16xi32>
      %add3A_1696 = arith.constant 96 : i32
      %add3A_1697 = vector.broadcast %add3A_1696 : i32 to vector<16xi32>
      %add3A_1698 = arith.addi %iota3A_1695, %add3A_1697 : vector<16xi32>
      %mul3A_1699 = arith.constant 4 : i32
      %mul3A_1700 = vector.broadcast %mul3A_1699 : i32 to vector<16xi32>
      %mul3A_1701 = arith.muli %mul3A_1700, %add3A_1698 : vector<16xi32>
      %add3A_1702 = arith.constant 2 : i32
      %add3A_1703 = vector.broadcast %add3A_1702 : i32 to vector<16xi32>
      %add3A_1704 = arith.addi %mul3A_1701, %add3A_1703 : vector<16xi32>
      %shift_right_logical3A_1705 = arith.constant 7 : i32
      %shift_right_logical3A_1706 = vector.broadcast %shift_right_logical3A_1705 : i32 to vector<16xi32>
      %shift_right_logical3A_1707 = arith.shrui %add3A_1704, %shift_right_logical3A_1706 : vector<16xi32>
      %and3A_1708 = arith.constant 127 : i32
      %and3A_1709 = vector.broadcast %and3A_1708 : i32 to vector<16xi32>
      %and3A_1710 = arith.andi %add3A_1704, %and3A_1709 : vector<16xi32>
      %gather3A_1711 = arith.constant 1 : i32
      %gather3A_1712 = arith.constant 0 : i32
      %gather3A_1713 = arith.constant 0 : i32
      %gather3A_1714 = tpu.memref_slice %arg6[%gather3A_1711, %gather3A_1712, %gather3A_1713] : memref<2x4x128xi32, #tpu.memory_space<vmem>> -> memref<1x4x128xi32, #tpu.memory_space<vmem>>
      %gather3A_1715 = tpu.memref_squeeze %gather3A_1714 : memref<1x4x128xi32, #tpu.memory_space<vmem>> -> memref<4x128xi32, #tpu.memory_space<vmem>>
      %gather3A_1716 = tpu.vector_load_idx %gather3A_1715[%shift_right_logical3A_1707, %and3A_1710] : memref<4x128xi32, #tpu.memory_space<vmem>>[vector<16xi32>, vector<16xi32>], vector<16xi32>,
      %swap3A_1717 = arith.constant 1 : i32
      %swap3A_1718 = arith.constant 2 : i32
      %swap3A_1719 = arith.constant 0 : i32
      %swap3A_1720 = arith.constant 0 : i32
      %swap3A_1721 = tpu.memref_slice %arg7[%swap3A_1717, %swap3A_1719, %swap3A_1720] : memref<2x4x128xi32, #tpu.memory_space<vmem>> -> memref<1x4x128xi32, #tpu.memory_space<vmem>>
      %swap3A_1722 = tpu.memref_squeeze %swap3A_1721 : memref<1x4x128xi32, #tpu.memory_space<vmem>> -> memref<4x128xi32, #tpu.memory_space<vmem>>
      %swap3A_1723 = arith.index_cast %swap3A_1718 : i32 to index
      %swap3A_1724 = arith.constant 96 : index
      %swap3A_1725 = tpu.vector_load %swap3A_1722[%swap3A_1723, %swap3A_1724] {strides = array<i32>} : memref<4x128xi32, #tpu.memory_space<vmem>>, vector<16xi32>,
      tpu.vector_store %swap3A_1722[%swap3A_1723, %swap3A_1724], %gather3A_1716 {strides = array<i32>} : memref<4x128xi32, #tpu.memory_space<vmem>>, vector<16xi32>,
      %iota3A_1726 = tpu.iota {dimensions = array<i32: 0>} : vector<16xi32>
      %add3A_1727 = arith.constant 112 : i32
      %add3A_1728 = vector.broadcast %add3A_1727 : i32 to vector<16xi32>
      %add3A_1729 = arith.addi %iota3A_1726, %add3A_1728 : vector<16xi32>
      %mul3A_1730 = arith.constant 4 : i32
      %mul3A_1731 = vector.broadcast %mul3A_1730 : i32 to vector<16xi32>
      %mul3A_1732 = arith.muli %mul3A_1731, %add3A_1729 : vector<16xi32>
      %add3A_1733 = arith.constant 2 : i32
      %add3A_1734 = vector.broadcast %add3A_1733 : i32 to vector<16xi32>
      %add3A_1735 = arith.addi %mul3A_1732, %add3A_1734 : vector<16xi32>
      %shift_right_logical3A_1736 = arith.constant 7 : i32
      %shift_right_logical3A_1737 = vector.broadcast %shift_right_logical3A_1736 : i32 to vector<16xi32>
      %shift_right_logical3A_1738 = arith.shrui %add3A_1735, %shift_right_logical3A_1737 : vector<16xi32>
      %and3A_1739 = arith.constant 127 : i32
      %and3A_1740 = vector.broadcast %and3A_1739 : i32 to vector<16xi32>
      %and3A_1741 = arith.andi %add3A_1735, %and3A_1740 : vector<16xi32>
      %gather3A_1742 = arith.constant 1 : i32
      %gather3A_1743 = arith.constant 0 : i32
      %gather3A_1744 = arith.constant 0 : i32
      %gather3A_1745 = tpu.memref_slice %arg6[%gather3A_1742, %gather3A_1743, %gather3A_1744] : memref<2x4x128xi32, #tpu.memory_space<vmem>> -> memref<1x4x128xi32, #tpu.memory_space<vmem>>
      %gather3A_1746 = tpu.memref_squeeze %gather3A_1745 : memref<1x4x128xi32, #tpu.memory_space<vmem>> -> memref<4x128xi32, #tpu.memory_space<vmem>>
      %gather3A_1747 = tpu.vector_load_idx %gather3A_1746[%shift_right_logical3A_1738, %and3A_1741] : memref<4x128xi32, #tpu.memory_space<vmem>>[vector<16xi32>, vector<16xi32>], vector<16xi32>,
      %swap3A_1748 = arith.constant 1 : i32
      %swap3A_1749 = arith.constant 2 : i32
      %swap3A_1750 = arith.constant 0 : i32
      %swap3A_1751 = arith.constant 0 : i32
      %swap3A_1752 = tpu.memref_slice %arg7[%swap3A_1748, %swap3A_1750, %swap3A_1751] : memref<2x4x128xi32, #tpu.memory_space<vmem>> -> memref<1x4x128xi32, #tpu.memory_space<vmem>>
      %swap3A_1753 = tpu.memref_squeeze %swap3A_1752 : memref<1x4x128xi32, #tpu.memory_space<vmem>> -> memref<4x128xi32, #tpu.memory_space<vmem>>
      %swap3A_1754 = arith.index_cast %swap3A_1749 : i32 to index
      %swap3A_1755 = arith.constant 112 : index
      %swap3A_1756 = tpu.vector_load %swap3A_1753[%swap3A_1754, %swap3A_1755] {strides = array<i32>} : memref<4x128xi32, #tpu.memory_space<vmem>>, vector<16xi32>,
      tpu.vector_store %swap3A_1753[%swap3A_1754, %swap3A_1755], %gather3A_1747 {strides = array<i32>} : memref<4x128xi32, #tpu.memory_space<vmem>>, vector<16xi32>,
      %iota3A_1757 = tpu.iota {dimensions = array<i32: 0>} : vector<16xi32>
      %add3A_1758 = arith.constant 0 : i32
      %add3A_1759 = vector.broadcast %add3A_1758 : i32 to vector<16xi32>
      %add3A_1760 = arith.addi %iota3A_1757, %add3A_1759 : vector<16xi32>
      %mul3A_1761 = arith.constant 4 : i32
      %mul3A_1762 = vector.broadcast %mul3A_1761 : i32 to vector<16xi32>
      %mul3A_1763 = arith.muli %mul3A_1762, %add3A_1760 : vector<16xi32>
      %add3A_1764 = arith.constant 3 : i32
      %add3A_1765 = vector.broadcast %add3A_1764 : i32 to vector<16xi32>
      %add3A_1766 = arith.addi %mul3A_1763, %add3A_1765 : vector<16xi32>
      %shift_right_logical3A_1767 = arith.constant 7 : i32
      %shift_right_logical3A_1768 = vector.broadcast %shift_right_logical3A_1767 : i32 to vector<16xi32>
      %shift_right_logical3A_1769 = arith.shrui %add3A_1766, %shift_right_logical3A_1768 : vector<16xi32>
      %and3A_1770 = arith.constant 127 : i32
      %and3A_1771 = vector.broadcast %and3A_1770 : i32 to vector<16xi32>
      %and3A_1772 = arith.andi %add3A_1766, %and3A_1771 : vector<16xi32>
      %gather3A_1773 = arith.constant 1 : i32
      %gather3A_1774 = arith.constant 0 : i32
      %gather3A_1775 = arith.constant 0 : i32
      %gather3A_1776 = tpu.memref_slice %arg6[%gather3A_1773, %gather3A_1774, %gather3A_1775] : memref<2x4x128xi32, #tpu.memory_space<vmem>> -> memref<1x4x128xi32, #tpu.memory_space<vmem>>
      %gather3A_1777 = tpu.memref_squeeze %gather3A_1776 : memref<1x4x128xi32, #tpu.memory_space<vmem>> -> memref<4x128xi32, #tpu.memory_space<vmem>>
      %gather3A_1778 = tpu.vector_load_idx %gather3A_1777[%shift_right_logical3A_1769, %and3A_1772] : memref<4x128xi32, #tpu.memory_space<vmem>>[vector<16xi32>, vector<16xi32>], vector<16xi32>,
      %swap3A_1779 = arith.constant 1 : i32
      %swap3A_1780 = arith.constant 3 : i32
      %swap3A_1781 = arith.constant 0 : i32
      %swap3A_1782 = arith.constant 0 : i32
      %swap3A_1783 = tpu.memref_slice %arg7[%swap3A_1779, %swap3A_1781, %swap3A_1782] : memref<2x4x128xi32, #tpu.memory_space<vmem>> -> memref<1x4x128xi32, #tpu.memory_space<vmem>>
      %swap3A_1784 = tpu.memref_squeeze %swap3A_1783 : memref<1x4x128xi32, #tpu.memory_space<vmem>> -> memref<4x128xi32, #tpu.memory_space<vmem>>
      %swap3A_1785 = arith.index_cast %swap3A_1780 : i32 to index
      %swap3A_1786 = arith.constant 0 : index
      %swap3A_1787 = tpu.vector_load %swap3A_1784[%swap3A_1785, %swap3A_1786] {strides = array<i32>} : memref<4x128xi32, #tpu.memory_space<vmem>>, vector<16xi32>,
      tpu.vector_store %swap3A_1784[%swap3A_1785, %swap3A_1786], %gather3A_1778 {strides = array<i32>} : memref<4x128xi32, #tpu.memory_space<vmem>>, vector<16xi32>,
      %iota3A_1788 = tpu.iota {dimensions = array<i32: 0>} : vector<16xi32>
      %add3A_1789 = arith.constant 16 : i32
      %add3A_1790 = vector.broadcast %add3A_1789 : i32 to vector<16xi32>
      %add3A_1791 = arith.addi %iota3A_1788, %add3A_1790 : vector<16xi32>
      %mul3A_1792 = arith.constant 4 : i32
      %mul3A_1793 = vector.broadcast %mul3A_1792 : i32 to vector<16xi32>
      %mul3A_1794 = arith.muli %mul3A_1793, %add3A_1791 : vector<16xi32>
      %add3A_1795 = arith.constant 3 : i32
      %add3A_1796 = vector.broadcast %add3A_1795 : i32 to vector<16xi32>
      %add3A_1797 = arith.addi %mul3A_1794, %add3A_1796 : vector<16xi32>
      %shift_right_logical3A_1798 = arith.constant 7 : i32
      %shift_right_logical3A_1799 = vector.broadcast %shift_right_logical3A_1798 : i32 to vector<16xi32>
      %shift_right_logical3A_1800 = arith.shrui %add3A_1797, %shift_right_logical3A_1799 : vector<16xi32>
      %and3A_1801 = arith.constant 127 : i32
      %and3A_1802 = vector.broadcast %and3A_1801 : i32 to vector<16xi32>
      %and3A_1803 = arith.andi %add3A_1797, %and3A_1802 : vector<16xi32>
      %gather3A_1804 = arith.constant 1 : i32
      %gather3A_1805 = arith.constant 0 : i32
      %gather3A_1806 = arith.constant 0 : i32
      %gather3A_1807 = tpu.memref_slice %arg6[%gather3A_1804, %gather3A_1805, %gather3A_1806] : memref<2x4x128xi32, #tpu.memory_space<vmem>> -> memref<1x4x128xi32, #tpu.memory_space<vmem>>
      %gather3A_1808 = tpu.memref_squeeze %gather3A_1807 : memref<1x4x128xi32, #tpu.memory_space<vmem>> -> memref<4x128xi32, #tpu.memory_space<vmem>>
      %gather3A_1809 = tpu.vector_load_idx %gather3A_1808[%shift_right_logical3A_1800, %and3A_1803] : memref<4x128xi32, #tpu.memory_space<vmem>>[vector<16xi32>, vector<16xi32>], vector<16xi32>,
      %swap3A_1810 = arith.constant 1 : i32
      %swap3A_1811 = arith.constant 3 : i32
      %swap3A_1812 = arith.constant 0 : i32
      %swap3A_1813 = arith.constant 0 : i32
      %swap3A_1814 = tpu.memref_slice %arg7[%swap3A_1810, %swap3A_1812, %swap3A_1813] : memref<2x4x128xi32, #tpu.memory_space<vmem>> -> memref<1x4x128xi32, #tpu.memory_space<vmem>>
      %swap3A_1815 = tpu.memref_squeeze %swap3A_1814 : memref<1x4x128xi32, #tpu.memory_space<vmem>> -> memref<4x128xi32, #tpu.memory_space<vmem>>
      %swap3A_1816 = arith.index_cast %swap3A_1811 : i32 to index
      %swap3A_1817 = arith.constant 16 : index
      %swap3A_1818 = tpu.vector_load %swap3A_1815[%swap3A_1816, %swap3A_1817] {strides = array<i32>} : memref<4x128xi32, #tpu.memory_space<vmem>>, vector<16xi32>,
      tpu.vector_store %swap3A_1815[%swap3A_1816, %swap3A_1817], %gather3A_1809 {strides = array<i32>} : memref<4x128xi32, #tpu.memory_space<vmem>>, vector<16xi32>,
      %iota3A_1819 = tpu.iota {dimensions = array<i32: 0>} : vector<16xi32>
      %add3A_1820 = arith.constant 32 : i32
      %add3A_1821 = vector.broadcast %add3A_1820 : i32 to vector<16xi32>
      %add3A_1822 = arith.addi %iota3A_1819, %add3A_1821 : vector<16xi32>
      %mul3A_1823 = arith.constant 4 : i32
      %mul3A_1824 = vector.broadcast %mul3A_1823 : i32 to vector<16xi32>
      %mul3A_1825 = arith.muli %mul3A_1824, %add3A_1822 : vector<16xi32>
      %add3A_1826 = arith.constant 3 : i32
      %add3A_1827 = vector.broadcast %add3A_1826 : i32 to vector<16xi32>
      %add3A_1828 = arith.addi %mul3A_1825, %add3A_1827 : vector<16xi32>
      %shift_right_logical3A_1829 = arith.constant 7 : i32
      %shift_right_logical3A_1830 = vector.broadcast %shift_right_logical3A_1829 : i32 to vector<16xi32>
      %shift_right_logical3A_1831 = arith.shrui %add3A_1828, %shift_right_logical3A_1830 : vector<16xi32>
      %and3A_1832 = arith.constant 127 : i32
      %and3A_1833 = vector.broadcast %and3A_1832 : i32 to vector<16xi32>
      %and3A_1834 = arith.andi %add3A_1828, %and3A_1833 : vector<16xi32>
      %gather3A_1835 = arith.constant 1 : i32
      %gather3A_1836 = arith.constant 0 : i32
      %gather3A_1837 = arith.constant 0 : i32
      %gather3A_1838 = tpu.memref_slice %arg6[%gather3A_1835, %gather3A_1836, %gather3A_1837] : memref<2x4x128xi32, #tpu.memory_space<vmem>> -> memref<1x4x128xi32, #tpu.memory_space<vmem>>
      %gather3A_1839 = tpu.memref_squeeze %gather3A_1838 : memref<1x4x128xi32, #tpu.memory_space<vmem>> -> memref<4x128xi32, #tpu.memory_space<vmem>>
      %gather3A_1840 = tpu.vector_load_idx %gather3A_1839[%shift_right_logical3A_1831, %and3A_1834] : memref<4x128xi32, #tpu.memory_space<vmem>>[vector<16xi32>, vector<16xi32>], vector<16xi32>,
      %swap3A_1841 = arith.constant 1 : i32
      %swap3A_1842 = arith.constant 3 : i32
      %swap3A_1843 = arith.constant 0 : i32
      %swap3A_1844 = arith.constant 0 : i32
      %swap3A_1845 = tpu.memref_slice %arg7[%swap3A_1841, %swap3A_1843, %swap3A_1844] : memref<2x4x128xi32, #tpu.memory_space<vmem>> -> memref<1x4x128xi32, #tpu.memory_space<vmem>>
      %swap3A_1846 = tpu.memref_squeeze %swap3A_1845 : memref<1x4x128xi32, #tpu.memory_space<vmem>> -> memref<4x128xi32, #tpu.memory_space<vmem>>
      %swap3A_1847 = arith.index_cast %swap3A_1842 : i32 to index
      %swap3A_1848 = arith.constant 32 : index
      %swap3A_1849 = tpu.vector_load %swap3A_1846[%swap3A_1847, %swap3A_1848] {strides = array<i32>} : memref<4x128xi32, #tpu.memory_space<vmem>>, vector<16xi32>,
      tpu.vector_store %swap3A_1846[%swap3A_1847, %swap3A_1848], %gather3A_1840 {strides = array<i32>} : memref<4x128xi32, #tpu.memory_space<vmem>>, vector<16xi32>,
      %iota3A_1850 = tpu.iota {dimensions = array<i32: 0>} : vector<16xi32>
      %add3A_1851 = arith.constant 48 : i32
      %add3A_1852 = vector.broadcast %add3A_1851 : i32 to vector<16xi32>
      %add3A_1853 = arith.addi %iota3A_1850, %add3A_1852 : vector<16xi32>
      %mul3A_1854 = arith.constant 4 : i32
      %mul3A_1855 = vector.broadcast %mul3A_1854 : i32 to vector<16xi32>
      %mul3A_1856 = arith.muli %mul3A_1855, %add3A_1853 : vector<16xi32>
      %add3A_1857 = arith.constant 3 : i32
      %add3A_1858 = vector.broadcast %add3A_1857 : i32 to vector<16xi32>
      %add3A_1859 = arith.addi %mul3A_1856, %add3A_1858 : vector<16xi32>
      %shift_right_logical3A_1860 = arith.constant 7 : i32
      %shift_right_logical3A_1861 = vector.broadcast %shift_right_logical3A_1860 : i32 to vector<16xi32>
      %shift_right_logical3A_1862 = arith.shrui %add3A_1859, %shift_right_logical3A_1861 : vector<16xi32>
      %and3A_1863 = arith.constant 127 : i32
      %and3A_1864 = vector.broadcast %and3A_1863 : i32 to vector<16xi32>
      %and3A_1865 = arith.andi %add3A_1859, %and3A_1864 : vector<16xi32>
      %gather3A_1866 = arith.constant 1 : i32
      %gather3A_1867 = arith.constant 0 : i32
      %gather3A_1868 = arith.constant 0 : i32
      %gather3A_1869 = tpu.memref_slice %arg6[%gather3A_1866, %gather3A_1867, %gather3A_1868] : memref<2x4x128xi32, #tpu.memory_space<vmem>> -> memref<1x4x128xi32, #tpu.memory_space<vmem>>
      %gather3A_1870 = tpu.memref_squeeze %gather3A_1869 : memref<1x4x128xi32, #tpu.memory_space<vmem>> -> memref<4x128xi32, #tpu.memory_space<vmem>>
      %gather3A_1871 = tpu.vector_load_idx %gather3A_1870[%shift_right_logical3A_1862, %and3A_1865] : memref<4x128xi32, #tpu.memory_space<vmem>>[vector<16xi32>, vector<16xi32>], vector<16xi32>,
      %swap3A_1872 = arith.constant 1 : i32
      %swap3A_1873 = arith.constant 3 : i32
      %swap3A_1874 = arith.constant 0 : i32
      %swap3A_1875 = arith.constant 0 : i32
      %swap3A_1876 = tpu.memref_slice %arg7[%swap3A_1872, %swap3A_1874, %swap3A_1875] : memref<2x4x128xi32, #tpu.memory_space<vmem>> -> memref<1x4x128xi32, #tpu.memory_space<vmem>>
      %swap3A_1877 = tpu.memref_squeeze %swap3A_1876 : memref<1x4x128xi32, #tpu.memory_space<vmem>> -> memref<4x128xi32, #tpu.memory_space<vmem>>
      %swap3A_1878 = arith.index_cast %swap3A_1873 : i32 to index
      %swap3A_1879 = arith.constant 48 : index
      %swap3A_1880 = tpu.vector_load %swap3A_1877[%swap3A_1878, %swap3A_1879] {strides = array<i32>} : memref<4x128xi32, #tpu.memory_space<vmem>>, vector<16xi32>,
      tpu.vector_store %swap3A_1877[%swap3A_1878, %swap3A_1879], %gather3A_1871 {strides = array<i32>} : memref<4x128xi32, #tpu.memory_space<vmem>>, vector<16xi32>,
      %iota3A_1881 = tpu.iota {dimensions = array<i32: 0>} : vector<16xi32>
      %add3A_1882 = arith.constant 64 : i32
      %add3A_1883 = vector.broadcast %add3A_1882 : i32 to vector<16xi32>
      %add3A_1884 = arith.addi %iota3A_1881, %add3A_1883 : vector<16xi32>
      %mul3A_1885 = arith.constant 4 : i32
      %mul3A_1886 = vector.broadcast %mul3A_1885 : i32 to vector<16xi32>
      %mul3A_1887 = arith.muli %mul3A_1886, %add3A_1884 : vector<16xi32>
      %add3A_1888 = arith.constant 3 : i32
      %add3A_1889 = vector.broadcast %add3A_1888 : i32 to vector<16xi32>
      %add3A_1890 = arith.addi %mul3A_1887, %add3A_1889 : vector<16xi32>
      %shift_right_logical3A_1891 = arith.constant 7 : i32
      %shift_right_logical3A_1892 = vector.broadcast %shift_right_logical3A_1891 : i32 to vector<16xi32>
      %shift_right_logical3A_1893 = arith.shrui %add3A_1890, %shift_right_logical3A_1892 : vector<16xi32>
      %and3A_1894 = arith.constant 127 : i32
      %and3A_1895 = vector.broadcast %and3A_1894 : i32 to vector<16xi32>
      %and3A_1896 = arith.andi %add3A_1890, %and3A_1895 : vector<16xi32>
      %gather3A_1897 = arith.constant 1 : i32
      %gather3A_1898 = arith.constant 0 : i32
      %gather3A_1899 = arith.constant 0 : i32
      %gather3A_1900 = tpu.memref_slice %arg6[%gather3A_1897, %gather3A_1898, %gather3A_1899] : memref<2x4x128xi32, #tpu.memory_space<vmem>> -> memref<1x4x128xi32, #tpu.memory_space<vmem>>
      %gather3A_1901 = tpu.memref_squeeze %gather3A_1900 : memref<1x4x128xi32, #tpu.memory_space<vmem>> -> memref<4x128xi32, #tpu.memory_space<vmem>>
      %gather3A_1902 = tpu.vector_load_idx %gather3A_1901[%shift_right_logical3A_1893, %and3A_1896] : memref<4x128xi32, #tpu.memory_space<vmem>>[vector<16xi32>, vector<16xi32>], vector<16xi32>,
      %swap3A_1903 = arith.constant 1 : i32
      %swap3A_1904 = arith.constant 3 : i32
      %swap3A_1905 = arith.constant 0 : i32
      %swap3A_1906 = arith.constant 0 : i32
      %swap3A_1907 = tpu.memref_slice %arg7[%swap3A_1903, %swap3A_1905, %swap3A_1906] : memref<2x4x128xi32, #tpu.memory_space<vmem>> -> memref<1x4x128xi32, #tpu.memory_space<vmem>>
      %swap3A_1908 = tpu.memref_squeeze %swap3A_1907 : memref<1x4x128xi32, #tpu.memory_space<vmem>> -> memref<4x128xi32, #tpu.memory_space<vmem>>
      %swap3A_1909 = arith.index_cast %swap3A_1904 : i32 to index
      %swap3A_1910 = arith.constant 64 : index
      %swap3A_1911 = tpu.vector_load %swap3A_1908[%swap3A_1909, %swap3A_1910] {strides = array<i32>} : memref<4x128xi32, #tpu.memory_space<vmem>>, vector<16xi32>,
      tpu.vector_store %swap3A_1908[%swap3A_1909, %swap3A_1910], %gather3A_1902 {strides = array<i32>} : memref<4x128xi32, #tpu.memory_space<vmem>>, vector<16xi32>,
      %iota3A_1912 = tpu.iota {dimensions = array<i32: 0>} : vector<16xi32>
      %add3A_1913 = arith.constant 80 : i32
      %add3A_1914 = vector.broadcast %add3A_1913 : i32 to vector<16xi32>
      %add3A_1915 = arith.addi %iota3A_1912, %add3A_1914 : vector<16xi32>
      %mul3A_1916 = arith.constant 4 : i32
      %mul3A_1917 = vector.broadcast %mul3A_1916 : i32 to vector<16xi32>
      %mul3A_1918 = arith.muli %mul3A_1917, %add3A_1915 : vector<16xi32>
      %add3A_1919 = arith.constant 3 : i32
      %add3A_1920 = vector.broadcast %add3A_1919 : i32 to vector<16xi32>
      %add3A_1921 = arith.addi %mul3A_1918, %add3A_1920 : vector<16xi32>
      %shift_right_logical3A_1922 = arith.constant 7 : i32
      %shift_right_logical3A_1923 = vector.broadcast %shift_right_logical3A_1922 : i32 to vector<16xi32>
      %shift_right_logical3A_1924 = arith.shrui %add3A_1921, %shift_right_logical3A_1923 : vector<16xi32>
      %and3A_1925 = arith.constant 127 : i32
      %and3A_1926 = vector.broadcast %and3A_1925 : i32 to vector<16xi32>
      %and3A_1927 = arith.andi %add3A_1921, %and3A_1926 : vector<16xi32>
      %gather3A_1928 = arith.constant 1 : i32
      %gather3A_1929 = arith.constant 0 : i32
      %gather3A_1930 = arith.constant 0 : i32
      %gather3A_1931 = tpu.memref_slice %arg6[%gather3A_1928, %gather3A_1929, %gather3A_1930] : memref<2x4x128xi32, #tpu.memory_space<vmem>> -> memref<1x4x128xi32, #tpu.memory_space<vmem>>
      %gather3A_1932 = tpu.memref_squeeze %gather3A_1931 : memref<1x4x128xi32, #tpu.memory_space<vmem>> -> memref<4x128xi32, #tpu.memory_space<vmem>>
      %gather3A_1933 = tpu.vector_load_idx %gather3A_1932[%shift_right_logical3A_1924, %and3A_1927] : memref<4x128xi32, #tpu.memory_space<vmem>>[vector<16xi32>, vector<16xi32>], vector<16xi32>,
      %swap3A_1934 = arith.constant 1 : i32
      %swap3A_1935 = arith.constant 3 : i32
      %swap3A_1936 = arith.constant 0 : i32
      %swap3A_1937 = arith.constant 0 : i32
      %swap3A_1938 = tpu.memref_slice %arg7[%swap3A_1934, %swap3A_1936, %swap3A_1937] : memref<2x4x128xi32, #tpu.memory_space<vmem>> -> memref<1x4x128xi32, #tpu.memory_space<vmem>>
      %swap3A_1939 = tpu.memref_squeeze %swap3A_1938 : memref<1x4x128xi32, #tpu.memory_space<vmem>> -> memref<4x128xi32, #tpu.memory_space<vmem>>
      %swap3A_1940 = arith.index_cast %swap3A_1935 : i32 to index
      %swap3A_1941 = arith.constant 80 : index
      %swap3A_1942 = tpu.vector_load %swap3A_1939[%swap3A_1940, %swap3A_1941] {strides = array<i32>} : memref<4x128xi32, #tpu.memory_space<vmem>>, vector<16xi32>,
      tpu.vector_store %swap3A_1939[%swap3A_1940, %swap3A_1941], %gather3A_1933 {strides = array<i32>} : memref<4x128xi32, #tpu.memory_space<vmem>>, vector<16xi32>,
      %iota3A_1943 = tpu.iota {dimensions = array<i32: 0>} : vector<16xi32>
      %add3A_1944 = arith.constant 96 : i32
      %add3A_1945 = vector.broadcast %add3A_1944 : i32 to vector<16xi32>
      %add3A_1946 = arith.addi %iota3A_1943, %add3A_1945 : vector<16xi32>
      %mul3A_1947 = arith.constant 4 : i32
      %mul3A_1948 = vector.broadcast %mul3A_1947 : i32 to vector<16xi32>
      %mul3A_1949 = arith.muli %mul3A_1948, %add3A_1946 : vector<16xi32>
      %add3A_1950 = arith.constant 3 : i32
      %add3A_1951 = vector.broadcast %add3A_1950 : i32 to vector<16xi32>
      %add3A_1952 = arith.addi %mul3A_1949, %add3A_1951 : vector<16xi32>
      %shift_right_logical3A_1953 = arith.constant 7 : i32
      %shift_right_logical3A_1954 = vector.broadcast %shift_right_logical3A_1953 : i32 to vector<16xi32>
      %shift_right_logical3A_1955 = arith.shrui %add3A_1952, %shift_right_logical3A_1954 : vector<16xi32>
      %and3A_1956 = arith.constant 127 : i32
      %and3A_1957 = vector.broadcast %and3A_1956 : i32 to vector<16xi32>
      %and3A_1958 = arith.andi %add3A_1952, %and3A_1957 : vector<16xi32>
      %gather3A_1959 = arith.constant 1 : i32
      %gather3A_1960 = arith.constant 0 : i32
      %gather3A_1961 = arith.constant 0 : i32
      %gather3A_1962 = tpu.memref_slice %arg6[%gather3A_1959, %gather3A_1960, %gather3A_1961] : memref<2x4x128xi32, #tpu.memory_space<vmem>> -> memref<1x4x128xi32, #tpu.memory_space<vmem>>
      %gather3A_1963 = tpu.memref_squeeze %gather3A_1962 : memref<1x4x128xi32, #tpu.memory_space<vmem>> -> memref<4x128xi32, #tpu.memory_space<vmem>>
      %gather3A_1964 = tpu.vector_load_idx %gather3A_1963[%shift_right_logical3A_1955, %and3A_1958] : memref<4x128xi32, #tpu.memory_space<vmem>>[vector<16xi32>, vector<16xi32>], vector<16xi32>,
      %swap3A_1965 = arith.constant 1 : i32
      %swap3A_1966 = arith.constant 3 : i32
      %swap3A_1967 = arith.constant 0 : i32
      %swap3A_1968 = arith.constant 0 : i32
      %swap3A_1969 = tpu.memref_slice %arg7[%swap3A_1965, %swap3A_1967, %swap3A_1968] : memref<2x4x128xi32, #tpu.memory_space<vmem>> -> memref<1x4x128xi32, #tpu.memory_space<vmem>>
      %swap3A_1970 = tpu.memref_squeeze %swap3A_1969 : memref<1x4x128xi32, #tpu.memory_space<vmem>> -> memref<4x128xi32, #tpu.memory_space<vmem>>
      %swap3A_1971 = arith.index_cast %swap3A_1966 : i32 to index
      %swap3A_1972 = arith.constant 96 : index
      %swap3A_1973 = tpu.vector_load %swap3A_1970[%swap3A_1971, %swap3A_1972] {strides = array<i32>} : memref<4x128xi32, #tpu.memory_space<vmem>>, vector<16xi32>,
      tpu.vector_store %swap3A_1970[%swap3A_1971, %swap3A_1972], %gather3A_1964 {strides = array<i32>} : memref<4x128xi32, #tpu.memory_space<vmem>>, vector<16xi32>,
      %iota3A_1974 = tpu.iota {dimensions = array<i32: 0>} : vector<16xi32>
      %add3A_1975 = arith.constant 112 : i32
      %add3A_1976 = vector.broadcast %add3A_1975 : i32 to vector<16xi32>
      %add3A_1977 = arith.addi %iota3A_1974, %add3A_1976 : vector<16xi32>
      %mul3A_1978 = arith.constant 4 : i32
      %mul3A_1979 = vector.broadcast %mul3A_1978 : i32 to vector<16xi32>
      %mul3A_1980 = arith.muli %mul3A_1979, %add3A_1977 : vector<16xi32>
      %add3A_1981 = arith.constant 3 : i32
      %add3A_1982 = vector.broadcast %add3A_1981 : i32 to vector<16xi32>
      %add3A_1983 = arith.addi %mul3A_1980, %add3A_1982 : vector<16xi32>
      %shift_right_logical3A_1984 = arith.constant 7 : i32
      %shift_right_logical3A_1985 = vector.broadcast %shift_right_logical3A_1984 : i32 to vector<16xi32>
      %shift_right_logical3A_1986 = arith.shrui %add3A_1983, %shift_right_logical3A_1985 : vector<16xi32>
      %and3A_1987 = arith.constant 127 : i32
      %and3A_1988 = vector.broadcast %and3A_1987 : i32 to vector<16xi32>
      %and3A_1989 = arith.andi %add3A_1983, %and3A_1988 : vector<16xi32>
      %gather3A_1990 = arith.constant 1 : i32
      %gather3A_1991 = arith.constant 0 : i32
      %gather3A_1992 = arith.constant 0 : i32
      %gather3A_1993 = tpu.memref_slice %arg6[%gather3A_1990, %gather3A_1991, %gather3A_1992] : memref<2x4x128xi32, #tpu.memory_space<vmem>> -> memref<1x4x128xi32, #tpu.memory_space<vmem>>
      %gather3A_1994 = tpu.memref_squeeze %gather3A_1993 : memref<1x4x128xi32, #tpu.memory_space<vmem>> -> memref<4x128xi32, #tpu.memory_space<vmem>>
      %gather3A_1995 = tpu.vector_load_idx %gather3A_1994[%shift_right_logical3A_1986, %and3A_1989] : memref<4x128xi32, #tpu.memory_space<vmem>>[vector<16xi32>, vector<16xi32>], vector<16xi32>,
      %swap3A_1996 = arith.constant 1 : i32
      %swap3A_1997 = arith.constant 3 : i32
      %swap3A_1998 = arith.constant 0 : i32
      %swap3A_1999 = arith.constant 0 : i32
      %swap3A_2000 = tpu.memref_slice %arg7[%swap3A_1996, %swap3A_1998, %swap3A_1999] : memref<2x4x128xi32, #tpu.memory_space<vmem>> -> memref<1x4x128xi32, #tpu.memory_space<vmem>>
      %swap3A_2001 = tpu.memref_squeeze %swap3A_2000 : memref<1x4x128xi32, #tpu.memory_space<vmem>> -> memref<4x128xi32, #tpu.memory_space<vmem>>
      %swap3A_2002 = arith.index_cast %swap3A_1997 : i32 to index
      %swap3A_2003 = arith.constant 112 : index
      %swap3A_2004 = tpu.vector_load %swap3A_2001[%swap3A_2002, %swap3A_2003] {strides = array<i32>} : memref<4x128xi32, #tpu.memory_space<vmem>>, vector<16xi32>,
      tpu.vector_store %swap3A_2001[%swap3A_2002, %swap3A_2003], %gather3A_1995 {strides = array<i32>} : memref<4x128xi32, #tpu.memory_space<vmem>>, vector<16xi32>,
      %dma_start3A = arith.constant 0 : i32
      %dma_start3A_2005 = arith.constant 0 : i32
      %dma_start3A_2006 = arith.constant 0 : i32
      %dma_start3A_2007 = arith.constant 0 : i32
      %dma_start3A_2008 = arith.constant 0 : i32
      %dma_start3A_2009 = arith.constant 0 : i32
      %dma_start3A_2010 = tpu.memref_slice %arg8[%dma_start3A_2006, %dma_start3A_2007, %dma_start3A_2008, %dma_start3A_2009] : memref<2x4x128x32xf32, #tpu.memory_space<vmem>> -> memref<1x1x128x32xf32, #tpu.memory_space<vmem>>
      %dma_start3A_2011 = tpu.memref_squeeze %dma_start3A_2010 : memref<1x1x128x32xf32, #tpu.memory_space<vmem>> -> memref<128x32xf32, #tpu.memory_space<vmem>>
      %dma_start3A_2012 = arith.constant 0 : i32
      %dma_start3A_2013 = tpu.memref_slice %arg7[%dma_start3A, %dma_start3A_2005, %dma_start3A_2012] : memref<2x4x128xi32, #tpu.memory_space<vmem>> -> memref<1x1x128xi32, #tpu.memory_space<vmem>>
      %dma_start3A_2014 = tpu.memref_squeeze %dma_start3A_2013 : memref<1x1x128xi32, #tpu.memory_space<vmem>> -> memref<128xi32, #tpu.memory_space<vmem>>
      %dma_start3A_2015 = arith.constant 0 : i32
      %dma_start3A_2016 = arith.constant 0 : i32
      %dma_start3A_2017 = tpu.memref_slice %arg2[%dma_start3A_2015, %dma_start3A_2016] : memref<1000000x32xf32, #tpu.memory_space<hbm>> -> memref<1000000x32xf32, #tpu.memory_space<hbm>>
      tpu.enqueue_indirect_dma source(%dma_start3A_2017 : memref<1000000x32xf32, #tpu.memory_space<hbm>>) target(%dma_start3A_2011 : memref<128x32xf32, #tpu.memory_space<vmem>>) offsets(%dma_start3A_2014 : memref<128xi32, #tpu.memory_space<vmem>>) semaphore(%arg9 : memref<!tpu.dma_semaphore, #tpu.memory_space<semaphore_mem>>)
      %dma_start3A_2018 = arith.constant 0 : i32
      %dma_start3A_2019 = arith.constant 1 : i32
      %dma_start3A_2020 = arith.constant 0 : i32
      %dma_start3A_2021 = arith.constant 1 : i32
      %dma_start3A_2022 = arith.constant 0 : i32
      %dma_start3A_2023 = arith.constant 0 : i32
      %dma_start3A_2024 = tpu.memref_slice %arg8[%dma_start3A_2020, %dma_start3A_2021, %dma_start3A_2022, %dma_start3A_2023] : memref<2x4x128x32xf32, #tpu.memory_space<vmem>> -> memref<1x1x128x32xf32, #tpu.memory_space<vmem>>
      %dma_start3A_2025 = tpu.memref_squeeze %dma_start3A_2024 : memref<1x1x128x32xf32, #tpu.memory_space<vmem>> -> memref<128x32xf32, #tpu.memory_space<vmem>>
      %dma_start3A_2026 = arith.constant 0 : i32
      %dma_start3A_2027 = tpu.memref_slice %arg7[%dma_start3A_2018, %dma_start3A_2019, %dma_start3A_2026] : memref<2x4x128xi32, #tpu.memory_space<vmem>> -> memref<1x1x128xi32, #tpu.memory_space<vmem>>
      %dma_start3A_2028 = tpu.memref_squeeze %dma_start3A_2027 : memref<1x1x128xi32, #tpu.memory_space<vmem>> -> memref<128xi32, #tpu.memory_space<vmem>>
      %dma_start3A_2029 = arith.constant 0 : i32
      %dma_start3A_2030 = arith.constant 0 : i32
      %dma_start3A_2031 = tpu.memref_slice %arg2[%dma_start3A_2029, %dma_start3A_2030] : memref<1000000x32xf32, #tpu.memory_space<hbm>> -> memref<1000000x32xf32, #tpu.memory_space<hbm>>
      tpu.enqueue_indirect_dma source(%dma_start3A_2031 : memref<1000000x32xf32, #tpu.memory_space<hbm>>) target(%dma_start3A_2025 : memref<128x32xf32, #tpu.memory_space<vmem>>) offsets(%dma_start3A_2028 : memref<128xi32, #tpu.memory_space<vmem>>) semaphore(%arg9 : memref<!tpu.dma_semaphore, #tpu.memory_space<semaphore_mem>>)
      %dma_start3A_2032 = arith.constant 0 : i32
      %dma_start3A_2033 = arith.constant 2 : i32
      %dma_start3A_2034 = arith.constant 0 : i32
      %dma_start3A_2035 = arith.constant 2 : i32
      %dma_start3A_2036 = arith.constant 0 : i32
      %dma_start3A_2037 = arith.constant 0 : i32
      %dma_start3A_2038 = tpu.memref_slice %arg8[%dma_start3A_2034, %dma_start3A_2035, %dma_start3A_2036, %dma_start3A_2037] : memref<2x4x128x32xf32, #tpu.memory_space<vmem>> -> memref<1x1x128x32xf32, #tpu.memory_space<vmem>>
      %dma_start3A_2039 = tpu.memref_squeeze %dma_start3A_2038 : memref<1x1x128x32xf32, #tpu.memory_space<vmem>> -> memref<128x32xf32, #tpu.memory_space<vmem>>
      %dma_start3A_2040 = arith.constant 0 : i32
      %dma_start3A_2041 = tpu.memref_slice %arg7[%dma_start3A_2032, %dma_start3A_2033, %dma_start3A_2040] : memref<2x4x128xi32, #tpu.memory_space<vmem>> -> memref<1x1x128xi32, #tpu.memory_space<vmem>>
      %dma_start3A_2042 = tpu.memref_squeeze %dma_start3A_2041 : memref<1x1x128xi32, #tpu.memory_space<vmem>> -> memref<128xi32, #tpu.memory_space<vmem>>
      %dma_start3A_2043 = arith.constant 0 : i32
      %dma_start3A_2044 = arith.constant 0 : i32
      %dma_start3A_2045 = tpu.memref_slice %arg2[%dma_start3A_2043, %dma_start3A_2044] : memref<1000000x32xf32, #tpu.memory_space<hbm>> -> memref<1000000x32xf32, #tpu.memory_space<hbm>>
      tpu.enqueue_indirect_dma source(%dma_start3A_2045 : memref<1000000x32xf32, #tpu.memory_space<hbm>>) target(%dma_start3A_2039 : memref<128x32xf32, #tpu.memory_space<vmem>>) offsets(%dma_start3A_2042 : memref<128xi32, #tpu.memory_space<vmem>>) semaphore(%arg9 : memref<!tpu.dma_semaphore, #tpu.memory_space<semaphore_mem>>)
      %dma_start3A_2046 = arith.constant 0 : i32
      %dma_start3A_2047 = arith.constant 3 : i32
      %dma_start3A_2048 = arith.constant 0 : i32
      %dma_start3A_2049 = arith.constant 3 : i32
      %dma_start3A_2050 = arith.constant 0 : i32
      %dma_start3A_2051 = arith.constant 0 : i32
      %dma_start3A_2052 = tpu.memref_slice %arg8[%dma_start3A_2048, %dma_start3A_2049, %dma_start3A_2050, %dma_start3A_2051] : memref<2x4x128x32xf32, #tpu.memory_space<vmem>> -> memref<1x1x128x32xf32, #tpu.memory_space<vmem>>
      %dma_start3A_2053 = tpu.memref_squeeze %dma_start3A_2052 : memref<1x1x128x32xf32, #tpu.memory_space<vmem>> -> memref<128x32xf32, #tpu.memory_space<vmem>>
      %dma_start3A_2054 = arith.constant 0 : i32
      %dma_start3A_2055 = tpu.memref_slice %arg7[%dma_start3A_2046, %dma_start3A_2047, %dma_start3A_2054] : memref<2x4x128xi32, #tpu.memory_space<vmem>> -> memref<1x1x128xi32, #tpu.memory_space<vmem>>
      %dma_start3A_2056 = tpu.memref_squeeze %dma_start3A_2055 : memref<1x1x128xi32, #tpu.memory_space<vmem>> -> memref<128xi32, #tpu.memory_space<vmem>>
      %dma_start3A_2057 = arith.constant 0 : i32
      %dma_start3A_2058 = arith.constant 0 : i32
      %dma_start3A_2059 = tpu.memref_slice %arg2[%dma_start3A_2057, %dma_start3A_2058] : memref<1000000x32xf32, #tpu.memory_space<hbm>> -> memref<1000000x32xf32, #tpu.memory_space<hbm>>
      tpu.enqueue_indirect_dma source(%dma_start3A_2059 : memref<1000000x32xf32, #tpu.memory_space<hbm>>) target(%dma_start3A_2053 : memref<128x32xf32, #tpu.memory_space<vmem>>) offsets(%dma_start3A_2056 : memref<128xi32, #tpu.memory_space<vmem>>) semaphore(%arg9 : memref<!tpu.dma_semaphore, #tpu.memory_space<semaphore_mem>>)
      %dma_start3A_2060 = arith.constant 1 : i32
      %dma_start3A_2061 = arith.constant 0 : i32
      %dma_start3A_2062 = arith.constant 1 : i32
      %dma_start3A_2063 = arith.constant 0 : i32
      %dma_start3A_2064 = arith.constant 0 : i32
      %dma_start3A_2065 = arith.constant 0 : i32
      %dma_start3A_2066 = tpu.memref_slice %arg8[%dma_start3A_2062, %dma_start3A_2063, %dma_start3A_2064, %dma_start3A_2065] : memref<2x4x128x32xf32, #tpu.memory_space<vmem>> -> memref<1x1x128x32xf32, #tpu.memory_space<vmem>>
      %dma_start3A_2067 = tpu.memref_squeeze %dma_start3A_2066 : memref<1x1x128x32xf32, #tpu.memory_space<vmem>> -> memref<128x32xf32, #tpu.memory_space<vmem>>
      %dma_start3A_2068 = arith.constant 0 : i32
      %dma_start3A_2069 = tpu.memref_slice %arg7[%dma_start3A_2060, %dma_start3A_2061, %dma_start3A_2068] : memref<2x4x128xi32, #tpu.memory_space<vmem>> -> memref<1x1x128xi32, #tpu.memory_space<vmem>>
      %dma_start3A_2070 = tpu.memref_squeeze %dma_start3A_2069 : memref<1x1x128xi32, #tpu.memory_space<vmem>> -> memref<128xi32, #tpu.memory_space<vmem>>
      %dma_start3A_2071 = arith.constant 0 : i32
      %dma_start3A_2072 = arith.constant 0 : i32
      %dma_start3A_2073 = tpu.memref_slice %arg2[%dma_start3A_2071, %dma_start3A_2072] : memref<1000000x32xf32, #tpu.memory_space<hbm>> -> memref<1000000x32xf32, #tpu.memory_space<hbm>>
      tpu.enqueue_indirect_dma source(%dma_start3A_2073 : memref<1000000x32xf32, #tpu.memory_space<hbm>>) target(%dma_start3A_2067 : memref<128x32xf32, #tpu.memory_space<vmem>>) offsets(%dma_start3A_2070 : memref<128xi32, #tpu.memory_space<vmem>>) semaphore(%arg9 : memref<!tpu.dma_semaphore, #tpu.memory_space<semaphore_mem>>)
      %dma_start3A_2074 = arith.constant 1 : i32
      %dma_start3A_2075 = arith.constant 1 : i32
      %dma_start3A_2076 = arith.constant 1 : i32
      %dma_start3A_2077 = arith.constant 1 : i32
      %dma_start3A_2078 = arith.constant 0 : i32
      %dma_start3A_2079 = arith.constant 0 : i32
      %dma_start3A_2080 = tpu.memref_slice %arg8[%dma_start3A_2076, %dma_start3A_2077, %dma_start3A_2078, %dma_start3A_2079] : memref<2x4x128x32xf32, #tpu.memory_space<vmem>> -> memref<1x1x128x32xf32, #tpu.memory_space<vmem>>
      %dma_start3A_2081 = tpu.memref_squeeze %dma_start3A_2080 : memref<1x1x128x32xf32, #tpu.memory_space<vmem>> -> memref<128x32xf32, #tpu.memory_space<vmem>>
      %dma_start3A_2082 = arith.constant 0 : i32
      %dma_start3A_2083 = tpu.memref_slice %arg7[%dma_start3A_2074, %dma_start3A_2075, %dma_start3A_2082] : memref<2x4x128xi32, #tpu.memory_space<vmem>> -> memref<1x1x128xi32, #tpu.memory_space<vmem>>
      %dma_start3A_2084 = tpu.memref_squeeze %dma_start3A_2083 : memref<1x1x128xi32, #tpu.memory_space<vmem>> -> memref<128xi32, #tpu.memory_space<vmem>>
      %dma_start3A_2085 = arith.constant 0 : i32
      %dma_start3A_2086 = arith.constant 0 : i32
      %dma_start3A_2087 = tpu.memref_slice %arg2[%dma_start3A_2085, %dma_start3A_2086] : memref<1000000x32xf32, #tpu.memory_space<hbm>> -> memref<1000000x32xf32, #tpu.memory_space<hbm>>
      tpu.enqueue_indirect_dma source(%dma_start3A_2087 : memref<1000000x32xf32, #tpu.memory_space<hbm>>) target(%dma_start3A_2081 : memref<128x32xf32, #tpu.memory_space<vmem>>) offsets(%dma_start3A_2084 : memref<128xi32, #tpu.memory_space<vmem>>) semaphore(%arg9 : memref<!tpu.dma_semaphore, #tpu.memory_space<semaphore_mem>>)
      %dma_start3A_2088 = arith.constant 1 : i32
      %dma_start3A_2089 = arith.constant 2 : i32
      %dma_start3A_2090 = arith.constant 1 : i32
      %dma_start3A_2091 = arith.constant 2 : i32
      %dma_start3A_2092 = arith.constant 0 : i32
      %dma_start3A_2093 = arith.constant 0 : i32
      %dma_start3A_2094 = tpu.memref_slice %arg8[%dma_start3A_2090, %dma_start3A_2091, %dma_start3A_2092, %dma_start3A_2093] : memref<2x4x128x32xf32, #tpu.memory_space<vmem>> -> memref<1x1x128x32xf32, #tpu.memory_space<vmem>>
      %dma_start3A_2095 = tpu.memref_squeeze %dma_start3A_2094 : memref<1x1x128x32xf32, #tpu.memory_space<vmem>> -> memref<128x32xf32, #tpu.memory_space<vmem>>
      %dma_start3A_2096 = arith.constant 0 : i32
      %dma_start3A_2097 = tpu.memref_slice %arg7[%dma_start3A_2088, %dma_start3A_2089, %dma_start3A_2096] : memref<2x4x128xi32, #tpu.memory_space<vmem>> -> memref<1x1x128xi32, #tpu.memory_space<vmem>>
      %dma_start3A_2098 = tpu.memref_squeeze %dma_start3A_2097 : memref<1x1x128xi32, #tpu.memory_space<vmem>> -> memref<128xi32, #tpu.memory_space<vmem>>
      %dma_start3A_2099 = arith.constant 0 : i32
      %dma_start3A_2100 = arith.constant 0 : i32
      %dma_start3A_2101 = tpu.memref_slice %arg2[%dma_start3A_2099, %dma_start3A_2100] : memref<1000000x32xf32, #tpu.memory_space<hbm>> -> memref<1000000x32xf32, #tpu.memory_space<hbm>>
      tpu.enqueue_indirect_dma source(%dma_start3A_2101 : memref<1000000x32xf32, #tpu.memory_space<hbm>>) target(%dma_start3A_2095 : memref<128x32xf32, #tpu.memory_space<vmem>>) offsets(%dma_start3A_2098 : memref<128xi32, #tpu.memory_space<vmem>>) semaphore(%arg9 : memref<!tpu.dma_semaphore, #tpu.memory_space<semaphore_mem>>)
      %dma_start3A_2102 = arith.constant 1 : i32
      %dma_start3A_2103 = arith.constant 3 : i32
      %dma_start3A_2104 = arith.constant 1 : i32
      %dma_start3A_2105 = arith.constant 3 : i32
      %dma_start3A_2106 = arith.constant 0 : i32
      %dma_start3A_2107 = arith.constant 0 : i32
      %dma_start3A_2108 = tpu.memref_slice %arg8[%dma_start3A_2104, %dma_start3A_2105, %dma_start3A_2106, %dma_start3A_2107] : memref<2x4x128x32xf32, #tpu.memory_space<vmem>> -> memref<1x1x128x32xf32, #tpu.memory_space<vmem>>
      %dma_start3A_2109 = tpu.memref_squeeze %dma_start3A_2108 : memref<1x1x128x32xf32, #tpu.memory_space<vmem>> -> memref<128x32xf32, #tpu.memory_space<vmem>>
      %dma_start3A_2110 = arith.constant 0 : i32
      %dma_start3A_2111 = tpu.memref_slice %arg7[%dma_start3A_2102, %dma_start3A_2103, %dma_start3A_2110] : memref<2x4x128xi32, #tpu.memory_space<vmem>> -> memref<1x1x128xi32, #tpu.memory_space<vmem>>
      %dma_start3A_2112 = tpu.memref_squeeze %dma_start3A_2111 : memref<1x1x128xi32, #tpu.memory_space<vmem>> -> memref<128xi32, #tpu.memory_space<vmem>>
      %dma_start3A_2113 = arith.constant 0 : i32
      %dma_start3A_2114 = arith.constant 0 : i32
      %dma_start3A_2115 = tpu.memref_slice %arg2[%dma_start3A_2113, %dma_start3A_2114] : memref<1000000x32xf32, #tpu.memory_space<hbm>> -> memref<1000000x32xf32, #tpu.memory_space<hbm>>
      tpu.enqueue_indirect_dma source(%dma_start3A_2115 : memref<1000000x32xf32, #tpu.memory_space<hbm>>) target(%dma_start3A_2109 : memref<128x32xf32, #tpu.memory_space<vmem>>) offsets(%dma_start3A_2112 : memref<128xi32, #tpu.memory_space<vmem>>) semaphore(%arg9 : memref<!tpu.dma_semaphore, #tpu.memory_space<semaphore_mem>>)
      %dma_wait3A = arith.constant 0 : i32
      %dma_wait3A_2116 = arith.constant 0 : i32
      %dma_wait3A_2117 = arith.constant 0 : i32
      %dma_wait3A_2118 = arith.constant 0 : i32
      %dma_wait3A_2119 = arith.constant 0 : i32
      %dma_wait3A_2120 = arith.constant 0 : i32
      %dma_wait3A_2121 = tpu.memref_slice %arg8[%dma_wait3A_2117, %dma_wait3A_2118, %dma_wait3A_2119, %dma_wait3A_2120] : memref<2x4x128x32xf32, #tpu.memory_space<vmem>> -> memref<1x1x128x32xf32, #tpu.memory_space<vmem>>
      %dma_wait3A_2122 = tpu.memref_squeeze %dma_wait3A_2121 : memref<1x1x128x32xf32, #tpu.memory_space<vmem>> -> memref<128x32xf32, #tpu.memory_space<vmem>>
      %dma_wait3A_2123 = arith.constant 0 : i32
      %dma_wait3A_2124 = tpu.memref_slice %arg7[%dma_wait3A, %dma_wait3A_2116, %dma_wait3A_2123] : memref<2x4x128xi32, #tpu.memory_space<vmem>> -> memref<1x1x128xi32, #tpu.memory_space<vmem>>
      %dma_wait3A_2125 = tpu.memref_squeeze %dma_wait3A_2124 : memref<1x1x128xi32, #tpu.memory_space<vmem>> -> memref<128xi32, #tpu.memory_space<vmem>>
      %dma_wait3A_2126 = arith.constant 0 : i32
      %dma_wait3A_2127 = arith.constant 0 : i32
      %dma_wait3A_2128 = tpu.memref_slice %arg2[%dma_wait3A_2126, %dma_wait3A_2127] : memref<1000000x32xf32, #tpu.memory_space<hbm>> -> memref<1000000x32xf32, #tpu.memory_space<hbm>>
      tpu.wait_indirect_dma semaphore(%arg9 : memref<!tpu.dma_semaphore, #tpu.memory_space<semaphore_mem>>) src(%dma_wait3A_2128 : memref<1000000x32xf32, #tpu.memory_space<hbm>>) dst(%dma_wait3A_2122 : memref<128x32xf32, #tpu.memory_space<vmem>>)
      %dma_wait3A_2129 = arith.constant 0 : i32
      %dma_wait3A_2130 = arith.constant 1 : i32
      %dma_wait3A_2131 = arith.constant 0 : i32
      %dma_wait3A_2132 = arith.constant 1 : i32
      %dma_wait3A_2133 = arith.constant 0 : i32
      %dma_wait3A_2134 = arith.constant 0 : i32
      %dma_wait3A_2135 = tpu.memref_slice %arg8[%dma_wait3A_2131, %dma_wait3A_2132, %dma_wait3A_2133, %dma_wait3A_2134] : memref<2x4x128x32xf32, #tpu.memory_space<vmem>> -> memref<1x1x128x32xf32, #tpu.memory_space<vmem>>
      %dma_wait3A_2136 = tpu.memref_squeeze %dma_wait3A_2135 : memref<1x1x128x32xf32, #tpu.memory_space<vmem>> -> memref<128x32xf32, #tpu.memory_space<vmem>>
      %dma_wait3A_2137 = arith.constant 0 : i32
      %dma_wait3A_2138 = tpu.memref_slice %arg7[%dma_wait3A_2129, %dma_wait3A_2130, %dma_wait3A_2137] : memref<2x4x128xi32, #tpu.memory_space<vmem>> -> memref<1x1x128xi32, #tpu.memory_space<vmem>>
      %dma_wait3A_2139 = tpu.memref_squeeze %dma_wait3A_2138 : memref<1x1x128xi32, #tpu.memory_space<vmem>> -> memref<128xi32, #tpu.memory_space<vmem>>
      %dma_wait3A_2140 = arith.constant 0 : i32
      %dma_wait3A_2141 = arith.constant 0 : i32
      %dma_wait3A_2142 = tpu.memref_slice %arg2[%dma_wait3A_2140, %dma_wait3A_2141] : memref<1000000x32xf32, #tpu.memory_space<hbm>> -> memref<1000000x32xf32, #tpu.memory_space<hbm>>
      tpu.wait_indirect_dma semaphore(%arg9 : memref<!tpu.dma_semaphore, #tpu.memory_space<semaphore_mem>>) src(%dma_wait3A_2142 : memref<1000000x32xf32, #tpu.memory_space<hbm>>) dst(%dma_wait3A_2136 : memref<128x32xf32, #tpu.memory_space<vmem>>)
      %dma_wait3A_2143 = arith.constant 0 : i32
      %dma_wait3A_2144 = arith.constant 2 : i32
      %dma_wait3A_2145 = arith.constant 0 : i32
      %dma_wait3A_2146 = arith.constant 2 : i32
      %dma_wait3A_2147 = arith.constant 0 : i32
      %dma_wait3A_2148 = arith.constant 0 : i32
      %dma_wait3A_2149 = tpu.memref_slice %arg8[%dma_wait3A_2145, %dma_wait3A_2146, %dma_wait3A_2147, %dma_wait3A_2148] : memref<2x4x128x32xf32, #tpu.memory_space<vmem>> -> memref<1x1x128x32xf32, #tpu.memory_space<vmem>>
      %dma_wait3A_2150 = tpu.memref_squeeze %dma_wait3A_2149 : memref<1x1x128x32xf32, #tpu.memory_space<vmem>> -> memref<128x32xf32, #tpu.memory_space<vmem>>
      %dma_wait3A_2151 = arith.constant 0 : i32
      %dma_wait3A_2152 = tpu.memref_slice %arg7[%dma_wait3A_2143, %dma_wait3A_2144, %dma_wait3A_2151] : memref<2x4x128xi32, #tpu.memory_space<vmem>> -> memref<1x1x128xi32, #tpu.memory_space<vmem>>
      %dma_wait3A_2153 = tpu.memref_squeeze %dma_wait3A_2152 : memref<1x1x128xi32, #tpu.memory_space<vmem>> -> memref<128xi32, #tpu.memory_space<vmem>>
      %dma_wait3A_2154 = arith.constant 0 : i32
      %dma_wait3A_2155 = arith.constant 0 : i32
      %dma_wait3A_2156 = tpu.memref_slice %arg2[%dma_wait3A_2154, %dma_wait3A_2155] : memref<1000000x32xf32, #tpu.memory_space<hbm>> -> memref<1000000x32xf32, #tpu.memory_space<hbm>>
      tpu.wait_indirect_dma semaphore(%arg9 : memref<!tpu.dma_semaphore, #tpu.memory_space<semaphore_mem>>) src(%dma_wait3A_2156 : memref<1000000x32xf32, #tpu.memory_space<hbm>>) dst(%dma_wait3A_2150 : memref<128x32xf32, #tpu.memory_space<vmem>>)
      %dma_wait3A_2157 = arith.constant 0 : i32
      %dma_wait3A_2158 = arith.constant 3 : i32
      %dma_wait3A_2159 = arith.constant 0 : i32
      %dma_wait3A_2160 = arith.constant 3 : i32
      %dma_wait3A_2161 = arith.constant 0 : i32
      %dma_wait3A_2162 = arith.constant 0 : i32
      %dma_wait3A_2163 = tpu.memref_slice %arg8[%dma_wait3A_2159, %dma_wait3A_2160, %dma_wait3A_2161, %dma_wait3A_2162] : memref<2x4x128x32xf32, #tpu.memory_space<vmem>> -> memref<1x1x128x32xf32, #tpu.memory_space<vmem>>
      %dma_wait3A_2164 = tpu.memref_squeeze %dma_wait3A_2163 : memref<1x1x128x32xf32, #tpu.memory_space<vmem>> -> memref<128x32xf32, #tpu.memory_space<vmem>>
      %dma_wait3A_2165 = arith.constant 0 : i32
      %dma_wait3A_2166 = tpu.memref_slice %arg7[%dma_wait3A_2157, %dma_wait3A_2158, %dma_wait3A_2165] : memref<2x4x128xi32, #tpu.memory_space<vmem>> -> memref<1x1x128xi32, #tpu.memory_space<vmem>>
      %dma_wait3A_2167 = tpu.memref_squeeze %dma_wait3A_2166 : memref<1x1x128xi32, #tpu.memory_space<vmem>> -> memref<128xi32, #tpu.memory_space<vmem>>
      %dma_wait3A_2168 = arith.constant 0 : i32
      %dma_wait3A_2169 = arith.constant 0 : i32
      %dma_wait3A_2170 = tpu.memref_slice %arg2[%dma_wait3A_2168, %dma_wait3A_2169] : memref<1000000x32xf32, #tpu.memory_space<hbm>> -> memref<1000000x32xf32, #tpu.memory_space<hbm>>
      tpu.wait_indirect_dma semaphore(%arg9 : memref<!tpu.dma_semaphore, #tpu.memory_space<semaphore_mem>>) src(%dma_wait3A_2170 : memref<1000000x32xf32, #tpu.memory_space<hbm>>) dst(%dma_wait3A_2164 : memref<128x32xf32, #tpu.memory_space<vmem>>)
      %dma_wait3A_2171 = arith.constant 1 : i32
      %dma_wait3A_2172 = arith.constant 0 : i32
      %dma_wait3A_2173 = arith.constant 1 : i32
      %dma_wait3A_2174 = arith.constant 0 : i32
      %dma_wait3A_2175 = arith.constant 0 : i32
      %dma_wait3A_2176 = arith.constant 0 : i32
      %dma_wait3A_2177 = tpu.memref_slice %arg8[%dma_wait3A_2173, %dma_wait3A_2174, %dma_wait3A_2175, %dma_wait3A_2176] : memref<2x4x128x32xf32, #tpu.memory_space<vmem>> -> memref<1x1x128x32xf32, #tpu.memory_space<vmem>>
      %dma_wait3A_2178 = tpu.memref_squeeze %dma_wait3A_2177 : memref<1x1x128x32xf32, #tpu.memory_space<vmem>> -> memref<128x32xf32, #tpu.memory_space<vmem>>
      %dma_wait3A_2179 = arith.constant 0 : i32
      %dma_wait3A_2180 = tpu.memref_slice %arg7[%dma_wait3A_2171, %dma_wait3A_2172, %dma_wait3A_2179] : memref<2x4x128xi32, #tpu.memory_space<vmem>> -> memref<1x1x128xi32, #tpu.memory_space<vmem>>
      %dma_wait3A_2181 = tpu.memref_squeeze %dma_wait3A_2180 : memref<1x1x128xi32, #tpu.memory_space<vmem>> -> memref<128xi32, #tpu.memory_space<vmem>>
      %dma_wait3A_2182 = arith.constant 0 : i32
      %dma_wait3A_2183 = arith.constant 0 : i32
      %dma_wait3A_2184 = tpu.memref_slice %arg2[%dma_wait3A_2182, %dma_wait3A_2183] : memref<1000000x32xf32, #tpu.memory_space<hbm>> -> memref<1000000x32xf32, #tpu.memory_space<hbm>>
      tpu.wait_indirect_dma semaphore(%arg9 : memref<!tpu.dma_semaphore, #tpu.memory_space<semaphore_mem>>) src(%dma_wait3A_2184 : memref<1000000x32xf32, #tpu.memory_space<hbm>>) dst(%dma_wait3A_2178 : memref<128x32xf32, #tpu.memory_space<vmem>>)
      %dma_wait3A_2185 = arith.constant 1 : i32
      %dma_wait3A_2186 = arith.constant 1 : i32
      %dma_wait3A_2187 = arith.constant 1 : i32
      %dma_wait3A_2188 = arith.constant 1 : i32
      %dma_wait3A_2189 = arith.constant 0 : i32
      %dma_wait3A_2190 = arith.constant 0 : i32
      %dma_wait3A_2191 = tpu.memref_slice %arg8[%dma_wait3A_2187, %dma_wait3A_2188, %dma_wait3A_2189, %dma_wait3A_2190] : memref<2x4x128x32xf32, #tpu.memory_space<vmem>> -> memref<1x1x128x32xf32, #tpu.memory_space<vmem>>
      %dma_wait3A_2192 = tpu.memref_squeeze %dma_wait3A_2191 : memref<1x1x128x32xf32, #tpu.memory_space<vmem>> -> memref<128x32xf32, #tpu.memory_space<vmem>>
      %dma_wait3A_2193 = arith.constant 0 : i32
      %dma_wait3A_2194 = tpu.memref_slice %arg7[%dma_wait3A_2185, %dma_wait3A_2186, %dma_wait3A_2193] : memref<2x4x128xi32, #tpu.memory_space<vmem>> -> memref<1x1x128xi32, #tpu.memory_space<vmem>>
      %dma_wait3A_2195 = tpu.memref_squeeze %dma_wait3A_2194 : memref<1x1x128xi32, #tpu.memory_space<vmem>> -> memref<128xi32, #tpu.memory_space<vmem>>
      %dma_wait3A_2196 = arith.constant 0 : i32
      %dma_wait3A_2197 = arith.constant 0 : i32
      %dma_wait3A_2198 = tpu.memref_slice %arg2[%dma_wait3A_2196, %dma_wait3A_2197] : memref<1000000x32xf32, #tpu.memory_space<hbm>> -> memref<1000000x32xf32, #tpu.memory_space<hbm>>
      tpu.wait_indirect_dma semaphore(%arg9 : memref<!tpu.dma_semaphore, #tpu.memory_space<semaphore_mem>>) src(%dma_wait3A_2198 : memref<1000000x32xf32, #tpu.memory_space<hbm>>) dst(%dma_wait3A_2192 : memref<128x32xf32, #tpu.memory_space<vmem>>)
      %dma_wait3A_2199 = arith.constant 1 : i32
      %dma_wait3A_2200 = arith.constant 2 : i32
      %dma_wait3A_2201 = arith.constant 1 : i32
      %dma_wait3A_2202 = arith.constant 2 : i32
      %dma_wait3A_2203 = arith.constant 0 : i32
      %dma_wait3A_2204 = arith.constant 0 : i32
      %dma_wait3A_2205 = tpu.memref_slice %arg8[%dma_wait3A_2201, %dma_wait3A_2202, %dma_wait3A_2203, %dma_wait3A_2204] : memref<2x4x128x32xf32, #tpu.memory_space<vmem>> -> memref<1x1x128x32xf32, #tpu.memory_space<vmem>>
      %dma_wait3A_2206 = tpu.memref_squeeze %dma_wait3A_2205 : memref<1x1x128x32xf32, #tpu.memory_space<vmem>> -> memref<128x32xf32, #tpu.memory_space<vmem>>
      %dma_wait3A_2207 = arith.constant 0 : i32
      %dma_wait3A_2208 = tpu.memref_slice %arg7[%dma_wait3A_2199, %dma_wait3A_2200, %dma_wait3A_2207] : memref<2x4x128xi32, #tpu.memory_space<vmem>> -> memref<1x1x128xi32, #tpu.memory_space<vmem>>
      %dma_wait3A_2209 = tpu.memref_squeeze %dma_wait3A_2208 : memref<1x1x128xi32, #tpu.memory_space<vmem>> -> memref<128xi32, #tpu.memory_space<vmem>>
      %dma_wait3A_2210 = arith.constant 0 : i32
      %dma_wait3A_2211 = arith.constant 0 : i32
      %dma_wait3A_2212 = tpu.memref_slice %arg2[%dma_wait3A_2210, %dma_wait3A_2211] : memref<1000000x32xf32, #tpu.memory_space<hbm>> -> memref<1000000x32xf32, #tpu.memory_space<hbm>>
      tpu.wait_indirect_dma semaphore(%arg9 : memref<!tpu.dma_semaphore, #tpu.memory_space<semaphore_mem>>) src(%dma_wait3A_2212 : memref<1000000x32xf32, #tpu.memory_space<hbm>>) dst(%dma_wait3A_2206 : memref<128x32xf32, #tpu.memory_space<vmem>>)
      %dma_wait3A_2213 = arith.constant 1 : i32
      %dma_wait3A_2214 = arith.constant 3 : i32
      %dma_wait3A_2215 = arith.constant 1 : i32
      %dma_wait3A_2216 = arith.constant 3 : i32
      %dma_wait3A_2217 = arith.constant 0 : i32
      %dma_wait3A_2218 = arith.constant 0 : i32
      %dma_wait3A_2219 = tpu.memref_slice %arg8[%dma_wait3A_2215, %dma_wait3A_2216, %dma_wait3A_2217, %dma_wait3A_2218] : memref<2x4x128x32xf32, #tpu.memory_space<vmem>> -> memref<1x1x128x32xf32, #tpu.memory_space<vmem>>
      %dma_wait3A_2220 = tpu.memref_squeeze %dma_wait3A_2219 : memref<1x1x128x32xf32, #tpu.memory_space<vmem>> -> memref<128x32xf32, #tpu.memory_space<vmem>>
      %dma_wait3A_2221 = arith.constant 0 : i32
      %dma_wait3A_2222 = tpu.memref_slice %arg7[%dma_wait3A_2213, %dma_wait3A_2214, %dma_wait3A_2221] : memref<2x4x128xi32, #tpu.memory_space<vmem>> -> memref<1x1x128xi32, #tpu.memory_space<vmem>>
      %dma_wait3A_2223 = tpu.memref_squeeze %dma_wait3A_2222 : memref<1x1x128xi32, #tpu.memory_space<vmem>> -> memref<128xi32, #tpu.memory_space<vmem>>
      %dma_wait3A_2224 = arith.constant 0 : i32
      %dma_wait3A_2225 = arith.constant 0 : i32
      %dma_wait3A_2226 = tpu.memref_slice %arg2[%dma_wait3A_2224, %dma_wait3A_2225] : memref<1000000x32xf32, #tpu.memory_space<hbm>> -> memref<1000000x32xf32, #tpu.memory_space<hbm>>
      tpu.wait_indirect_dma semaphore(%arg9 : memref<!tpu.dma_semaphore, #tpu.memory_space<semaphore_mem>>) src(%dma_wait3A_2226 : memref<1000000x32xf32, #tpu.memory_space<hbm>>) dst(%dma_wait3A_2220 : memref<128x32xf32, #tpu.memory_space<vmem>>)
      %mul3A_2227 = arith.constant 50 : i32
      %mul3A_2228 = arith.muli %add3A, %mul3A_2227 : i32
      %mul3A_2229 = arith.constant 2 : i32
      %mul3A_2230 = arith.muli %mul3A_2229, %scan3A_6 : i32
      %add3A_2231 = arith.addi %mul3A_2228, %mul3A_2230 : i32
      %add3A_2232 = arith.constant 0 : i32
      %add3A_2233 = arith.addi %add3A_2231, %add3A_2232 : i32
      %mul3A_2234 = arith.constant 128 : i32
      %mul3A_2235 = arith.muli %add3A_2233, %mul3A_2234 : i32
      %run_scoped3A_2236 = arith.constant 0 : i32
      %run_scoped3A_2237 = arith.constant 0 : i32
      "tpu.region"() ({
        %run_scoped3A_2263 = tpu.sem_alloc : memref<!tpu.dma_semaphore, #tpu.memory_space<semaphore_mem>>
        %dma_start3A_2264 = arith.constant 0 : i32
        %dma_start3A_2265 = arith.constant 0 : i32
        %dma_start3A_2266 = tpu.memref_slice %arg8[%run_scoped3A_2236, %run_scoped3A_2237, %dma_start3A_2264, %dma_start3A_2265] : memref<2x4x128x32xf32, #tpu.memory_space<vmem>> -> memref<1x1x128x32xf32, #tpu.memory_space<vmem>>
        %dma_start3A_2267 = tpu.memref_squeeze %dma_start3A_2266 : memref<1x1x128x32xf32, #tpu.memory_space<vmem>> -> memref<128x32xf32, #tpu.memory_space<vmem>>
        %dma_start3A_2268 = arith.constant 0 : i32
        %dma_start3A_2269 = tpu.memref_slice %arg4[%mul3A_2235, %dma_start3A_2268] : memref<204800x128xf32, #tpu.memory_space<hbm>> -> memref<128x32xf32, #tpu.memory_space<hbm>>
        %dma_start3A_2270 = arith.constant 0 : i32
        %dma_start3A_2271 = tpu.memref_slice %arg4[%mul3A_2235, %dma_start3A_2270] : memref<204800x128xf32, #tpu.memory_space<hbm>> -> memref<128x32xf32, #tpu.memory_space<hbm>>
        %dma_start3A_2272 = arith.constant 0 : i32
        %dma_start3A_2273 = arith.constant 0 : i32
        %dma_start3A_2274 = tpu.memref_slice %arg8[%run_scoped3A_2236, %run_scoped3A_2237, %dma_start3A_2272, %dma_start3A_2273] : memref<2x4x128x32xf32, #tpu.memory_space<vmem>> -> memref<1x1x128x32xf32, #tpu.memory_space<vmem>>
        %dma_start3A_2275 = tpu.memref_squeeze %dma_start3A_2274 : memref<1x1x128x32xf32, #tpu.memory_space<vmem>> -> memref<128x32xf32, #tpu.memory_space<vmem>>
        tpu.enqueue_dma source(%dma_start3A_2275 : memref<128x32xf32, #tpu.memory_space<vmem>>) target(%dma_start3A_2271 : memref<128x32xf32, #tpu.memory_space<hbm>>) target_semaphore(%run_scoped3A_2263 : memref<!tpu.dma_semaphore, #tpu.memory_space<semaphore_mem>>)
        %dma_wait3A_2276 = arith.constant 0 : i32
        %dma_wait3A_2277 = arith.constant 0 : i32
        %dma_wait3A_2278 = tpu.memref_slice %arg8[%run_scoped3A_2236, %run_scoped3A_2237, %dma_wait3A_2276, %dma_wait3A_2277] : memref<2x4x128x32xf32, #tpu.memory_space<vmem>> -> memref<1x1x128x32xf32, #tpu.memory_space<vmem>>
        %dma_wait3A_2279 = tpu.memref_squeeze %dma_wait3A_2278 : memref<1x1x128x32xf32, #tpu.memory_space<vmem>> -> memref<128x32xf32, #tpu.memory_space<vmem>>
        %dma_wait3A_2280 = arith.constant 0 : i32
        %dma_wait3A_2281 = tpu.memref_slice %arg4[%mul3A_2235, %dma_wait3A_2280] : memref<204800x128xf32, #tpu.memory_space<hbm>> -> memref<128x32xf32, #tpu.memory_space<hbm>>
        %dma_wait3A_2282 = arith.constant 0 : i32
        %dma_wait3A_2283 = tpu.memref_slice %arg4[%mul3A_2235, %dma_wait3A_2282] : memref<204800x128xf32, #tpu.memory_space<hbm>> -> memref<128x32xf32, #tpu.memory_space<hbm>>
        %dma_wait3A_2284 = arith.constant 0 : i32
        %dma_wait3A_2285 = arith.constant 0 : i32
        %dma_wait3A_2286 = tpu.memref_slice %arg8[%run_scoped3A_2236, %run_scoped3A_2237, %dma_wait3A_2284, %dma_wait3A_2285] : memref<2x4x128x32xf32, #tpu.memory_space<vmem>> -> memref<1x1x128x32xf32, #tpu.memory_space<vmem>>
        %dma_wait3A_2287 = tpu.memref_squeeze %dma_wait3A_2286 : memref<1x1x128x32xf32, #tpu.memory_space<vmem>> -> memref<128x32xf32, #tpu.memory_space<vmem>>
        tpu.wait_dma2 semaphore(%run_scoped3A_2263 : memref<!tpu.dma_semaphore, #tpu.memory_space<semaphore_mem>>) src(%dma_wait3A_2287 : memref<128x32xf32, #tpu.memory_space<vmem>>) dst(%dma_wait3A_2283 : memref<128x32xf32, #tpu.memory_space<hbm>>)
        tpu.yield
      }) : () -> ()
      %run_scoped3A_2238 = arith.constant 0 : i32
      %run_scoped3A_2239 = arith.constant 1 : i32
      "tpu.region"() ({
        %run_scoped3A_2263 = tpu.sem_alloc : memref<!tpu.dma_semaphore, #tpu.memory_space<semaphore_mem>>
        %dma_start3A_2264 = arith.constant 0 : i32
        %dma_start3A_2265 = arith.constant 0 : i32
        %dma_start3A_2266 = tpu.memref_slice %arg8[%run_scoped3A_2238, %run_scoped3A_2239, %dma_start3A_2264, %dma_start3A_2265] : memref<2x4x128x32xf32, #tpu.memory_space<vmem>> -> memref<1x1x128x32xf32, #tpu.memory_space<vmem>>
        %dma_start3A_2267 = tpu.memref_squeeze %dma_start3A_2266 : memref<1x1x128x32xf32, #tpu.memory_space<vmem>> -> memref<128x32xf32, #tpu.memory_space<vmem>>
        %dma_start3A_2268 = arith.constant 32 : i32
        %dma_start3A_2269 = tpu.memref_slice %arg4[%mul3A_2235, %dma_start3A_2268] : memref<204800x128xf32, #tpu.memory_space<hbm>> -> memref<128x32xf32, #tpu.memory_space<hbm>>
        %dma_start3A_2270 = arith.constant 32 : i32
        %dma_start3A_2271 = tpu.memref_slice %arg4[%mul3A_2235, %dma_start3A_2270] : memref<204800x128xf32, #tpu.memory_space<hbm>> -> memref<128x32xf32, #tpu.memory_space<hbm>>
        %dma_start3A_2272 = arith.constant 0 : i32
        %dma_start3A_2273 = arith.constant 0 : i32
        %dma_start3A_2274 = tpu.memref_slice %arg8[%run_scoped3A_2238, %run_scoped3A_2239, %dma_start3A_2272, %dma_start3A_2273] : memref<2x4x128x32xf32, #tpu.memory_space<vmem>> -> memref<1x1x128x32xf32, #tpu.memory_space<vmem>>
        %dma_start3A_2275 = tpu.memref_squeeze %dma_start3A_2274 : memref<1x1x128x32xf32, #tpu.memory_space<vmem>> -> memref<128x32xf32, #tpu.memory_space<vmem>>
        tpu.enqueue_dma source(%dma_start3A_2275 : memref<128x32xf32, #tpu.memory_space<vmem>>) target(%dma_start3A_2271 : memref<128x32xf32, #tpu.memory_space<hbm>>) target_semaphore(%run_scoped3A_2263 : memref<!tpu.dma_semaphore, #tpu.memory_space<semaphore_mem>>)
        %dma_wait3A_2276 = arith.constant 0 : i32
        %dma_wait3A_2277 = arith.constant 0 : i32
        %dma_wait3A_2278 = tpu.memref_slice %arg8[%run_scoped3A_2238, %run_scoped3A_2239, %dma_wait3A_2276, %dma_wait3A_2277] : memref<2x4x128x32xf32, #tpu.memory_space<vmem>> -> memref<1x1x128x32xf32, #tpu.memory_space<vmem>>
        %dma_wait3A_2279 = tpu.memref_squeeze %dma_wait3A_2278 : memref<1x1x128x32xf32, #tpu.memory_space<vmem>> -> memref<128x32xf32, #tpu.memory_space<vmem>>
        %dma_wait3A_2280 = arith.constant 32 : i32
        %dma_wait3A_2281 = tpu.memref_slice %arg4[%mul3A_2235, %dma_wait3A_2280] : memref<204800x128xf32, #tpu.memory_space<hbm>> -> memref<128x32xf32, #tpu.memory_space<hbm>>
        %dma_wait3A_2282 = arith.constant 32 : i32
        %dma_wait3A_2283 = tpu.memref_slice %arg4[%mul3A_2235, %dma_wait3A_2282] : memref<204800x128xf32, #tpu.memory_space<hbm>> -> memref<128x32xf32, #tpu.memory_space<hbm>>
        %dma_wait3A_2284 = arith.constant 0 : i32
        %dma_wait3A_2285 = arith.constant 0 : i32
        %dma_wait3A_2286 = tpu.memref_slice %arg8[%run_scoped3A_2238, %run_scoped3A_2239, %dma_wait3A_2284, %dma_wait3A_2285] : memref<2x4x128x32xf32, #tpu.memory_space<vmem>> -> memref<1x1x128x32xf32, #tpu.memory_space<vmem>>
        %dma_wait3A_2287 = tpu.memref_squeeze %dma_wait3A_2286 : memref<1x1x128x32xf32, #tpu.memory_space<vmem>> -> memref<128x32xf32, #tpu.memory_space<vmem>>
        tpu.wait_dma2 semaphore(%run_scoped3A_2263 : memref<!tpu.dma_semaphore, #tpu.memory_space<semaphore_mem>>) src(%dma_wait3A_2287 : memref<128x32xf32, #tpu.memory_space<vmem>>) dst(%dma_wait3A_2283 : memref<128x32xf32, #tpu.memory_space<hbm>>)
        tpu.yield
      }) : () -> ()
      %run_scoped3A_2240 = arith.constant 0 : i32
      %run_scoped3A_2241 = arith.constant 2 : i32
      "tpu.region"() ({
        %run_scoped3A_2263 = tpu.sem_alloc : memref<!tpu.dma_semaphore, #tpu.memory_space<semaphore_mem>>
        %dma_start3A_2264 = arith.constant 0 : i32
        %dma_start3A_2265 = arith.constant 0 : i32
        %dma_start3A_2266 = tpu.memref_slice %arg8[%run_scoped3A_2240, %run_scoped3A_2241, %dma_start3A_2264, %dma_start3A_2265] : memref<2x4x128x32xf32, #tpu.memory_space<vmem>> -> memref<1x1x128x32xf32, #tpu.memory_space<vmem>>
        %dma_start3A_2267 = tpu.memref_squeeze %dma_start3A_2266 : memref<1x1x128x32xf32, #tpu.memory_space<vmem>> -> memref<128x32xf32, #tpu.memory_space<vmem>>
        %dma_start3A_2268 = arith.constant 64 : i32
        %dma_start3A_2269 = tpu.memref_slice %arg4[%mul3A_2235, %dma_start3A_2268] : memref<204800x128xf32, #tpu.memory_space<hbm>> -> memref<128x32xf32, #tpu.memory_space<hbm>>
        %dma_start3A_2270 = arith.constant 64 : i32
        %dma_start3A_2271 = tpu.memref_slice %arg4[%mul3A_2235, %dma_start3A_2270] : memref<204800x128xf32, #tpu.memory_space<hbm>> -> memref<128x32xf32, #tpu.memory_space<hbm>>
        %dma_start3A_2272 = arith.constant 0 : i32
        %dma_start3A_2273 = arith.constant 0 : i32
        %dma_start3A_2274 = tpu.memref_slice %arg8[%run_scoped3A_2240, %run_scoped3A_2241, %dma_start3A_2272, %dma_start3A_2273] : memref<2x4x128x32xf32, #tpu.memory_space<vmem>> -> memref<1x1x128x32xf32, #tpu.memory_space<vmem>>
        %dma_start3A_2275 = tpu.memref_squeeze %dma_start3A_2274 : memref<1x1x128x32xf32, #tpu.memory_space<vmem>> -> memref<128x32xf32, #tpu.memory_space<vmem>>
        tpu.enqueue_dma source(%dma_start3A_2275 : memref<128x32xf32, #tpu.memory_space<vmem>>) target(%dma_start3A_2271 : memref<128x32xf32, #tpu.memory_space<hbm>>) target_semaphore(%run_scoped3A_2263 : memref<!tpu.dma_semaphore, #tpu.memory_space<semaphore_mem>>)
        %dma_wait3A_2276 = arith.constant 0 : i32
        %dma_wait3A_2277 = arith.constant 0 : i32
        %dma_wait3A_2278 = tpu.memref_slice %arg8[%run_scoped3A_2240, %run_scoped3A_2241, %dma_wait3A_2276, %dma_wait3A_2277] : memref<2x4x128x32xf32, #tpu.memory_space<vmem>> -> memref<1x1x128x32xf32, #tpu.memory_space<vmem>>
        %dma_wait3A_2279 = tpu.memref_squeeze %dma_wait3A_2278 : memref<1x1x128x32xf32, #tpu.memory_space<vmem>> -> memref<128x32xf32, #tpu.memory_space<vmem>>
        %dma_wait3A_2280 = arith.constant 64 : i32
        %dma_wait3A_2281 = tpu.memref_slice %arg4[%mul3A_2235, %dma_wait3A_2280] : memref<204800x128xf32, #tpu.memory_space<hbm>> -> memref<128x32xf32, #tpu.memory_space<hbm>>
        %dma_wait3A_2282 = arith.constant 64 : i32
        %dma_wait3A_2283 = tpu.memref_slice %arg4[%mul3A_2235, %dma_wait3A_2282] : memref<204800x128xf32, #tpu.memory_space<hbm>> -> memref<128x32xf32, #tpu.memory_space<hbm>>
        %dma_wait3A_2284 = arith.constant 0 : i32
        %dma_wait3A_2285 = arith.constant 0 : i32
        %dma_wait3A_2286 = tpu.memref_slice %arg8[%run_scoped3A_2240, %run_scoped3A_2241, %dma_wait3A_2284, %dma_wait3A_2285] : memref<2x4x128x32xf32, #tpu.memory_space<vmem>> -> memref<1x1x128x32xf32, #tpu.memory_space<vmem>>
        %dma_wait3A_2287 = tpu.memref_squeeze %dma_wait3A_2286 : memref<1x1x128x32xf32, #tpu.memory_space<vmem>> -> memref<128x32xf32, #tpu.memory_space<vmem>>
        tpu.wait_dma2 semaphore(%run_scoped3A_2263 : memref<!tpu.dma_semaphore, #tpu.memory_space<semaphore_mem>>) src(%dma_wait3A_2287 : memref<128x32xf32, #tpu.memory_space<vmem>>) dst(%dma_wait3A_2283 : memref<128x32xf32, #tpu.memory_space<hbm>>)
        tpu.yield
      }) : () -> ()
      %run_scoped3A_2242 = arith.constant 0 : i32
      %run_scoped3A_2243 = arith.constant 3 : i32
      "tpu.region"() ({
        %run_scoped3A_2263 = tpu.sem_alloc : memref<!tpu.dma_semaphore, #tpu.memory_space<semaphore_mem>>
        %dma_start3A_2264 = arith.constant 0 : i32
        %dma_start3A_2265 = arith.constant 0 : i32
        %dma_start3A_2266 = tpu.memref_slice %arg8[%run_scoped3A_2242, %run_scoped3A_2243, %dma_start3A_2264, %dma_start3A_2265] : memref<2x4x128x32xf32, #tpu.memory_space<vmem>> -> memref<1x1x128x32xf32, #tpu.memory_space<vmem>>
        %dma_start3A_2267 = tpu.memref_squeeze %dma_start3A_2266 : memref<1x1x128x32xf32, #tpu.memory_space<vmem>> -> memref<128x32xf32, #tpu.memory_space<vmem>>
        %dma_start3A_2268 = arith.constant 96 : i32
        %dma_start3A_2269 = tpu.memref_slice %arg4[%mul3A_2235, %dma_start3A_2268] : memref<204800x128xf32, #tpu.memory_space<hbm>> -> memref<128x32xf32, #tpu.memory_space<hbm>>
        %dma_start3A_2270 = arith.constant 96 : i32
        %dma_start3A_2271 = tpu.memref_slice %arg4[%mul3A_2235, %dma_start3A_2270] : memref<204800x128xf32, #tpu.memory_space<hbm>> -> memref<128x32xf32, #tpu.memory_space<hbm>>
        %dma_start3A_2272 = arith.constant 0 : i32
        %dma_start3A_2273 = arith.constant 0 : i32
        %dma_start3A_2274 = tpu.memref_slice %arg8[%run_scoped3A_2242, %run_scoped3A_2243, %dma_start3A_2272, %dma_start3A_2273] : memref<2x4x128x32xf32, #tpu.memory_space<vmem>> -> memref<1x1x128x32xf32, #tpu.memory_space<vmem>>
        %dma_start3A_2275 = tpu.memref_squeeze %dma_start3A_2274 : memref<1x1x128x32xf32, #tpu.memory_space<vmem>> -> memref<128x32xf32, #tpu.memory_space<vmem>>
        tpu.enqueue_dma source(%dma_start3A_2275 : memref<128x32xf32, #tpu.memory_space<vmem>>) target(%dma_start3A_2271 : memref<128x32xf32, #tpu.memory_space<hbm>>) target_semaphore(%run_scoped3A_2263 : memref<!tpu.dma_semaphore, #tpu.memory_space<semaphore_mem>>)
        %dma_wait3A_2276 = arith.constant 0 : i32
        %dma_wait3A_2277 = arith.constant 0 : i32
        %dma_wait3A_2278 = tpu.memref_slice %arg8[%run_scoped3A_2242, %run_scoped3A_2243, %dma_wait3A_2276, %dma_wait3A_2277] : memref<2x4x128x32xf32, #tpu.memory_space<vmem>> -> memref<1x1x128x32xf32, #tpu.memory_space<vmem>>
        %dma_wait3A_2279 = tpu.memref_squeeze %dma_wait3A_2278 : memref<1x1x128x32xf32, #tpu.memory_space<vmem>> -> memref<128x32xf32, #tpu.memory_space<vmem>>
        %dma_wait3A_2280 = arith.constant 96 : i32
        %dma_wait3A_2281 = tpu.memref_slice %arg4[%mul3A_2235, %dma_wait3A_2280] : memref<204800x128xf32, #tpu.memory_space<hbm>> -> memref<128x32xf32, #tpu.memory_space<hbm>>
        %dma_wait3A_2282 = arith.constant 96 : i32
        %dma_wait3A_2283 = tpu.memref_slice %arg4[%mul3A_2235, %dma_wait3A_2282] : memref<204800x128xf32, #tpu.memory_space<hbm>> -> memref<128x32xf32, #tpu.memory_space<hbm>>
        %dma_wait3A_2284 = arith.constant 0 : i32
        %dma_wait3A_2285 = arith.constant 0 : i32
        %dma_wait3A_2286 = tpu.memref_slice %arg8[%run_scoped3A_2242, %run_scoped3A_2243, %dma_wait3A_2284, %dma_wait3A_2285] : memref<2x4x128x32xf32, #tpu.memory_space<vmem>> -> memref<1x1x128x32xf32, #tpu.memory_space<vmem>>
        %dma_wait3A_2287 = tpu.memref_squeeze %dma_wait3A_2286 : memref<1x1x128x32xf32, #tpu.memory_space<vmem>> -> memref<128x32xf32, #tpu.memory_space<vmem>>
        tpu.wait_dma2 semaphore(%run_scoped3A_2263 : memref<!tpu.dma_semaphore, #tpu.memory_space<semaphore_mem>>) src(%dma_wait3A_2287 : memref<128x32xf32, #tpu.memory_space<vmem>>) dst(%dma_wait3A_2283 : memref<128x32xf32, #tpu.memory_space<hbm>>)
        tpu.yield
      }) : () -> ()
      %run_scoped3A_2244 = arith.constant 0 : i32
      "tpu.region"() ({
        %run_scoped3A_2263 = tpu.sem_alloc : memref<!tpu.dma_semaphore, #tpu.memory_space<semaphore_mem>>
        %dma_start3A_2264 = arith.constant 0 : i32
        %dma_start3A_2265 = arith.constant 0 : i32
        %dma_start3A_2266 = tpu.memref_slice %arg7[%run_scoped3A_2244, %dma_start3A_2264, %dma_start3A_2265] : memref<2x4x128xi32, #tpu.memory_space<vmem>> -> memref<1x4x128xi32, #tpu.memory_space<vmem>>
        %dma_start3A_2267 = tpu.memref_squeeze %dma_start3A_2266 : memref<1x4x128xi32, #tpu.memory_space<vmem>> -> memref<4x128xi32, #tpu.memory_space<vmem>>
        %dma_start3A_2268 = arith.constant 0 : i32
        %dma_start3A_2269 = tpu.memref_slice %arg5[%dma_start3A_2268, %mul3A_2235] : memref<4x204800xi32, #tpu.memory_space<hbm>> -> memref<4x128xi32, #tpu.memory_space<hbm>>
        %dma_start3A_2270 = arith.constant 0 : i32
        %dma_start3A_2271 = tpu.memref_slice %arg5[%dma_start3A_2270, %mul3A_2235] : memref<4x204800xi32, #tpu.memory_space<hbm>> -> memref<4x128xi32, #tpu.memory_space<hbm>>
        %dma_start3A_2272 = arith.constant 0 : i32
        %dma_start3A_2273 = arith.constant 0 : i32
        %dma_start3A_2274 = tpu.memref_slice %arg7[%run_scoped3A_2244, %dma_start3A_2272, %dma_start3A_2273] : memref<2x4x128xi32, #tpu.memory_space<vmem>> -> memref<1x4x128xi32, #tpu.memory_space<vmem>>
        %dma_start3A_2275 = tpu.memref_squeeze %dma_start3A_2274 : memref<1x4x128xi32, #tpu.memory_space<vmem>> -> memref<4x128xi32, #tpu.memory_space<vmem>>
        tpu.enqueue_dma source(%dma_start3A_2275 : memref<4x128xi32, #tpu.memory_space<vmem>>) target(%dma_start3A_2271 : memref<4x128xi32, #tpu.memory_space<hbm>>) target_semaphore(%run_scoped3A_2263 : memref<!tpu.dma_semaphore, #tpu.memory_space<semaphore_mem>>)
        %dma_wait3A_2276 = arith.constant 0 : i32
        %dma_wait3A_2277 = arith.constant 0 : i32
        %dma_wait3A_2278 = tpu.memref_slice %arg7[%run_scoped3A_2244, %dma_wait3A_2276, %dma_wait3A_2277] : memref<2x4x128xi32, #tpu.memory_space<vmem>> -> memref<1x4x128xi32, #tpu.memory_space<vmem>>
        %dma_wait3A_2279 = tpu.memref_squeeze %dma_wait3A_2278 : memref<1x4x128xi32, #tpu.memory_space<vmem>> -> memref<4x128xi32, #tpu.memory_space<vmem>>
        %dma_wait3A_2280 = arith.constant 0 : i32
        %dma_wait3A_2281 = tpu.memref_slice %arg5[%dma_wait3A_2280, %mul3A_2235] : memref<4x204800xi32, #tpu.memory_space<hbm>> -> memref<4x128xi32, #tpu.memory_space<hbm>>
        %dma_wait3A_2282 = arith.constant 0 : i32
        %dma_wait3A_2283 = tpu.memref_slice %arg5[%dma_wait3A_2282, %mul3A_2235] : memref<4x204800xi32, #tpu.memory_space<hbm>> -> memref<4x128xi32, #tpu.memory_space<hbm>>
        %dma_wait3A_2284 = arith.constant 0 : i32
        %dma_wait3A_2285 = arith.constant 0 : i32
        %dma_wait3A_2286 = tpu.memref_slice %arg7[%run_scoped3A_2244, %dma_wait3A_2284, %dma_wait3A_2285] : memref<2x4x128xi32, #tpu.memory_space<vmem>> -> memref<1x4x128xi32, #tpu.memory_space<vmem>>
        %dma_wait3A_2287 = tpu.memref_squeeze %dma_wait3A_2286 : memref<1x4x128xi32, #tpu.memory_space<vmem>> -> memref<4x128xi32, #tpu.memory_space<vmem>>
        tpu.wait_dma2 semaphore(%run_scoped3A_2263 : memref<!tpu.dma_semaphore, #tpu.memory_space<semaphore_mem>>) src(%dma_wait3A_2287 : memref<4x128xi32, #tpu.memory_space<vmem>>) dst(%dma_wait3A_2283 : memref<4x128xi32, #tpu.memory_space<hbm>>)
        tpu.yield
      }) : () -> ()
      %mul3A_2245 = arith.constant 50 : i32
      %mul3A_2246 = arith.muli %add3A, %mul3A_2245 : i32
      %mul3A_2247 = arith.constant 2 : i32
      %mul3A_2248 = arith.muli %mul3A_2247, %scan3A_6 : i32
      %add3A_2249 = arith.addi %mul3A_2246, %mul3A_2248 : i32
      %add3A_2250 = arith.constant 1 : i32
      %add3A_2251 = arith.addi %add3A_2249, %add3A_2250 : i32
      %mul3A_2252 = arith.constant 128 : i32
      %mul3A_2253 = arith.muli %add3A_2251, %mul3A_2252 : i32
      %run_scoped3A_2254 = arith.constant 1 : i32
      %run_scoped3A_2255 = arith.constant 0 : i32
      "tpu.region"() ({
        %run_scoped3A_2263 = tpu.sem_alloc : memref<!tpu.dma_semaphore, #tpu.memory_space<semaphore_mem>>
        %dma_start3A_2264 = arith.constant 0 : i32
        %dma_start3A_2265 = arith.constant 0 : i32
        %dma_start3A_2266 = tpu.memref_slice %arg8[%run_scoped3A_2254, %run_scoped3A_2255, %dma_start3A_2264, %dma_start3A_2265] : memref<2x4x128x32xf32, #tpu.memory_space<vmem>> -> memref<1x1x128x32xf32, #tpu.memory_space<vmem>>
        %dma_start3A_2267 = tpu.memref_squeeze %dma_start3A_2266 : memref<1x1x128x32xf32, #tpu.memory_space<vmem>> -> memref<128x32xf32, #tpu.memory_space<vmem>>
        %dma_start3A_2268 = arith.constant 0 : i32
        %dma_start3A_2269 = tpu.memref_slice %arg4[%mul3A_2253, %dma_start3A_2268] : memref<204800x128xf32, #tpu.memory_space<hbm>> -> memref<128x32xf32, #tpu.memory_space<hbm>>
        %dma_start3A_2270 = arith.constant 0 : i32
        %dma_start3A_2271 = tpu.memref_slice %arg4[%mul3A_2253, %dma_start3A_2270] : memref<204800x128xf32, #tpu.memory_space<hbm>> -> memref<128x32xf32, #tpu.memory_space<hbm>>
        %dma_start3A_2272 = arith.constant 0 : i32
        %dma_start3A_2273 = arith.constant 0 : i32
        %dma_start3A_2274 = tpu.memref_slice %arg8[%run_scoped3A_2254, %run_scoped3A_2255, %dma_start3A_2272, %dma_start3A_2273] : memref<2x4x128x32xf32, #tpu.memory_space<vmem>> -> memref<1x1x128x32xf32, #tpu.memory_space<vmem>>
        %dma_start3A_2275 = tpu.memref_squeeze %dma_start3A_2274 : memref<1x1x128x32xf32, #tpu.memory_space<vmem>> -> memref<128x32xf32, #tpu.memory_space<vmem>>
        tpu.enqueue_dma source(%dma_start3A_2275 : memref<128x32xf32, #tpu.memory_space<vmem>>) target(%dma_start3A_2271 : memref<128x32xf32, #tpu.memory_space<hbm>>) target_semaphore(%run_scoped3A_2263 : memref<!tpu.dma_semaphore, #tpu.memory_space<semaphore_mem>>)
        %dma_wait3A_2276 = arith.constant 0 : i32
        %dma_wait3A_2277 = arith.constant 0 : i32
        %dma_wait3A_2278 = tpu.memref_slice %arg8[%run_scoped3A_2254, %run_scoped3A_2255, %dma_wait3A_2276, %dma_wait3A_2277] : memref<2x4x128x32xf32, #tpu.memory_space<vmem>> -> memref<1x1x128x32xf32, #tpu.memory_space<vmem>>
        %dma_wait3A_2279 = tpu.memref_squeeze %dma_wait3A_2278 : memref<1x1x128x32xf32, #tpu.memory_space<vmem>> -> memref<128x32xf32, #tpu.memory_space<vmem>>
        %dma_wait3A_2280 = arith.constant 0 : i32
        %dma_wait3A_2281 = tpu.memref_slice %arg4[%mul3A_2253, %dma_wait3A_2280] : memref<204800x128xf32, #tpu.memory_space<hbm>> -> memref<128x32xf32, #tpu.memory_space<hbm>>
        %dma_wait3A_2282 = arith.constant 0 : i32
        %dma_wait3A_2283 = tpu.memref_slice %arg4[%mul3A_2253, %dma_wait3A_2282] : memref<204800x128xf32, #tpu.memory_space<hbm>> -> memref<128x32xf32, #tpu.memory_space<hbm>>
        %dma_wait3A_2284 = arith.constant 0 : i32
        %dma_wait3A_2285 = arith.constant 0 : i32
        %dma_wait3A_2286 = tpu.memref_slice %arg8[%run_scoped3A_2254, %run_scoped3A_2255, %dma_wait3A_2284, %dma_wait3A_2285] : memref<2x4x128x32xf32, #tpu.memory_space<vmem>> -> memref<1x1x128x32xf32, #tpu.memory_space<vmem>>
        %dma_wait3A_2287 = tpu.memref_squeeze %dma_wait3A_2286 : memref<1x1x128x32xf32, #tpu.memory_space<vmem>> -> memref<128x32xf32, #tpu.memory_space<vmem>>
        tpu.wait_dma2 semaphore(%run_scoped3A_2263 : memref<!tpu.dma_semaphore, #tpu.memory_space<semaphore_mem>>) src(%dma_wait3A_2287 : memref<128x32xf32, #tpu.memory_space<vmem>>) dst(%dma_wait3A_2283 : memref<128x32xf32, #tpu.memory_space<hbm>>)
        tpu.yield
      }) : () -> ()
      %run_scoped3A_2256 = arith.constant 1 : i32
      %run_scoped3A_2257 = arith.constant 1 : i32
      "tpu.region"() ({
        %run_scoped3A_2263 = tpu.sem_alloc : memref<!tpu.dma_semaphore, #tpu.memory_space<semaphore_mem>>
        %dma_start3A_2264 = arith.constant 0 : i32
        %dma_start3A_2265 = arith.constant 0 : i32
        %dma_start3A_2266 = tpu.memref_slice %arg8[%run_scoped3A_2256, %run_scoped3A_2257, %dma_start3A_2264, %dma_start3A_2265] : memref<2x4x128x32xf32, #tpu.memory_space<vmem>> -> memref<1x1x128x32xf32, #tpu.memory_space<vmem>>
        %dma_start3A_2267 = tpu.memref_squeeze %dma_start3A_2266 : memref<1x1x128x32xf32, #tpu.memory_space<vmem>> -> memref<128x32xf32, #tpu.memory_space<vmem>>
        %dma_start3A_2268 = arith.constant 32 : i32
        %dma_start3A_2269 = tpu.memref_slice %arg4[%mul3A_2253, %dma_start3A_2268] : memref<204800x128xf32, #tpu.memory_space<hbm>> -> memref<128x32xf32, #tpu.memory_space<hbm>>
        %dma_start3A_2270 = arith.constant 32 : i32
        %dma_start3A_2271 = tpu.memref_slice %arg4[%mul3A_2253, %dma_start3A_2270] : memref<204800x128xf32, #tpu.memory_space<hbm>> -> memref<128x32xf32, #tpu.memory_space<hbm>>
        %dma_start3A_2272 = arith.constant 0 : i32
        %dma_start3A_2273 = arith.constant 0 : i32
        %dma_start3A_2274 = tpu.memref_slice %arg8[%run_scoped3A_2256, %run_scoped3A_2257, %dma_start3A_2272, %dma_start3A_2273] : memref<2x4x128x32xf32, #tpu.memory_space<vmem>> -> memref<1x1x128x32xf32, #tpu.memory_space<vmem>>
        %dma_start3A_2275 = tpu.memref_squeeze %dma_start3A_2274 : memref<1x1x128x32xf32, #tpu.memory_space<vmem>> -> memref<128x32xf32, #tpu.memory_space<vmem>>
        tpu.enqueue_dma source(%dma_start3A_2275 : memref<128x32xf32, #tpu.memory_space<vmem>>) target(%dma_start3A_2271 : memref<128x32xf32, #tpu.memory_space<hbm>>) target_semaphore(%run_scoped3A_2263 : memref<!tpu.dma_semaphore, #tpu.memory_space<semaphore_mem>>)
        %dma_wait3A_2276 = arith.constant 0 : i32
        %dma_wait3A_2277 = arith.constant 0 : i32
        %dma_wait3A_2278 = tpu.memref_slice %arg8[%run_scoped3A_2256, %run_scoped3A_2257, %dma_wait3A_2276, %dma_wait3A_2277] : memref<2x4x128x32xf32, #tpu.memory_space<vmem>> -> memref<1x1x128x32xf32, #tpu.memory_space<vmem>>
        %dma_wait3A_2279 = tpu.memref_squeeze %dma_wait3A_2278 : memref<1x1x128x32xf32, #tpu.memory_space<vmem>> -> memref<128x32xf32, #tpu.memory_space<vmem>>
        %dma_wait3A_2280 = arith.constant 32 : i32
        %dma_wait3A_2281 = tpu.memref_slice %arg4[%mul3A_2253, %dma_wait3A_2280] : memref<204800x128xf32, #tpu.memory_space<hbm>> -> memref<128x32xf32, #tpu.memory_space<hbm>>
        %dma_wait3A_2282 = arith.constant 32 : i32
        %dma_wait3A_2283 = tpu.memref_slice %arg4[%mul3A_2253, %dma_wait3A_2282] : memref<204800x128xf32, #tpu.memory_space<hbm>> -> memref<128x32xf32, #tpu.memory_space<hbm>>
        %dma_wait3A_2284 = arith.constant 0 : i32
        %dma_wait3A_2285 = arith.constant 0 : i32
        %dma_wait3A_2286 = tpu.memref_slice %arg8[%run_scoped3A_2256, %run_scoped3A_2257, %dma_wait3A_2284, %dma_wait3A_2285] : memref<2x4x128x32xf32, #tpu.memory_space<vmem>> -> memref<1x1x128x32xf32, #tpu.memory_space<vmem>>
        %dma_wait3A_2287 = tpu.memref_squeeze %dma_wait3A_2286 : memref<1x1x128x32xf32, #tpu.memory_space<vmem>> -> memref<128x32xf32, #tpu.memory_space<vmem>>
        tpu.wait_dma2 semaphore(%run_scoped3A_2263 : memref<!tpu.dma_semaphore, #tpu.memory_space<semaphore_mem>>) src(%dma_wait3A_2287 : memref<128x32xf32, #tpu.memory_space<vmem>>) dst(%dma_wait3A_2283 : memref<128x32xf32, #tpu.memory_space<hbm>>)
        tpu.yield
      }) : () -> ()
      %run_scoped3A_2258 = arith.constant 1 : i32
      %run_scoped3A_2259 = arith.constant 2 : i32
      "tpu.region"() ({
        %run_scoped3A_2263 = tpu.sem_alloc : memref<!tpu.dma_semaphore, #tpu.memory_space<semaphore_mem>>
        %dma_start3A_2264 = arith.constant 0 : i32
        %dma_start3A_2265 = arith.constant 0 : i32
        %dma_start3A_2266 = tpu.memref_slice %arg8[%run_scoped3A_2258, %run_scoped3A_2259, %dma_start3A_2264, %dma_start3A_2265] : memref<2x4x128x32xf32, #tpu.memory_space<vmem>> -> memref<1x1x128x32xf32, #tpu.memory_space<vmem>>
        %dma_start3A_2267 = tpu.memref_squeeze %dma_start3A_2266 : memref<1x1x128x32xf32, #tpu.memory_space<vmem>> -> memref<128x32xf32, #tpu.memory_space<vmem>>
        %dma_start3A_2268 = arith.constant 64 : i32
        %dma_start3A_2269 = tpu.memref_slice %arg4[%mul3A_2253, %dma_start3A_2268] : memref<204800x128xf32, #tpu.memory_space<hbm>> -> memref<128x32xf32, #tpu.memory_space<hbm>>
        %dma_start3A_2270 = arith.constant 64 : i32
        %dma_start3A_2271 = tpu.memref_slice %arg4[%mul3A_2253, %dma_start3A_2270] : memref<204800x128xf32, #tpu.memory_space<hbm>> -> memref<128x32xf32, #tpu.memory_space<hbm>>
        %dma_start3A_2272 = arith.constant 0 : i32
        %dma_start3A_2273 = arith.constant 0 : i32
        %dma_start3A_2274 = tpu.memref_slice %arg8[%run_scoped3A_2258, %run_scoped3A_2259, %dma_start3A_2272, %dma_start3A_2273] : memref<2x4x128x32xf32, #tpu.memory_space<vmem>> -> memref<1x1x128x32xf32, #tpu.memory_space<vmem>>
        %dma_start3A_2275 = tpu.memref_squeeze %dma_start3A_2274 : memref<1x1x128x32xf32, #tpu.memory_space<vmem>> -> memref<128x32xf32, #tpu.memory_space<vmem>>
        tpu.enqueue_dma source(%dma_start3A_2275 : memref<128x32xf32, #tpu.memory_space<vmem>>) target(%dma_start3A_2271 : memref<128x32xf32, #tpu.memory_space<hbm>>) target_semaphore(%run_scoped3A_2263 : memref<!tpu.dma_semaphore, #tpu.memory_space<semaphore_mem>>)
        %dma_wait3A_2276 = arith.constant 0 : i32
        %dma_wait3A_2277 = arith.constant 0 : i32
        %dma_wait3A_2278 = tpu.memref_slice %arg8[%run_scoped3A_2258, %run_scoped3A_2259, %dma_wait3A_2276, %dma_wait3A_2277] : memref<2x4x128x32xf32, #tpu.memory_space<vmem>> -> memref<1x1x128x32xf32, #tpu.memory_space<vmem>>
        %dma_wait3A_2279 = tpu.memref_squeeze %dma_wait3A_2278 : memref<1x1x128x32xf32, #tpu.memory_space<vmem>> -> memref<128x32xf32, #tpu.memory_space<vmem>>
        %dma_wait3A_2280 = arith.constant 64 : i32
        %dma_wait3A_2281 = tpu.memref_slice %arg4[%mul3A_2253, %dma_wait3A_2280] : memref<204800x128xf32, #tpu.memory_space<hbm>> -> memref<128x32xf32, #tpu.memory_space<hbm>>
        %dma_wait3A_2282 = arith.constant 64 : i32
        %dma_wait3A_2283 = tpu.memref_slice %arg4[%mul3A_2253, %dma_wait3A_2282] : memref<204800x128xf32, #tpu.memory_space<hbm>> -> memref<128x32xf32, #tpu.memory_space<hbm>>
        %dma_wait3A_2284 = arith.constant 0 : i32
        %dma_wait3A_2285 = arith.constant 0 : i32
        %dma_wait3A_2286 = tpu.memref_slice %arg8[%run_scoped3A_2258, %run_scoped3A_2259, %dma_wait3A_2284, %dma_wait3A_2285] : memref<2x4x128x32xf32, #tpu.memory_space<vmem>> -> memref<1x1x128x32xf32, #tpu.memory_space<vmem>>
        %dma_wait3A_2287 = tpu.memref_squeeze %dma_wait3A_2286 : memref<1x1x128x32xf32, #tpu.memory_space<vmem>> -> memref<128x32xf32, #tpu.memory_space<vmem>>
        tpu.wait_dma2 semaphore(%run_scoped3A_2263 : memref<!tpu.dma_semaphore, #tpu.memory_space<semaphore_mem>>) src(%dma_wait3A_2287 : memref<128x32xf32, #tpu.memory_space<vmem>>) dst(%dma_wait3A_2283 : memref<128x32xf32, #tpu.memory_space<hbm>>)
        tpu.yield
      }) : () -> ()
      %run_scoped3A_2260 = arith.constant 1 : i32
      %run_scoped3A_2261 = arith.constant 3 : i32
      "tpu.region"() ({
        %run_scoped3A_2263 = tpu.sem_alloc : memref<!tpu.dma_semaphore, #tpu.memory_space<semaphore_mem>>
        %dma_start3A_2264 = arith.constant 0 : i32
        %dma_start3A_2265 = arith.constant 0 : i32
        %dma_start3A_2266 = tpu.memref_slice %arg8[%run_scoped3A_2260, %run_scoped3A_2261, %dma_start3A_2264, %dma_start3A_2265] : memref<2x4x128x32xf32, #tpu.memory_space<vmem>> -> memref<1x1x128x32xf32, #tpu.memory_space<vmem>>
        %dma_start3A_2267 = tpu.memref_squeeze %dma_start3A_2266 : memref<1x1x128x32xf32, #tpu.memory_space<vmem>> -> memref<128x32xf32, #tpu.memory_space<vmem>>
        %dma_start3A_2268 = arith.constant 96 : i32
        %dma_start3A_2269 = tpu.memref_slice %arg4[%mul3A_2253, %dma_start3A_2268] : memref<204800x128xf32, #tpu.memory_space<hbm>> -> memref<128x32xf32, #tpu.memory_space<hbm>>
        %dma_start3A_2270 = arith.constant 96 : i32
        %dma_start3A_2271 = tpu.memref_slice %arg4[%mul3A_2253, %dma_start3A_2270] : memref<204800x128xf32, #tpu.memory_space<hbm>> -> memref<128x32xf32, #tpu.memory_space<hbm>>
        %dma_start3A_2272 = arith.constant 0 : i32
        %dma_start3A_2273 = arith.constant 0 : i32
        %dma_start3A_2274 = tpu.memref_slice %arg8[%run_scoped3A_2260, %run_scoped3A_2261, %dma_start3A_2272, %dma_start3A_2273] : memref<2x4x128x32xf32, #tpu.memory_space<vmem>> -> memref<1x1x128x32xf32, #tpu.memory_space<vmem>>
        %dma_start3A_2275 = tpu.memref_squeeze %dma_start3A_2274 : memref<1x1x128x32xf32, #tpu.memory_space<vmem>> -> memref<128x32xf32, #tpu.memory_space<vmem>>
        tpu.enqueue_dma source(%dma_start3A_2275 : memref<128x32xf32, #tpu.memory_space<vmem>>) target(%dma_start3A_2271 : memref<128x32xf32, #tpu.memory_space<hbm>>) target_semaphore(%run_scoped3A_2263 : memref<!tpu.dma_semaphore, #tpu.memory_space<semaphore_mem>>)
        %dma_wait3A_2276 = arith.constant 0 : i32
        %dma_wait3A_2277 = arith.constant 0 : i32
        %dma_wait3A_2278 = tpu.memref_slice %arg8[%run_scoped3A_2260, %run_scoped3A_2261, %dma_wait3A_2276, %dma_wait3A_2277] : memref<2x4x128x32xf32, #tpu.memory_space<vmem>> -> memref<1x1x128x32xf32, #tpu.memory_space<vmem>>
        %dma_wait3A_2279 = tpu.memref_squeeze %dma_wait3A_2278 : memref<1x1x128x32xf32, #tpu.memory_space<vmem>> -> memref<128x32xf32, #tpu.memory_space<vmem>>
        %dma_wait3A_2280 = arith.constant 96 : i32
        %dma_wait3A_2281 = tpu.memref_slice %arg4[%mul3A_2253, %dma_wait3A_2280] : memref<204800x128xf32, #tpu.memory_space<hbm>> -> memref<128x32xf32, #tpu.memory_space<hbm>>
        %dma_wait3A_2282 = arith.constant 96 : i32
        %dma_wait3A_2283 = tpu.memref_slice %arg4[%mul3A_2253, %dma_wait3A_2282] : memref<204800x128xf32, #tpu.memory_space<hbm>> -> memref<128x32xf32, #tpu.memory_space<hbm>>
        %dma_wait3A_2284 = arith.constant 0 : i32
        %dma_wait3A_2285 = arith.constant 0 : i32
        %dma_wait3A_2286 = tpu.memref_slice %arg8[%run_scoped3A_2260, %run_scoped3A_2261, %dma_wait3A_2284, %dma_wait3A_2285] : memref<2x4x128x32xf32, #tpu.memory_space<vmem>> -> memref<1x1x128x32xf32, #tpu.memory_space<vmem>>
        %dma_wait3A_2287 = tpu.memref_squeeze %dma_wait3A_2286 : memref<1x1x128x32xf32, #tpu.memory_space<vmem>> -> memref<128x32xf32, #tpu.memory_space<vmem>>
        tpu.wait_dma2 semaphore(%run_scoped3A_2263 : memref<!tpu.dma_semaphore, #tpu.memory_space<semaphore_mem>>) src(%dma_wait3A_2287 : memref<128x32xf32, #tpu.memory_space<vmem>>) dst(%dma_wait3A_2283 : memref<128x32xf32, #tpu.memory_space<hbm>>)
        tpu.yield
      }) : () -> ()
      %run_scoped3A_2262 = arith.constant 1 : i32
      "tpu.region"() ({
        %run_scoped3A_2263 = tpu.sem_alloc : memref<!tpu.dma_semaphore, #tpu.memory_space<semaphore_mem>>
        %dma_start3A_2264 = arith.constant 0 : i32
        %dma_start3A_2265 = arith.constant 0 : i32
        %dma_start3A_2266 = tpu.memref_slice %arg7[%run_scoped3A_2262, %dma_start3A_2264, %dma_start3A_2265] : memref<2x4x128xi32, #tpu.memory_space<vmem>> -> memref<1x4x128xi32, #tpu.memory_space<vmem>>
        %dma_start3A_2267 = tpu.memref_squeeze %dma_start3A_2266 : memref<1x4x128xi32, #tpu.memory_space<vmem>> -> memref<4x128xi32, #tpu.memory_space<vmem>>
        %dma_start3A_2268 = arith.constant 0 : i32
        %dma_start3A_2269 = tpu.memref_slice %arg5[%dma_start3A_2268, %mul3A_2253] : memref<4x204800xi32, #tpu.memory_space<hbm>> -> memref<4x128xi32, #tpu.memory_space<hbm>>
        %dma_start3A_2270 = arith.constant 0 : i32
        %dma_start3A_2271 = tpu.memref_slice %arg5[%dma_start3A_2270, %mul3A_2253] : memref<4x204800xi32, #tpu.memory_space<hbm>> -> memref<4x128xi32, #tpu.memory_space<hbm>>
        %dma_start3A_2272 = arith.constant 0 : i32
        %dma_start3A_2273 = arith.constant 0 : i32
        %dma_start3A_2274 = tpu.memref_slice %arg7[%run_scoped3A_2262, %dma_start3A_2272, %dma_start3A_2273] : memref<2x4x128xi32, #tpu.memory_space<vmem>> -> memref<1x4x128xi32, #tpu.memory_space<vmem>>
        %dma_start3A_2275 = tpu.memref_squeeze %dma_start3A_2274 : memref<1x4x128xi32, #tpu.memory_space<vmem>> -> memref<4x128xi32, #tpu.memory_space<vmem>>
        tpu.enqueue_dma source(%dma_start3A_2275 : memref<4x128xi32, #tpu.memory_space<vmem>>) target(%dma_start3A_2271 : memref<4x128xi32, #tpu.memory_space<hbm>>) target_semaphore(%run_scoped3A_2263 : memref<!tpu.dma_semaphore, #tpu.memory_space<semaphore_mem>>)
        %dma_wait3A_2276 = arith.constant 0 : i32
        %dma_wait3A_2277 = arith.constant 0 : i32
        %dma_wait3A_2278 = tpu.memref_slice %arg7[%run_scoped3A_2262, %dma_wait3A_2276, %dma_wait3A_2277] : memref<2x4x128xi32, #tpu.memory_space<vmem>> -> memref<1x4x128xi32, #tpu.memory_space<vmem>>
        %dma_wait3A_2279 = tpu.memref_squeeze %dma_wait3A_2278 : memref<1x4x128xi32, #tpu.memory_space<vmem>> -> memref<4x128xi32, #tpu.memory_space<vmem>>
        %dma_wait3A_2280 = arith.constant 0 : i32
        %dma_wait3A_2281 = tpu.memref_slice %arg5[%dma_wait3A_2280, %mul3A_2253] : memref<4x204800xi32, #tpu.memory_space<hbm>> -> memref<4x128xi32, #tpu.memory_space<hbm>>
        %dma_wait3A_2282 = arith.constant 0 : i32
        %dma_wait3A_2283 = tpu.memref_slice %arg5[%dma_wait3A_2282, %mul3A_2253] : memref<4x204800xi32, #tpu.memory_space<hbm>> -> memref<4x128xi32, #tpu.memory_space<hbm>>
        %dma_wait3A_2284 = arith.constant 0 : i32
        %dma_wait3A_2285 = arith.constant 0 : i32
        %dma_wait3A_2286 = tpu.memref_slice %arg7[%run_scoped3A_2262, %dma_wait3A_2284, %dma_wait3A_2285] : memref<2x4x128xi32, #tpu.memory_space<vmem>> -> memref<1x4x128xi32, #tpu.memory_space<vmem>>
        %dma_wait3A_2287 = tpu.memref_squeeze %dma_wait3A_2286 : memref<1x4x128xi32, #tpu.memory_space<vmem>> -> memref<4x128xi32, #tpu.memory_space<vmem>>
        tpu.wait_dma2 semaphore(%run_scoped3A_2263 : memref<!tpu.dma_semaphore, #tpu.memory_space<semaphore_mem>>) src(%dma_wait3A_2287 : memref<4x128xi32, #tpu.memory_space<vmem>>) dst(%dma_wait3A_2283 : memref<4x128xi32, #tpu.memory_space<hbm>>)
        tpu.yield
      }) : () -> ()
    }
    %scan3A_5 = arith.constant 25 : i32
    return
  }
}

module attributes {stable_mosaic.version = 14 : i64} {
  func.func @p2_kernel(%arg0: i32, %arg1: memref<10000x32xf32, #tpu.memory_space<vmem>>, %arg2: memref<32x64xf32, #tpu.memory_space<vmem>>, %arg3: memref<10000x64xf32, #tpu.memory_space<vmem>>) attributes {dimension_semantics = [#tpu.dimension_semantics<arbitrary>], iteration_bounds = array<i64: 10>, scalar_prefetch = 0 : i64, scratch_operands = 0 : i64, tpu.core_type = #tpu.core_type<tc>, window_params = [{transform_indices = @transform_0, window_bounds = array<i64: 10000, 32>}, {pipeline_mode = #tpu.pipeline_mode<synchronous>, transform_indices = @transform_1, window_bounds = array<i64: 32, 64>}, {transform_indices = @transform_2, window_bounds = array<i64: 10000, 64>}]} {
    %get3A = arith.constant 0 : index
    %get3A_0 = arith.constant 0 : index
    %get3A_1 = vector.load %arg1[%get3A, %get3A_0] : memref<10000x32xf32, #tpu.memory_space<vmem>>, vector<10000x32xf32>
    %get3A_2 = arith.constant 0 : index
    %get3A_3 = arith.constant 0 : index
    %get3A_4 = vector.load %arg2[%get3A_2, %get3A_3] : memref<32x64xf32, #tpu.memory_space<vmem>>, vector<32x64xf32>
    %dot_general3A = arith.constant dense<0.000000e+00> : vector<10000x64xf32>
    %dot_general3A_5 = tpu.matmul %get3A_1, %get3A_4, %dot_general3A {dimension_numbers = #tpu.dot_dimension_numbers<[1], [0], [0], [1], [0, 0, 1, 1], [], []>, transpose_lhs_hint = false} : vector<10000x32xf32>, vector<32x64xf32>, vector<10000x64xf32> -> vector<10000x64xf32>
    %max3A = arith.constant 0.000000e+00 : f32
    %max3A_6 = vector.broadcast %max3A : f32 to vector<10000x64xf32>
    %max3A_7 = arith.maximumf %dot_general3A_5, %max3A_6 : vector<10000x64xf32>
    %iota3A = tpu.iota {dimensions = array<i32: 0>} : vector<10000x64xi32>
    %eq3A = arith.constant 0 : i32
    %eq3A_8 = arith.cmpi eq, %arg0, %eq3A : i32
    %eq3A_9 = arith.constant 0 : i32
    %eq3A_10 = vector.broadcast %eq3A_9 : i32 to vector<10000x64xi32>
    %eq3A_11 = arith.cmpi eq, %iota3A, %eq3A_10 : vector<10000x64xi32>
    %and3A = vector.broadcast %eq3A_8 : i1 to vector<10000x64xi1>
    %and3A_12 = arith.andi %and3A, %eq3A_11 : vector<10000x64xi1>
    %jit3A = arith.constant 0.000000e+00 : f32
    %broadcast_in_dim3A = vector.broadcast %jit3A : f32 to vector<10000x64xf32>
    %select_n3A = arith.select %and3A_12, %broadcast_in_dim3A, %max3A_7 : vector<10000x64xi1>, vector<10000x64xf32>
    %swap3A = arith.constant 0 : index
    %swap3A_13 = arith.constant 0 : index
    %swap3A_14 = vector.load %arg3[%swap3A, %swap3A_13] : memref<10000x64xf32, #tpu.memory_space<vmem>>, vector<10000x64xf32>
    tpu.vector_store %arg3[%swap3A, %swap3A_13], %select_n3A {strides = array<i32>} : memref<10000x64xf32, #tpu.memory_space<vmem>>, vector<10000x64xf32>,
    return
  }
  func.func @transform_0(%arg0: i32) -> (i32, i32) {
    %c0_i32 = arith.constant 0 : i32
    %c0_i32_0 = arith.constant 0 : i32
    return %arg0, %c0_i32 : i32, i32
  }
  func.func @transform_1(%arg0: i32) -> (i32, i32) {
    %c0_i32 = arith.constant 0 : i32
    %c0_i32_0 = arith.constant 0 : i32
    %c0_i32_1 = arith.constant 0 : i32
    return %c0_i32, %c0_i32_0 : i32, i32
  }
  func.func @transform_2(%arg0: i32) -> (i32, i32) {
    %c0_i32 = arith.constant 0 : i32
    %c0_i32_0 = arith.constant 0 : i32
    return %arg0, %c0_i32 : i32, i32
  }
}

module attributes {stable_mosaic.version = 14 : i64} {
  func.func @mm_kernel(%arg0: i32, %arg1: memref<1024x128xf32, #tpu.memory_space<vmem>>, %arg2: memref<4x1024xi32, #tpu.memory_space<vmem>>, %arg3: memref<4x128x64xf32, #tpu.memory_space<vmem>>, %arg4: memref<1024x256xf32, #tpu.memory_space<vmem>>) attributes {dimension_semantics = [#tpu.dimension_semantics<arbitrary>], iteration_bounds = array<i64: 200>, scalar_prefetch = 0 : i64, scratch_operands = 0 : i64, tpu.core_type = #tpu.core_type<tc>, window_params = [{transform_indices = @transform_0, window_bounds = array<i64: 1024, 128>}, {transform_indices = @transform_1, window_bounds = array<i64: 4, 1024>}, {pipeline_mode = #tpu.pipeline_mode<synchronous>, transform_indices = @transform_2, window_bounds = array<i64: 4, 128, 64>}, {transform_indices = @transform_3, window_bounds = array<i64: 1024, 256>}]} {
    %get3A = arith.constant 0 : index
    %get3A_0 = arith.constant 0 : index
    %get3A_1 = vector.load %arg1[%get3A, %get3A_0] : memref<1024x128xf32, #tpu.memory_space<vmem>>, vector<1024x128xf32>
    %get3A_2 = arith.constant 0 : index
    %get3A_3 = arith.constant 0 : index
    %get3A_4 = vector.load %arg2[%get3A_2, %get3A_3] : memref<4x1024xi32, #tpu.memory_space<vmem>>, vector<4x1024xi32>
    %transpose3A = tpu.transpose %get3A_4, [1, 0] : vector<4x1024xi32> -> vector<1024x4xi32>
    %ne3A = arith.constant 0 : i32
    %ne3A_5 = vector.broadcast %ne3A : i32 to vector<1024x4xi32>
    %ne3A_6 = arith.cmpi ne, %transpose3A, %ne3A_5 : vector<1024x4xi32>
    %get3A_7 = arith.constant 0 : index
    %get3A_8 = arith.constant 0 : index
    %get3A_9 = arith.constant 0 : index
    %get3A_10 = vector.load %arg3[%get3A_7, %get3A_8, %get3A_9] : memref<4x128x64xf32, #tpu.memory_space<vmem>>, vector<1x128x64xf32>
    %get3A_11 = vector.shape_cast %get3A_10 : vector<1x128x64xf32> to vector<128x64xf32>
    %dot_general3A = arith.constant dense<0.000000e+00> : vector<1024x64xf32>
    %dot_general3A_12 = tpu.matmul %get3A_1, %get3A_11, %dot_general3A {dimension_numbers = #tpu.dot_dimension_numbers<[1], [0], [0], [1], [0, 0, 1, 1], [], []>, transpose_lhs_hint = false} : vector<1024x128xf32>, vector<128x64xf32>, vector<1024x64xf32> -> vector<1024x64xf32>
    %max3A = arith.constant 0.000000e+00 : f32
    %max3A_13 = vector.broadcast %max3A : f32 to vector<1024x64xf32>
    %max3A_14 = arith.maximumf %dot_general3A_12, %max3A_13 : vector<1024x64xf32>
    %slice3A = vector.extract_strided_slice %ne3A_6 {offsets = [0, 0], sizes = [1024, 1], strides = [1, 1]} : vector<1024x4xi1> to vector<1024x1xi1>
    %jit3A = arith.constant 0.000000e+00 : f32
    %broadcast_in_dim3A = vector.shape_cast %slice3A : vector<1024x1xi1> to vector<1024x1xi1>
    %broadcast_in_dim3A_15 = vector.broadcast %broadcast_in_dim3A : vector<1024x1xi1> to vector<1024x64xi1>
    %broadcast_in_dim3A_16 = vector.broadcast %jit3A : f32 to vector<1024x64xf32>
    %select_n3A = arith.select %broadcast_in_dim3A_15, %max3A_14, %broadcast_in_dim3A_16 : vector<1024x64xi1>, vector<1024x64xf32>
    %swap3A = arith.constant 0 : index
    %swap3A_17 = arith.constant 0 : index
    %swap3A_18 = vector.load %arg4[%swap3A, %swap3A_17] : memref<1024x256xf32, #tpu.memory_space<vmem>>, vector<1024x64xf32>
    tpu.vector_store %arg4[%swap3A, %swap3A_17], %select_n3A {strides = array<i32>} : memref<1024x256xf32, #tpu.memory_space<vmem>>, vector<1024x64xf32>,
    %get3A_19 = arith.constant 1 : index
    %get3A_20 = arith.constant 0 : index
    %get3A_21 = arith.constant 0 : index
    %get3A_22 = vector.load %arg3[%get3A_19, %get3A_20, %get3A_21] : memref<4x128x64xf32, #tpu.memory_space<vmem>>, vector<1x128x64xf32>
    %get3A_23 = vector.shape_cast %get3A_22 : vector<1x128x64xf32> to vector<128x64xf32>
    %dot_general3A_24 = arith.constant dense<0.000000e+00> : vector<1024x64xf32>
    %dot_general3A_25 = tpu.matmul %get3A_1, %get3A_23, %dot_general3A_24 {dimension_numbers = #tpu.dot_dimension_numbers<[1], [0], [0], [1], [0, 0, 1, 1], [], []>, transpose_lhs_hint = false} : vector<1024x128xf32>, vector<128x64xf32>, vector<1024x64xf32> -> vector<1024x64xf32>
    %max3A_26 = arith.constant 0.000000e+00 : f32
    %max3A_27 = vector.broadcast %max3A_26 : f32 to vector<1024x64xf32>
    %max3A_28 = arith.maximumf %dot_general3A_25, %max3A_27 : vector<1024x64xf32>
    %slice3A_29 = vector.extract_strided_slice %ne3A_6 {offsets = [0, 1], sizes = [1024, 1], strides = [1, 1]} : vector<1024x4xi1> to vector<1024x1xi1>
    %jit3A_30 = arith.constant 0.000000e+00 : f32
    %broadcast_in_dim3A_31 = vector.shape_cast %slice3A_29 : vector<1024x1xi1> to vector<1024x1xi1>
    %broadcast_in_dim3A_32 = vector.broadcast %broadcast_in_dim3A_31 : vector<1024x1xi1> to vector<1024x64xi1>
    %broadcast_in_dim3A_33 = vector.broadcast %jit3A_30 : f32 to vector<1024x64xf32>
    %select_n3A_34 = arith.select %broadcast_in_dim3A_32, %max3A_28, %broadcast_in_dim3A_33 : vector<1024x64xi1>, vector<1024x64xf32>
    %swap3A_35 = arith.constant 0 : index
    %swap3A_36 = arith.constant 64 : index
    %swap3A_37 = vector.load %arg4[%swap3A_35, %swap3A_36] : memref<1024x256xf32, #tpu.memory_space<vmem>>, vector<1024x64xf32>
    tpu.vector_store %arg4[%swap3A_35, %swap3A_36], %select_n3A_34 {strides = array<i32>} : memref<1024x256xf32, #tpu.memory_space<vmem>>, vector<1024x64xf32>,
    %get3A_38 = arith.constant 2 : index
    %get3A_39 = arith.constant 0 : index
    %get3A_40 = arith.constant 0 : index
    %get3A_41 = vector.load %arg3[%get3A_38, %get3A_39, %get3A_40] : memref<4x128x64xf32, #tpu.memory_space<vmem>>, vector<1x128x64xf32>
    %get3A_42 = vector.shape_cast %get3A_41 : vector<1x128x64xf32> to vector<128x64xf32>
    %dot_general3A_43 = arith.constant dense<0.000000e+00> : vector<1024x64xf32>
    %dot_general3A_44 = tpu.matmul %get3A_1, %get3A_42, %dot_general3A_43 {dimension_numbers = #tpu.dot_dimension_numbers<[1], [0], [0], [1], [0, 0, 1, 1], [], []>, transpose_lhs_hint = false} : vector<1024x128xf32>, vector<128x64xf32>, vector<1024x64xf32> -> vector<1024x64xf32>
    %max3A_45 = arith.constant 0.000000e+00 : f32
    %max3A_46 = vector.broadcast %max3A_45 : f32 to vector<1024x64xf32>
    %max3A_47 = arith.maximumf %dot_general3A_44, %max3A_46 : vector<1024x64xf32>
    %slice3A_48 = vector.extract_strided_slice %ne3A_6 {offsets = [0, 2], sizes = [1024, 1], strides = [1, 1]} : vector<1024x4xi1> to vector<1024x1xi1>
    %jit3A_49 = arith.constant 0.000000e+00 : f32
    %broadcast_in_dim3A_50 = vector.shape_cast %slice3A_48 : vector<1024x1xi1> to vector<1024x1xi1>
    %broadcast_in_dim3A_51 = vector.broadcast %broadcast_in_dim3A_50 : vector<1024x1xi1> to vector<1024x64xi1>
    %broadcast_in_dim3A_52 = vector.broadcast %jit3A_49 : f32 to vector<1024x64xf32>
    %select_n3A_53 = arith.select %broadcast_in_dim3A_51, %max3A_47, %broadcast_in_dim3A_52 : vector<1024x64xi1>, vector<1024x64xf32>
    %swap3A_54 = arith.constant 0 : index
    %swap3A_55 = arith.constant 128 : index
    %swap3A_56 = vector.load %arg4[%swap3A_54, %swap3A_55] : memref<1024x256xf32, #tpu.memory_space<vmem>>, vector<1024x64xf32>
    tpu.vector_store %arg4[%swap3A_54, %swap3A_55], %select_n3A_53 {strides = array<i32>} : memref<1024x256xf32, #tpu.memory_space<vmem>>, vector<1024x64xf32>,
    %get3A_57 = arith.constant 3 : index
    %get3A_58 = arith.constant 0 : index
    %get3A_59 = arith.constant 0 : index
    %get3A_60 = vector.load %arg3[%get3A_57, %get3A_58, %get3A_59] : memref<4x128x64xf32, #tpu.memory_space<vmem>>, vector<1x128x64xf32>
    %get3A_61 = vector.shape_cast %get3A_60 : vector<1x128x64xf32> to vector<128x64xf32>
    %dot_general3A_62 = arith.constant dense<0.000000e+00> : vector<1024x64xf32>
    %dot_general3A_63 = tpu.matmul %get3A_1, %get3A_61, %dot_general3A_62 {dimension_numbers = #tpu.dot_dimension_numbers<[1], [0], [0], [1], [0, 0, 1, 1], [], []>, transpose_lhs_hint = false} : vector<1024x128xf32>, vector<128x64xf32>, vector<1024x64xf32> -> vector<1024x64xf32>
    %max3A_64 = arith.constant 0.000000e+00 : f32
    %max3A_65 = vector.broadcast %max3A_64 : f32 to vector<1024x64xf32>
    %max3A_66 = arith.maximumf %dot_general3A_63, %max3A_65 : vector<1024x64xf32>
    %slice3A_67 = vector.extract_strided_slice %ne3A_6 {offsets = [0, 3], sizes = [1024, 1], strides = [1, 1]} : vector<1024x4xi1> to vector<1024x1xi1>
    %jit3A_68 = arith.constant 0.000000e+00 : f32
    %broadcast_in_dim3A_69 = vector.shape_cast %slice3A_67 : vector<1024x1xi1> to vector<1024x1xi1>
    %broadcast_in_dim3A_70 = vector.broadcast %broadcast_in_dim3A_69 : vector<1024x1xi1> to vector<1024x64xi1>
    %broadcast_in_dim3A_71 = vector.broadcast %jit3A_68 : f32 to vector<1024x64xf32>
    %select_n3A_72 = arith.select %broadcast_in_dim3A_70, %max3A_66, %broadcast_in_dim3A_71 : vector<1024x64xi1>, vector<1024x64xf32>
    %swap3A_73 = arith.constant 0 : index
    %swap3A_74 = arith.constant 192 : index
    %swap3A_75 = vector.load %arg4[%swap3A_73, %swap3A_74] : memref<1024x256xf32, #tpu.memory_space<vmem>>, vector<1024x64xf32>
    tpu.vector_store %arg4[%swap3A_73, %swap3A_74], %select_n3A_72 {strides = array<i32>} : memref<1024x256xf32, #tpu.memory_space<vmem>>, vector<1024x64xf32>,
    return
  }
  func.func @transform_0(%arg0: i32) -> (i32, i32) {
    %c0_i32 = arith.constant 0 : i32
    %c0_i32_0 = arith.constant 0 : i32
    return %arg0, %c0_i32 : i32, i32
  }
  func.func @transform_1(%arg0: i32) -> (i32, i32) {
    %c0_i32 = arith.constant 0 : i32
    %c0_i32_0 = arith.constant 0 : i32
    return %c0_i32, %arg0 : i32, i32
  }
  func.func @transform_2(%arg0: i32) -> (i32, i32, i32) {
    %c0_i32 = arith.constant 0 : i32
    %c0_i32_0 = arith.constant 0 : i32
    %c0_i32_1 = arith.constant 0 : i32
    %c0_i32_2 = arith.constant 0 : i32
    return %c0_i32, %c0_i32_0, %c0_i32_1 : i32, i32, i32
  }
  func.func @transform_3(%arg0: i32) -> (i32, i32) {
    %c0_i32 = arith.constant 0 : i32
    %c0_i32_0 = arith.constant 0 : i32
    return %arg0, %c0_i32 : i32, i32
  }
}

</mosaic_0001>

<sc_bundles>
// kernel: kernel.6.cloned.1.call-start
scs
__scs_entry_jumppad:
0x0: {  	(pc) =	sbr.rel $0x88, $3  }
0x1: {  	(tag) =	ssettag $0x0;
	lr =	simm.s32 $0x1  }
0x2: {  	[smem:$0x3F9B] =	sst lr;
	_ =	strace $0xD0000000  }
0x3: {  	_ = 	snop  }
0x4: {  	_ = 	snop  }
0x5: {  	_ = 	snop  }
0x6: {  	_ = 	snop  }
0x7: {  	_ = 	snop  }
__scs_overlays_trampoline_lowered:
0x8: {  	[smem:$0x3FAA] =	sst s0  }
0x9: {  	[smem:$0x3FAB] =	sst s1  }
0xa: {  	[smem:$0x3FAC] =	sst s2  }
0xb: {  	[smem:$0x3FAD] =	sst s3  }
0xc: {  	[smem:$0x3FAE] =	sst s4  }
0xd: {  	[smem:$0x3FAF] =	sst s5  }
0xe: {  	[smem:$0x3FB0] =	sst s6  }
0xf: {  	[smem:$0x3FB1] =	sst s7  }
0x10: {  	[smem:$0x3FB2] =	sst s8  }
0x11: {  	[smem:$0x3FB3] =	sst s9;
	s0 =	simm.s32 @!p0 $0x0  }
0x12: {  	s1 =	sld [smem:$0x3F99];
	s0 =	simm.s32 @p0 $0x1  }
0x13: {  	[smem:$0x3FB4] =	sst s0;
	s0 =	simm.s32 @!p1 $0x0  }
0x14: {  	s2 =	sld [smem:$0x3F98];
	s0 =	simm.s32 @p1 $0x1  }
0x15: {  	[smem:$0x3FB5] =	sst s0;
	s0 =	simm.s32 @!p2 $0x0  }
0x16: {  	s3 =	sld [smem:$0x3FDB];
	s0 =	simm.s32 @p2 $0x1  }
0x17: {  	s4 =	simm.s32 $0x1BF5;
	[smem:$0x3FB7] =	sst s0  }
0x18: {  	s0 =	sld [smem:$0x3F9A];
	_ =	swait.ge [sflag:s4], $0x0  }
0x19: {  	s7 =	sld [smem:$0x3F9B]  }
0x1a: {  	s8 =	sadd.s32 $0xFFFFE003, lr  }
0x1b: {  	s9 =	sadd.s32 $0xFFFFFEF7, lr;
	s5 =	simm.s32 $0xFFFFFFFF;
	p2 =	slt.u32 s8, $0xFFFFF086  }
0x1c: {  	p1 =	slt.u32 s9, $0xF7A;
	s5 =	simm.s32 @!p2 $0x0  }
0x1d: {  	s5 =	simm.s32 @p1 $0x1;
	p0 =	seq.s32 s7, s2  }
0x1e: {  	s7 =	smul.u32 @!p0 $0xF7A, s2;
	p2 =	seq.s32 @!p0 s5, $0x0  }
0x1f: {  	s9 =	smul.u32 $0xF7A, s1;
	s8 =	simm.s32 @!p0 $0x1BF5;
	p2 =	por !p2, p0  }
0x20: {  	[sflag:s8] =	ssyncset.s32 @!p0 $0xFFFFF086;
	s6 =	sadd.s32 @!p0 s3, s7;
	s7 =	simm.s32 @!p0 $0x108  }
0x21: {  	s3 =	sadd.s32 s3, s9;
	s6 =	sadd.s32 @!p0 $0x88, s6;
	s7 =	simm.s32 @p2 $0x1082  }
0x22: {  	[simem:s7], [sflag:s8] =	dma.local @!p0 [hbm:s6], $0xF7A  }
0x23: {  	s9 =	sor.u32 $0xD0000000, s2;
	s6 =	simm.s32 $0x108;
	_ =	swait.ge @!p0 [sflag:s8], $0x0  }
0x24: {  	s3 =	sadd.s32 $0x88, s3;
	s6 =	simm.s32 @!p1 $0x1082;
	[sflag:s4] =	ssyncset.s32 $0xFFFFF086  }
0x25: {  	[simem:s6], [sflag:s4] =	dma.local [hbm:s3], $0xF7A  }
0x26: {  	[smem:$0x3F9B] =	sst s1;
	(tag) =	ssettag s2;
	_ =	strace s9  }
0x27: {  	s1 =	sld [smem:$0x3FAB]  }
0x28: {  	s2 =	sld [smem:$0x3FAC]  }
0x29: {  	s4 =	sld [smem:$0x3FAE]  }
0x2a: {  	p0 =	seq.s32 s5, $0x0;
	s5 =	sld [smem:$0x3FAF]  }
0x2b: {  	s6 =	sld [smem:$0x3FB0]  }
0x2c: {  	s7 =	sld [smem:$0x3FB1]  }
0x2d: {  	s3 =	simm.s32 $0x108;
	s8 =	sld [smem:$0x3FB2]  }
0x2e: {  	s3 =	simm.s32 @!p0 $0x1082;
	s9 =	sld [smem:$0x3FB3]  }
0x2f: {  	lr =	sadd.s32 s0, s3;
	s0 =	sld [smem:$0x3FAA]  }
0x30: {  	s3 =	sld [smem:$0x3FAD]  }
0x31: {  	[smem:$0x3FB6] =	sst s10  }
0x32: {  	s10 =	sld [smem:$0x3FB4];
	_ =	sdelay $0x3  }
0x33: {  	p0 =	seq.s32 s10, $0x1;
	s10 =	sld [smem:$0x3FB6];
	_ =	sdelay $0x3  }
0x34: {  	[smem:$0x3FB6] =	sst s10  }
0x35: {  	s10 =	sld [smem:$0x3FB5];
	_ =	sdelay $0x3  }
0x36: {  	p1 =	seq.s32 s10, $0x1;
	s10 =	sld [smem:$0x3FB6];
	_ =	sdelay $0x3  }
0x37: {  	[smem:$0x3FB6] =	sst s10  }
0x38: {  	s10 =	sld [smem:$0x3FB7]  }
0x39: {  	_ = 	snop;
	(pc) =	sbr.ind lr, $3  }
0x3a: {  	_ = 	snop  }
0x3b: {  	_ = 	snop  }
0x3c: {  	p2 =	seq.s32 s10, $0x1;
	s10 =	sld [smem:$0x3FB6]  }
0x3d: {  	_ =	shalt  }
0x3e: {  	_ =	shalt  }
0x3f: {  	_ =	shalt  }
0x40: {  	_ =	shalt  }
0x41: {  	_ =	shalt  }
0x42: {  	_ =	shalt  }
0x43: {  	_ =	shalt  }
0x44: {  	_ =	shalt  }
0x45: {  	_ =	shalt  }
0x46: {  	_ =	shalt  }
0x47: {  	_ =	shalt  }
0x48: {  	_ =	shalt  }
0x49: {  	_ =	shalt  }
0x4a: {  	_ =	shalt  }
0x4b: {  	_ =	shalt  }
0x4c: {  	_ =	shalt  }
0x4d: {  	_ =	shalt  }
0x4e: {  	_ =	shalt  }
0x4f: {  	_ =	shalt  }
0x50: {  	_ =	shalt  }
0x51: {  	_ =	shalt  }
0x52: {  	_ =	shalt  }
0x53: {  	_ =	shalt  }
0x54: {  	_ =	shalt  }
0x55: {  	_ =	shalt  }
0x56: {  	_ =	shalt  }
0x57: {  	_ =	shalt  }
0x58: {  	_ =	shalt  }
0x59: {  	_ =	shalt  }
0x5a: {  	_ =	shalt  }
0x5b: {  	_ =	shalt  }
0x5c: {  	_ =	shalt  }
0x5d: {  	_ =	shalt  }
0x5e: {  	_ =	shalt  }
0x5f: {  	_ =	shalt  }
0x60: {  	_ =	shalt  }
0x61: {  	_ =	shalt  }
0x62: {  	_ =	shalt  }
0x63: {  	_ =	shalt  }
0x64: {  	_ =	shalt  }
0x65: {  	_ =	shalt  }
0x66: {  	_ =	shalt  }
0x67: {  	_ =	shalt  }
0x68: {  	_ =	shalt  }
0x69: {  	_ =	shalt  }
0x6a: {  	_ =	shalt  }
0x6b: {  	_ =	shalt  }
0x6c: {  	_ =	shalt  }
0x6d: {  	_ =	shalt  }
0x6e: {  	_ =	shalt  }
0x6f: {  	_ =	shalt  }
0x70: {  	_ =	shalt  }
0x71: {  	_ =	shalt  }
0x72: {  	_ =	shalt  }
0x73: {  	_ =	shalt  }
0x74: {  	_ =	shalt  }
0x75: {  	_ =	shalt  }
0x76: {  	_ =	shalt  }
0x77: {  	_ =	shalt  }
0x78: {  	_ =	shalt  }
0x79: {  	_ =	shalt  }
0x7a: {  	_ =	shalt  }
0x7b: {  	_ =	shalt  }
0x7c: {  	_ =	shalt  }
0x7d: {  	_ =	shalt  }
0x7e: {  	_ =	shalt  }
0x7f: {  	_ =	shalt  }
0x80: {  	_ =	shalt  }
0x81: {  	_ =	shalt  }
0x82: {  	_ =	shalt  }
0x83: {  	_ =	shalt  }
0x84: {  	_ =	shalt  }
0x85: {  	_ =	shalt  }
0x86: {  	_ =	shalt  }
0x87: {  	_ =	shalt  }
.Lfunc_end0:
.L_simem_size_0:
called_computation.2_lowered:
.L_overlay_start_0:
0x88: {  	s2 =	sld [smem:$0x3FD9]  }
0x89: {  	s3 =	sld [smem:$0x3FFE];
	_ =	sdelay $0x1  }
0x8a: {  	s1 =	srdreg.scid  }
0x8b: {  	s0 =	sand.u32 $0x1, s1  }
0x8c: {  	s15 =	sshll.u32 s0, $0xA;
	s2 =	sadd.s32 s3, s2  }
0x8d: {  	s2 =	sadd.s32 s2, s15  }
0x8e: {  	[smem:$0x3FC2] =	sst s2  }
0x8f: {  	_ = 	snop  }
0x90: {  	s2 =	sld [smem:$0x3FD0];
	_ =	sdelay $0x2  }
0x91: {  	s16 =	simm.s32 $0xB;
	s4 =	simm.s32 $0x10  }
0x92: {  	[smem:s4], [sflag:s16] =	dma.local [hbm:s2], $0x1  }
0x93: {  	_ =	swait.eq [sflag:s16], $0x1  }
0x94: {  	[sflag:s16] =	ssyncset.done $0x0  }
0x95: {  	[sflag:s16] =	ssyncadd.s32 $0xFFFFFFFF  }
0x96: {  	s17 =	sld [smem:$0x10];
	(tm) =	ssettm $0x1  }
0x97: {  	s18 =	sld [smem:$0x3FFB];
	_ =	sdelay $0x3  }
0x98: {  	_ =	strace s18  }
0x99: {  	s2 =	sld [smem:$0x3FFC];
	_ =	sdelay $0x3  }
0x9a: {  	_ =	strace s2  }
0x9b: {  	s2 =	sld [smem:$0x3FFD];
	_ =	sdelay $0x3  }
0x9c: {  	_ =	strace s2  }
0x9d: {  	_ =	strace $0x8FFFFFFF  }
0x9e: {  	s19 =	sld [smem:$0x3FDB];
	_ =	sdelay $0x1  }
0x9f: {  	s20 =	simm.s32 $_scs_section_size  }
0xa0: {  	s5 =	simm.s32 $_size__tile_overlayer_lowered;
	s6 =	simm.s32 $_tile_overlayer_lowered  }
0xa1: {  	s7 =	simm.s32 $0x1BFF;
	s21 =	sshll.u32 s6, $0x1;
	s4 =	sadd.s32 s20, s19  }
0xa2: {  	s22 =	simm.s32 $0x0;
	s5 =	sshll.u32 s5, $0x1;
	s6 =	sadd.s32 s21, s4  }
0xa3: {  	[timem:s22], [sflag:s7] =	dma.local [hbm:s6], s5  }
0xa4: {  	_ =	swait.ge [sflag:s7], s5  }
0xa5: {  	s5 =	ssub.s32 $0x0, s5;
	[sflag:s7] =	ssyncset.done $0x0  }
0xa6: {  	[sflag:s7] =	ssyncadd.s32 s5;
	_ =	sdelay $0x1  }
0xa7: {  	s23 =	simm.s32 $0x1B8B  }
0xa8: {  	_ =	swait.ge [sflag:s23], $0x1  }
0xa9: {  	[sflag:s23] =	ssyncset.done $0x0  }
0xaa: {  	[sflag:s23] =	ssyncadd.s32 $0xFFFFFFFF  }
0xab: {  	s5 =	sld [smem:$0x0]  }
0xac: {  	s6 =	sand.u32 $0xFFFFFFFE, s1  }
0xad: {  	p0 =	sne.s32 s1, s6  }
0xae: {  	s6 =	sshll.u32 @p0 s6, $0xE  }
0xaf: {  	s6 =	sadd.s32 @p0 $0x11B8D, s6;
	s7 =	sshll.u32 @p0 s5, $0x11  }
0xb0: {  	s6 =	sor.u32 @p0 s7, s6  }
0xb1: {  	[sflag:s6] =	ssyncadd.remote.s32 @p0 $0x1;
	_ =	sdelay $0x1  }
0xb2: {  	s6 =	simm.s32 @p0 $0x1B8D  }
0xb3: {  	_ =	swait.eq @p0 [sflag:s6], $0x1  }
0xb4: {  	[sflag:s6] =	ssyncadd.s32 @p0 $0xFFFFFFFF  }
0xb5: {  	s7 =	sshll.u32 @!p0 s1, $0xE  }
0xb6: {  	s7 =	sor.u32 @!p0 $0x4000, s7;
	s6 =	simm.s32 @!p0 $0x1B8D  }
0xb7: {  	s5 =	sshll.u32 @!p0 s5, $0x11;
	s7 =	sadd.s32 @!p0 $0x11B8D, s7;
	_ =	swait.eq @!p0 [sflag:s6], $0x1  }
0xb8: {  	s5 =	sor.u32 @!p0 s5, s7;
	[sflag:s6] =	ssyncadd.s32 @!p0 $0xFFFFFFFF  }
0xb9: {  	s25 =	simm.s32 $0x1B8E;
	s24 =	sld [smem:$0x3FFE];
	[sflag:s5] =	ssyncadd.remote.s32 @!p0 $0x1  }
0xba: {  	s26 =	simm.s32 $execute0_lowered;
	[smem:$0x3FD2] =	sst s25  }
0xbb: {  	s6 =	sshll.u32 s26, $0x1;
	_ =	strace $0x80000049;
	[dreg:$0x1] =	wrdreg $0xFFFFFFFF  }
0xbc: {  	s28 =	simm.s32 $_size_execute0_lowered;
	s4 =	sadd.s32 s4, s6;
	[dreg:$0x0] =	wrdreg $0x0  }
0xbd: {  	s6 =	sshll.u32 s28, $0x1;
	[dreg:$0x2] =	wrdreg s4  }
0xbe: {  	[dreg:$0x3] =	wrdreg s6  }
0xbf: {  	[dreg:$0x4] =	wrdreg $0xC0  }
0xc0: {  	_ =	task [dreg:s22], $0x5FFFF  }
0xc1: {  	[dreg:$0x1] =	wrdreg $0xFFFFFFFF  }
0xc2: {  	[dreg:$0x0] =	wrdreg $0x60  }
0xc3: {  	[dreg:$0x2] =	wrdreg s17  }
0xc4: {  	[dreg:$0x3] =	wrdreg s24  }
0xc5: {  	[dreg:$0x4] =	wrdreg $0xA  }
0xc6: {  	_ =	task.clear_ibuf [dreg:s22], $0x5FFFF;
	_ =	strace $0x90000049  }
0xc7: {  	s29 =	simm.s32 $0xA;
	_ =	strace $0x8000004B  }
0xc8: {  	_ =	swait.ge [sflag:s29], $0x1  }
0xc9: {  	[sflag:s29] =	ssyncadd.s32 $0xFFFFFFFF  }
0xca: {  	_ =	strace $0x9000004B  }
0xcb: {  	_ =	sfence  }
0xcc: {  	s30 =	sld [smem:$0x0];
	_ =	sdelay $0x2  }
0xcd: {  	s31 =	sshll.u32 s1, $0xD;
	s1 =	sshrl.u32 s1, $0x2  }
0xce: {  	s4 =	sand.u32 $0x4000, s31;
	s1 =	sadd.s32 s1, s30  }
0xcf: {  	s0 =	sor.u32 s4, s0;
	s1 =	sshll.u32 s1, $0x11  }
0xd0: {  	s0 =	sor.u32 s1, s0  }
0xd1: {  	s0 =	sadd.s32 $0x8F2B, s0  }
0xd2: {  	[sflag:s0] =	ssyncadd.remote.s32 $0x1  }
0xd3: {  	_ =	sfence.sel $0xFFFF  }
0xd4: {  	[dreg:$0x0] =	wrdreg $0xFFFFFFFF;
	(pc) =	sbr.abs _section_cstart, $3  }
0xd5: {  	[dreg:$0x1] =	wrdreg $0xFFFFFFFF  }
0xd6: {  	_ =	task.clear_ibuf [dreg:s22], $0x2FFFF;
	_ =	strace $0x9FFFFFFF  }
0xd7: {  	(tm) =	ssettm $0x7FFFFFFF  }
tec
execute0_lowered:
.L_overlay_start_1:
0x0: {  	(tag) =	ssettag $0x1  }
0x1: {  	s2 =	rddreg [dreg:$0x0]  }
0x2: {  	s4 =	rddreg [dreg:$0x1];
	s0 =	stileid.u32  }
0x3: {  	s3 =	simm.s32 $0x0;
	s6 =	srdreg.scid;
	s14 =	simm.s32 $0x480  }
0x4: {  	s15 =	simm.s32 $0x500;
	s16 =	simm.s32 $0x580;
	s17 =	simm.s32 $0x600  }
0x5: {  	s18 =	simm.s32 $0x4800;
	s19 =	simm.s32 $0x680;
	s5 =	smul.u32 $0x32000, s0  }
0x6: {  	s20 =	simm.s32 $0x700;
	s21 =	simm.s32 $0x780;
	s7 =	smul.u32 $0x640, s0  }
0x7: {  	s22 =	simm.s32 $0x1;
	s23 =	simm.s32 $0x20;
	s13 =	smul.u32 $0x64, s0  }
0x8: {  	s24 =	simm.s32 $0x32000;
	s6 =	sand.u32 $0x1, s6;
	s30 =	smul.u32 $0x1900, s0  }
0x9: {  	[smem:$0x7FF] =	sst s3;
	s8 =	sadd.s32 $0xDE000, s4;
	s9 =	smul.u32 $0x320, s6  }
0xa: {  	v0 =	vlaneseq.u32;
	_ =	strace $0x8000004A;
	s11 =	smul.u32 $0x19000, s6;
	[dreg:$0x4] =	wrdreg s14  }
0xb: {  	s12 =	sadd.s32 $0xF7000, s4;
	v0 =	vmul.u32 $0x4, v0;
	s26 =	smul.u32 $0x32, s6;
	[dreg:$0x5] =	wrdreg s15  }
0xc: {  	s10 =	ssub.s32 $0x2, s6;
	s31 =	smul.u32 $0xC80, s6;
	[dreg:$0x6] =	wrdreg s16  }
0xd: {  	s14 =	simm.s32 $0x1800;
	s15 =	simm.s32 $0x2800;
	[dreg:$0x7] =	wrdreg s19;
	v1 =	vor.u32 $0x40, v0  }
0xe: {  	s16 =	simm.s32 $0x3800;
	s19 =	simm.s32 $0x5800;
	[dreg:$0x8] =	wrdreg s20;
	v2 =	vor.u32 $0x80, v0;
	v3 =	vor.u32 $0xC0, v0;
	v4 =	vor.u32 $0x100, v0  }
0xf: {  	s20 =	simm.s32 $0x6800;
	[dreg:$0x9] =	wrdreg s21;
	s21 =	simm.s32 $0x7800;
	v5 =	vor.u32 $0x140, v0;
	v6 =	vor.u32 $0x180, v0;
	v7 =	vor.u32 $0x1C0, v0  }
0x10: {  	s5 =	sadd.s32 s5, s4;
	s25 =	sshrl.u32 s10, $0x1;
	s7 =	sadd.s32 s7, s12;
	v8 =	vor.u32 $0x1, v0;
	v9 =	vor.u32 $0x41, v0;
	v10 =	vor.u32 $0x81, v0  }
0x11: {  	v11 =	vor.u32 $0xC1, v0;
	v12 =	vor.u32 $0x101, v0;
	v13 =	vor.u32 $0x141, v0;
	s4 =	ssub.s32 s10, s25;
	s5 =	sadd.s32 s11, s5;
	s28 =	sadd.s32 s26, s13  }
0x12: {  	v14 =	vor.u32 $0x181, v0;
	v15 =	vor.u32 $0x1C1, v0;
	v16 =	vor.u32 $0x2, v0;
	s10 =	simm.s32 $0x200;
	s13 =	simm.s32 $0x800;
	s25 =	simm.s32 $0x0  }
0x13: {  	v17 =	vor.u32 $0x42, v0;
	v18 =	vor.u32 $0x82, v0;
	v19 =	vor.u32 $0xC2, v0;
	s4 =	smax.u32 s4, $0x1;
	s11 =	sadd.s32 $0x110000, s5;
	s5 =	sadd.s32 s9, s7  }
0x14: {  	v20 =	vor.u32 $0x102, v0;
	v21 =	vor.u32 $0x142, v0;
	v22 =	vor.u32 $0x182, v0;
	s29 =	sshll.u32 s28, $0x4;
	s7 =	sshll.u32 s28, $0x6;
	[dreg:$0x3] =	wrdreg s11  }
0x15: {  	v23 =	vor.u32 $0x1C2, v0;
	v24 =	vor.u32 $0x3, v0;
	v25 =	vor.u32 $0x43, v0;
	s9 =	sadd.s32 s29, s12;
	s7 =	sadd.s32 s7, s8;
	s8 =	sadd.s32 s30, s8  }
0x16: {  	v26 =	vor.u32 $0x83, v0;
	v27 =	vor.u32 $0xC3, v0;
	v28 =	vor.u32 $0x103, v0;
	s11 =	simm.s32 $0x80;
	s12 =	simm.s32 $0x400;
	s6 =	sadd.s32 $0x10, s9  }
0x17: {  	v29 =	vor.u32 $0x143, v0;
	v30 =	vor.u32 $0x183, v0;
	v31 =	vor.u32 $0x1C3, v0;
	s7 =	sadd.s32 $0x40, s7;
	s8 =	sadd.s32 s31, s8;
	s9 =	simm.s32 $0x2  }
.LBB2_1:
0x18: {  	s26 =	smov.u32 s8;
	s28 =	smov.u32 s7  }
0x19: {  	s29 =	smov.u32 s6;
	s30 =	smov.u32 s5;
	s31 =	simm.s32 $0x0  }
.LBB2_2:
0x1a: {  	[tilespmem:s3], [sflag:$0x2] =	stream.linear.gather [hbm4b:s26+s3], $0x200, $0x38;
	[tilespmem:$0x8800] =	vst v63  }
0x1b: {  	_ =	swait.ge [sflag:s9], $0x200  }
0x1c: {  	[sflag:s9] =	ssyncset.done $0x0  }
0x1d: {  	[sflag:s9] =	ssyncadd.s32 $0xFFFFFE00  }
0x1e: {  	v32 =	vld.idx.msk [tilespmem:v0+s3+$0x0], $0xffff;
	_ =	sdelay $0x4  }
0x1f: {  	[tilespmem:$0x400] =	vst v32  }
0x20: {  	v32 =	vld.idx.msk [tilespmem:v1+s3+$0x0], $0xffff;
	_ =	sdelay $0x4  }
0x21: {  	[tilespmem:$0x410] =	vst v32  }
0x22: {  	v32 =	vld.idx.msk [tilespmem:v2+s3+$0x0], $0xffff;
	_ =	sdelay $0x4  }
0x23: {  	[tilespmem:$0x420] =	vst v32  }
0x24: {  	v32 =	vld.idx.msk [tilespmem:v3+s3+$0x0], $0xffff;
	_ =	sdelay $0x4  }
0x25: {  	[tilespmem:$0x430] =	vst v32  }
0x26: {  	v32 =	vld.idx.msk [tilespmem:v4+s3+$0x0], $0xffff;
	_ =	sdelay $0x4  }
0x27: {  	[tilespmem:$0x440] =	vst v32  }
0x28: {  	v32 =	vld.idx.msk [tilespmem:v5+s3+$0x0], $0xffff;
	_ =	sdelay $0x4  }
0x29: {  	[tilespmem:$0x450] =	vst v32  }
0x2a: {  	v32 =	vld.idx.msk [tilespmem:v6+s3+$0x0], $0xffff;
	_ =	sdelay $0x4  }
0x2b: {  	[tilespmem:$0x460] =	vst v32  }
0x2c: {  	v32 =	vld.idx.msk [tilespmem:v7+s3+$0x0], $0xffff;
	_ =	sdelay $0x4  }
0x2d: {  	[tilespmem:$0x470] =	vst v32  }
0x2e: {  	v32 =	vld.idx.msk [tilespmem:v8+s3+$0x0], $0xffff;
	_ =	sdelay $0x4  }
0x2f: {  	[tilespmem:$0x480] =	vst v32  }
0x30: {  	v32 =	vld.idx.msk [tilespmem:v9+s3+$0x0], $0xffff;
	_ =	sdelay $0x4  }
0x31: {  	[tilespmem:$0x490] =	vst v32  }
0x32: {  	v32 =	vld.idx.msk [tilespmem:v10+s3+$0x0], $0xffff;
	_ =	sdelay $0x4  }
0x33: {  	[tilespmem:$0x4A0] =	vst v32  }
0x34: {  	v32 =	vld.idx.msk [tilespmem:v11+s3+$0x0], $0xffff;
	_ =	sdelay $0x4  }
0x35: {  	[tilespmem:$0x4B0] =	vst v32  }
0x36: {  	v32 =	vld.idx.msk [tilespmem:v12+s3+$0x0], $0xffff;
	_ =	sdelay $0x4  }
0x37: {  	[tilespmem:$0x4C0] =	vst v32  }
0x38: {  	v32 =	vld.idx.msk [tilespmem:v13+s3+$0x0], $0xffff;
	_ =	sdelay $0x4  }
0x39: {  	[tilespmem:$0x4D0] =	vst v32  }
0x3a: {  	v32 =	vld.idx.msk [tilespmem:v14+s3+$0x0], $0xffff;
	_ =	sdelay $0x4  }
0x3b: {  	[tilespmem:$0x4E0] =	vst v32  }
0x3c: {  	v32 =	vld.idx.msk [tilespmem:v15+s3+$0x0], $0xffff;
	_ =	sdelay $0x4  }
0x3d: {  	[tilespmem:$0x4F0] =	vst v32  }
0x3e: {  	v32 =	vld.idx.msk [tilespmem:v16+s3+$0x0], $0xffff;
	_ =	sdelay $0x4  }
0x3f: {  	[tilespmem:$0x500] =	vst v32  }
0x40: {  	v32 =	vld.idx.msk [tilespmem:v17+s3+$0x0], $0xffff;
	_ =	sdelay $0x4  }
0x41: {  	[tilespmem:$0x510] =	vst v32  }
0x42: {  	v32 =	vld.idx.msk [tilespmem:v18+s3+$0x0], $0xffff;
	_ =	sdelay $0x4  }
0x43: {  	[tilespmem:$0x520] =	vst v32  }
0x44: {  	v32 =	vld.idx.msk [tilespmem:v19+s3+$0x0], $0xffff;
	_ =	sdelay $0x4  }
0x45: {  	[tilespmem:$0x530] =	vst v32  }
0x46: {  	v32 =	vld.idx.msk [tilespmem:v20+s3+$0x0], $0xffff;
	_ =	sdelay $0x4  }
0x47: {  	[tilespmem:$0x540] =	vst v32  }
0x48: {  	v32 =	vld.idx.msk [tilespmem:v21+s3+$0x0], $0xffff;
	_ =	sdelay $0x4  }
0x49: {  	[tilespmem:$0x550] =	vst v32  }
0x4a: {  	v32 =	vld.idx.msk [tilespmem:v22+s3+$0x0], $0xffff;
	_ =	sdelay $0x4  }
0x4b: {  	[tilespmem:$0x560] =	vst v32  }
0x4c: {  	v32 =	vld.idx.msk [tilespmem:v23+s3+$0x0], $0xffff;
	_ =	sdelay $0x4  }
0x4d: {  	[tilespmem:$0x570] =	vst v32  }
0x4e: {  	v32 =	vld.idx.msk [tilespmem:v24+s3+$0x0], $0xffff;
	_ =	sdelay $0x4  }
0x4f: {  	[tilespmem:$0x580] =	vst v32  }
0x50: {  	v32 =	vld.idx.msk [tilespmem:v25+s3+$0x0], $0xffff;
	_ =	sdelay $0x4  }
0x51: {  	[tilespmem:$0x590] =	vst v32  }
0x52: {  	v32 =	vld.idx.msk [tilespmem:v26+s3+$0x0], $0xffff;
	_ =	sdelay $0x4  }
0x53: {  	[tilespmem:$0x5A0] =	vst v32  }
0x54: {  	v32 =	vld.idx.msk [tilespmem:v27+s3+$0x0], $0xffff;
	_ =	sdelay $0x4  }
0x55: {  	[tilespmem:$0x5B0] =	vst v32  }
0x56: {  	v32 =	vld.idx.msk [tilespmem:v28+s3+$0x0], $0xffff;
	_ =	sdelay $0x4  }
0x57: {  	[tilespmem:$0x5C0] =	vst v32  }
0x58: {  	v32 =	vld.idx.msk [tilespmem:v29+s3+$0x0], $0xffff;
	_ =	sdelay $0x4  }
0x59: {  	[tilespmem:$0x5D0] =	vst v32  }
0x5a: {  	v32 =	vld.idx.msk [tilespmem:v30+s3+$0x0], $0xffff;
	_ =	sdelay $0x4  }
0x5b: {  	[tilespmem:$0x5E0] =	vst v32  }
0x5c: {  	v32 =	vld.idx.msk [tilespmem:v31+s3+$0x0], $0xffff;
	_ =	sdelay $0x4  }
0x5d: {  	[tilespmem:$0x5F0] =	vst v32  }
0x5e: {  	[tilespmem:s10], [sflag:$0x2] =	stream.linear.gather [hbm4b:s28+s3], $0x200, $0x38;
	[tilespmem:$0x8800] =	vst v63  }
0x5f: {  	_ =	swait.ge [sflag:s9], $0x200  }
0x60: {  	[sflag:s9] =	ssyncset.done $0x0  }
0x61: {  	[sflag:s9] =	ssyncadd.s32 $0xFFFFFE00  }
0x62: {  	v63 =	vld.idx.msk [tilespmem:v0+s10+$0x0], $0xffff;
	_ =	sdelay $0x4  }
0x63: {  	[tilespmem:$0x600] =	vst v63  }
0x64: {  	v32 =	vld.idx.msk [tilespmem:v1+s10+$0x0], $0xffff;
	_ =	sdelay $0x4  }
0x65: {  	[tilespmem:$0x610] =	vst v32  }
0x66: {  	v32 =	vld.idx.msk [tilespmem:v2+s10+$0x0], $0xffff;
	_ =	sdelay $0x4  }
0x67: {  	[tilespmem:$0x620] =	vst v32  }
0x68: {  	v32 =	vld.idx.msk [tilespmem:v3+s10+$0x0], $0xffff;
	_ =	sdelay $0x4  }
0x69: {  	[tilespmem:$0x630] =	vst v32  }
0x6a: {  	v32 =	vld.idx.msk [tilespmem:v4+s10+$0x0], $0xffff;
	_ =	sdelay $0x4  }
0x6b: {  	[tilespmem:$0x640] =	vst v32  }
0x6c: {  	v32 =	vld.idx.msk [tilespmem:v5+s10+$0x0], $0xffff;
	_ =	sdelay $0x4  }
0x6d: {  	[tilespmem:$0x650] =	vst v32  }
0x6e: {  	v32 =	vld.idx.msk [tilespmem:v6+s10+$0x0], $0xffff;
	_ =	sdelay $0x4  }
0x6f: {  	[tilespmem:$0x660] =	vst v32  }
0x70: {  	v32 =	vld.idx.msk [tilespmem:v7+s10+$0x0], $0xffff;
	_ =	sdelay $0x4  }
0x71: {  	[tilespmem:$0x670] =	vst v32  }
0x72: {  	v32 =	vld.idx.msk [tilespmem:v8+s10+$0x0], $0xffff;
	_ =	sdelay $0x4  }
0x73: {  	[tilespmem:$0x680] =	vst v32  }
0x74: {  	v32 =	vld.idx.msk [tilespmem:v9+s10+$0x0], $0xffff;
	_ =	sdelay $0x4  }
0x75: {  	[tilespmem:$0x690] =	vst v32  }
0x76: {  	v32 =	vld.idx.msk [tilespmem:v10+s10+$0x0], $0xffff;
	_ =	sdelay $0x4  }
0x77: {  	[tilespmem:$0x6A0] =	vst v32  }
0x78: {  	v32 =	vld.idx.msk [tilespmem:v11+s10+$0x0], $0xffff;
	_ =	sdelay $0x4  }
0x79: {  	[tilespmem:$0x6B0] =	vst v32  }
0x7a: {  	v32 =	vld.idx.msk [tilespmem:v12+s10+$0x0], $0xffff;
	_ =	sdelay $0x4  }
0x7b: {  	[tilespmem:$0x6C0] =	vst v32  }
0x7c: {  	v32 =	vld.idx.msk [tilespmem:v13+s10+$0x0], $0xffff;
	_ =	sdelay $0x4  }
0x7d: {  	[tilespmem:$0x6D0] =	vst v32  }
0x7e: {  	v32 =	vld.idx.msk [tilespmem:v14+s10+$0x0], $0xffff;
	_ =	sdelay $0x4  }
0x7f: {  	[tilespmem:$0x6E0] =	vst v32  }
0x80: {  	v32 =	vld.idx.msk [tilespmem:v15+s10+$0x0], $0xffff;
	_ =	sdelay $0x4  }
0x81: {  	[tilespmem:$0x6F0] =	vst v32  }
0x82: {  	v32 =	vld.idx.msk [tilespmem:v16+s10+$0x0], $0xffff;
	_ =	sdelay $0x4  }
0x83: {  	[tilespmem:$0x700] =	vst v32  }
0x84: {  	v32 =	vld.idx.msk [tilespmem:v17+s10+$0x0], $0xffff;
	_ =	sdelay $0x4  }
0x85: {  	[tilespmem:$0x710] =	vst v32  }
0x86: {  	v32 =	vld.idx.msk [tilespmem:v18+s10+$0x0], $0xffff;
	_ =	sdelay $0x4  }
0x87: {  	[tilespmem:$0x720] =	vst v32  }
0x88: {  	v32 =	vld.idx.msk [tilespmem:v19+s10+$0x0], $0xffff;
	_ =	sdelay $0x4  }
0x89: {  	[tilespmem:$0x730] =	vst v32  }
0x8a: {  	v32 =	vld.idx.msk [tilespmem:v20+s10+$0x0], $0xffff;
	_ =	sdelay $0x4  }
0x8b: {  	[tilespmem:$0x740] =	vst v32  }
0x8c: {  	v32 =	vld.idx.msk [tilespmem:v21+s10+$0x0], $0xffff;
	_ =	sdelay $0x4  }
0x8d: {  	[tilespmem:$0x750] =	vst v32  }
0x8e: {  	v32 =	vld.idx.msk [tilespmem:v22+s10+$0x0], $0xffff;
	_ =	sdelay $0x4  }
0x8f: {  	[tilespmem:$0x760] =	vst v32  }
0x90: {  	v32 =	vld.idx.msk [tilespmem:v23+s10+$0x0], $0xffff;
	_ =	sdelay $0x4  }
0x91: {  	[tilespmem:$0x770] =	vst v32  }
0x92: {  	v32 =	vld.idx.msk [tilespmem:v24+s10+$0x0], $0xffff;
	_ =	sdelay $0x4  }
0x93: {  	[tilespmem:$0x780] =	vst v32  }
0x94: {  	v32 =	vld.idx.msk [tilespmem:v25+s10+$0x0], $0xffff;
	_ =	sdelay $0x4  }
0x95: {  	[tilespmem:$0x790] =	vst v32  }
0x96: {  	v32 =	vld.idx.msk [tilespmem:v26+s10+$0x0], $0xffff;
	_ =	sdelay $0x4  }
0x97: {  	[tilespmem:$0x7A0] =	vst v32  }
0x98: {  	v32 =	vld.idx.msk [tilespmem:v27+s10+$0x0], $0xffff;
	_ =	sdelay $0x4  }
0x99: {  	[tilespmem:$0x7B0] =	vst v32  }
0x9a: {  	v32 =	vld.idx.msk [tilespmem:v28+s10+$0x0], $0xffff;
	_ =	sdelay $0x4  }
0x9b: {  	[tilespmem:$0x7C0] =	vst v32  }
0x9c: {  	v32 =	vld.idx.msk [tilespmem:v29+s10+$0x0], $0xffff;
	_ =	sdelay $0x4  }
0x9d: {  	[tilespmem:$0x7D0] =	vst v32  }
0x9e: {  	v32 =	vld.idx.msk [tilespmem:v30+s10+$0x0], $0xffff;
	_ =	sdelay $0x4  }
0x9f: {  	[tilespmem:$0x7E0] =	vst v32  }
0xa0: {  	v32 =	vld.idx.msk [tilespmem:v31+s10+$0x0], $0xffff;
	_ =	sdelay $0x4  }
0xa1: {  	[tilespmem:$0x7F0] =	vst v32  }
0xa2: {  	[tilespmem:s13], [sflag:$0x1] =	stream.indirect.gather [hbm4b:s2+s11], $0x20, s12, s11, $0xb8;
	[tilespmem:$0x8800] =	vst v63  }
0xa3: {  	s0 =	rddreg [dreg:$0x4]  }
0xa4: {  	[tilespmem:s14], [sflag:$0x1] =	stream.indirect.gather [hbm4b:s2+s11], $0x20, s0, s11, $0xb8;
	[tilespmem:$0x8800] =	vst v63  }
0xa5: {  	s1 =	rddreg [dreg:$0x5]  }
0xa6: {  	[tilespmem:s15], [sflag:$0x1] =	stream.indirect.gather [hbm4b:s2+s11], $0x20, s1, s11, $0xb8;
	[tilespmem:$0x8800] =	vst v63  }
0xa7: {  	s0 =	rddreg [dreg:$0x6]  }
0xa8: {  	[tilespmem:s16], [sflag:$0x1] =	stream.indirect.gather [hbm4b:s2+s11], $0x20, s0, s11, $0xb8;
	[tilespmem:$0x8800] =	vst v63  }
0xa9: {  	_ = 	snop  }
0xaa: {  	[tilespmem:s18], [sflag:$0x1] =	stream.indirect.gather [hbm4b:s2+s11], $0x20, s17, s11, $0xb8;
	[tilespmem:$0x8800] =	vst v63  }
0xab: {  	s0 =	rddreg [dreg:$0x7]  }
0xac: {  	[tilespmem:s19], [sflag:$0x1] =	stream.indirect.gather [hbm4b:s2+s11], $0x20, s0, s11, $0xb8;
	[tilespmem:$0x8800] =	vst v63  }
0xad: {  	s1 =	rddreg [dreg:$0x8]  }
0xae: {  	[tilespmem:s20], [sflag:$0x1] =	stream.indirect.gather [hbm4b:s2+s11], $0x20, s1, s11, $0xb8;
	[tilespmem:$0x8800] =	vst v63  }
0xaf: {  	s0 =	rddreg [dreg:$0x9]  }
0xb0: {  	[tilespmem:s21], [sflag:$0x1] =	stream.indirect.gather [hbm4b:s2+s11], $0x20, s0, s11, $0xb8;
	[tilespmem:$0x8800] =	vst v63  }
0xb1: {  	_ =	swait.ge [sflag:s22], $0x1000  }
0xb2: {  	[sflag:s22] =	ssyncset.done $0x0  }
0xb3: {  	[sflag:s22] =	ssyncadd.s32 $0xFFFFF000  }
0xb4: {  	_ =	swait.ge [sflag:s22], $0x1000  }
0xb5: {  	[sflag:s22] =	ssyncset.done $0x0  }
0xb6: {  	[sflag:s22] =	ssyncadd.s32 $0xFFFFF000  }
0xb7: {  	_ =	swait.ge [sflag:s22], $0x1000  }
0xb8: {  	[sflag:s22] =	ssyncset.done $0x0  }
0xb9: {  	[sflag:s22] =	ssyncadd.s32 $0xFFFFF000  }
0xba: {  	_ =	swait.ge [sflag:s22], $0x1000  }
0xbb: {  	[sflag:s22] =	ssyncset.done $0x0  }
0xbc: {  	[sflag:s22] =	ssyncadd.s32 $0xFFFFF000  }
0xbd: {  	_ =	swait.ge [sflag:s22], $0x1000  }
0xbe: {  	[sflag:s22] =	ssyncset.done $0x0  }
0xbf: {  	[sflag:s22] =	ssyncadd.s32 $0xFFFFF000  }
0xc0: {  	_ =	swait.ge [sflag:s22], $0x1000  }
0xc1: {  	[sflag:s22] =	ssyncset.done $0x0  }
0xc2: {  	[sflag:s22] =	ssyncadd.s32 $0xFFFFF000  }
0xc3: {  	_ =	swait.ge [sflag:s22], $0x1000  }
0xc4: {  	[sflag:s22] =	ssyncset.done $0x0  }
0xc5: {  	[sflag:s22] =	ssyncadd.s32 $0xFFFFF000  }
0xc6: {  	_ =	swait.ge [sflag:s22], $0x1000  }
0xc7: {  	s1 =	rddreg [dreg:$0x3];
	[sflag:s22] =	ssyncset.done $0x0  }
0xc8: {  	[sflag:s22] =	ssyncadd.s32 $0xFFFFF000;
	s0 =	sadd.s32 s31, s1  }
0xc9: {  	[hbm4b:s0+s23] =	stream.strided.scatter [tilespmem:s13], [sflag:$0x2], $0x1000, s11, s23, $0x38;
	[tilespmem:$0x8800] =	vst v63  }
0xca: {  	_ =	swait.ge [sflag:s9], $0x1000  }
0xcb: {  	[sflag:s9] =	ssyncset.done $0x0  }
0xcc: {  	s1 =	sadd.s32 $0x4, s0;
	[sflag:s9] =	ssyncadd.s32 $0xFFFFF000  }
0xcd: {  	[hbm4b:s1+s23] =	stream.strided.scatter [tilespmem:s14], [sflag:$0x2], $0x1000, s11, s23, $0x38;
	[tilespmem:$0x8800] =	vst v63  }
0xce: {  	_ =	swait.ge [sflag:s9], $0x1000  }
0xcf: {  	[sflag:s9] =	ssyncset.done $0x0  }
0xd0: {  	s1 =	sadd.s32 $0x8, s0;
	[sflag:s9] =	ssyncadd.s32 $0xFFFFF000  }
0xd1: {  	[hbm4b:s1+s23] =	stream.strided.scatter [tilespmem:s15], [sflag:$0x2], $0x1000, s11, s23, $0x38;
	[tilespmem:$0x8800] =	vst v63  }
0xd2: {  	_ =	swait.ge [sflag:s9], $0x1000  }
0xd3: {  	[sflag:s9] =	ssyncset.done $0x0  }
0xd4: {  	s1 =	sadd.s32 $0xC, s0;
	[sflag:s9] =	ssyncadd.s32 $0xFFFFF000  }
0xd5: {  	[hbm4b:s1+s23] =	stream.strided.scatter [tilespmem:s16], [sflag:$0x2], $0x1000, s11, s23, $0x38;
	[tilespmem:$0x8800] =	vst v63  }
0xd6: {  	_ =	swait.ge [sflag:s9], $0x1000  }
0xd7: {  	[sflag:s9] =	ssyncset.done $0x0  }
0xd8: {  	[sflag:s9] =	ssyncadd.s32 $0xFFFFF000  }
0xd9: {  	[hbm4b:s30+s11] =	stream.strided.scatter [tilespmem:s12], [sflag:$0x2], $0x200, s24, s11, $0x38;
	[tilespmem:$0x8800] =	vst v63  }
0xda: {  	_ =	swait.ge [sflag:s9], $0x200  }
0xdb: {  	[sflag:s9] =	ssyncset.done $0x0  }
0xdc: {  	s1 =	sadd.s32 $0x800, s0;
	[sflag:s9] =	ssyncadd.s32 $0xFFFFFE00  }
0xdd: {  	[hbm4b:s1+s23] =	stream.strided.scatter [tilespmem:s18], [sflag:$0x2], $0x1000, s11, s23, $0x38;
	[tilespmem:$0x8800] =	vst v63  }
0xde: {  	_ =	swait.ge [sflag:s9], $0x1000  }
0xdf: {  	[sflag:s9] =	ssyncset.done $0x0  }
0xe0: {  	s1 =	sadd.s32 $0x804, s0;
	[sflag:s9] =	ssyncadd.s32 $0xFFFFF000  }
0xe1: {  	[hbm4b:s1+s23] =	stream.strided.scatter [tilespmem:s19], [sflag:$0x2], $0x1000, s11, s23, $0x38;
	[tilespmem:$0x8800] =	vst v63  }
0xe2: {  	_ =	swait.ge [sflag:s9], $0x1000  }
0xe3: {  	[sflag:s9] =	ssyncset.done $0x0  }
0xe4: {  	s1 =	sadd.s32 $0x808, s0;
	[sflag:s9] =	ssyncadd.s32 $0xFFFFF000  }
0xe5: {  	[hbm4b:s1+s23] =	stream.strided.scatter [tilespmem:s20], [sflag:$0x2], $0x1000, s11, s23, $0x38;
	[tilespmem:$0x8800] =	vst v63  }
0xe6: {  	_ =	swait.ge [sflag:s9], $0x1000  }
0xe7: {  	[sflag:s9] =	ssyncset.done $0x0  }
0xe8: {  	s0 =	sadd.s32 $0x80C, s0;
	[sflag:s9] =	ssyncadd.s32 $0xFFFFF000  }
0xe9: {  	[hbm4b:s0+s23] =	stream.strided.scatter [tilespmem:s21], [sflag:$0x2], $0x1000, s11, s23, $0x38;
	[tilespmem:$0x8800] =	vst v63  }
0xea: {  	_ =	swait.ge [sflag:s9], $0x1000  }
0xeb: {  	p0 =	sne.s32 s31, $0x18000;
	[sflag:s9] =	ssyncset.done $0x0  }
.Ltmp0:
0xec: {  	[sflag:s9] =	ssyncadd.s32 $0xFFFFF000;
	(pc) =	sbr.rel @p0 .LBB2_2-.Ltmp0, $4  }
0xed: {  	[hbm4b:s29+s11] =	stream.strided.scatter [tilespmem:s17], [sflag:$0x2], $0x200, s24, s11, $0x38;
	[tilespmem:$0x8800] =	vst v63  }
0xee: {  	s26 =	sadd.s32 $0x80, s26;
	_ =	swait.ge [sflag:s9], $0x200  }
0xef: {  	s28 =	sadd.s32 $0x80, s28;
	s31 =	sadd.s32 $0x1000, s31;
	[sflag:s9] =	ssyncset.done $0x0  }
0xf0: {  	s30 =	sadd.s32 $0x20, s30;
	s29 =	sadd.s32 $0x20, s29;
	[sflag:s9] =	ssyncadd.s32 $0xFFFFFE00  }
0xf1: {  	s25 =	sadd.s32 $0x1, s25  }
0xf2: {  	p0 =	sne.s32 s25, s4  }
.Ltmp1:
0xf3: {  	_ = 	snop;
	(pc) =	sbr.rel @p0 .LBB2_1-.Ltmp1, $1  }
0xf4: {  	_ =	sdelay $0x3  }
0xf5: {  	_ =	sfence.sel $0x180000  }
0xf6: {  	[bflag:$0x0] =	sbarrier.arrive $0xFFFF  }
0xf7: {  	_ =	strace $0x9000004A  }
0xf8: {  	s0 =	stileid.u32;
	[bflag:$0x2] =	sbarrier.arrive $0xFFFF  }
0xf9: {  	p0 =	sne.s32 s0, $0x0;
	s0 =	rddreg [dreg:$0x2]  }
0xfa: {  	s0 =	sadd.s32 @!p0 $0x100000, s0  }
0xfb: {  	[sflag:s0] =	ssyncadd.tile.s32 @!p0 $0x1;
	_ =	shalt  }
.Lfunc_end2:
_tile_overlayer_lowered:
.L_overlay_start_2:
0xfc: {  	(tag) =	ssettag $0x2  }
0xfd: {  	s0 =	rddreg [dreg:$0x0];
	s2 =	stileid.u32  }
0xfe: {  	s1 =	rddreg [dreg:$0x1];
	p0 =	sne.s32 s2, $0x0  }
0xff: {  	s3 =	rddreg [dreg:$0x2];
	[bflag:$0x3] =	sbarrier.arrive $0xFFFF;
	s2 =	simm.s32 @!p0 $0x1C02  }
0x100: {  	[timem:s3], [sflag:s2] =	dma.local @!p0 [hbm:s0], s1  }
0x101: {  	s0 =	simm.s32 @!p0 $0x2  }
0x102: {  	_ =	swait.ge @!p0 [sflag:s0], s1  }
0x103: {  	s1 =	ssub.s32 @!p0 $0x0, s1;
	[sflag:s0] =	ssyncset.done @!p0 $0x0  }
0x104: {  	[sflag:s0] =	ssyncadd.s32 @!p0 s1  }
0x105: {  	[bflag:$0x3] =	sbarrier.arrive $0xFFFF  }
0x106: {  	_ =	shalt  }

// kernel: kernel.9.cloned.1.call-start
scs
__scs_entry_jumppad:
0x0: {  	(pc) =	sbr.rel $0x88, $3  }
0x1: {  	(tag) =	ssettag $0x0;
	lr =	simm.s32 $0x1  }
0x2: {  	[smem:$0x3F9B] =	sst lr;
	_ =	strace $0xD0000000  }
0x3: {  	_ = 	snop  }
0x4: {  	_ = 	snop  }
0x5: {  	_ = 	snop  }
0x6: {  	_ = 	snop  }
0x7: {  	_ = 	snop  }
__scs_overlays_trampoline_lowered:
0x8: {  	[smem:$0x3FAA] =	sst s0  }
0x9: {  	[smem:$0x3FAB] =	sst s1  }
0xa: {  	[smem:$0x3FAC] =	sst s2  }
0xb: {  	[smem:$0x3FAD] =	sst s3  }
0xc: {  	[smem:$0x3FAE] =	sst s4  }
0xd: {  	[smem:$0x3FAF] =	sst s5  }
0xe: {  	[smem:$0x3FB0] =	sst s6  }
0xf: {  	[smem:$0x3FB1] =	sst s7  }
0x10: {  	[smem:$0x3FB2] =	sst s8  }
0x11: {  	[smem:$0x3FB3] =	sst s9;
	s0 =	simm.s32 @!p0 $0x0  }
0x12: {  	s1 =	sld [smem:$0x3F99];
	s0 =	simm.s32 @p0 $0x1  }
0x13: {  	[smem:$0x3FB4] =	sst s0;
	s0 =	simm.s32 @!p1 $0x0  }
0x14: {  	s2 =	sld [smem:$0x3F98];
	s0 =	simm.s32 @p1 $0x1  }
0x15: {  	[smem:$0x3FB5] =	sst s0;
	s0 =	simm.s32 @!p2 $0x0  }
0x16: {  	s3 =	sld [smem:$0x3FDB];
	s0 =	simm.s32 @p2 $0x1  }
0x17: {  	s4 =	simm.s32 $0x1BF5;
	[smem:$0x3FB7] =	sst s0  }
0x18: {  	s0 =	sld [smem:$0x3F9A];
	_ =	swait.ge [sflag:s4], $0x0  }
0x19: {  	s7 =	sld [smem:$0x3F9B]  }
0x1a: {  	s8 =	sadd.s32 $0xFFFFE003, lr  }
0x1b: {  	s9 =	sadd.s32 $0xFFFFFEF7, lr;
	s5 =	simm.s32 $0xFFFFFFFF;
	p2 =	slt.u32 s8, $0xFFFFF086  }
0x1c: {  	p1 =	slt.u32 s9, $0xF7A;
	s5 =	simm.s32 @!p2 $0x0  }
0x1d: {  	s5 =	simm.s32 @p1 $0x1;
	p0 =	seq.s32 s7, s2  }
0x1e: {  	s7 =	smul.u32 @!p0 $0xF7A, s2;
	p2 =	seq.s32 @!p0 s5, $0x0  }
0x1f: {  	s9 =	smul.u32 $0xF7A, s1;
	s8 =	simm.s32 @!p0 $0x1BF5;
	p2 =	por !p2, p0  }
0x20: {  	[sflag:s8] =	ssyncset.s32 @!p0 $0xFFFFF086;
	s6 =	sadd.s32 @!p0 s3, s7;
	s7 =	simm.s32 @!p0 $0x108  }
0x21: {  	s3 =	sadd.s32 s3, s9;
	s6 =	sadd.s32 @!p0 $0x88, s6;
	s7 =	simm.s32 @p2 $0x1082  }
0x22: {  	[simem:s7], [sflag:s8] =	dma.local @!p0 [hbm:s6], $0xF7A  }
0x23: {  	s9 =	sor.u32 $0xD0000000, s2;
	s6 =	simm.s32 $0x108;
	_ =	swait.ge @!p0 [sflag:s8], $0x0  }
0x24: {  	s3 =	sadd.s32 $0x88, s3;
	s6 =	simm.s32 @!p1 $0x1082;
	[sflag:s4] =	ssyncset.s32 $0xFFFFF086  }
0x25: {  	[simem:s6], [sflag:s4] =	dma.local [hbm:s3], $0xF7A  }
0x26: {  	[smem:$0x3F9B] =	sst s1;
	(tag) =	ssettag s2;
	_ =	strace s9  }
0x27: {  	s1 =	sld [smem:$0x3FAB]  }
0x28: {  	s2 =	sld [smem:$0x3FAC]  }
0x29: {  	s4 =	sld [smem:$0x3FAE]  }
0x2a: {  	p0 =	seq.s32 s5, $0x0;
	s5 =	sld [smem:$0x3FAF]  }
0x2b: {  	s6 =	sld [smem:$0x3FB0]  }
0x2c: {  	s7 =	sld [smem:$0x3FB1]  }
0x2d: {  	s3 =	simm.s32 $0x108;
	s8 =	sld [smem:$0x3FB2]  }
0x2e: {  	s3 =	simm.s32 @!p0 $0x1082;
	s9 =	sld [smem:$0x3FB3]  }
0x2f: {  	lr =	sadd.s32 s0, s3;
	s0 =	sld [smem:$0x3FAA]  }
0x30: {  	s3 =	sld [smem:$0x3FAD]  }
0x31: {  	[smem:$0x3FB6] =	sst s10  }
0x32: {  	s10 =	sld [smem:$0x3FB4];
	_ =	sdelay $0x3  }
0x33: {  	p0 =	seq.s32 s10, $0x1;
	s10 =	sld [smem:$0x3FB6];
	_ =	sdelay $0x3  }
0x34: {  	[smem:$0x3FB6] =	sst s10  }
0x35: {  	s10 =	sld [smem:$0x3FB5];
	_ =	sdelay $0x3  }
0x36: {  	p1 =	seq.s32 s10, $0x1;
	s10 =	sld [smem:$0x3FB6];
	_ =	sdelay $0x3  }
0x37: {  	[smem:$0x3FB6] =	sst s10  }
0x38: {  	s10 =	sld [smem:$0x3FB7]  }
0x39: {  	_ = 	snop;
	(pc) =	sbr.ind lr, $3  }
0x3a: {  	_ = 	snop  }
0x3b: {  	_ = 	snop  }
0x3c: {  	p2 =	seq.s32 s10, $0x1;
	s10 =	sld [smem:$0x3FB6]  }
0x3d: {  	_ =	shalt  }
0x3e: {  	_ =	shalt  }
0x3f: {  	_ =	shalt  }
0x40: {  	_ =	shalt  }
0x41: {  	_ =	shalt  }
0x42: {  	_ =	shalt  }
0x43: {  	_ =	shalt  }
0x44: {  	_ =	shalt  }
0x45: {  	_ =	shalt  }
0x46: {  	_ =	shalt  }
0x47: {  	_ =	shalt  }
0x48: {  	_ =	shalt  }
0x49: {  	_ =	shalt  }
0x4a: {  	_ =	shalt  }
0x4b: {  	_ =	shalt  }
0x4c: {  	_ =	shalt  }
0x4d: {  	_ =	shalt  }
0x4e: {  	_ =	shalt  }
0x4f: {  	_ =	shalt  }
0x50: {  	_ =	shalt  }
0x51: {  	_ =	shalt  }
0x52: {  	_ =	shalt  }
0x53: {  	_ =	shalt  }
0x54: {  	_ =	shalt  }
0x55: {  	_ =	shalt  }
0x56: {  	_ =	shalt  }
0x57: {  	_ =	shalt  }
0x58: {  	_ =	shalt  }
0x59: {  	_ =	shalt  }
0x5a: {  	_ =	shalt  }
0x5b: {  	_ =	shalt  }
0x5c: {  	_ =	shalt  }
0x5d: {  	_ =	shalt  }
0x5e: {  	_ =	shalt  }
0x5f: {  	_ =	shalt  }
0x60: {  	_ =	shalt  }
0x61: {  	_ =	shalt  }
0x62: {  	_ =	shalt  }
0x63: {  	_ =	shalt  }
0x64: {  	_ =	shalt  }
0x65: {  	_ =	shalt  }
0x66: {  	_ =	shalt  }
0x67: {  	_ =	shalt  }
0x68: {  	_ =	shalt  }
0x69: {  	_ =	shalt  }
0x6a: {  	_ =	shalt  }
0x6b: {  	_ =	shalt  }
0x6c: {  	_ =	shalt  }
0x6d: {  	_ =	shalt  }
0x6e: {  	_ =	shalt  }
0x6f: {  	_ =	shalt  }
0x70: {  	_ =	shalt  }
0x71: {  	_ =	shalt  }
0x72: {  	_ =	shalt  }
0x73: {  	_ =	shalt  }
0x74: {  	_ =	shalt  }
0x75: {  	_ =	shalt  }
0x76: {  	_ =	shalt  }
0x77: {  	_ =	shalt  }
0x78: {  	_ =	shalt  }
0x79: {  	_ =	shalt  }
0x7a: {  	_ =	shalt  }
0x7b: {  	_ =	shalt  }
0x7c: {  	_ =	shalt  }
0x7d: {  	_ =	shalt  }
0x7e: {  	_ =	shalt  }
0x7f: {  	_ =	shalt  }
0x80: {  	_ =	shalt  }
0x81: {  	_ =	shalt  }
0x82: {  	_ =	shalt  }
0x83: {  	_ =	shalt  }
0x84: {  	_ =	shalt  }
0x85: {  	_ =	shalt  }
0x86: {  	_ =	shalt  }
0x87: {  	_ =	shalt  }
.Lfunc_end0:
.L_simem_size_0:
called_computation.3_lowered:
.L_overlay_start_0:
0x88: {  	s2 =	sld [smem:$0x3FD9]  }
0x89: {  	s3 =	sld [smem:$0x3FFE];
	_ =	sdelay $0x1  }
0x8a: {  	s1 =	srdreg.scid  }
0x8b: {  	s0 =	sand.u32 $0x1, s1  }
0x8c: {  	s14 =	sshll.u32 s0, $0xA;
	s2 =	sadd.s32 s3, s2  }
0x8d: {  	s2 =	sadd.s32 s2, s14  }
0x8e: {  	[smem:$0x3FC2] =	sst s2  }
0x8f: {  	_ = 	snop  }
0x90: {  	s2 =	sld [smem:$0x3FD0];
	_ =	sdelay $0x2  }
0x91: {  	s15 =	simm.s32 $0xB;
	s4 =	simm.s32 $0x10  }
0x92: {  	[smem:s4], [sflag:s15] =	dma.local [hbm:s2], $0x1  }
0x93: {  	_ =	swait.eq [sflag:s15], $0x1  }
0x94: {  	[sflag:s15] =	ssyncset.done $0x0  }
0x95: {  	[sflag:s15] =	ssyncadd.s32 $0xFFFFFFFF  }
0x96: {  	s16 =	sld [smem:$0x11];
	(tm) =	ssettm $0x1  }
0x97: {  	s17 =	sld [smem:$0x3FFB];
	_ =	sdelay $0x3  }
0x98: {  	_ =	strace s17  }
0x99: {  	s3 =	sld [smem:$0x3FFC];
	_ =	sdelay $0x3  }
0x9a: {  	_ =	strace s3  }
0x9b: {  	s3 =	sld [smem:$0x3FFD];
	_ =	sdelay $0x3  }
0x9c: {  	_ =	strace s3  }
0x9d: {  	_ =	strace $0x8FFFFFFF  }
0x9e: {  	s18 =	sld [smem:$0x3FDB];
	_ =	sdelay $0x1  }
0x9f: {  	s19 =	simm.s32 $_scs_section_size  }
0xa0: {  	s5 =	simm.s32 $_size__tile_overlayer_lowered;
	s6 =	simm.s32 $_tile_overlayer_lowered  }
0xa1: {  	s22 =	simm.s32 $0x1BFF;
	s21 =	sshll.u32 s6, $0x1;
	s3 =	sadd.s32 s19, s18  }
0xa2: {  	s7 =	simm.s32 $0x0;
	s20 =	sshll.u32 s5, $0x1;
	s5 =	sadd.s32 s21, s3  }
0xa3: {  	[timem:s7], [sflag:s22] =	dma.local [hbm:s5], s20  }
0xa4: {  	_ =	swait.ge [sflag:s22], s20  }
0xa5: {  	s4 =	ssub.s32 $0x0, s20;
	[sflag:s22] =	ssyncset.done $0x0  }
0xa6: {  	[sflag:s22] =	ssyncadd.s32 s4;
	_ =	sdelay $0x1  }
0xa7: {  	s23 =	simm.s32 $0x1B8B  }
0xa8: {  	_ =	swait.ge [sflag:s23], $0x1  }
0xa9: {  	[sflag:s23] =	ssyncset.done $0x0  }
0xaa: {  	s25 =	simm.s32 $0x1B8E;
	s24 =	sld [smem:$0x3FFE];
	[sflag:s23] =	ssyncadd.s32 $0xFFFFFFFF  }
0xab: {  	s26 =	simm.s32 $execute0_lowered;
	[smem:$0x3FD2] =	sst s25  }
0xac: {  	s5 =	sshll.u32 s26, $0x1;
	_ =	strace $0x80000046;
	[dreg:$0x1] =	wrdreg $0xFFFFFFFF  }
0xad: {  	s28 =	simm.s32 $_size_execute0_lowered;
	s3 =	sadd.s32 s3, s5;
	[dreg:$0x0] =	wrdreg $0x0  }
0xae: {  	s5 =	sshll.u32 s28, $0x1;
	[dreg:$0x2] =	wrdreg s3  }
0xaf: {  	[dreg:$0x3] =	wrdreg s5  }
0xb0: {  	[dreg:$0x4] =	wrdreg $0xC0  }
0xb1: {  	_ =	task [dreg:s7], $0x5FFFF  }
0xb2: {  	[dreg:$0x1] =	wrdreg $0xFFFFFFFF  }
0xb3: {  	[dreg:$0x0] =	wrdreg $0x60  }
0xb4: {  	[dreg:$0x2] =	wrdreg s24  }
0xb5: {  	[dreg:$0x3] =	wrdreg s16  }
0xb6: {  	[dreg:$0x4] =	wrdreg $0x9  }
0xb7: {  	_ =	task.clear_ibuf [dreg:s7], $0x5FFFF;
	_ =	strace $0x90000046  }
0xb8: {  	s29 =	simm.s32 $0x9;
	_ =	strace $0x80000048  }
0xb9: {  	_ =	swait.ge [sflag:s29], $0x1  }
0xba: {  	[sflag:s29] =	ssyncadd.s32 $0xFFFFFFFF  }
0xbb: {  	_ =	strace $0x90000048  }
0xbc: {  	_ =	sfence  }
0xbd: {  	s30 =	sld [smem:$0x0];
	_ =	sdelay $0x2  }
0xbe: {  	s31 =	sshll.u32 s1, $0xD;
	s1 =	sshrl.u32 s1, $0x2  }
0xbf: {  	s3 =	sand.u32 $0x4000, s31;
	s1 =	sadd.s32 s1, s30  }
0xc0: {  	s0 =	sor.u32 s3, s0;
	s1 =	sshll.u32 s1, $0x11  }
0xc1: {  	s0 =	sor.u32 s1, s0  }
0xc2: {  	s0 =	sadd.s32 $0x8F2B, s0  }
0xc3: {  	[sflag:s0] =	ssyncadd.remote.s32 $0x1  }
0xc4: {  	_ =	sfence.sel $0xFFFF  }
0xc5: {  	[dreg:$0x0] =	wrdreg $0xFFFFFFFF;
	(pc) =	sbr.abs _section_cstart, $3  }
0xc6: {  	[dreg:$0x1] =	wrdreg $0xFFFFFFFF  }
0xc7: {  	_ =	task.clear_ibuf [dreg:s7], $0x2FFFF;
	_ =	strace $0x9FFFFFFF  }
0xc8: {  	(tm) =	ssettm $0x7FFFFFFF  }
0xc9: {  	_ =	shalt  }
tec
execute0_lowered:
.L_overlay_start_1:
0x0: {  	(tag) =	ssettag $0x1  }
0x1: {  	s4 =	rddreg [dreg:$0x0]  }
0x2: {  	s5 =	rddreg [dreg:$0x1]  }
0x3: {  	s0 =	rddreg [dreg:$0x2];
	s2 =	simm.s32 $0x0  }
0x4: {  	s3 =	srdreg.scid;
	s1 =	stileid.u32;
	s12 =	simm.s32 $0x400  }
0x5: {  	s13 =	simm.s32 $0x280;
	s14 =	simm.s32 $0x2400;
	s15 =	simm.s32 $0x300  }
0x6: {  	s16 =	simm.s32 $0x4400;
	s17 =	simm.s32 $0x380;
	s7 =	smul.u32 $0xC8, s1  }
0x7: {  	s18 =	simm.s32 $0x6400;
	s19 =	simm.s32 $0x1;
	s11 =	smul.u32 $0x64000, s1  }
0x8: {  	s20 =	simm.s32 $0x40;
	s6 =	sand.u32 $0x1, s3;
	s29 =	smul.u32 $0x1900, s1  }
0x9: {  	v0 =	vlaneseq.u32;
	s21 =	simm.s32 $0x0;
	[smem:$0x7FF] =	sst s2;
	s9 =	smul.u32 $0x64, s6  }
0xa: {  	s3 =	sadd.s32 $0x1AA00, s4;
	s10 =	sadd.s32 $0x1A00, s4;
	v0 =	vmul.u32 $0x2, v0;
	s28 =	smul.u32 $0x32000, s6  }
0xb: {  	_ =	strace $0x80000047;
	s8 =	ssub.s32 $0x2, s6;
	s30 =	smul.u32 $0xC80, s6  }
0xc: {  	s26 =	sshrl.u32 s8, $0x1;
	s5 =	sadd.s32 s11, s5;
	s31 =	sadd.s32 s29, s10;
	v1 =	vor.u32 $0x20, v0;
	v2 =	vor.u32 $0x40, v0;
	v3 =	vor.u32 $0x60, v0  }
0xd: {  	v4 =	vor.u32 $0x80, v0;
	v5 =	vor.u32 $0xA0, v0;
	v6 =	vor.u32 $0xC0, v0;
	s11 =	simm.s32 $0x200;
	s4 =	ssub.s32 s8, s26;
	s7 =	sadd.s32 s9, s7  }
0xe: {  	v7 =	vor.u32 $0xE0, v0;
	v8 =	vor.u32 $0x1, v0;
	v9 =	vor.u32 $0x21, v0;
	s5 =	sadd.s32 s28, s5;
	s8 =	simm.s32 $0x2;
	s7 =	sshll.u32 s7, $0x5  }
0xf: {  	v10 =	vor.u32 $0x41, v0;
	v11 =	vor.u32 $0x61, v0;
	v12 =	vor.u32 $0x81, v0;
	s9 =	simm.s32 $0x100;
	s4 =	smax.u32 s4, $0x1;
	s7 =	sadd.s32 s7, s10  }
0x10: {  	v13 =	vor.u32 $0xA1, v0;
	v14 =	vor.u32 $0xC1, v0;
	v15 =	vor.u32 $0xE1, v0;
	s10 =	simm.s32 $0x80;
	s6 =	sadd.s32 $0x20, s7;
	s7 =	sadd.s32 s30, s31  }
.LBB2_1:
0x11: {  	[tilespmem:s2], [sflag:$0x2] =	stream.linear.gather [hbm4b:s7+s2], $0x100, $0x38;
	[tilespmem:$0x8400] =	vst v63  }
0x12: {  	_ =	swait.ge [sflag:s8], $0x100  }
0x13: {  	[sflag:s8] =	ssyncset.done $0x0  }
0x14: {  	[sflag:s8] =	ssyncadd.s32 $0xFFFFFF00  }
0x15: {  	v16 =	vld.idx.msk [tilespmem:v0+s2+$0x0], $0xffff;
	_ =	sdelay $0x4  }
0x16: {  	[tilespmem:$0x200] =	vst v16  }
0x17: {  	v16 =	vld.idx.msk [tilespmem:v1+s2+$0x0], $0xffff;
	_ =	sdelay $0x4  }
0x18: {  	[tilespmem:$0x210] =	vst v16  }
0x19: {  	v16 =	vld.idx.msk [tilespmem:v2+s2+$0x0], $0xffff;
	_ =	sdelay $0x4  }
0x1a: {  	[tilespmem:$0x220] =	vst v16  }
0x1b: {  	v16 =	vld.idx.msk [tilespmem:v3+s2+$0x0], $0xffff;
	_ =	sdelay $0x4  }
0x1c: {  	[tilespmem:$0x230] =	vst v16  }
0x1d: {  	v16 =	vld.idx.msk [tilespmem:v4+s2+$0x0], $0xffff;
	_ =	sdelay $0x4  }
0x1e: {  	[tilespmem:$0x240] =	vst v16  }
0x1f: {  	v16 =	vld.idx.msk [tilespmem:v5+s2+$0x0], $0xffff;
	_ =	sdelay $0x4  }
0x20: {  	[tilespmem:$0x250] =	vst v16  }
0x21: {  	v16 =	vld.idx.msk [tilespmem:v6+s2+$0x0], $0xffff;
	_ =	sdelay $0x4  }
0x22: {  	[tilespmem:$0x260] =	vst v16  }
0x23: {  	v16 =	vld.idx.msk [tilespmem:v7+s2+$0x0], $0xffff;
	_ =	sdelay $0x4  }
0x24: {  	[tilespmem:$0x270] =	vst v16  }
0x25: {  	v16 =	vld.idx.msk [tilespmem:v8+s2+$0x0], $0xffff;
	_ =	sdelay $0x4  }
0x26: {  	[tilespmem:$0x280] =	vst v16  }
0x27: {  	v16 =	vld.idx.msk [tilespmem:v9+s2+$0x0], $0xffff;
	_ =	sdelay $0x4  }
0x28: {  	[tilespmem:$0x290] =	vst v16  }
0x29: {  	v16 =	vld.idx.msk [tilespmem:v10+s2+$0x0], $0xffff;
	_ =	sdelay $0x4  }
0x2a: {  	[tilespmem:$0x2A0] =	vst v16  }
0x2b: {  	v16 =	vld.idx.msk [tilespmem:v11+s2+$0x0], $0xffff;
	_ =	sdelay $0x4  }
0x2c: {  	[tilespmem:$0x2B0] =	vst v16  }
0x2d: {  	v16 =	vld.idx.msk [tilespmem:v12+s2+$0x0], $0xffff;
	_ =	sdelay $0x4  }
0x2e: {  	[tilespmem:$0x2C0] =	vst v16  }
0x2f: {  	v16 =	vld.idx.msk [tilespmem:v13+s2+$0x0], $0xffff;
	_ =	sdelay $0x4  }
0x30: {  	[tilespmem:$0x2D0] =	vst v16  }
0x31: {  	v16 =	vld.idx.msk [tilespmem:v14+s2+$0x0], $0xffff;
	_ =	sdelay $0x4  }
0x32: {  	[tilespmem:$0x2E0] =	vst v16  }
0x33: {  	v16 =	vld.idx.msk [tilespmem:v15+s2+$0x0], $0xffff;
	_ =	sdelay $0x4  }
0x34: {  	[tilespmem:$0x2F0] =	vst v16  }
0x35: {  	[tilespmem:s9], [sflag:$0x2] =	stream.linear.gather [hbm4b:s6+s2], $0x100, $0x38;
	[tilespmem:$0x8400] =	vst v63  }
0x36: {  	_ =	swait.ge [sflag:s8], $0x100  }
0x37: {  	[sflag:s8] =	ssyncset.done $0x0  }
0x38: {  	[sflag:s8] =	ssyncadd.s32 $0xFFFFFF00  }
0x39: {  	v16 =	vld.idx.msk [tilespmem:v0+s9+$0x0], $0xffff;
	_ =	sdelay $0x4  }
0x3a: {  	[tilespmem:$0x300] =	vst v16  }
0x3b: {  	v16 =	vld.idx.msk [tilespmem:v1+s9+$0x0], $0xffff;
	_ =	sdelay $0x4  }
0x3c: {  	[tilespmem:$0x310] =	vst v16  }
0x3d: {  	v16 =	vld.idx.msk [tilespmem:v2+s9+$0x0], $0xffff;
	_ =	sdelay $0x4  }
0x3e: {  	[tilespmem:$0x320] =	vst v16  }
0x3f: {  	v16 =	vld.idx.msk [tilespmem:v3+s9+$0x0], $0xffff;
	_ =	sdelay $0x4  }
0x40: {  	[tilespmem:$0x330] =	vst v16  }
0x41: {  	v16 =	vld.idx.msk [tilespmem:v4+s9+$0x0], $0xffff;
	_ =	sdelay $0x4  }
0x42: {  	[tilespmem:$0x340] =	vst v16  }
0x43: {  	v16 =	vld.idx.msk [tilespmem:v5+s9+$0x0], $0xffff;
	_ =	sdelay $0x4  }
0x44: {  	[tilespmem:$0x350] =	vst v16  }
0x45: {  	v16 =	vld.idx.msk [tilespmem:v6+s9+$0x0], $0xffff;
	_ =	sdelay $0x4  }
0x46: {  	[tilespmem:$0x360] =	vst v16  }
0x47: {  	v16 =	vld.idx.msk [tilespmem:v7+s9+$0x0], $0xffff;
	_ =	sdelay $0x4  }
0x48: {  	[tilespmem:$0x370] =	vst v16  }
0x49: {  	v16 =	vld.idx.msk [tilespmem:v8+s9+$0x0], $0xffff;
	_ =	sdelay $0x4  }
0x4a: {  	[tilespmem:$0x380] =	vst v16  }
0x4b: {  	v16 =	vld.idx.msk [tilespmem:v9+s9+$0x0], $0xffff;
	_ =	sdelay $0x4  }
0x4c: {  	[tilespmem:$0x390] =	vst v16  }
0x4d: {  	v16 =	vld.idx.msk [tilespmem:v10+s9+$0x0], $0xffff;
	_ =	sdelay $0x4  }
0x4e: {  	[tilespmem:$0x3A0] =	vst v16  }
0x4f: {  	v16 =	vld.idx.msk [tilespmem:v11+s9+$0x0], $0xffff;
	_ =	sdelay $0x4  }
0x50: {  	[tilespmem:$0x3B0] =	vst v16  }
0x51: {  	v16 =	vld.idx.msk [tilespmem:v12+s9+$0x0], $0xffff;
	_ =	sdelay $0x4  }
0x52: {  	[tilespmem:$0x3C0] =	vst v16  }
0x53: {  	v16 =	vld.idx.msk [tilespmem:v13+s9+$0x0], $0xffff;
	_ =	sdelay $0x4  }
0x54: {  	[tilespmem:$0x3D0] =	vst v16  }
0x55: {  	v16 =	vld.idx.msk [tilespmem:v14+s9+$0x0], $0xffff;
	_ =	sdelay $0x4  }
0x56: {  	[tilespmem:$0x3E0] =	vst v16  }
0x57: {  	v16 =	vld.idx.msk [tilespmem:v15+s9+$0x0], $0xffff;
	_ =	sdelay $0x4  }
0x58: {  	[tilespmem:$0x3F0] =	vst v16  }
0x59: {  	[tilespmem:s12], [sflag:$0x1] =	stream.indirect.gather [hbm4b:s3+s10], $0x40, s11, s10, $0xb8;
	[tilespmem:$0x8400] =	vst v63  }
0x5a: {  	_ = 	snop  }
0x5b: {  	[tilespmem:s14], [sflag:$0x1] =	stream.indirect.gather [hbm4b:s3+s10], $0x40, s13, s10, $0xb8;
	[tilespmem:$0x8400] =	vst v63  }
0x5c: {  	_ = 	snop  }
0x5d: {  	[tilespmem:s16], [sflag:$0x1] =	stream.indirect.gather [hbm4b:s3+s10], $0x40, s15, s10, $0xb8;
	[tilespmem:$0x8400] =	vst v63  }
0x5e: {  	_ = 	snop  }
0x5f: {  	[tilespmem:s18], [sflag:$0x1] =	stream.indirect.gather [hbm4b:s3+s10], $0x40, s17, s10, $0xb8;
	[tilespmem:$0x8400] =	vst v63  }
0x60: {  	_ =	swait.ge [sflag:s19], $0x2000  }
0x61: {  	[sflag:s19] =	ssyncset.done $0x0  }
0x62: {  	[sflag:s19] =	ssyncadd.s32 $0xFFFFE000  }
0x63: {  	_ =	swait.ge [sflag:s19], $0x2000  }
0x64: {  	[sflag:s19] =	ssyncset.done $0x0  }
0x65: {  	[sflag:s19] =	ssyncadd.s32 $0xFFFFE000  }
0x66: {  	_ =	swait.ge [sflag:s19], $0x2000  }
0x67: {  	[sflag:s19] =	ssyncset.done $0x0  }
0x68: {  	[sflag:s19] =	ssyncadd.s32 $0xFFFFE000  }
0x69: {  	_ =	swait.ge [sflag:s19], $0x2000  }
0x6a: {  	[sflag:s19] =	ssyncset.done $0x0  }
0x6b: {  	s22 =	sadd.s32 $0x0, s5;
	[sflag:s19] =	ssyncadd.s32 $0xFFFFE000  }
0x6c: {  	[hbm4b:s22+s20] =	stream.strided.scatter [tilespmem:s12], [sflag:$0x2], $0x2000, s10, s20, $0x38;
	[tilespmem:$0x8400] =	vst v63  }
0x6d: {  	_ =	swait.ge [sflag:s8], $0x2000  }
0x6e: {  	[sflag:s8] =	ssyncset.done $0x0  }
0x6f: {  	s23 =	sadd.s32 $0x8, s22;
	[sflag:s8] =	ssyncadd.s32 $0xFFFFE000  }
0x70: {  	[hbm4b:s23+s20] =	stream.strided.scatter [tilespmem:s14], [sflag:$0x2], $0x2000, s10, s20, $0x38;
	[tilespmem:$0x8400] =	vst v63  }
0x71: {  	_ =	swait.ge [sflag:s8], $0x2000  }
0x72: {  	[sflag:s8] =	ssyncset.done $0x0  }
0x73: {  	s31 =	sadd.s32 $0x800, s22;
	[sflag:s8] =	ssyncadd.s32 $0xFFFFE000  }
0x74: {  	[hbm4b:s31+s20] =	stream.strided.scatter [tilespmem:s16], [sflag:$0x2], $0x2000, s10, s20, $0x38;
	[tilespmem:$0x8400] =	vst v63  }
0x75: {  	_ =	swait.ge [sflag:s8], $0x2000  }
0x76: {  	[sflag:s8] =	ssyncset.done $0x0  }
0x77: {  	s22 =	sadd.s32 $0x808, s22;
	[sflag:s8] =	ssyncadd.s32 $0xFFFFE000  }
0x78: {  	[hbm4b:s22+s20] =	stream.strided.scatter [tilespmem:s18], [sflag:$0x2], $0x2000, s10, s20, $0x38;
	[tilespmem:$0x8400] =	vst v63  }
0x79: {  	s24 =	smov.u32 s7;
	_ =	swait.ge [sflag:s8], $0x2000  }
0x7a: {  	s23 =	smov.u32 s6;
	s22 =	simm.s32 $0x1000;
	[sflag:s8] =	ssyncset.done $0x0  }
.LBB2_2:
0x7b: {  	[sflag:s8] =	ssyncadd.s32 $0xFFFFE000  }
0x7c: {  	s23 =	sadd.s32 $0x40, s23;
	s24 =	sadd.s32 $0x40, s24;
	s25 =	smov.u32 s22  }
0x7d: {  	[tilespmem:s2], [sflag:$0x2] =	stream.linear.gather [hbm4b:s24+s2], $0x100, $0x38;
	[tilespmem:$0x8400] =	vst v63  }
0x7e: {  	p0 =	sne.s32 s22, $0x31000;
	s22 =	sadd.s32 $0x1000, s22;
	_ =	swait.ge [sflag:s8], $0x100  }
0x7f: {  	[sflag:s8] =	ssyncset.done $0x0  }
0x80: {  	[sflag:s8] =	ssyncadd.s32 $0xFFFFFF00  }
0x81: {  	v16 =	vld.idx.msk [tilespmem:v0+s2+$0x0], $0xffff;
	_ =	sdelay $0x5  }
0x82: {  	[tilespmem:$0x200] =	vst v16  }
0x83: {  	v16 =	vld.idx.msk [tilespmem:v1+s2+$0x0], $0xffff;
	_ =	sdelay $0x5  }
0x84: {  	[tilespmem:$0x210] =	vst v16  }
0x85: {  	v16 =	vld.idx.msk [tilespmem:v2+s2+$0x0], $0xffff;
	_ =	sdelay $0x5  }
0x86: {  	[tilespmem:$0x220] =	vst v16  }
0x87: {  	v16 =	vld.idx.msk [tilespmem:v3+s2+$0x0], $0xffff;
	_ =	sdelay $0x5  }
0x88: {  	[tilespmem:$0x230] =	vst v16  }
0x89: {  	v16 =	vld.idx.msk [tilespmem:v4+s2+$0x0], $0xffff;
	_ =	sdelay $0x5  }
0x8a: {  	[tilespmem:$0x240] =	vst v16  }
0x8b: {  	v16 =	vld.idx.msk [tilespmem:v5+s2+$0x0], $0xffff;
	_ =	sdelay $0x5  }
0x8c: {  	[tilespmem:$0x250] =	vst v16  }
0x8d: {  	v16 =	vld.idx.msk [tilespmem:v6+s2+$0x0], $0xffff;
	_ =	sdelay $0x5  }
0x8e: {  	[tilespmem:$0x260] =	vst v16  }
0x8f: {  	v16 =	vld.idx.msk [tilespmem:v7+s2+$0x0], $0xffff;
	_ =	sdelay $0x5  }
0x90: {  	[tilespmem:$0x270] =	vst v16  }
0x91: {  	v16 =	vld.idx.msk [tilespmem:v8+s2+$0x0], $0xffff;
	_ =	sdelay $0x5  }
0x92: {  	[tilespmem:$0x280] =	vst v16  }
0x93: {  	v16 =	vld.idx.msk [tilespmem:v9+s2+$0x0], $0xffff;
	_ =	sdelay $0x5  }
0x94: {  	[tilespmem:$0x290] =	vst v16  }
0x95: {  	v16 =	vld.idx.msk [tilespmem:v10+s2+$0x0], $0xffff;
	_ =	sdelay $0x5  }
0x96: {  	[tilespmem:$0x2A0] =	vst v16  }
0x97: {  	v16 =	vld.idx.msk [tilespmem:v11+s2+$0x0], $0xffff;
	_ =	sdelay $0x5  }
0x98: {  	[tilespmem:$0x2B0] =	vst v16  }
0x99: {  	v16 =	vld.idx.msk [tilespmem:v12+s2+$0x0], $0xffff;
	_ =	sdelay $0x5  }
0x9a: {  	[tilespmem:$0x2C0] =	vst v16  }
0x9b: {  	v16 =	vld.idx.msk [tilespmem:v13+s2+$0x0], $0xffff;
	_ =	sdelay $0x5  }
0x9c: {  	[tilespmem:$0x2D0] =	vst v16  }
0x9d: {  	v16 =	vld.idx.msk [tilespmem:v14+s2+$0x0], $0xffff;
	_ =	sdelay $0x5  }
0x9e: {  	[tilespmem:$0x2E0] =	vst v16  }
0x9f: {  	v16 =	vld.idx.msk [tilespmem:v15+s2+$0x0], $0xffff;
	_ =	sdelay $0x5  }
0xa0: {  	[tilespmem:$0x2F0] =	vst v16  }
0xa1: {  	[tilespmem:s9], [sflag:$0x2] =	stream.linear.gather [hbm4b:s23+s2], $0x100, $0x38;
	[tilespmem:$0x8400] =	vst v63  }
0xa2: {  	_ =	swait.ge [sflag:s8], $0x100  }
0xa3: {  	[sflag:s8] =	ssyncset.done $0x0  }
0xa4: {  	[sflag:s8] =	ssyncadd.s32 $0xFFFFFF00  }
0xa5: {  	v16 =	vld.idx.msk [tilespmem:v0+s9+$0x0], $0xffff;
	_ =	sdelay $0x5  }
0xa6: {  	[tilespmem:$0x300] =	vst v16  }
0xa7: {  	v16 =	vld.idx.msk [tilespmem:v1+s9+$0x0], $0xffff;
	_ =	sdelay $0x5  }
0xa8: {  	[tilespmem:$0x310] =	vst v16  }
0xa9: {  	v16 =	vld.idx.msk [tilespmem:v2+s9+$0x0], $0xffff;
	_ =	sdelay $0x5  }
0xaa: {  	[tilespmem:$0x320] =	vst v16  }
0xab: {  	v16 =	vld.idx.msk [tilespmem:v3+s9+$0x0], $0xffff;
	_ =	sdelay $0x5  }
0xac: {  	[tilespmem:$0x330] =	vst v16  }
0xad: {  	v16 =	vld.idx.msk [tilespmem:v4+s9+$0x0], $0xffff;
	_ =	sdelay $0x5  }
0xae: {  	[tilespmem:$0x340] =	vst v16  }
0xaf: {  	v16 =	vld.idx.msk [tilespmem:v5+s9+$0x0], $0xffff;
	_ =	sdelay $0x5  }
0xb0: {  	[tilespmem:$0x350] =	vst v16  }
0xb1: {  	v16 =	vld.idx.msk [tilespmem:v6+s9+$0x0], $0xffff;
	_ =	sdelay $0x5  }
0xb2: {  	[tilespmem:$0x360] =	vst v16  }
0xb3: {  	v16 =	vld.idx.msk [tilespmem:v7+s9+$0x0], $0xffff;
	_ =	sdelay $0x5  }
0xb4: {  	[tilespmem:$0x370] =	vst v16  }
0xb5: {  	v16 =	vld.idx.msk [tilespmem:v8+s9+$0x0], $0xffff;
	_ =	sdelay $0x5  }
0xb6: {  	[tilespmem:$0x380] =	vst v16  }
0xb7: {  	v16 =	vld.idx.msk [tilespmem:v9+s9+$0x0], $0xffff;
	_ =	sdelay $0x5  }
0xb8: {  	[tilespmem:$0x390] =	vst v16  }
0xb9: {  	v16 =	vld.idx.msk [tilespmem:v10+s9+$0x0], $0xffff;
	_ =	sdelay $0x5  }
0xba: {  	[tilespmem:$0x3A0] =	vst v16  }
0xbb: {  	v16 =	vld.idx.msk [tilespmem:v11+s9+$0x0], $0xffff;
	_ =	sdelay $0x5  }
0xbc: {  	[tilespmem:$0x3B0] =	vst v16  }
0xbd: {  	v16 =	vld.idx.msk [tilespmem:v12+s9+$0x0], $0xffff;
	_ =	sdelay $0x5  }
0xbe: {  	[tilespmem:$0x3C0] =	vst v16  }
0xbf: {  	v16 =	vld.idx.msk [tilespmem:v13+s9+$0x0], $0xffff;
	_ =	sdelay $0x5  }
0xc0: {  	[tilespmem:$0x3D0] =	vst v16  }
0xc1: {  	v16 =	vld.idx.msk [tilespmem:v14+s9+$0x0], $0xffff;
	_ =	sdelay $0x5  }
0xc2: {  	[tilespmem:$0x3E0] =	vst v16  }
0xc3: {  	v16 =	vld.idx.msk [tilespmem:v15+s9+$0x0], $0xffff;
	_ =	sdelay $0x5  }
0xc4: {  	[tilespmem:$0x3F0] =	vst v16  }
0xc5: {  	[tilespmem:s12], [sflag:$0x1] =	stream.indirect.gather [hbm4b:s3+s10], $0x40, s11, s10, $0xb8;
	[tilespmem:$0x8400] =	vst v63  }
0xc6: {  	_ = 	snop  }
0xc7: {  	[tilespmem:s14], [sflag:$0x1] =	stream.indirect.gather [hbm4b:s3+s10], $0x40, s13, s10, $0xb8;
	[tilespmem:$0x8400] =	vst v63  }
0xc8: {  	_ = 	snop  }
0xc9: {  	[tilespmem:s16], [sflag:$0x1] =	stream.indirect.gather [hbm4b:s3+s10], $0x40, s15, s10, $0xb8;
	[tilespmem:$0x8400] =	vst v63  }
0xca: {  	_ = 	snop  }
0xcb: {  	[tilespmem:s18], [sflag:$0x1] =	stream.indirect.gather [hbm4b:s3+s10], $0x40, s17, s10, $0xb8;
	[tilespmem:$0x8400] =	vst v63  }
0xcc: {  	_ =	swait.ge [sflag:s19], $0x2000  }
0xcd: {  	[sflag:s19] =	ssyncset.done $0x0  }
0xce: {  	[sflag:s19] =	ssyncadd.s32 $0xFFFFE000  }
0xcf: {  	_ =	swait.ge [sflag:s19], $0x2000  }
0xd0: {  	[sflag:s19] =	ssyncset.done $0x0  }
0xd1: {  	[sflag:s19] =	ssyncadd.s32 $0xFFFFE000  }
0xd2: {  	_ =	swait.ge [sflag:s19], $0x2000  }
0xd3: {  	[sflag:s19] =	ssyncset.done $0x0  }
0xd4: {  	[sflag:s19] =	ssyncadd.s32 $0xFFFFE000  }
0xd5: {  	_ =	swait.ge [sflag:s19], $0x2000  }
0xd6: {  	[sflag:s19] =	ssyncset.done $0x0  }
0xd7: {  	s25 =	sadd.s32 s25, s5;
	[sflag:s19] =	ssyncadd.s32 $0xFFFFE000  }
0xd8: {  	[hbm4b:s25+s20] =	stream.strided.scatter [tilespmem:s12], [sflag:$0x2], $0x2000, s10, s20, $0x38;
	[tilespmem:$0x8400] =	vst v63  }
0xd9: {  	_ =	swait.ge [sflag:s8], $0x2000  }
0xda: {  	[sflag:s8] =	ssyncset.done $0x0  }
0xdb: {  	s26 =	sadd.s32 $0x8, s25;
	[sflag:s8] =	ssyncadd.s32 $0xFFFFE000  }
0xdc: {  	[hbm4b:s26+s20] =	stream.strided.scatter [tilespmem:s14], [sflag:$0x2], $0x2000, s10, s20, $0x38;
	[tilespmem:$0x8400] =	vst v63  }
0xdd: {  	_ =	swait.ge [sflag:s8], $0x2000  }
0xde: {  	[sflag:s8] =	ssyncset.done $0x0  }
0xdf: {  	s26 =	sadd.s32 $0x800, s25;
	[sflag:s8] =	ssyncadd.s32 $0xFFFFE000  }
0xe0: {  	[hbm4b:s26+s20] =	stream.strided.scatter [tilespmem:s16], [sflag:$0x2], $0x2000, s10, s20, $0x38;
	[tilespmem:$0x8400] =	vst v63  }
0xe1: {  	_ =	swait.ge [sflag:s8], $0x2000  }
.Ltmp0:
0xe2: {  	[sflag:s8] =	ssyncset.done $0x0;
	(pc) =	sbr.rel @p0 .LBB2_2-.Ltmp0, $4  }
0xe3: {  	s25 =	sadd.s32 $0x808, s25;
	[sflag:s8] =	ssyncadd.s32 $0xFFFFE000  }
0xe4: {  	[hbm4b:s25+s20] =	stream.strided.scatter [tilespmem:s18], [sflag:$0x2], $0x2000, s10, s20, $0x38;
	[tilespmem:$0x8400] =	vst v63  }
0xe5: {  	_ =	swait.ge [sflag:s8], $0x2000  }
0xe6: {  	[sflag:s8] =	ssyncset.done $0x0  }
0xe7: {  	s21 =	sadd.s32 $0x1, s21  }
0xe8: {  	p0 =	sne.s32 s21, s4  }
.Ltmp1:
0xe9: {  	_ = 	snop;
	(pc) =	sbr.rel @p0 .LBB2_1-.Ltmp1, $2  }
0xea: {  	_ =	sdelay $0x2  }
0xeb: {  	[sflag:s8] =	ssyncadd.s32 $0xFFFFE000  }
0xec: {  	_ =	sfence.sel $0x180000  }
0xed: {  	[bflag:$0x0] =	sbarrier.arrive $0xFFFF  }
0xee: {  	p0 =	sne.s32 s1, $0x0;
	_ =	strace $0x90000047  }
0xef: {  	s0 =	sadd.s32 @!p0 $0x100000, s0;
	[bflag:$0x2] =	sbarrier.arrive $0xFFFF  }
0xf0: {  	[sflag:s0] =	ssyncadd.tile.s32 @!p0 $0x1;
	_ =	shalt  }
.Lfunc_end2:
_tile_overlayer_lowered:
.L_overlay_start_2:
0xf1: {  	(tag) =	ssettag $0x2  }
0xf2: {  	s0 =	rddreg [dreg:$0x0];
	s2 =	stileid.u32  }
0xf3: {  	s1 =	rddreg [dreg:$0x1];
	p0 =	sne.s32 s2, $0x0  }
0xf4: {  	s3 =	rddreg [dreg:$0x2];
	[bflag:$0x3] =	sbarrier.arrive $0xFFFF;
	s2 =	simm.s32 @!p0 $0x1C02  }
0xf5: {  	[timem:s3], [sflag:s2] =	dma.local @!p0 [hbm:s0], s1  }
0xf6: {  	s0 =	simm.s32 @!p0 $0x2  }
0xf7: {  	_ =	swait.ge @!p0 [sflag:s0], s1  }
0xf8: {  	s1 =	ssub.s32 @!p0 $0x0, s1;
	[sflag:s0] =	ssyncset.done @!p0 $0x0  }
0xf9: {  	[sflag:s0] =	ssyncadd.s32 @!p0 s1  }
0xfa: {  	[bflag:$0x3] =	sbarrier.arrive $0xFFFF  }
0xfb: {  	_ =	shalt  }

// kernel: sparse-core-data-format-call.1.cloned.1.call-start
scs
called_computation.1_lowered:
.L_overlay_start_0:
0x0: {  	s2 =	sld [smem:$0x3FD9]  }
0x1: {  	s3 =	sld [smem:$0x3FFE];
	_ =	sdelay $0x1  }
0x2: {  	s1 =	srdreg.scid  }
0x3: {  	s0 =	sand.u32 $0x1, s1  }
0x4: {  	s16 =	sshll.u32 s0, $0xA;
	s2 =	sadd.s32 s3, s2  }
0x5: {  	s2 =	sadd.s32 s2, s16  }
0x6: {  	[smem:$0x3FC2] =	sst s2  }
0x7: {  	_ = 	snop  }
0x8: {  	s2 =	sld [smem:$0x3FD0];
	_ =	sdelay $0x2  }
0x9: {  	s17 =	simm.s32 $0xB;
	s4 =	simm.s32 $0x10  }
0xa: {  	[smem:s4], [sflag:s17] =	dma.local [hbm:s2], $0x1  }
0xb: {  	_ =	swait.eq [sflag:s17], $0x1  }
0xc: {  	[sflag:s17] =	ssyncset.done $0x0  }
0xd: {  	[sflag:s17] =	ssyncadd.s32 $0xFFFFFFFF  }
0xe: {  	s18 =	sld [smem:$0x10];
	(tm) =	ssettm $0x1  }
0xf: {  	s19 =	sld [smem:$0x3FFB];
	_ =	sdelay $0x3  }
0x10: {  	_ =	strace s19  }
0x11: {  	s2 =	sld [smem:$0x3FFC];
	_ =	sdelay $0x3  }
0x12: {  	_ =	strace s2  }
0x13: {  	s2 =	sld [smem:$0x3FFD];
	_ =	sdelay $0x3  }
0x14: {  	_ =	strace s2  }
0x15: {  	_ =	strace $0x8FFFFFFF  }
0x16: {  	s20 =	sld [smem:$0x3FDB];
	_ =	sdelay $0x1  }
0x17: {  	s21 =	simm.s32 $_scs_section_size  }
0x18: {  	s5 =	simm.s32 $_size__tile_overlayer_lowered;
	s6 =	simm.s32 $_tile_overlayer_lowered  }
0x19: {  	s7 =	simm.s32 $0x1BFF;
	s22 =	sshll.u32 s6, $0x1;
	s4 =	sadd.s32 s21, s20  }
0x1a: {  	s23 =	simm.s32 $0x0;
	s5 =	sshll.u32 s5, $0x1;
	s6 =	sadd.s32 s22, s4  }
0x1b: {  	[timem:s23], [sflag:s7] =	dma.local [hbm:s6], s5  }
0x1c: {  	_ =	swait.ge [sflag:s7], s5  }
0x1d: {  	s5 =	ssub.s32 $0x0, s5;
	[sflag:s7] =	ssyncset.done $0x0  }
0x1e: {  	[sflag:s7] =	ssyncadd.s32 s5;
	_ =	sdelay $0x1  }
0x1f: {  	s24 =	simm.s32 $0x1B8B  }
0x20: {  	_ =	swait.ge [sflag:s24], $0x1  }
0x21: {  	[sflag:s24] =	ssyncset.done $0x0  }
0x22: {  	[sflag:s24] =	ssyncadd.s32 $0xFFFFFFFF  }
0x23: {  	s5 =	sld [smem:$0x0]  }
0x24: {  	s6 =	sand.u32 $0xFFFFFFFE, s1  }
0x25: {  	p0 =	sne.s32 s1, s6  }
0x26: {  	s6 =	sshll.u32 @p0 s6, $0xE  }
0x27: {  	s6 =	sadd.s32 @p0 $0x11B8D, s6;
	s7 =	sshll.u32 @p0 s5, $0x11  }
0x28: {  	s6 =	sor.u32 @p0 s7, s6  }
0x29: {  	[sflag:s6] =	ssyncadd.remote.s32 @p0 $0x1;
	_ =	sdelay $0x1  }
0x2a: {  	s6 =	simm.s32 @p0 $0x1B8D  }
0x2b: {  	_ =	swait.eq @p0 [sflag:s6], $0x1  }
0x2c: {  	[sflag:s6] =	ssyncadd.s32 @p0 $0xFFFFFFFF  }
0x2d: {  	s7 =	sshll.u32 @!p0 s1, $0xE  }
0x2e: {  	s7 =	sor.u32 @!p0 $0x4000, s7;
	s6 =	simm.s32 @!p0 $0x1B8D  }
0x2f: {  	s5 =	sshll.u32 @!p0 s5, $0x11;
	s7 =	sadd.s32 @!p0 $0x11B8D, s7;
	_ =	swait.eq @!p0 [sflag:s6], $0x1  }
0x30: {  	s5 =	sor.u32 @!p0 s5, s7;
	[sflag:s6] =	ssyncadd.s32 @!p0 $0xFFFFFFFF  }
0x31: {  	s26 =	simm.s32 $0x1B8E;
	s25 =	sld [smem:$0x3FFE];
	[sflag:s5] =	ssyncadd.remote.s32 @!p0 $0x1  }
0x32: {  	s27 =	simm.s32 $execute0_lowered;
	[smem:$0x3FD2] =	sst s26  }
0x33: {  	s6 =	sshll.u32 s27, $0x1;
	_ =	strace $0x8000004F;
	[dreg:$0x1] =	wrdreg $0xFFFFFFFF  }
0x34: {  	s28 =	simm.s32 $_size_execute0_lowered;
	s4 =	sadd.s32 s4, s6;
	[dreg:$0x0] =	wrdreg $0x0  }
0x35: {  	s6 =	sshll.u32 s28, $0x1;
	[dreg:$0x2] =	wrdreg s4  }
0x36: {  	[dreg:$0x3] =	wrdreg s6  }
0x37: {  	[dreg:$0x4] =	wrdreg $0xC0  }
0x38: {  	_ =	task [dreg:s23], $0x5FFFF  }
0x39: {  	[dreg:$0x1] =	wrdreg $0xFFFFFFFF  }
0x3a: {  	[dreg:$0x0] =	wrdreg $0x60  }
0x3b: {  	[dreg:$0x2] =	wrdreg s25  }
0x3c: {  	[dreg:$0x3] =	wrdreg s18  }
0x3d: {  	[dreg:$0x4] =	wrdreg $0xA  }
0x3e: {  	_ =	task.clear_ibuf [dreg:s23], $0x5FFFF;
	_ =	strace $0x9000004F  }
0x3f: {  	s29 =	simm.s32 $0xA;
	_ =	strace $0x80000051  }
0x40: {  	_ =	swait.ge [sflag:s29], $0x1  }
0x41: {  	[sflag:s29] =	ssyncadd.s32 $0xFFFFFFFF  }
0x42: {  	_ =	strace $0x90000051  }
0x43: {  	_ =	sfence  }
0x44: {  	s30 =	sld [smem:$0x0];
	_ =	sdelay $0x2  }
0x45: {  	s31 =	sshll.u32 s1, $0xD;
	s1 =	sshrl.u32 s1, $0x2  }
0x46: {  	s4 =	sand.u32 $0x4000, s31;
	s1 =	sadd.s32 s1, s30  }
0x47: {  	s0 =	sor.u32 s4, s0;
	s1 =	sshll.u32 s1, $0x11  }
0x48: {  	s0 =	sor.u32 s1, s0  }
0x49: {  	s0 =	sadd.s32 $0x8F2B, s0  }
0x4a: {  	[sflag:s0] =	ssyncadd.remote.s32 $0x1  }
0x4b: {  	_ =	sfence.sel $0xFFFF  }
0x4c: {  	[dreg:$0x0] =	wrdreg $0xFFFFFFFF;
	(pc) =	sbr.abs _section_cstart, $3  }
0x4d: {  	[dreg:$0x1] =	wrdreg $0xFFFFFFFF  }
0x4e: {  	_ =	task.clear_ibuf [dreg:s23], $0x2FFFF;
	_ =	strace $0x9FFFFFFF  }
0x4f: {  	(tm) =	ssettm $0x7FFFFFFF  }
tec
execute0_lowered:
.L_overlay_start_1:
0x0: {  	(tag) =	ssettag $0x1  }
0x1: {  	s0 =	srdreg.scid  }
0x2: {  	s1 =	sshll.u32 s0, $0x4  }
0x3: {  	s0 =	stileid.u32;
	s1 =	sand.u32 $0x10, s1  }
0x4: {  	s1 =	sor.u32 s0, s1  }
0x5: {  	s6 =	rddreg [dreg:$0x0];
	s4 =	simm.s32 $0x1;
	s2 =	sshll.u32 s1, $0x7  }
0x6: {  	s7 =	simm.s32 $0x2;
	s12 =	simm.s32 $0x0;
	s1 =	ssub.s32 $0x4000, s2  }
0x7: {  	s8 =	simm.s32 $0x20000;
	s13 =	simm.s32 $0x0;
	s3 =	sand.u32 $0xF80, s1  }
0x8: {  	s9 =	simm.s32 $0x0;
	s5 =	sshrl.u32 s1, $0xC;
	p0 =	sne.s32 s3, $0x0  }
.Ltmp0:
0x9: {  	s1 =	rddreg [dreg:$0x2];
	s4 =	simm.s32 @!p0 $0x0;
	(pc) =	sbr.rel .LBB1_1-.Ltmp0, $4  }
0xa: {  	s11 =	simm.s32 $0x0;
	s3 =	rddreg [dreg:$0x1];
	s5 =	sadd.s32 s4, s5  }
0xb: {  	_ =	strace $0x80000050;
	s4 =	simm.s32 $0x1;
	s5 =	smul.u32 $0x32, s5  }
0xc: {  	s6 =	sadd.s32 $0x1230000, s6;
	s10 =	smov.u32 s2;
	[sflag:s4] =	ssyncpa.u1 $0x0  }
0xd: {  	p0 =	por $0x0, $0x0;
	[sflag:s7] =	ssyncpa.u1 $0x0;
	s7 =	sor.u32 $0x1, s5  }
.LBB1_4:
0xe: {  	s16 =	sshll.u32 s13, $0x3;
	s17 =	sand.u32 $0x78, s13  }
0xf: {  	s30 =	sand.u32 $0x1F800, s13;
	s12 =	sshll.u32 s12, $0x11;
	s16 =	sand.u32 $0x3C00, s16  }
0x10: {  	[tilespmem:s15+$0x810 ss:$0x81] =	vst.msk $0xffff, v2;
	s31 =	sand.u32 $0x7, s13;
	s16 =	sor.u32 s17, s16;
	s17 =	sadd.s32 s3, s30  }
0x11: {  	[tilespmem:s15+$0x1020 ss:$0x81] =	vst.msk $0xffff, v0;
	s13 =	sshll.u32 s31, $0x12;
	s12 =	sadd.s32 s12, s17;
	s16 =	sshrl.u32 s16, $0x3  }
0x12: {  	[tilespmem:s15+$0x0 ss:$0x81] =	vst.msk $0xffff, v1;
	s13 =	sor.u32 $0x400, s13;
	s12 =	sadd.s32 s16, s12  }
0x13: {  	[hbm4b:s12+s13] =	stream.strided.scatter [tilespmem:s14], [sflag:$0x2], $0x2000, s8, s13, $0x20;
	[tilespmem:$0x8080] =	vst v63  }
.LBB1_5:
0x14: {  	s14 =	sadd.s32 $0x1, s9  }
0x15: {  	s12 =	sadd.s32 $0x1000, s10;
	s16 =	smov.u32 s10;
	p2 =	sgt.s32 s14, $0x31  }
0x16: {  	s16 =	smov.u32 @p2 s12  }
0x17: {  	s14 =	simm.s32 @p2 $0x0;
	p2 =	sgt.s32 s16, $0x3FFF  }
0x18: {  	s16 =	smov.u32 @p2 s2;
	p2 =	sne.s32 s11, s7  }
.Ltmp1:
0x19: {  	p1 =	slt.u32 s11, $0x2;
	(pc) =	sbr.rel @!p2 .LBB1_6-.Ltmp1, $4  }
0x1a: {  	s15 =	simm.s32 @!p1 $0x2  }
0x1b: {  	s13 =	smov.u32 s10;
	p0 =	por !p0, !p0;
	_ =	swait.ge @!p1 [sflag:s15], $0x2000  }
0x1c: {  	s12 =	smov.u32 s9;
	[sflag:s15] =	ssyncset.done @!p1 $0x0;
	s9 =	smov.u32 s14  }
0x1d: {  	s11 =	sadd.s32 $0x1, s11;
	[sflag:s15] =	ssyncadd.s32 @!p1 $0xFFFFE000;
	s10 =	smov.u32 s16  }
.LBB1_1:
0x1e: {  	p1 =	sge.u32 s11, s5  }
0x1f: {  	s14 =	sand.u32 @!p1 $0x1FFFFFF, s9  }
0x20: {  	s15 =	smulhi.u32 @!p1 $0x4924925, s14;
	_ =	sdelay $0x1  }
0x21: {  	s15 =	smul.u32 @!p1 $0x38, s15  }
0x22: {  	s16 =	sxor.u32 @!p1 $0xFFFFFFFF, s11;
	s17 =	smul.u32 @!p1 $0x380, s10  }
0x23: {  	s31 =	sadd.s32 $0xFFFFFFFF, s11;
	s16 =	sshll.u32 @!p1 s16, $0xD;
	s14 =	ssub.s32 @!p1 s14, s15  }
0x24: {  	s15 =	sand.u32 @!p1 $0x2000, s16;
	s16 =	sadd.s32 @!p1 s6, s17;
	s14 =	sshll.u32 @!p1 s14, $0x4  }
0x25: {  	s17 =	simm.s32 @!p1 $0x1C00;
	s14 =	sadd.s32 @!p1 s14, s16;
	s16 =	simm.s32 @!p1 $0x40  }
0x26: {  	[tilespmem:s15], [sflag:$0x1] =	stream.strided.gather @!p1 [hbm4b:s14+s16], $0x2000, s17, s16, $0x38;
	[tilespmem:$0x8080] =	vst v63  }
0x27: {  	p1 =	sge.u32 s31, s5  }
.Ltmp2:
0x28: {  	_ = 	snop;
	(pc) =	sbr.rel @p1 .LBB1_5-.Ltmp2, $1  }
0x29: {  	_ =	sdelay $0x3  }
0x2a: {  	s14 =	simm.s32 $0x1  }
0x2b: {  	_ =	swait.ge [sflag:s4], $0x2000;
	s14 =	simm.s32 @!p0 $0x0  }
0x2c: {  	[sflag:s4] =	ssyncset.done $0x0;
	s15 =	sshll.u32 s14, $0xD  }
0x2d: {  	[sflag:s4] =	ssyncadd.s32 $0xFFFFE000;
	s18 =	sor.u32 $0x20, s15  }
0x2e: {  	s14 =	smul.u32 $0x8100, s14;
	v3 =	vld [tilespmem:s18+$0x10]  }
0x2f: {  	s30 =	sand.u32 $0x1, s11;
	v2 =	vld [tilespmem:s18+$0xFFFFFFF0]  }
0x30: {  	s15 =	smul.u32 $0x8100, s30;
	s14 =	sshrl.u32 s14, $0x2;
	v0 =	vld [tilespmem:s18+$0x0]  }
0x31: {  	v1 =	vld [tilespmem:s18+$0xFFFFFFE0];
	s16 =	sor.u32 $0x4000, s14  }
0x32: {  	s31 =	sshrl.u32 s15, $0x2;
	s15 =	sadd.s32 $0x0, s16  }
0x33: {  	s17 =	simm.s32 $0x4;
	s18 =	sadd.s32 $0x40, s18;
	s14 =	sor.u32 $0x4000, s31;
	[tilespmem:s15+$0x1830 ss:$0x81] =	vst.msk $0xffff, v3  }
.LBB1_3:
0x34: {  	v3 =	vld [tilespmem:s18+$0x10];
	p1 =	sne.s32 s17, $0x1FC;
	[tilespmem:s15+$0x810 ss:$0x81] =	vst.msk $0xffff, v2;
	s19 =	smov.u32 s17;
	s17 =	sadd.s32 $0x4, s17  }
.Ltmp3:
0x35: {  	v2 =	vld [tilespmem:s18+$0xFFFFFFF0];
	[tilespmem:s15+$0x1020 ss:$0x81] =	vst.msk $0xffff, v0;
	(pc) =	sbr.rel @p1 .LBB1_3-.Ltmp3, $4  }
0x36: {  	v0 =	vld [tilespmem:s18+$0x0];
	[tilespmem:s15+$0x0 ss:$0x81] =	vst.msk $0xffff, v1  }
0x37: {  	s15 =	sshra.s32 s19, $0x2;
	v1 =	vld [tilespmem:s18+$0xFFFFFFE0]  }
0x38: {  	s15 =	sadd.s32 s15, s16  }
0x39: {  	s18 =	sadd.s32 $0x40, s18;
	[tilespmem:s15+$0x1830 ss:$0x81] =	vst.msk $0xffff, v3  }
.Ltmp4:
0x3a: {  	_ = 	snop;
	(pc) =	sbr.rel .LBB1_4-.Ltmp4, $1  }
0x3b: {  	_ =	sdelay $0x3  }
.LBB1_6:
0x3c: {  	_ =	sfence.sel $0x180000  }
0x3d: {  	s2 =	simm.s32 $0x1;
	[bflag:$0x0] =	sbarrier.arrive $0xFFFF  }
0x3e: {  	s31 =	simm.s32 $0x2;
	[sflag:s2] =	ssyncpa.u1 $0x1  }
0x3f: {  	[sflag:s31] =	ssyncpa.u1 $0x1  }
0x40: {  	p0 =	sne.s32 s0, $0x0;
	_ =	strace $0x90000050  }
0x41: {  	s0 =	sadd.s32 @!p0 $0x100000, s1;
	[bflag:$0x2] =	sbarrier.arrive $0xFFFF  }
0x42: {  	[sflag:s0] =	ssyncadd.tile.s32 @!p0 $0x1;
	_ =	shalt  }
.Lfunc_end1:
_tile_overlayer_lowered:
.L_overlay_start_2:
0x43: {  	(tag) =	ssettag $0x2  }
0x44: {  	s0 =	rddreg [dreg:$0x0];
	s2 =	stileid.u32  }
0x45: {  	s1 =	rddreg [dreg:$0x1];
	p0 =	sne.s32 s2, $0x0  }
0x46: {  	s3 =	rddreg [dreg:$0x2];
	[bflag:$0x3] =	sbarrier.arrive $0xFFFF;
	s2 =	simm.s32 @!p0 $0x1C01  }
0x47: {  	[timem:s3], [sflag:s2] =	dma.local @!p0 [hbm:s0], s1  }
0x48: {  	s0 =	simm.s32 @!p0 $0x1  }
0x49: {  	_ =	swait.ge @!p0 [sflag:s0], s1  }
0x4a: {  	s1 =	ssub.s32 @!p0 $0x0, s1;
	[sflag:s0] =	ssyncset.done @!p0 $0x0  }
0x4b: {  	[sflag:s0] =	ssyncadd.s32 @!p0 s1  }
0x4c: {  	[bflag:$0x3] =	sbarrier.arrive $0xFFFF  }
0x4d: {  	_ =	shalt  }

// kernel: sparse-core-data-format-call.cloned.1.call-start
scs
called_computation_lowered:
.L_overlay_start_0:
0x0: {  	s2 =	sld [smem:$0x3FD9]  }
0x1: {  	s3 =	sld [smem:$0x3FFE];
	_ =	sdelay $0x1  }
0x2: {  	s1 =	srdreg.scid  }
0x3: {  	s0 =	sand.u32 $0x1, s1  }
0x4: {  	s16 =	sshll.u32 s0, $0xA;
	s2 =	sadd.s32 s3, s2  }
0x5: {  	s2 =	sadd.s32 s2, s16  }
0x6: {  	[smem:$0x3FC2] =	sst s2  }
0x7: {  	_ = 	snop  }
0x8: {  	s2 =	sld [smem:$0x3FD0];
	_ =	sdelay $0x2  }
0x9: {  	s17 =	simm.s32 $0xB;
	s4 =	simm.s32 $0x10  }
0xa: {  	[smem:s4], [sflag:s17] =	dma.local [hbm:s2], $0x1  }
0xb: {  	_ =	swait.eq [sflag:s17], $0x1  }
0xc: {  	[sflag:s17] =	ssyncset.done $0x0  }
0xd: {  	[sflag:s17] =	ssyncadd.s32 $0xFFFFFFFF  }
0xe: {  	s18 =	sld [smem:$0x11];
	(tm) =	ssettm $0x1  }
0xf: {  	s19 =	sld [smem:$0x3FFB];
	_ =	sdelay $0x3  }
0x10: {  	_ =	strace s19  }
0x11: {  	s2 =	sld [smem:$0x3FFC];
	_ =	sdelay $0x3  }
0x12: {  	_ =	strace s2  }
0x13: {  	s2 =	sld [smem:$0x3FFD];
	_ =	sdelay $0x3  }
0x14: {  	_ =	strace s2  }
0x15: {  	_ =	strace $0x8FFFFFFF  }
0x16: {  	s20 =	sld [smem:$0x3FDB];
	_ =	sdelay $0x1  }
0x17: {  	s21 =	simm.s32 $_scs_section_size  }
0x18: {  	s5 =	simm.s32 $_size__tile_overlayer_lowered;
	s6 =	simm.s32 $_tile_overlayer_lowered  }
0x19: {  	s7 =	simm.s32 $0x1BFF;
	s22 =	sshll.u32 s6, $0x1;
	s4 =	sadd.s32 s21, s20  }
0x1a: {  	s23 =	simm.s32 $0x0;
	s5 =	sshll.u32 s5, $0x1;
	s6 =	sadd.s32 s22, s4  }
0x1b: {  	[timem:s23], [sflag:s7] =	dma.local [hbm:s6], s5  }
0x1c: {  	_ =	swait.ge [sflag:s7], s5  }
0x1d: {  	s5 =	ssub.s32 $0x0, s5;
	[sflag:s7] =	ssyncset.done $0x0  }
0x1e: {  	[sflag:s7] =	ssyncadd.s32 s5;
	_ =	sdelay $0x1  }
0x1f: {  	s24 =	simm.s32 $0x1B8B  }
0x20: {  	_ =	swait.ge [sflag:s24], $0x1  }
0x21: {  	[sflag:s24] =	ssyncset.done $0x0  }
0x22: {  	[sflag:s24] =	ssyncadd.s32 $0xFFFFFFFF  }
0x23: {  	s5 =	sld [smem:$0x0]  }
0x24: {  	s6 =	sand.u32 $0xFFFFFFFE, s1  }
0x25: {  	p0 =	sne.s32 s1, s6  }
0x26: {  	s6 =	sshll.u32 @p0 s6, $0xE  }
0x27: {  	s6 =	sadd.s32 @p0 $0x11B8D, s6;
	s7 =	sshll.u32 @p0 s5, $0x11  }
0x28: {  	s6 =	sor.u32 @p0 s7, s6  }
0x29: {  	[sflag:s6] =	ssyncadd.remote.s32 @p0 $0x1;
	_ =	sdelay $0x1  }
0x2a: {  	s6 =	simm.s32 @p0 $0x1B8D  }
0x2b: {  	_ =	swait.eq @p0 [sflag:s6], $0x1  }
0x2c: {  	[sflag:s6] =	ssyncadd.s32 @p0 $0xFFFFFFFF  }
0x2d: {  	s7 =	sshll.u32 @!p0 s1, $0xE  }
0x2e: {  	s7 =	sor.u32 @!p0 $0x4000, s7;
	s6 =	simm.s32 @!p0 $0x1B8D  }
0x2f: {  	s5 =	sshll.u32 @!p0 s5, $0x11;
	s7 =	sadd.s32 @!p0 $0x11B8D, s7;
	_ =	swait.eq @!p0 [sflag:s6], $0x1  }
0x30: {  	s5 =	sor.u32 @!p0 s5, s7;
	[sflag:s6] =	ssyncadd.s32 @!p0 $0xFFFFFFFF  }
0x31: {  	s26 =	simm.s32 $0x1B8E;
	s25 =	sld [smem:$0x3FFE];
	[sflag:s5] =	ssyncadd.remote.s32 @!p0 $0x1  }
0x32: {  	s27 =	simm.s32 $execute0_lowered;
	[smem:$0x3FD2] =	sst s26  }
0x33: {  	s6 =	sshll.u32 s27, $0x1;
	_ =	strace $0x8000004C;
	[dreg:$0x1] =	wrdreg $0xFFFFFFFF  }
0x34: {  	s28 =	simm.s32 $_size_execute0_lowered;
	s4 =	sadd.s32 s4, s6;
	[dreg:$0x0] =	wrdreg $0x0  }
0x35: {  	s6 =	sshll.u32 s28, $0x1;
	[dreg:$0x2] =	wrdreg s4  }
0x36: {  	[dreg:$0x3] =	wrdreg s6  }
0x37: {  	[dreg:$0x4] =	wrdreg $0xC0  }
0x38: {  	_ =	task [dreg:s23], $0x5FFFF  }
0x39: {  	[dreg:$0x1] =	wrdreg $0xFFFFFFFF  }
0x3a: {  	[dreg:$0x0] =	wrdreg $0x60  }
0x3b: {  	[dreg:$0x2] =	wrdreg s25  }
0x3c: {  	[dreg:$0x3] =	wrdreg s18  }
0x3d: {  	[dreg:$0x4] =	wrdreg $0x9  }
0x3e: {  	_ =	task.clear_ibuf [dreg:s23], $0x5FFFF;
	_ =	strace $0x9000004C  }
0x3f: {  	s29 =	simm.s32 $0x9;
	_ =	strace $0x8000004E  }
0x40: {  	_ =	swait.ge [sflag:s29], $0x1  }
0x41: {  	[sflag:s29] =	ssyncadd.s32 $0xFFFFFFFF  }
0x42: {  	_ =	strace $0x9000004E  }
0x43: {  	_ =	sfence  }
0x44: {  	s30 =	sld [smem:$0x0];
	_ =	sdelay $0x2  }
0x45: {  	s31 =	sshll.u32 s1, $0xD;
	s1 =	sshrl.u32 s1, $0x2  }
0x46: {  	s4 =	sand.u32 $0x4000, s31;
	s1 =	sadd.s32 s1, s30  }
0x47: {  	s0 =	sor.u32 s4, s0;
	s1 =	sshll.u32 s1, $0x11  }
0x48: {  	s0 =	sor.u32 s1, s0  }
0x49: {  	s0 =	sadd.s32 $0x8F2B, s0  }
0x4a: {  	[sflag:s0] =	ssyncadd.remote.s32 $0x1  }
0x4b: {  	_ =	sfence.sel $0xFFFF  }
0x4c: {  	[dreg:$0x0] =	wrdreg $0xFFFFFFFF;
	(pc) =	sbr.abs _section_cstart, $3  }
0x4d: {  	[dreg:$0x1] =	wrdreg $0xFFFFFFFF  }
0x4e: {  	_ =	task.clear_ibuf [dreg:s23], $0x2FFFF;
	_ =	strace $0x9FFFFFFF  }
0x4f: {  	(tm) =	ssettm $0x7FFFFFFF  }
tec
execute0_lowered:
.L_overlay_start_1:
0x0: {  	(tag) =	ssettag $0x1  }
0x1: {  	s0 =	srdreg.scid  }
0x2: {  	s1 =	sshll.u32 s0, $0x4  }
0x3: {  	s0 =	stileid.u32;
	s1 =	sand.u32 $0x10, s1  }
0x4: {  	s1 =	sor.u32 s0, s1  }
0x5: {  	s6 =	rddreg [dreg:$0x0];
	s4 =	simm.s32 $0x1;
	s2 =	sshll.u32 s1, $0x7  }
0x6: {  	s7 =	simm.s32 $0x2;
	s12 =	simm.s32 $0x0;
	s1 =	ssub.s32 $0x4000, s2  }
0x7: {  	s8 =	simm.s32 $0x20000;
	s13 =	simm.s32 $0x0;
	s3 =	sand.u32 $0xF80, s1  }
0x8: {  	s9 =	simm.s32 $0x0;
	s5 =	sshrl.u32 s1, $0xC;
	p0 =	sne.s32 s3, $0x0  }
.Ltmp0:
0x9: {  	s1 =	rddreg [dreg:$0x2];
	s4 =	simm.s32 @!p0 $0x0;
	(pc) =	sbr.rel .LBB1_1-.Ltmp0, $4  }
0xa: {  	s11 =	simm.s32 $0x0;
	s3 =	rddreg [dreg:$0x1];
	s5 =	sadd.s32 s4, s5  }
0xb: {  	_ =	strace $0x8000004D;
	s4 =	simm.s32 $0x1;
	s5 =	smul.u32 $0x32, s5  }
0xc: {  	s6 =	sadd.s32 $0x430000, s6;
	s10 =	smov.u32 s2;
	[sflag:s4] =	ssyncpa.u1 $0x0  }
0xd: {  	p0 =	por $0x0, $0x0;
	[sflag:s7] =	ssyncpa.u1 $0x0;
	s7 =	sor.u32 $0x1, s5  }
.LBB1_4:
0xe: {  	s16 =	sshll.u32 s13, $0x3;
	s17 =	sand.u32 $0x78, s13  }
0xf: {  	s30 =	sand.u32 $0x1F800, s13;
	s12 =	sshll.u32 s12, $0x11;
	s16 =	sand.u32 $0x3C00, s16  }
0x10: {  	[tilespmem:s15+$0x810 ss:$0x81] =	vst.msk $0xffff, v2;
	s31 =	sand.u32 $0x7, s13;
	s16 =	sor.u32 s17, s16;
	s17 =	sadd.s32 s3, s30  }
0x11: {  	[tilespmem:s15+$0x1020 ss:$0x81] =	vst.msk $0xffff, v0;
	s13 =	sshll.u32 s31, $0x12;
	s12 =	sadd.s32 s12, s17;
	s16 =	sshrl.u32 s16, $0x3  }
0x12: {  	[tilespmem:s15+$0x0 ss:$0x81] =	vst.msk $0xffff, v1;
	s13 =	sor.u32 $0x400, s13;
	s12 =	sadd.s32 s16, s12  }
0x13: {  	[hbm4b:s12+s13] =	stream.strided.scatter [tilespmem:s14], [sflag:$0x2], $0x2000, s8, s13, $0x20;
	[tilespmem:$0x8080] =	vst v63  }
.LBB1_5:
0x14: {  	s14 =	sadd.s32 $0x1, s9  }
0x15: {  	s12 =	sadd.s32 $0x1000, s10;
	s16 =	smov.u32 s10;
	p2 =	sgt.s32 s14, $0x31  }
0x16: {  	s16 =	smov.u32 @p2 s12  }
0x17: {  	s14 =	simm.s32 @p2 $0x0;
	p2 =	sgt.s32 s16, $0x3FFF  }
0x18: {  	s16 =	smov.u32 @p2 s2;
	p2 =	sne.s32 s11, s7  }
.Ltmp1:
0x19: {  	p1 =	slt.u32 s11, $0x2;
	(pc) =	sbr.rel @!p2 .LBB1_6-.Ltmp1, $4  }
0x1a: {  	s15 =	simm.s32 @!p1 $0x2  }
0x1b: {  	s13 =	smov.u32 s10;
	p0 =	por !p0, !p0;
	_ =	swait.ge @!p1 [sflag:s15], $0x2000  }
0x1c: {  	s12 =	smov.u32 s9;
	[sflag:s15] =	ssyncset.done @!p1 $0x0;
	s9 =	smov.u32 s14  }
0x1d: {  	s11 =	sadd.s32 $0x1, s11;
	[sflag:s15] =	ssyncadd.s32 @!p1 $0xFFFFE000;
	s10 =	smov.u32 s16  }
.LBB1_1:
0x1e: {  	p1 =	sge.u32 s11, s5  }
0x1f: {  	s14 =	sand.u32 @!p1 $0x1FFFFFF, s9  }
0x20: {  	s15 =	smulhi.u32 @!p1 $0x4924925, s14;
	_ =	sdelay $0x1  }
0x21: {  	s15 =	smul.u32 @!p1 $0x38, s15  }
0x22: {  	s16 =	sxor.u32 @!p1 $0xFFFFFFFF, s11;
	s17 =	smul.u32 @!p1 $0x380, s10  }
0x23: {  	s31 =	sadd.s32 $0xFFFFFFFF, s11;
	s16 =	sshll.u32 @!p1 s16, $0xD;
	s14 =	ssub.s32 @!p1 s14, s15  }
0x24: {  	s15 =	sand.u32 @!p1 $0x2000, s16;
	s16 =	sadd.s32 @!p1 s6, s17;
	s14 =	sshll.u32 @!p1 s14, $0x4  }
0x25: {  	s17 =	simm.s32 @!p1 $0x1C00;
	s14 =	sadd.s32 @!p1 s14, s16;
	s16 =	simm.s32 @!p1 $0x40  }
0x26: {  	[tilespmem:s15], [sflag:$0x1] =	stream.strided.gather @!p1 [hbm4b:s14+s16], $0x2000, s17, s16, $0x38;
	[tilespmem:$0x8080] =	vst v63  }
0x27: {  	p1 =	sge.u32 s31, s5  }
.Ltmp2:
0x28: {  	_ = 	snop;
	(pc) =	sbr.rel @p1 .LBB1_5-.Ltmp2, $1  }
0x29: {  	_ =	sdelay $0x3  }
0x2a: {  	s14 =	simm.s32 $0x1  }
0x2b: {  	_ =	swait.ge [sflag:s4], $0x2000;
	s14 =	simm.s32 @!p0 $0x0  }
0x2c: {  	[sflag:s4] =	ssyncset.done $0x0;
	s15 =	sshll.u32 s14, $0xD  }
0x2d: {  	[sflag:s4] =	ssyncadd.s32 $0xFFFFE000;
	s18 =	sor.u32 $0x20, s15  }
0x2e: {  	s14 =	smul.u32 $0x8100, s14;
	v3 =	vld [tilespmem:s18+$0x10]  }
0x2f: {  	s30 =	sand.u32 $0x1, s11;
	v2 =	vld [tilespmem:s18+$0xFFFFFFF0]  }
0x30: {  	s15 =	smul.u32 $0x8100, s30;
	s14 =	sshrl.u32 s14, $0x2;
	v0 =	vld [tilespmem:s18+$0x0]  }
0x31: {  	v1 =	vld [tilespmem:s18+$0xFFFFFFE0];
	s16 =	sor.u32 $0x4000, s14  }
0x32: {  	s31 =	sshrl.u32 s15, $0x2;
	s15 =	sadd.s32 $0x0, s16  }
0x33: {  	s17 =	simm.s32 $0x4;
	s18 =	sadd.s32 $0x40, s18;
	s14 =	sor.u32 $0x4000, s31;
	[tilespmem:s15+$0x1830 ss:$0x81] =	vst.msk $0xffff, v3  }
.LBB1_3:
0x34: {  	v3 =	vld [tilespmem:s18+$0x10];
	p1 =	sne.s32 s17, $0x1FC;
	[tilespmem:s15+$0x810 ss:$0x81] =	vst.msk $0xffff, v2;
	s19 =	smov.u32 s17;
	s17 =	sadd.s32 $0x4, s17  }
.Ltmp3:
0x35: {  	v2 =	vld [tilespmem:s18+$0xFFFFFFF0];
	[tilespmem:s15+$0x1020 ss:$0x81] =	vst.msk $0xffff, v0;
	(pc) =	sbr.rel @p1 .LBB1_3-.Ltmp3, $4  }
0x36: {  	v0 =	vld [tilespmem:s18+$0x0];
	[tilespmem:s15+$0x0 ss:$0x81] =	vst.msk $0xffff, v1  }
0x37: {  	s15 =	sshra.s32 s19, $0x2;
	v1 =	vld [tilespmem:s18+$0xFFFFFFE0]  }
0x38: {  	s15 =	sadd.s32 s15, s16  }
0x39: {  	s18 =	sadd.s32 $0x40, s18;
	[tilespmem:s15+$0x1830 ss:$0x81] =	vst.msk $0xffff, v3  }
.Ltmp4:
0x3a: {  	_ = 	snop;
	(pc) =	sbr.rel .LBB1_4-.Ltmp4, $1  }
0x3b: {  	_ =	sdelay $0x3  }
.LBB1_6:
0x3c: {  	_ =	sfence.sel $0x180000  }
0x3d: {  	s2 =	simm.s32 $0x1;
	[bflag:$0x0] =	sbarrier.arrive $0xFFFF  }
0x3e: {  	s31 =	simm.s32 $0x2;
	[sflag:s2] =	ssyncpa.u1 $0x1  }
0x3f: {  	[sflag:s31] =	ssyncpa.u1 $0x1  }
0x40: {  	p0 =	sne.s32 s0, $0x0;
	_ =	strace $0x9000004D  }
0x41: {  	s0 =	sadd.s32 @!p0 $0x100000, s1;
	[bflag:$0x2] =	sbarrier.arrive $0xFFFF  }
0x42: {  	[sflag:s0] =	ssyncadd.tile.s32 @!p0 $0x1;
	_ =	shalt  }
.Lfunc_end1:
_tile_overlayer_lowered:
.L_overlay_start_2:
0x43: {  	(tag) =	ssettag $0x2  }
0x44: {  	s0 =	rddreg [dreg:$0x0];
	s2 =	stileid.u32  }
0x45: {  	s1 =	rddreg [dreg:$0x1];
	p0 =	sne.s32 s2, $0x0  }
0x46: {  	s3 =	rddreg [dreg:$0x2];
	[bflag:$0x3] =	sbarrier.arrive $0xFFFF;
	s2 =	simm.s32 @!p0 $0x1C01  }
0x47: {  	[timem:s3], [sflag:s2] =	dma.local @!p0 [hbm:s0], s1  }
0x48: {  	s0 =	simm.s32 @!p0 $0x1  }
0x49: {  	_ =	swait.ge @!p0 [sflag:s0], s1  }
0x4a: {  	s1 =	ssub.s32 @!p0 $0x0, s1;
	[sflag:s0] =	ssyncset.done @!p0 $0x0  }
0x4b: {  	[sflag:s0] =	ssyncadd.s32 @!p0 s1  }
0x4c: {  	[bflag:$0x3] =	sbarrier.arrive $0xFFFF  }
0x4d: {  	_ =	shalt  }

</sc_bundles>
